<compile_context>
chip_gen: v7x
topology: tpu7x:2x2x1
jax: 0.10.2.dev20260603
libtpu: 0.0.44.dev20260713+nightly
codegen_flags: <defaults>
</compile_context>

<pallas_src>
import functools

import jax
import jax.numpy as jnp
from jax import lax
from jax.experimental import pallas as pl
from jax.experimental.pallas import tpu as pltpu
from jax.experimental.pallas import tpu_sc as plsc

B, C, H, W = 16, 256, 128, 128
N = 4096
TOTAL = B * N
NC, NS, L = 2, 16, 16
NW = NC * NS
PPW = TOTAL // NW
CH = 32
NIDX = 4 * CH
NCHUNK = PPW // CH
NBUF = 2
CV = C // L


def _sc_grid_sample(table, xs, ys):
    mesh = plsc.VectorSubcoreMesh(
        core_axis_name="c", subcore_axis_name="s",
        num_cores=NC, num_subcores=NS)

    @functools.partial(
        pl.kernel,
        out_type=jax.ShapeDtypeStruct((TOTAL, C), jnp.float32),
        mesh=mesh,
        scratch_types=[
            pltpu.VMEM((PPW,), jnp.float32),
            pltpu.VMEM((PPW,), jnp.float32),
            pltpu.VMEM((NIDX,), jnp.int32),
            pltpu.VMEM((NIDX,), jnp.int32),
            pltpu.VMEM((NBUF * NIDX + L,), jnp.float32),
            pltpu.VMEM((NBUF, NIDX, C), jnp.float32),
            pltpu.VMEM((NBUF, CH, C), jnp.float32),
        ] + [pltpu.SemaphoreType.DMA] * (2 * NBUF),
        compiler_params=pltpu.CompilerParams(needs_layout_passes=False),
    )
    def grid_sample_kernel(table_hbm, xs_hbm, ys_hbm, out_hbm,
                           xs_v, ys_v, idx_v0, idx_v1, w_v, rows_v, out_v,
                           *sems):
        idxs = [idx_v0, idx_v1]
        gsems = list(sems[:NBUF])
        ssems = list(sems[NBUF:])
        wid = lax.axis_index("s") * NC + lax.axis_index("c")
        base_pt = wid * PPW
        img_base = (wid // (N // PPW)) * (H * W)

        pltpu.sync_copy(xs_hbm.at[pl.ds(base_pt, PPW)], xs_v)
        pltpu.sync_copy(ys_hbm.at[pl.ds(base_pt, PPW)], ys_v)

        def compute_idx(g, b):
            for t in range(CH // L):
                off = g * CH + t * L
                xv = xs_v[pl.ds(off, L)]
                yv = ys_v[pl.ds(off, L)]
                ix = (xv + 1.0) * (0.5 * (W - 1))
                iy = (yv + 1.0) * (0.5 * (H - 1))
                ix0 = jnp.minimum(jnp.maximum(ix.astype(jnp.int32), 0), W - 2)
                iy0 = jnp.minimum(jnp.maximum(iy.astype(jnp.int32), 0), H - 2)
                wx1 = ix - ix0.astype(jnp.float32)
                wy1 = iy - iy0.astype(jnp.float32)
                wx0 = 1.0 - wx1
                wy0 = 1.0 - wy1
                r00 = img_base + iy0 * W + ix0
                idxs[b][pl.ds(0 * CH + t * L, L)] = r00
                idxs[b][pl.ds(1 * CH + t * L, L)] = r00 + 1
                idxs[b][pl.ds(2 * CH + t * L, L)] = r00 + W
                idxs[b][pl.ds(3 * CH + t * L, L)] = r00 + W + 1
                w_v[pl.ds(b * NIDX + 0 * CH + t * L, L)] = wy0 * wx0
                w_v[pl.ds(b * NIDX + 1 * CH + t * L, L)] = wy0 * wx1
                w_v[pl.ds(b * NIDX + 2 * CH + t * L, L)] = wy1 * wx0
                w_v[pl.ds(b * NIDX + 3 * CH + t * L, L)] = wy1 * wx1

        def fire_gather(b):
            pltpu.async_copy(table_hbm.at[idxs[b]], rows_v.at[b], gsems[b])

        def wait_gather(b):
            pltpu.make_async_copy(
                table_hbm.at[idxs[b]], rows_v.at[b], gsems[b]).wait()

        def fire_store(g, b):
            pltpu.async_copy(
                out_v.at[b], out_hbm.at[pl.ds(base_pt + g * CH, CH)], ssems[b])

        def wait_store(b):
            pltpu.make_async_copy(
                out_v.at[b], out_hbm.at[pl.ds(base_pt, CH)], ssems[b]).wait()

        lanes = lax.iota(jnp.int32, L)
        rot_idx = [(lanes + sh) & (L - 1) for sh in (8, 4, 2, 1)]

        def lane_sum(x):
            for idx in rot_idx:
                x = x + x.at[idx].get(mode="promise_in_bounds")
            return x

        def compute_points(b):
            def one_point(p):
                def wbcast(corner):
                    v = w_v[pl.ds(b * NIDX + corner * CH + p, L)]
                    return jnp.full((L,), v[0])

                w00, w01, w10, w11 = (wbcast(0), wbcast(1),
                                      wbcast(2), wbcast(3))
                acc = jnp.zeros((L,), jnp.float32)
                outs = []
                for j in range(CV):
                    sl = pl.ds(j * L, L)
                    o = (rows_v[b, 0 * CH + p, sl] * w00 +
                         rows_v[b, 1 * CH + p, sl] * w01 +
                         rows_v[b, 2 * CH + p, sl] * w10 +
                         rows_v[b, 3 * CH + p, sl] * w11)
                    acc = acc + o * o
                    outs.append(o)
                ssv = jnp.maximum(lane_sum(acc), 1e-24)
                yi = jnp.int32(0x5F3759DF) - (plsc.bitcast(ssv, jnp.int32) >> 1)
                y = plsc.bitcast(yi, jnp.float32)
                half = ssv * 0.5
                for _ in range(2):
                    y = y * (1.5 - half * y * y)
                for j in range(CV):
                    out_v[b, p, pl.ds(j * L, L)] = outs[j] * y

            @plsc.parallel_loop(0, CH, 1, unroll=2)
            def _(p):
                one_point(p)

        for b in range(NBUF):
            compute_idx(b, b)
            fire_gather(b)

        def chunk_iter(m, _):
            for b in range(NBUF):
                g = m * NBUF + b
                wait_gather(b)

                @pl.when(g >= NBUF)
                def _():
                    wait_store(b)

                compute_points(b)

                @pl.when(g + NBUF < NCHUNK)
                def _():
                    compute_idx(g + NBUF, b)
                    fire_gather(b)

                fire_store(g, b)
            return 0

        lax.fori_loop(0, NCHUNK // NBUF, chunk_iter, 0)
        for b in range(NBUF):
            wait_store(b)

    return grid_sample_kernel(table, xs, ys)


def kernel(descriptors, keypoints_norm):
    table = descriptors.transpose(0, 2, 3, 1).reshape(B * H * W, C)
    kp = keypoints_norm.reshape(TOTAL, 2)
    xs = kp[:, 0]
    ys = kp[:, 1]
    out_t = _sc_grid_sample(table, xs, ys)
    return out_t.reshape(B, N, C).transpose(0, 2, 1)

# --- scband reference (transcript-rebuilt; emitter-appended) ---
"""Pipeline reference for scband-observed-grid-sample-15960098472442 (READ-ONLY COPY).

The authoritative reference and input builder live on the scoring server;
editing this copy changes nothing except your own understanding.
"""

import jax, jax.numpy as jnp
import numpy as np


def _grid_sample_bilinear_align_corners(img, grid):
    # img: [B, C, H, W], grid: [B, N, 2] with (x, y) in [-1, 1]
    B, C, H, W = img.shape
    x = grid[..., 0]
    y = grid[..., 1]
    ix = (x + 1.0) * 0.5 * (W - 1)
    iy = (y + 1.0) * 0.5 * (H - 1)
    ix0 = jnp.floor(ix)
    iy0 = jnp.floor(iy)
    ix1 = ix0 + 1.0
    iy1 = iy0 + 1.0
    wx1 = ix - ix0
    wx0 = 1.0 - wx1
    wy1 = iy - iy0
    wy0 = 1.0 - wy1

    def gather(iy_, ix_):
        valid = ((ix_ >= 0) & (ix_ <= W - 1) & (iy_ >= 0) & (iy_ <= H - 1)).astype(img.dtype)
        ixc = jnp.clip(ix_, 0, W - 1).astype(jnp.int32)
        iyc = jnp.clip(iy_, 0, H - 1).astype(jnp.int32)
        vals = jax.vmap(lambda im, yy, xx: im[:, yy, xx])(img, iyc, ixc)  # [B, C, N]
        return vals, valid

    v00, m00 = gather(iy0, ix0)
    v01, m01 = gather(iy0, ix1)
    v10, m10 = gather(iy1, ix0)
    v11, m11 = gather(iy1, ix1)
    w00 = (wy0 * wx0 * m00)[:, None, :]
    w01 = (wy0 * wx1 * m01)[:, None, :]
    w10 = (wy1 * wx0 * m10)[:, None, :]
    w11 = (wy1 * wx1 * m11)[:, None, :]
    return v00 * w00 + v01 * w01 + v10 * w10 + v11 * w11  # [B, C, N]


def setup_inputs(seed: int = 0) -> dict:
    key = jax.random.key(seed)
    k1, k2 = jax.random.split(key)
    descriptors = jax.random.normal(k1, (16, 256, 128, 128), dtype=jnp.float32)
    keypoints_norm = jax.random.uniform(k2, (16, 4096, 2), minval=-1.0, maxval=1.0, dtype=jnp.float32)
    return {"descriptors": descriptors, "keypoints_norm": keypoints_norm}


def reference(descriptors, keypoints_norm):
    b, c = descriptors.shape[0], descriptors.shape[1]
    grid = keypoints_norm.reshape(b, -1, 2)
    desc = _grid_sample_bilinear_align_corners(descriptors, grid)  # [B, C, N]
    norm = jnp.sqrt(jnp.sum(desc * desc, axis=1, keepdims=True))
    return desc / jnp.maximum(norm, 1e-12)

if __name__ == "__main__":
    import jax
    _d = setup_inputs()
    print(jax.jit(kernel)(*tuple(_d.values())))

</pallas_src>

<mosaic_0001>
#map = affine_map<(d0, d1) -> (0, 0)>
#map1 = affine_map<(d0, d1) -> (0)>
module attributes {stable_mosaic.version = 14 : i64} {
  func.func @grid_sample_kernel(%arg0: i32, %arg1: i32, %arg2: memref<262144x256xf32, #tpu.memory_space<hbm>>, %arg3: memref<65536xf32, #tpu.memory_space<hbm>>, %arg4: memref<65536xf32, #tpu.memory_space<hbm>>, %arg5: memref<65536x256xf32, #tpu.memory_space<hbm>>, %arg6: memref<2048xf32, #tpu.memory_space<vmem>>, %arg7: memref<2048xf32, #tpu.memory_space<vmem>>, %arg8: memref<128xi32, #tpu.memory_space<vmem>>, %arg9: memref<128xi32, #tpu.memory_space<vmem>>, %arg10: memref<272xf32, #tpu.memory_space<vmem>>, %arg11: memref<2x128x256xf32, #tpu.memory_space<vmem>>, %arg12: memref<2x32x256xf32, #tpu.memory_space<vmem>>, %arg13: memref<!tpu.dma_semaphore, #tpu.memory_space<semaphore_mem>>, %arg14: memref<!tpu.dma_semaphore, #tpu.memory_space<semaphore_mem>>, %arg15: memref<!tpu.dma_semaphore, #tpu.memory_space<semaphore_mem>>, %arg16: memref<!tpu.dma_semaphore, #tpu.memory_space<semaphore_mem>>) attributes {dimension_semantics = [#tpu.dimension_semantics<core_parallel>, #tpu.dimension_semantics<subcore_parallel>], iteration_bounds = array<i64: 2, 16>, scalar_prefetch = 0 : i64, scratch_operands = 11 : i64, tpu.core_type = #tpu.core_type<sc_vector_subcore>, window_params = [{transform_indices = #map}, {transform_indices = #map1}, {transform_indices = #map1}, {transform_indices = #map}]} {
    %mul3A = arith.constant 2 : i32
    %mul3A_0 = arith.muli %arg1, %mul3A : i32
    %add3A = arith.addi %mul3A_0, %arg0 : i32
    %mul3A_1 = arith.constant 2048 : i32
    %mul3A_2 = arith.muli %add3A, %mul3A_1 : i32
    %jit3A = arith.constant 2 : i32
    %div3A = arith.divsi %add3A, %jit3A : i32
    %sign3A = arith.constant 0 : i32
    %sign3A_3 = arith.cmpi sgt, %add3A, %sign3A : i32
    %sign3A_4 = arith.extui %sign3A_3 : i1 to i32
    %sign3A_5 = arith.constant 0 : i32
    %sign3A_6 = arith.cmpi slt, %add3A, %sign3A_5 : i32
    %sign3A_7 = arith.extui %sign3A_6 : i1 to i32
    %sign3A_8 = arith.subi %sign3A_4, %sign3A_7 : i32
    %sign3A_9 = arith.constant 0 : i32
    %sign3A_10 = arith.cmpi sgt, %jit3A, %sign3A_9 : i32
    %sign3A_11 = arith.extui %sign3A_10 : i1 to i32
    %sign3A_12 = arith.constant 0 : i32
    %sign3A_13 = arith.cmpi slt, %jit3A, %sign3A_12 : i32
    %sign3A_14 = arith.extui %sign3A_13 : i1 to i32
    %sign3A_15 = arith.subi %sign3A_11, %sign3A_14 : i32
    %ne3A = arith.cmpi ne, %sign3A_8, %sign3A_15 : i32
    %rem3A = arith.remsi %add3A, %jit3A : i32
    %ne3A_16 = arith.constant 0 : i32
    %ne3A_17 = arith.cmpi ne, %rem3A, %ne3A_16 : i32
    %and3A = arith.andi %ne3A, %ne3A_17 : i1
    %sub3A = arith.constant 1 : i32
    %sub3A_18 = arith.subi %div3A, %sub3A : i32
    %select_n3A = arith.select %and3A, %sub3A_18, %div3A : i32
    %mul3A_19 = arith.constant 16384 : i32
    %mul3A_20 = arith.muli %select_n3A, %mul3A_19 : i32
    "tpu.region"() ({
      %run_scoped3A = tpu.sem_alloc : memref<!tpu.dma_semaphore, #tpu.memory_space<semaphore_mem>>
      %dma_start3A_398 = tpu.memref_slice %arg3[%mul3A_2] : memref<65536xf32, #tpu.memory_space<hbm>> -> memref<2048xf32, #tpu.memory_space<hbm>>
      %dma_start3A_399 = tpu.memref_slice %arg3[%mul3A_2] : memref<65536xf32, #tpu.memory_space<hbm>> -> memref<2048xf32, #tpu.memory_space<hbm>>
      tpu.enqueue_dma source(%dma_start3A_399 : memref<2048xf32, #tpu.memory_space<hbm>>) target(%arg6 : memref<2048xf32, #tpu.memory_space<vmem>>) target_semaphore(%run_scoped3A : memref<!tpu.dma_semaphore, #tpu.memory_space<semaphore_mem>>)
      %dma_wait3A_400 = tpu.memref_slice %arg3[%mul3A_2] : memref<65536xf32, #tpu.memory_space<hbm>> -> memref<2048xf32, #tpu.memory_space<hbm>>
      %dma_wait3A_401 = tpu.memref_slice %arg3[%mul3A_2] : memref<65536xf32, #tpu.memory_space<hbm>> -> memref<2048xf32, #tpu.memory_space<hbm>>
      tpu.wait_dma2 semaphore(%run_scoped3A : memref<!tpu.dma_semaphore, #tpu.memory_space<semaphore_mem>>) src(%dma_wait3A_401 : memref<2048xf32, #tpu.memory_space<hbm>>) dst(%arg6 : memref<2048xf32, #tpu.memory_space<vmem>>)
      tpu.yield
    }) : () -> ()
    "tpu.region"() ({
      %run_scoped3A = tpu.sem_alloc : memref<!tpu.dma_semaphore, #tpu.memory_space<semaphore_mem>>
      %dma_start3A_398 = tpu.memref_slice %arg4[%mul3A_2] : memref<65536xf32, #tpu.memory_space<hbm>> -> memref<2048xf32, #tpu.memory_space<hbm>>
      %dma_start3A_399 = tpu.memref_slice %arg4[%mul3A_2] : memref<65536xf32, #tpu.memory_space<hbm>> -> memref<2048xf32, #tpu.memory_space<hbm>>
      tpu.enqueue_dma source(%dma_start3A_399 : memref<2048xf32, #tpu.memory_space<hbm>>) target(%arg7 : memref<2048xf32, #tpu.memory_space<vmem>>) target_semaphore(%run_scoped3A : memref<!tpu.dma_semaphore, #tpu.memory_space<semaphore_mem>>)
      %dma_wait3A_400 = tpu.memref_slice %arg4[%mul3A_2] : memref<65536xf32, #tpu.memory_space<hbm>> -> memref<2048xf32, #tpu.memory_space<hbm>>
      %dma_wait3A_401 = tpu.memref_slice %arg4[%mul3A_2] : memref<65536xf32, #tpu.memory_space<hbm>> -> memref<2048xf32, #tpu.memory_space<hbm>>
      tpu.wait_dma2 semaphore(%run_scoped3A : memref<!tpu.dma_semaphore, #tpu.memory_space<semaphore_mem>>) src(%dma_wait3A_401 : memref<2048xf32, #tpu.memory_space<hbm>>) dst(%arg7 : memref<2048xf32, #tpu.memory_space<vmem>>)
      tpu.yield
    }) : () -> ()
    %iota3A = tpu.iota {dimensions = array<i32: 0>} : vector<16xi32>
    %add3A_21 = arith.constant 8 : i32
    %add3A_22 = vector.broadcast %add3A_21 : i32 to vector<16xi32>
    %add3A_23 = arith.addi %iota3A, %add3A_22 : vector<16xi32>
    %and3A_24 = arith.constant 15 : i32
    %and3A_25 = vector.broadcast %and3A_24 : i32 to vector<16xi32>
    %and3A_26 = arith.andi %add3A_23, %and3A_25 : vector<16xi32>
    %add3A_27 = arith.constant 4 : i32
    %add3A_28 = vector.broadcast %add3A_27 : i32 to vector<16xi32>
    %add3A_29 = arith.addi %iota3A, %add3A_28 : vector<16xi32>
    %and3A_30 = arith.constant 15 : i32
    %and3A_31 = vector.broadcast %and3A_30 : i32 to vector<16xi32>
    %and3A_32 = arith.andi %add3A_29, %and3A_31 : vector<16xi32>
    %add3A_33 = arith.constant 2 : i32
    %add3A_34 = vector.broadcast %add3A_33 : i32 to vector<16xi32>
    %add3A_35 = arith.addi %iota3A, %add3A_34 : vector<16xi32>
    %and3A_36 = arith.constant 15 : i32
    %and3A_37 = vector.broadcast %and3A_36 : i32 to vector<16xi32>
    %and3A_38 = arith.andi %add3A_35, %and3A_37 : vector<16xi32>
    %add3A_39 = arith.constant 1 : i32
    %add3A_40 = vector.broadcast %add3A_39 : i32 to vector<16xi32>
    %add3A_41 = arith.addi %iota3A, %add3A_40 : vector<16xi32>
    %and3A_42 = arith.constant 15 : i32
    %and3A_43 = vector.broadcast %and3A_42 : i32 to vector<16xi32>
    %and3A_44 = arith.andi %add3A_41, %and3A_43 : vector<16xi32>
    %get3A = arith.constant 0 : index
    %get3A_45 = tpu.vector_load %arg6[%get3A] {strides = array<i32>} : memref<2048xf32, #tpu.memory_space<vmem>>, vector<16xf32>,
    %get3A_46 = arith.constant 0 : index
    %get3A_47 = tpu.vector_load %arg7[%get3A_46] {strides = array<i32>} : memref<2048xf32, #tpu.memory_space<vmem>>, vector<16xf32>,
    %add3A_48 = arith.constant 1.000000e+00 : f32
    %add3A_49 = vector.broadcast %add3A_48 : f32 to vector<16xf32>
    %add3A_50 = arith.addf %get3A_45, %add3A_49 : vector<16xf32>
    %mul3A_51 = arith.constant 6.350000e+01 : f32
    %mul3A_52 = vector.broadcast %mul3A_51 : f32 to vector<16xf32>
    %mul3A_53 = arith.mulf %add3A_50, %mul3A_52 : vector<16xf32>
    %add3A_54 = arith.constant 1.000000e+00 : f32
    %add3A_55 = vector.broadcast %add3A_54 : f32 to vector<16xf32>
    %add3A_56 = arith.addf %get3A_47, %add3A_55 : vector<16xf32>
    %mul3A_57 = arith.constant 6.350000e+01 : f32
    %mul3A_58 = vector.broadcast %mul3A_57 : f32 to vector<16xf32>
    %mul3A_59 = arith.mulf %add3A_56, %mul3A_58 : vector<16xf32>
    %convert_element_type3A = arith.fptosi %mul3A_53 : vector<16xf32> to vector<16xi32>
    %max3A = arith.constant 0 : i32
    %max3A_60 = vector.broadcast %max3A : i32 to vector<16xi32>
    %max3A_61 = arith.maxsi %convert_element_type3A, %max3A_60 : vector<16xi32>
    %min3A = arith.constant 126 : i32
    %min3A_62 = vector.broadcast %min3A : i32 to vector<16xi32>
    %min3A_63 = arith.minsi %max3A_61, %min3A_62 : vector<16xi32>
    %convert_element_type3A_64 = arith.fptosi %mul3A_59 : vector<16xf32> to vector<16xi32>
    %max3A_65 = arith.constant 0 : i32
    %max3A_66 = vector.broadcast %max3A_65 : i32 to vector<16xi32>
    %max3A_67 = arith.maxsi %convert_element_type3A_64, %max3A_66 : vector<16xi32>
    %min3A_68 = arith.constant 126 : i32
    %min3A_69 = vector.broadcast %min3A_68 : i32 to vector<16xi32>
    %min3A_70 = arith.minsi %max3A_67, %min3A_69 : vector<16xi32>
    %convert_element_type3A_71 = arith.sitofp %min3A_63 : vector<16xi32> to vector<16xf32>
    %sub3A_72 = arith.subf %mul3A_53, %convert_element_type3A_71 : vector<16xf32>
    %convert_element_type3A_73 = arith.sitofp %min3A_70 : vector<16xi32> to vector<16xf32>
    %sub3A_74 = arith.subf %mul3A_59, %convert_element_type3A_73 : vector<16xf32>
    %sub3A_75 = arith.constant 1.000000e+00 : f32
    %sub3A_76 = vector.broadcast %sub3A_75 : f32 to vector<16xf32>
    %sub3A_77 = arith.subf %sub3A_76, %sub3A_72 : vector<16xf32>
    %sub3A_78 = arith.constant 1.000000e+00 : f32
    %sub3A_79 = vector.broadcast %sub3A_78 : f32 to vector<16xf32>
    %sub3A_80 = arith.subf %sub3A_79, %sub3A_74 : vector<16xf32>
    %mul3A_81 = arith.constant 128 : i32
    %mul3A_82 = vector.broadcast %mul3A_81 : i32 to vector<16xi32>
    %mul3A_83 = arith.muli %min3A_70, %mul3A_82 : vector<16xi32>
    %add3A_84 = vector.broadcast %mul3A_20 : i32 to vector<16xi32>
    %add3A_85 = arith.addi %add3A_84, %mul3A_83 : vector<16xi32>
    %add3A_86 = arith.addi %add3A_85, %min3A_63 : vector<16xi32>
    %swap3A = arith.constant 0 : index
    %swap3A_87 = tpu.vector_load %arg8[%swap3A] {strides = array<i32>} : memref<128xi32, #tpu.memory_space<vmem>>, vector<16xi32>,
    tpu.vector_store %arg8[%swap3A], %add3A_86 {strides = array<i32>} : memref<128xi32, #tpu.memory_space<vmem>>, vector<16xi32>,
    %add3A_88 = arith.constant 1 : i32
    %add3A_89 = vector.broadcast %add3A_88 : i32 to vector<16xi32>
    %add3A_90 = arith.addi %add3A_86, %add3A_89 : vector<16xi32>
    %swap3A_91 = arith.constant 32 : index
    %swap3A_92 = tpu.vector_load %arg8[%swap3A_91] {strides = array<i32>} : memref<128xi32, #tpu.memory_space<vmem>>, vector<16xi32>,
    tpu.vector_store %arg8[%swap3A_91], %add3A_90 {strides = array<i32>} : memref<128xi32, #tpu.memory_space<vmem>>, vector<16xi32>,
    %add3A_93 = arith.constant 128 : i32
    %add3A_94 = vector.broadcast %add3A_93 : i32 to vector<16xi32>
    %add3A_95 = arith.addi %add3A_86, %add3A_94 : vector<16xi32>
    %swap3A_96 = arith.constant 64 : index
    %swap3A_97 = tpu.vector_load %arg8[%swap3A_96] {strides = array<i32>} : memref<128xi32, #tpu.memory_space<vmem>>, vector<16xi32>,
    tpu.vector_store %arg8[%swap3A_96], %add3A_95 {strides = array<i32>} : memref<128xi32, #tpu.memory_space<vmem>>, vector<16xi32>,
    %add3A_98 = arith.constant 128 : i32
    %add3A_99 = vector.broadcast %add3A_98 : i32 to vector<16xi32>
    %add3A_100 = arith.addi %add3A_86, %add3A_99 : vector<16xi32>
    %add3A_101 = arith.constant 1 : i32
    %add3A_102 = vector.broadcast %add3A_101 : i32 to vector<16xi32>
    %add3A_103 = arith.addi %add3A_100, %add3A_102 : vector<16xi32>
    %swap3A_104 = arith.constant 96 : index
    %swap3A_105 = tpu.vector_load %arg8[%swap3A_104] {strides = array<i32>} : memref<128xi32, #tpu.memory_space<vmem>>, vector<16xi32>,
    tpu.vector_store %arg8[%swap3A_104], %add3A_103 {strides = array<i32>} : memref<128xi32, #tpu.memory_space<vmem>>, vector<16xi32>,
    %mul3A_106 = arith.mulf %sub3A_80, %sub3A_77 : vector<16xf32>
    %swap3A_107 = arith.constant 0 : index
    %swap3A_108 = tpu.vector_load %arg10[%swap3A_107] {strides = array<i32>} : memref<272xf32, #tpu.memory_space<vmem>>, vector<16xf32>,
    tpu.vector_store %arg10[%swap3A_107], %mul3A_106 {strides = array<i32>} : memref<272xf32, #tpu.memory_space<vmem>>, vector<16xf32>,
    %mul3A_109 = arith.mulf %sub3A_80, %sub3A_72 : vector<16xf32>
    %swap3A_110 = arith.constant 32 : index
    %swap3A_111 = tpu.vector_load %arg10[%swap3A_110] {strides = array<i32>} : memref<272xf32, #tpu.memory_space<vmem>>, vector<16xf32>,
    tpu.vector_store %arg10[%swap3A_110], %mul3A_109 {strides = array<i32>} : memref<272xf32, #tpu.memory_space<vmem>>, vector<16xf32>,
    %mul3A_112 = arith.mulf %sub3A_74, %sub3A_77 : vector<16xf32>
    %swap3A_113 = arith.constant 64 : index
    %swap3A_114 = tpu.vector_load %arg10[%swap3A_113] {strides = array<i32>} : memref<272xf32, #tpu.memory_space<vmem>>, vector<16xf32>,
    tpu.vector_store %arg10[%swap3A_113], %mul3A_112 {strides = array<i32>} : memref<272xf32, #tpu.memory_space<vmem>>, vector<16xf32>,
    %mul3A_115 = arith.mulf %sub3A_74, %sub3A_72 : vector<16xf32>
    %swap3A_116 = arith.constant 96 : index
    %swap3A_117 = tpu.vector_load %arg10[%swap3A_116] {strides = array<i32>} : memref<272xf32, #tpu.memory_space<vmem>>, vector<16xf32>,
    tpu.vector_store %arg10[%swap3A_116], %mul3A_115 {strides = array<i32>} : memref<272xf32, #tpu.memory_space<vmem>>, vector<16xf32>,
    %get3A_118 = arith.constant 16 : index
    %get3A_119 = tpu.vector_load %arg6[%get3A_118] {strides = array<i32>} : memref<2048xf32, #tpu.memory_space<vmem>>, vector<16xf32>,
    %get3A_120 = arith.constant 16 : index
    %get3A_121 = tpu.vector_load %arg7[%get3A_120] {strides = array<i32>} : memref<2048xf32, #tpu.memory_space<vmem>>, vector<16xf32>,
    %add3A_122 = arith.constant 1.000000e+00 : f32
    %add3A_123 = vector.broadcast %add3A_122 : f32 to vector<16xf32>
    %add3A_124 = arith.addf %get3A_119, %add3A_123 : vector<16xf32>
    %mul3A_125 = arith.constant 6.350000e+01 : f32
    %mul3A_126 = vector.broadcast %mul3A_125 : f32 to vector<16xf32>
    %mul3A_127 = arith.mulf %add3A_124, %mul3A_126 : vector<16xf32>
    %add3A_128 = arith.constant 1.000000e+00 : f32
    %add3A_129 = vector.broadcast %add3A_128 : f32 to vector<16xf32>
    %add3A_130 = arith.addf %get3A_121, %add3A_129 : vector<16xf32>
    %mul3A_131 = arith.constant 6.350000e+01 : f32
    %mul3A_132 = vector.broadcast %mul3A_131 : f32 to vector<16xf32>
    %mul3A_133 = arith.mulf %add3A_130, %mul3A_132 : vector<16xf32>
    %convert_element_type3A_134 = arith.fptosi %mul3A_127 : vector<16xf32> to vector<16xi32>
    %max3A_135 = arith.constant 0 : i32
    %max3A_136 = vector.broadcast %max3A_135 : i32 to vector<16xi32>
    %max3A_137 = arith.maxsi %convert_element_type3A_134, %max3A_136 : vector<16xi32>
    %min3A_138 = arith.constant 126 : i32
    %min3A_139 = vector.broadcast %min3A_138 : i32 to vector<16xi32>
    %min3A_140 = arith.minsi %max3A_137, %min3A_139 : vector<16xi32>
    %convert_element_type3A_141 = arith.fptosi %mul3A_133 : vector<16xf32> to vector<16xi32>
    %max3A_142 = arith.constant 0 : i32
    %max3A_143 = vector.broadcast %max3A_142 : i32 to vector<16xi32>
    %max3A_144 = arith.maxsi %convert_element_type3A_141, %max3A_143 : vector<16xi32>
    %min3A_145 = arith.constant 126 : i32
    %min3A_146 = vector.broadcast %min3A_145 : i32 to vector<16xi32>
    %min3A_147 = arith.minsi %max3A_144, %min3A_146 : vector<16xi32>
    %convert_element_type3A_148 = arith.sitofp %min3A_140 : vector<16xi32> to vector<16xf32>
    %sub3A_149 = arith.subf %mul3A_127, %convert_element_type3A_148 : vector<16xf32>
    %convert_element_type3A_150 = arith.sitofp %min3A_147 : vector<16xi32> to vector<16xf32>
    %sub3A_151 = arith.subf %mul3A_133, %convert_element_type3A_150 : vector<16xf32>
    %sub3A_152 = arith.constant 1.000000e+00 : f32
    %sub3A_153 = vector.broadcast %sub3A_152 : f32 to vector<16xf32>
    %sub3A_154 = arith.subf %sub3A_153, %sub3A_149 : vector<16xf32>
    %sub3A_155 = arith.constant 1.000000e+00 : f32
    %sub3A_156 = vector.broadcast %sub3A_155 : f32 to vector<16xf32>
    %sub3A_157 = arith.subf %sub3A_156, %sub3A_151 : vector<16xf32>
    %mul3A_158 = arith.constant 128 : i32
    %mul3A_159 = vector.broadcast %mul3A_158 : i32 to vector<16xi32>
    %mul3A_160 = arith.muli %min3A_147, %mul3A_159 : vector<16xi32>
    %add3A_161 = vector.broadcast %mul3A_20 : i32 to vector<16xi32>
    %add3A_162 = arith.addi %add3A_161, %mul3A_160 : vector<16xi32>
    %add3A_163 = arith.addi %add3A_162, %min3A_140 : vector<16xi32>
    %swap3A_164 = arith.constant 16 : index
    %swap3A_165 = tpu.vector_load %arg8[%swap3A_164] {strides = array<i32>} : memref<128xi32, #tpu.memory_space<vmem>>, vector<16xi32>,
    tpu.vector_store %arg8[%swap3A_164], %add3A_163 {strides = array<i32>} : memref<128xi32, #tpu.memory_space<vmem>>, vector<16xi32>,
    %add3A_166 = arith.constant 1 : i32
    %add3A_167 = vector.broadcast %add3A_166 : i32 to vector<16xi32>
    %add3A_168 = arith.addi %add3A_163, %add3A_167 : vector<16xi32>
    %swap3A_169 = arith.constant 48 : index
    %swap3A_170 = tpu.vector_load %arg8[%swap3A_169] {strides = array<i32>} : memref<128xi32, #tpu.memory_space<vmem>>, vector<16xi32>,
    tpu.vector_store %arg8[%swap3A_169], %add3A_168 {strides = array<i32>} : memref<128xi32, #tpu.memory_space<vmem>>, vector<16xi32>,
    %add3A_171 = arith.constant 128 : i32
    %add3A_172 = vector.broadcast %add3A_171 : i32 to vector<16xi32>
    %add3A_173 = arith.addi %add3A_163, %add3A_172 : vector<16xi32>
    %swap3A_174 = arith.constant 80 : index
    %swap3A_175 = tpu.vector_load %arg8[%swap3A_174] {strides = array<i32>} : memref<128xi32, #tpu.memory_space<vmem>>, vector<16xi32>,
    tpu.vector_store %arg8[%swap3A_174], %add3A_173 {strides = array<i32>} : memref<128xi32, #tpu.memory_space<vmem>>, vector<16xi32>,
    %add3A_176 = arith.constant 128 : i32
    %add3A_177 = vector.broadcast %add3A_176 : i32 to vector<16xi32>
    %add3A_178 = arith.addi %add3A_163, %add3A_177 : vector<16xi32>
    %add3A_179 = arith.constant 1 : i32
    %add3A_180 = vector.broadcast %add3A_179 : i32 to vector<16xi32>
    %add3A_181 = arith.addi %add3A_178, %add3A_180 : vector<16xi32>
    %swap3A_182 = arith.constant 112 : index
    %swap3A_183 = tpu.vector_load %arg8[%swap3A_182] {strides = array<i32>} : memref<128xi32, #tpu.memory_space<vmem>>, vector<16xi32>,
    tpu.vector_store %arg8[%swap3A_182], %add3A_181 {strides = array<i32>} : memref<128xi32, #tpu.memory_space<vmem>>, vector<16xi32>,
    %mul3A_184 = arith.mulf %sub3A_157, %sub3A_154 : vector<16xf32>
    %swap3A_185 = arith.constant 16 : index
    %swap3A_186 = tpu.vector_load %arg10[%swap3A_185] {strides = array<i32>} : memref<272xf32, #tpu.memory_space<vmem>>, vector<16xf32>,
    tpu.vector_store %arg10[%swap3A_185], %mul3A_184 {strides = array<i32>} : memref<272xf32, #tpu.memory_space<vmem>>, vector<16xf32>,
    %mul3A_187 = arith.mulf %sub3A_157, %sub3A_149 : vector<16xf32>
    %swap3A_188 = arith.constant 48 : index
    %swap3A_189 = tpu.vector_load %arg10[%swap3A_188] {strides = array<i32>} : memref<272xf32, #tpu.memory_space<vmem>>, vector<16xf32>,
    tpu.vector_store %arg10[%swap3A_188], %mul3A_187 {strides = array<i32>} : memref<272xf32, #tpu.memory_space<vmem>>, vector<16xf32>,
    %mul3A_190 = arith.mulf %sub3A_151, %sub3A_154 : vector<16xf32>
    %swap3A_191 = arith.constant 80 : index
    %swap3A_192 = tpu.vector_load %arg10[%swap3A_191] {strides = array<i32>} : memref<272xf32, #tpu.memory_space<vmem>>, vector<16xf32>,
    tpu.vector_store %arg10[%swap3A_191], %mul3A_190 {strides = array<i32>} : memref<272xf32, #tpu.memory_space<vmem>>, vector<16xf32>,
    %mul3A_193 = arith.mulf %sub3A_151, %sub3A_149 : vector<16xf32>
    %swap3A_194 = arith.constant 112 : index
    %swap3A_195 = tpu.vector_load %arg10[%swap3A_194] {strides = array<i32>} : memref<272xf32, #tpu.memory_space<vmem>>, vector<16xf32>,
    tpu.vector_store %arg10[%swap3A_194], %mul3A_193 {strides = array<i32>} : memref<272xf32, #tpu.memory_space<vmem>>, vector<16xf32>,
    %dma_start3A = arith.constant 0 : i32
    %dma_start3A_196 = arith.constant 0 : i32
    %dma_start3A_197 = arith.constant 0 : i32
    %dma_start3A_198 = tpu.memref_slice %arg11[%dma_start3A, %dma_start3A_196, %dma_start3A_197] : memref<2x128x256xf32, #tpu.memory_space<vmem>> -> memref<1x128x256xf32, #tpu.memory_space<vmem>>
    %dma_start3A_199 = tpu.memref_squeeze %dma_start3A_198 : memref<1x128x256xf32, #tpu.memory_space<vmem>> -> memref<128x256xf32, #tpu.memory_space<vmem>>
    %dma_start3A_200 = arith.constant 0 : i32
    %dma_start3A_201 = arith.constant 0 : i32
    %dma_start3A_202 = tpu.memref_slice %arg2[%dma_start3A_200, %dma_start3A_201] : memref<262144x256xf32, #tpu.memory_space<hbm>> -> memref<262144x256xf32, #tpu.memory_space<hbm>>
    tpu.enqueue_indirect_dma source(%dma_start3A_202 : memref<262144x256xf32, #tpu.memory_space<hbm>>) target(%dma_start3A_199 : memref<128x256xf32, #tpu.memory_space<vmem>>) offsets(%arg8 : memref<128xi32, #tpu.memory_space<vmem>>) semaphore(%arg13 : memref<!tpu.dma_semaphore, #tpu.memory_space<semaphore_mem>>)
    %get3A_203 = arith.constant 32 : index
    %get3A_204 = tpu.vector_load %arg6[%get3A_203] {strides = array<i32>} : memref<2048xf32, #tpu.memory_space<vmem>>, vector<16xf32>,
    %get3A_205 = arith.constant 32 : index
    %get3A_206 = tpu.vector_load %arg7[%get3A_205] {strides = array<i32>} : memref<2048xf32, #tpu.memory_space<vmem>>, vector<16xf32>,
    %add3A_207 = arith.constant 1.000000e+00 : f32
    %add3A_208 = vector.broadcast %add3A_207 : f32 to vector<16xf32>
    %add3A_209 = arith.addf %get3A_204, %add3A_208 : vector<16xf32>
    %mul3A_210 = arith.constant 6.350000e+01 : f32
    %mul3A_211 = vector.broadcast %mul3A_210 : f32 to vector<16xf32>
    %mul3A_212 = arith.mulf %add3A_209, %mul3A_211 : vector<16xf32>
    %add3A_213 = arith.constant 1.000000e+00 : f32
    %add3A_214 = vector.broadcast %add3A_213 : f32 to vector<16xf32>
    %add3A_215 = arith.addf %get3A_206, %add3A_214 : vector<16xf32>
    %mul3A_216 = arith.constant 6.350000e+01 : f32
    %mul3A_217 = vector.broadcast %mul3A_216 : f32 to vector<16xf32>
    %mul3A_218 = arith.mulf %add3A_215, %mul3A_217 : vector<16xf32>
    %convert_element_type3A_219 = arith.fptosi %mul3A_212 : vector<16xf32> to vector<16xi32>
    %max3A_220 = arith.constant 0 : i32
    %max3A_221 = vector.broadcast %max3A_220 : i32 to vector<16xi32>
    %max3A_222 = arith.maxsi %convert_element_type3A_219, %max3A_221 : vector<16xi32>
    %min3A_223 = arith.constant 126 : i32
    %min3A_224 = vector.broadcast %min3A_223 : i32 to vector<16xi32>
    %min3A_225 = arith.minsi %max3A_222, %min3A_224 : vector<16xi32>
    %convert_element_type3A_226 = arith.fptosi %mul3A_218 : vector<16xf32> to vector<16xi32>
    %max3A_227 = arith.constant 0 : i32
    %max3A_228 = vector.broadcast %max3A_227 : i32 to vector<16xi32>
    %max3A_229 = arith.maxsi %convert_element_type3A_226, %max3A_228 : vector<16xi32>
    %min3A_230 = arith.constant 126 : i32
    %min3A_231 = vector.broadcast %min3A_230 : i32 to vector<16xi32>
    %min3A_232 = arith.minsi %max3A_229, %min3A_231 : vector<16xi32>
    %convert_element_type3A_233 = arith.sitofp %min3A_225 : vector<16xi32> to vector<16xf32>
    %sub3A_234 = arith.subf %mul3A_212, %convert_element_type3A_233 : vector<16xf32>
    %convert_element_type3A_235 = arith.sitofp %min3A_232 : vector<16xi32> to vector<16xf32>
    %sub3A_236 = arith.subf %mul3A_218, %convert_element_type3A_235 : vector<16xf32>
    %sub3A_237 = arith.constant 1.000000e+00 : f32
    %sub3A_238 = vector.broadcast %sub3A_237 : f32 to vector<16xf32>
    %sub3A_239 = arith.subf %sub3A_238, %sub3A_234 : vector<16xf32>
    %sub3A_240 = arith.constant 1.000000e+00 : f32
    %sub3A_241 = vector.broadcast %sub3A_240 : f32 to vector<16xf32>
    %sub3A_242 = arith.subf %sub3A_241, %sub3A_236 : vector<16xf32>
    %mul3A_243 = arith.constant 128 : i32
    %mul3A_244 = vector.broadcast %mul3A_243 : i32 to vector<16xi32>
    %mul3A_245 = arith.muli %min3A_232, %mul3A_244 : vector<16xi32>
    %add3A_246 = vector.broadcast %mul3A_20 : i32 to vector<16xi32>
    %add3A_247 = arith.addi %add3A_246, %mul3A_245 : vector<16xi32>
    %add3A_248 = arith.addi %add3A_247, %min3A_225 : vector<16xi32>
    %swap3A_249 = arith.constant 0 : index
    %swap3A_250 = tpu.vector_load %arg9[%swap3A_249] {strides = array<i32>} : memref<128xi32, #tpu.memory_space<vmem>>, vector<16xi32>,
    tpu.vector_store %arg9[%swap3A_249], %add3A_248 {strides = array<i32>} : memref<128xi32, #tpu.memory_space<vmem>>, vector<16xi32>,
    %add3A_251 = arith.constant 1 : i32
    %add3A_252 = vector.broadcast %add3A_251 : i32 to vector<16xi32>
    %add3A_253 = arith.addi %add3A_248, %add3A_252 : vector<16xi32>
    %swap3A_254 = arith.constant 32 : index
    %swap3A_255 = tpu.vector_load %arg9[%swap3A_254] {strides = array<i32>} : memref<128xi32, #tpu.memory_space<vmem>>, vector<16xi32>,
    tpu.vector_store %arg9[%swap3A_254], %add3A_253 {strides = array<i32>} : memref<128xi32, #tpu.memory_space<vmem>>, vector<16xi32>,
    %add3A_256 = arith.constant 128 : i32
    %add3A_257 = vector.broadcast %add3A_256 : i32 to vector<16xi32>
    %add3A_258 = arith.addi %add3A_248, %add3A_257 : vector<16xi32>
    %swap3A_259 = arith.constant 64 : index
    %swap3A_260 = tpu.vector_load %arg9[%swap3A_259] {strides = array<i32>} : memref<128xi32, #tpu.memory_space<vmem>>, vector<16xi32>,
    tpu.vector_store %arg9[%swap3A_259], %add3A_258 {strides = array<i32>} : memref<128xi32, #tpu.memory_space<vmem>>, vector<16xi32>,
    %add3A_261 = arith.constant 128 : i32
    %add3A_262 = vector.broadcast %add3A_261 : i32 to vector<16xi32>
    %add3A_263 = arith.addi %add3A_248, %add3A_262 : vector<16xi32>
    %add3A_264 = arith.constant 1 : i32
    %add3A_265 = vector.broadcast %add3A_264 : i32 to vector<16xi32>
    %add3A_266 = arith.addi %add3A_263, %add3A_265 : vector<16xi32>
    %swap3A_267 = arith.constant 96 : index
    %swap3A_268 = tpu.vector_load %arg9[%swap3A_267] {strides = array<i32>} : memref<128xi32, #tpu.memory_space<vmem>>, vector<16xi32>,
    tpu.vector_store %arg9[%swap3A_267], %add3A_266 {strides = array<i32>} : memref<128xi32, #tpu.memory_space<vmem>>, vector<16xi32>,
    %mul3A_269 = arith.mulf %sub3A_242, %sub3A_239 : vector<16xf32>
    %swap3A_270 = arith.constant 128 : index
    %swap3A_271 = tpu.vector_load %arg10[%swap3A_270] {strides = array<i32>} : memref<272xf32, #tpu.memory_space<vmem>>, vector<16xf32>,
    tpu.vector_store %arg10[%swap3A_270], %mul3A_269 {strides = array<i32>} : memref<272xf32, #tpu.memory_space<vmem>>, vector<16xf32>,
    %mul3A_272 = arith.mulf %sub3A_242, %sub3A_234 : vector<16xf32>
    %swap3A_273 = arith.constant 160 : index
    %swap3A_274 = tpu.vector_load %arg10[%swap3A_273] {strides = array<i32>} : memref<272xf32, #tpu.memory_space<vmem>>, vector<16xf32>,
    tpu.vector_store %arg10[%swap3A_273], %mul3A_272 {strides = array<i32>} : memref<272xf32, #tpu.memory_space<vmem>>, vector<16xf32>,
    %mul3A_275 = arith.mulf %sub3A_236, %sub3A_239 : vector<16xf32>
    %swap3A_276 = arith.constant 192 : index
    %swap3A_277 = tpu.vector_load %arg10[%swap3A_276] {strides = array<i32>} : memref<272xf32, #tpu.memory_space<vmem>>, vector<16xf32>,
    tpu.vector_store %arg10[%swap3A_276], %mul3A_275 {strides = array<i32>} : memref<272xf32, #tpu.memory_space<vmem>>, vector<16xf32>,
    %mul3A_278 = arith.mulf %sub3A_236, %sub3A_234 : vector<16xf32>
    %swap3A_279 = arith.constant 224 : index
    %swap3A_280 = tpu.vector_load %arg10[%swap3A_279] {strides = array<i32>} : memref<272xf32, #tpu.memory_space<vmem>>, vector<16xf32>,
    tpu.vector_store %arg10[%swap3A_279], %mul3A_278 {strides = array<i32>} : memref<272xf32, #tpu.memory_space<vmem>>, vector<16xf32>,
    %get3A_281 = arith.constant 48 : index
    %get3A_282 = tpu.vector_load %arg6[%get3A_281] {strides = array<i32>} : memref<2048xf32, #tpu.memory_space<vmem>>, vector<16xf32>,
    %get3A_283 = arith.constant 48 : index
    %get3A_284 = tpu.vector_load %arg7[%get3A_283] {strides = array<i32>} : memref<2048xf32, #tpu.memory_space<vmem>>, vector<16xf32>,
    %add3A_285 = arith.constant 1.000000e+00 : f32
    %add3A_286 = vector.broadcast %add3A_285 : f32 to vector<16xf32>
    %add3A_287 = arith.addf %get3A_282, %add3A_286 : vector<16xf32>
    %mul3A_288 = arith.constant 6.350000e+01 : f32
    %mul3A_289 = vector.broadcast %mul3A_288 : f32 to vector<16xf32>
    %mul3A_290 = arith.mulf %add3A_287, %mul3A_289 : vector<16xf32>
    %add3A_291 = arith.constant 1.000000e+00 : f32
    %add3A_292 = vector.broadcast %add3A_291 : f32 to vector<16xf32>
    %add3A_293 = arith.addf %get3A_284, %add3A_292 : vector<16xf32>
    %mul3A_294 = arith.constant 6.350000e+01 : f32
    %mul3A_295 = vector.broadcast %mul3A_294 : f32 to vector<16xf32>
    %mul3A_296 = arith.mulf %add3A_293, %mul3A_295 : vector<16xf32>
    %convert_element_type3A_297 = arith.fptosi %mul3A_290 : vector<16xf32> to vector<16xi32>
    %max3A_298 = arith.constant 0 : i32
    %max3A_299 = vector.broadcast %max3A_298 : i32 to vector<16xi32>
    %max3A_300 = arith.maxsi %convert_element_type3A_297, %max3A_299 : vector<16xi32>
    %min3A_301 = arith.constant 126 : i32
    %min3A_302 = vector.broadcast %min3A_301 : i32 to vector<16xi32>
    %min3A_303 = arith.minsi %max3A_300, %min3A_302 : vector<16xi32>
    %convert_element_type3A_304 = arith.fptosi %mul3A_296 : vector<16xf32> to vector<16xi32>
    %max3A_305 = arith.constant 0 : i32
    %max3A_306 = vector.broadcast %max3A_305 : i32 to vector<16xi32>
    %max3A_307 = arith.maxsi %convert_element_type3A_304, %max3A_306 : vector<16xi32>
    %min3A_308 = arith.constant 126 : i32
    %min3A_309 = vector.broadcast %min3A_308 : i32 to vector<16xi32>
    %min3A_310 = arith.minsi %max3A_307, %min3A_309 : vector<16xi32>
    %convert_element_type3A_311 = arith.sitofp %min3A_303 : vector<16xi32> to vector<16xf32>
    %sub3A_312 = arith.subf %mul3A_290, %convert_element_type3A_311 : vector<16xf32>
    %convert_element_type3A_313 = arith.sitofp %min3A_310 : vector<16xi32> to vector<16xf32>
    %sub3A_314 = arith.subf %mul3A_296, %convert_element_type3A_313 : vector<16xf32>
    %sub3A_315 = arith.constant 1.000000e+00 : f32
    %sub3A_316 = vector.broadcast %sub3A_315 : f32 to vector<16xf32>
    %sub3A_317 = arith.subf %sub3A_316, %sub3A_312 : vector<16xf32>
    %sub3A_318 = arith.constant 1.000000e+00 : f32
    %sub3A_319 = vector.broadcast %sub3A_318 : f32 to vector<16xf32>
    %sub3A_320 = arith.subf %sub3A_319, %sub3A_314 : vector<16xf32>
    %mul3A_321 = arith.constant 128 : i32
    %mul3A_322 = vector.broadcast %mul3A_321 : i32 to vector<16xi32>
    %mul3A_323 = arith.muli %min3A_310, %mul3A_322 : vector<16xi32>
    %add3A_324 = vector.broadcast %mul3A_20 : i32 to vector<16xi32>
    %add3A_325 = arith.addi %add3A_324, %mul3A_323 : vector<16xi32>
    %add3A_326 = arith.addi %add3A_325, %min3A_303 : vector<16xi32>
    %swap3A_327 = arith.constant 16 : index
    %swap3A_328 = tpu.vector_load %arg9[%swap3A_327] {strides = array<i32>} : memref<128xi32, #tpu.memory_space<vmem>>, vector<16xi32>,
    tpu.vector_store %arg9[%swap3A_327], %add3A_326 {strides = array<i32>} : memref<128xi32, #tpu.memory_space<vmem>>, vector<16xi32>,
    %add3A_329 = arith.constant 1 : i32
    %add3A_330 = vector.broadcast %add3A_329 : i32 to vector<16xi32>
    %add3A_331 = arith.addi %add3A_326, %add3A_330 : vector<16xi32>
    %swap3A_332 = arith.constant 48 : index
    %swap3A_333 = tpu.vector_load %arg9[%swap3A_332] {strides = array<i32>} : memref<128xi32, #tpu.memory_space<vmem>>, vector<16xi32>,
    tpu.vector_store %arg9[%swap3A_332], %add3A_331 {strides = array<i32>} : memref<128xi32, #tpu.memory_space<vmem>>, vector<16xi32>,
    %add3A_334 = arith.constant 128 : i32
    %add3A_335 = vector.broadcast %add3A_334 : i32 to vector<16xi32>
    %add3A_336 = arith.addi %add3A_326, %add3A_335 : vector<16xi32>
    %swap3A_337 = arith.constant 80 : index
    %swap3A_338 = tpu.vector_load %arg9[%swap3A_337] {strides = array<i32>} : memref<128xi32, #tpu.memory_space<vmem>>, vector<16xi32>,
    tpu.vector_store %arg9[%swap3A_337], %add3A_336 {strides = array<i32>} : memref<128xi32, #tpu.memory_space<vmem>>, vector<16xi32>,
    %add3A_339 = arith.constant 128 : i32
    %add3A_340 = vector.broadcast %add3A_339 : i32 to vector<16xi32>
    %add3A_341 = arith.addi %add3A_326, %add3A_340 : vector<16xi32>
    %add3A_342 = arith.constant 1 : i32
    %add3A_343 = vector.broadcast %add3A_342 : i32 to vector<16xi32>
    %add3A_344 = arith.addi %add3A_341, %add3A_343 : vector<16xi32>
    %swap3A_345 = arith.constant 112 : index
    %swap3A_346 = tpu.vector_load %arg9[%swap3A_345] {strides = array<i32>} : memref<128xi32, #tpu.memory_space<vmem>>, vector<16xi32>,
    tpu.vector_store %arg9[%swap3A_345], %add3A_344 {strides = array<i32>} : memref<128xi32, #tpu.memory_space<vmem>>, vector<16xi32>,
    %mul3A_347 = arith.mulf %sub3A_320, %sub3A_317 : vector<16xf32>
    %swap3A_348 = arith.constant 144 : index
    %swap3A_349 = tpu.vector_load %arg10[%swap3A_348] {strides = array<i32>} : memref<272xf32, #tpu.memory_space<vmem>>, vector<16xf32>,
    tpu.vector_store %arg10[%swap3A_348], %mul3A_347 {strides = array<i32>} : memref<272xf32, #tpu.memory_space<vmem>>, vector<16xf32>,
    %mul3A_350 = arith.mulf %sub3A_320, %sub3A_312 : vector<16xf32>
    %swap3A_351 = arith.constant 176 : index
    %swap3A_352 = tpu.vector_load %arg10[%swap3A_351] {strides = array<i32>} : memref<272xf32, #tpu.memory_space<vmem>>, vector<16xf32>,
    tpu.vector_store %arg10[%swap3A_351], %mul3A_350 {strides = array<i32>} : memref<272xf32, #tpu.memory_space<vmem>>, vector<16xf32>,
    %mul3A_353 = arith.mulf %sub3A_314, %sub3A_317 : vector<16xf32>
    %swap3A_354 = arith.constant 208 : index
    %swap3A_355 = tpu.vector_load %arg10[%swap3A_354] {strides = array<i32>} : memref<272xf32, #tpu.memory_space<vmem>>, vector<16xf32>,
    tpu.vector_store %arg10[%swap3A_354], %mul3A_353 {strides = array<i32>} : memref<272xf32, #tpu.memory_space<vmem>>, vector<16xf32>,
    %mul3A_356 = arith.mulf %sub3A_314, %sub3A_312 : vector<16xf32>
    %swap3A_357 = arith.constant 240 : index
    %swap3A_358 = tpu.vector_load %arg10[%swap3A_357] {strides = array<i32>} : memref<272xf32, #tpu.memory_space<vmem>>, vector<16xf32>,
    tpu.vector_store %arg10[%swap3A_357], %mul3A_356 {strides = array<i32>} : memref<272xf32, #tpu.memory_space<vmem>>, vector<16xf32>,
    %dma_start3A_359 = arith.constant 1 : i32
    %dma_start3A_360 = arith.constant 0 : i32
    %dma_start3A_361 = arith.constant 0 : i32
    %dma_start3A_362 = tpu.memref_slice %arg11[%dma_start3A_359, %dma_start3A_360, %dma_start3A_361] : memref<2x128x256xf32, #tpu.memory_space<vmem>> -> memref<1x128x256xf32, #tpu.memory_space<vmem>>
    %dma_start3A_363 = tpu.memref_squeeze %dma_start3A_362 : memref<1x128x256xf32, #tpu.memory_space<vmem>> -> memref<128x256xf32, #tpu.memory_space<vmem>>
    %dma_start3A_364 = arith.constant 0 : i32
    %dma_start3A_365 = arith.constant 0 : i32
    %dma_start3A_366 = tpu.memref_slice %arg2[%dma_start3A_364, %dma_start3A_365] : memref<262144x256xf32, #tpu.memory_space<hbm>> -> memref<262144x256xf32, #tpu.memory_space<hbm>>
    tpu.enqueue_indirect_dma source(%dma_start3A_366 : memref<262144x256xf32, #tpu.memory_space<hbm>>) target(%dma_start3A_363 : memref<128x256xf32, #tpu.memory_space<vmem>>) offsets(%arg9 : memref<128xi32, #tpu.memory_space<vmem>>) semaphore(%arg14 : memref<!tpu.dma_semaphore, #tpu.memory_space<semaphore_mem>>)
    %scan3A = arith.constant 0 : i32
    %scan3A_367 = arith.constant 0 : i32
    %scan3A_368 = arith.constant 32 : i32
    %scan3A_369 = arith.addi %scan3A_367, %scan3A_368 : i32
    %scan3A_370 = arith.constant 1 : i32
    %scan3A_371 = scf.for %scan3A_398 = %scan3A_367 to %scan3A_369 step %scan3A_370 iter_args(%scan3A_399 = %scan3A) -> (i32)  : i32 {
      %mul3A_400 = arith.constant 2 : i32
      %mul3A_401 = arith.muli %scan3A_398, %mul3A_400 : i32
      %add3A_402 = arith.constant 0 : i32
      %add3A_403 = arith.addi %mul3A_401, %add3A_402 : i32
      %dma_wait3A_404 = arith.constant 0 : i32
      %dma_wait3A_405 = arith.constant 0 : i32
      %dma_wait3A_406 = arith.constant 0 : i32
      %dma_wait3A_407 = tpu.memref_slice %arg11[%dma_wait3A_404, %dma_wait3A_405, %dma_wait3A_406] : memref<2x128x256xf32, #tpu.memory_space<vmem>> -> memref<1x128x256xf32, #tpu.memory_space<vmem>>
      %dma_wait3A_408 = tpu.memref_squeeze %dma_wait3A_407 : memref<1x128x256xf32, #tpu.memory_space<vmem>> -> memref<128x256xf32, #tpu.memory_space<vmem>>
      %dma_wait3A_409 = arith.constant 0 : i32
      %dma_wait3A_410 = arith.constant 0 : i32
      %dma_wait3A_411 = tpu.memref_slice %arg2[%dma_wait3A_409, %dma_wait3A_410] : memref<262144x256xf32, #tpu.memory_space<hbm>> -> memref<262144x256xf32, #tpu.memory_space<hbm>>
      tpu.wait_indirect_dma semaphore(%arg13 : memref<!tpu.dma_semaphore, #tpu.memory_space<semaphore_mem>>) src(%dma_wait3A_411 : memref<262144x256xf32, #tpu.memory_space<hbm>>) dst(%dma_wait3A_408 : memref<128x256xf32, #tpu.memory_space<vmem>>)
      %ge3A = arith.constant 2 : i32
      %ge3A_412 = arith.cmpi sge, %add3A_403, %ge3A : i32
      %convert_element_type3A_413 = arith.extui %ge3A_412 : i1 to i32
      %cond3A = arith.constant 0 : i32
      %cond3A_414 = arith.cmpi ne, %convert_element_type3A_413, %cond3A : i32
      scf.if %cond3A_414 {
        %dma_wait3A_483 = arith.constant 0 : i32
        %dma_wait3A_484 = arith.constant 0 : i32
        %dma_wait3A_485 = arith.constant 0 : i32
        %dma_wait3A_486 = tpu.memref_slice %arg12[%dma_wait3A_483, %dma_wait3A_484, %dma_wait3A_485] : memref<2x32x256xf32, #tpu.memory_space<vmem>> -> memref<1x32x256xf32, #tpu.memory_space<vmem>>
        %dma_wait3A_487 = tpu.memref_squeeze %dma_wait3A_486 : memref<1x32x256xf32, #tpu.memory_space<vmem>> -> memref<32x256xf32, #tpu.memory_space<vmem>>
        %dma_wait3A_488 = arith.constant 0 : i32
        %dma_wait3A_489 = tpu.memref_slice %arg5[%mul3A_2, %dma_wait3A_488] : memref<65536x256xf32, #tpu.memory_space<hbm>> -> memref<32x256xf32, #tpu.memory_space<hbm>>
        %dma_wait3A_490 = arith.constant 0 : i32
        %dma_wait3A_491 = tpu.memref_slice %arg5[%mul3A_2, %dma_wait3A_490] : memref<65536x256xf32, #tpu.memory_space<hbm>> -> memref<32x256xf32, #tpu.memory_space<hbm>>
        %dma_wait3A_492 = arith.constant 0 : i32
        %dma_wait3A_493 = arith.constant 0 : i32
        %dma_wait3A_494 = tpu.memref_slice %arg12[%dma_wait3A_483, %dma_wait3A_492, %dma_wait3A_493] : memref<2x32x256xf32, #tpu.memory_space<vmem>> -> memref<1x32x256xf32, #tpu.memory_space<vmem>>
        %dma_wait3A_495 = tpu.memref_squeeze %dma_wait3A_494 : memref<1x32x256xf32, #tpu.memory_space<vmem>> -> memref<32x256xf32, #tpu.memory_space<vmem>>
        tpu.wait_dma2 semaphore(%arg15 : memref<!tpu.dma_semaphore, #tpu.memory_space<semaphore_mem>>) src(%dma_wait3A_495 : memref<32x256xf32, #tpu.memory_space<vmem>>) dst(%dma_wait3A_491 : memref<32x256xf32, #tpu.memory_space<hbm>>)
      } else {
      }
      %parallel_loop3A = arith.constant 0 : i32
      %parallel_loop3A_415 = arith.constant 32 : i32
      %parallel_loop3A_416 = arith.constant 1 : i32
      scf.for %parallel_loop3A_483 = %parallel_loop3A to %parallel_loop3A_415 step %parallel_loop3A_416  : i32 {
        %parallel_loop3A_484 = arith.constant 0 : i32
        %parallel_loop3A_485 = arith.addi %parallel_loop3A_484, %parallel_loop3A_483 : i32
        %parallel_loop3A_486 = arith.index_cast %parallel_loop3A_485 : i32 to index
        %parallel_loop3A_487 = tpu.vector_load %arg10[%parallel_loop3A_486] {strides = array<i32>} : memref<272xf32, #tpu.memory_space<vmem>>, vector<16xf32>,
        %parallel_loop3A_488 = vector.extract_strided_slice %parallel_loop3A_487 {offsets = [0], sizes = [1], strides = [1]} : vector<16xf32> to vector<1xf32>
        %parallel_loop3A_489 = vector.extract %parallel_loop3A_488[0] : f32 from vector<1xf32>
        %parallel_loop3A_490 = vector.broadcast %parallel_loop3A_489 : f32 to vector<16xf32>
        %parallel_loop3A_491 = arith.constant 32 : i32
        %parallel_loop3A_492 = arith.addi %parallel_loop3A_491, %parallel_loop3A_483 : i32
        %parallel_loop3A_493 = arith.index_cast %parallel_loop3A_492 : i32 to index
        %parallel_loop3A_494 = tpu.vector_load %arg10[%parallel_loop3A_493] {strides = array<i32>} : memref<272xf32, #tpu.memory_space<vmem>>, vector<16xf32>,
        %parallel_loop3A_495 = vector.extract_strided_slice %parallel_loop3A_494 {offsets = [0], sizes = [1], strides = [1]} : vector<16xf32> to vector<1xf32>
        %parallel_loop3A_496 = vector.extract %parallel_loop3A_495[0] : f32 from vector<1xf32>
        %parallel_loop3A_497 = vector.broadcast %parallel_loop3A_496 : f32 to vector<16xf32>
        %parallel_loop3A_498 = arith.constant 64 : i32
        %parallel_loop3A_499 = arith.addi %parallel_loop3A_498, %parallel_loop3A_483 : i32
        %parallel_loop3A_500 = arith.index_cast %parallel_loop3A_499 : i32 to index
        %parallel_loop3A_501 = tpu.vector_load %arg10[%parallel_loop3A_500] {strides = array<i32>} : memref<272xf32, #tpu.memory_space<vmem>>, vector<16xf32>,
        %parallel_loop3A_502 = vector.extract_strided_slice %parallel_loop3A_501 {offsets = [0], sizes = [1], strides = [1]} : vector<16xf32> to vector<1xf32>
        %parallel_loop3A_503 = vector.extract %parallel_loop3A_502[0] : f32 from vector<1xf32>
        %parallel_loop3A_504 = vector.broadcast %parallel_loop3A_503 : f32 to vector<16xf32>
        %parallel_loop3A_505 = arith.constant 96 : i32
        %parallel_loop3A_506 = arith.addi %parallel_loop3A_505, %parallel_loop3A_483 : i32
        %parallel_loop3A_507 = arith.index_cast %parallel_loop3A_506 : i32 to index
        %parallel_loop3A_508 = tpu.vector_load %arg10[%parallel_loop3A_507] {strides = array<i32>} : memref<272xf32, #tpu.memory_space<vmem>>, vector<16xf32>,
        %parallel_loop3A_509 = vector.extract_strided_slice %parallel_loop3A_508 {offsets = [0], sizes = [1], strides = [1]} : vector<16xf32> to vector<1xf32>
        %parallel_loop3A_510 = vector.extract %parallel_loop3A_509[0] : f32 from vector<1xf32>
        %parallel_loop3A_511 = vector.broadcast %parallel_loop3A_510 : f32 to vector<16xf32>
        %parallel_loop3A_512 = arith.constant 0.000000e+00 : f32
        %parallel_loop3A_513 = vector.broadcast %parallel_loop3A_512 : f32 to vector<16xf32>
        %parallel_loop3A_514 = arith.constant 0 : i32
        %parallel_loop3A_515 = arith.addi %parallel_loop3A_514, %parallel_loop3A_483 : i32
        %parallel_loop3A_516 = arith.constant 0 : i32
        %parallel_loop3A_517 = arith.index_cast %parallel_loop3A_516 : i32 to index
        %parallel_loop3A_518 = arith.index_cast %parallel_loop3A_515 : i32 to index
        %parallel_loop3A_519 = arith.constant 0 : index
        %parallel_loop3A_520 = tpu.vector_load %arg11[%parallel_loop3A_517, %parallel_loop3A_518, %parallel_loop3A_519] {strides = array<i32>} : memref<2x128x256xf32, #tpu.memory_space<vmem>>, vector<16xf32>,
        %parallel_loop3A_521 = arith.mulf %parallel_loop3A_520, %parallel_loop3A_490 : vector<16xf32>
        %parallel_loop3A_522 = arith.constant 32 : i32
        %parallel_loop3A_523 = arith.addi %parallel_loop3A_522, %parallel_loop3A_483 : i32
        %parallel_loop3A_524 = arith.constant 0 : i32
        %parallel_loop3A_525 = arith.index_cast %parallel_loop3A_524 : i32 to index
        %parallel_loop3A_526 = arith.index_cast %parallel_loop3A_523 : i32 to index
        %parallel_loop3A_527 = arith.constant 0 : index
        %parallel_loop3A_528 = tpu.vector_load %arg11[%parallel_loop3A_525, %parallel_loop3A_526, %parallel_loop3A_527] {strides = array<i32>} : memref<2x128x256xf32, #tpu.memory_space<vmem>>, vector<16xf32>,
        %parallel_loop3A_529 = arith.mulf %parallel_loop3A_528, %parallel_loop3A_497 : vector<16xf32>
        %parallel_loop3A_530 = arith.addf %parallel_loop3A_521, %parallel_loop3A_529 : vector<16xf32>
        %parallel_loop3A_531 = arith.constant 64 : i32
        %parallel_loop3A_532 = arith.addi %parallel_loop3A_531, %parallel_loop3A_483 : i32
        %parallel_loop3A_533 = arith.constant 0 : i32
        %parallel_loop3A_534 = arith.index_cast %parallel_loop3A_533 : i32 to index
        %parallel_loop3A_535 = arith.index_cast %parallel_loop3A_532 : i32 to index
        %parallel_loop3A_536 = arith.constant 0 : index
        %parallel_loop3A_537 = tpu.vector_load %arg11[%parallel_loop3A_534, %parallel_loop3A_535, %parallel_loop3A_536] {strides = array<i32>} : memref<2x128x256xf32, #tpu.memory_space<vmem>>, vector<16xf32>,
        %parallel_loop3A_538 = arith.mulf %parallel_loop3A_537, %parallel_loop3A_504 : vector<16xf32>
        %parallel_loop3A_539 = arith.addf %parallel_loop3A_530, %parallel_loop3A_538 : vector<16xf32>
        %parallel_loop3A_540 = arith.constant 96 : i32
        %parallel_loop3A_541 = arith.addi %parallel_loop3A_540, %parallel_loop3A_483 : i32
        %parallel_loop3A_542 = arith.constant 0 : i32
        %parallel_loop3A_543 = arith.index_cast %parallel_loop3A_542 : i32 to index
        %parallel_loop3A_544 = arith.index_cast %parallel_loop3A_541 : i32 to index
        %parallel_loop3A_545 = arith.constant 0 : index
        %parallel_loop3A_546 = tpu.vector_load %arg11[%parallel_loop3A_543, %parallel_loop3A_544, %parallel_loop3A_545] {strides = array<i32>} : memref<2x128x256xf32, #tpu.memory_space<vmem>>, vector<16xf32>,
        %parallel_loop3A_547 = arith.mulf %parallel_loop3A_546, %parallel_loop3A_511 : vector<16xf32>
        %parallel_loop3A_548 = arith.addf %parallel_loop3A_539, %parallel_loop3A_547 : vector<16xf32>
        %parallel_loop3A_549 = arith.mulf %parallel_loop3A_548, %parallel_loop3A_548 : vector<16xf32>
        %parallel_loop3A_550 = arith.addf %parallel_loop3A_513, %parallel_loop3A_549 : vector<16xf32>
        %parallel_loop3A_551 = arith.constant 0 : i32
        %parallel_loop3A_552 = arith.addi %parallel_loop3A_551, %parallel_loop3A_483 : i32
        %parallel_loop3A_553 = arith.constant 0 : i32
        %parallel_loop3A_554 = arith.index_cast %parallel_loop3A_553 : i32 to index
        %parallel_loop3A_555 = arith.index_cast %parallel_loop3A_552 : i32 to index
        %parallel_loop3A_556 = arith.constant 16 : index
        %parallel_loop3A_557 = tpu.vector_load %arg11[%parallel_loop3A_554, %parallel_loop3A_555, %parallel_loop3A_556] {strides = array<i32>} : memref<2x128x256xf32, #tpu.memory_space<vmem>>, vector<16xf32>,
        %parallel_loop3A_558 = arith.mulf %parallel_loop3A_557, %parallel_loop3A_490 : vector<16xf32>
        %parallel_loop3A_559 = arith.constant 32 : i32
        %parallel_loop3A_560 = arith.addi %parallel_loop3A_559, %parallel_loop3A_483 : i32
        %parallel_loop3A_561 = arith.constant 0 : i32
        %parallel_loop3A_562 = arith.index_cast %parallel_loop3A_561 : i32 to index
        %parallel_loop3A_563 = arith.index_cast %parallel_loop3A_560 : i32 to index
        %parallel_loop3A_564 = arith.constant 16 : index
        %parallel_loop3A_565 = tpu.vector_load %arg11[%parallel_loop3A_562, %parallel_loop3A_563, %parallel_loop3A_564] {strides = array<i32>} : memref<2x128x256xf32, #tpu.memory_space<vmem>>, vector<16xf32>,
        %parallel_loop3A_566 = arith.mulf %parallel_loop3A_565, %parallel_loop3A_497 : vector<16xf32>
        %parallel_loop3A_567 = arith.addf %parallel_loop3A_558, %parallel_loop3A_566 : vector<16xf32>
        %parallel_loop3A_568 = arith.constant 64 : i32
        %parallel_loop3A_569 = arith.addi %parallel_loop3A_568, %parallel_loop3A_483 : i32
        %parallel_loop3A_570 = arith.constant 0 : i32
        %parallel_loop3A_571 = arith.index_cast %parallel_loop3A_570 : i32 to index
        %parallel_loop3A_572 = arith.index_cast %parallel_loop3A_569 : i32 to index
        %parallel_loop3A_573 = arith.constant 16 : index
        %parallel_loop3A_574 = tpu.vector_load %arg11[%parallel_loop3A_571, %parallel_loop3A_572, %parallel_loop3A_573] {strides = array<i32>} : memref<2x128x256xf32, #tpu.memory_space<vmem>>, vector<16xf32>,
        %parallel_loop3A_575 = arith.mulf %parallel_loop3A_574, %parallel_loop3A_504 : vector<16xf32>
        %parallel_loop3A_576 = arith.addf %parallel_loop3A_567, %parallel_loop3A_575 : vector<16xf32>
        %parallel_loop3A_577 = arith.constant 96 : i32
        %parallel_loop3A_578 = arith.addi %parallel_loop3A_577, %parallel_loop3A_483 : i32
        %parallel_loop3A_579 = arith.constant 0 : i32
        %parallel_loop3A_580 = arith.index_cast %parallel_loop3A_579 : i32 to index
        %parallel_loop3A_581 = arith.index_cast %parallel_loop3A_578 : i32 to index
        %parallel_loop3A_582 = arith.constant 16 : index
        %parallel_loop3A_583 = tpu.vector_load %arg11[%parallel_loop3A_580, %parallel_loop3A_581, %parallel_loop3A_582] {strides = array<i32>} : memref<2x128x256xf32, #tpu.memory_space<vmem>>, vector<16xf32>,
        %parallel_loop3A_584 = arith.mulf %parallel_loop3A_583, %parallel_loop3A_511 : vector<16xf32>
        %parallel_loop3A_585 = arith.addf %parallel_loop3A_576, %parallel_loop3A_584 : vector<16xf32>
        %parallel_loop3A_586 = arith.mulf %parallel_loop3A_585, %parallel_loop3A_585 : vector<16xf32>
        %parallel_loop3A_587 = arith.addf %parallel_loop3A_550, %parallel_loop3A_586 : vector<16xf32>
        %parallel_loop3A_588 = arith.constant 0 : i32
        %parallel_loop3A_589 = arith.addi %parallel_loop3A_588, %parallel_loop3A_483 : i32
        %parallel_loop3A_590 = arith.constant 0 : i32
        %parallel_loop3A_591 = arith.index_cast %parallel_loop3A_590 : i32 to index
        %parallel_loop3A_592 = arith.index_cast %parallel_loop3A_589 : i32 to index
        %parallel_loop3A_593 = arith.constant 32 : index
        %parallel_loop3A_594 = tpu.vector_load %arg11[%parallel_loop3A_591, %parallel_loop3A_592, %parallel_loop3A_593] {strides = array<i32>} : memref<2x128x256xf32, #tpu.memory_space<vmem>>, vector<16xf32>,
        %parallel_loop3A_595 = arith.mulf %parallel_loop3A_594, %parallel_loop3A_490 : vector<16xf32>
        %parallel_loop3A_596 = arith.constant 32 : i32
        %parallel_loop3A_597 = arith.addi %parallel_loop3A_596, %parallel_loop3A_483 : i32
        %parallel_loop3A_598 = arith.constant 0 : i32
        %parallel_loop3A_599 = arith.index_cast %parallel_loop3A_598 : i32 to index
        %parallel_loop3A_600 = arith.index_cast %parallel_loop3A_597 : i32 to index
        %parallel_loop3A_601 = arith.constant 32 : index
        %parallel_loop3A_602 = tpu.vector_load %arg11[%parallel_loop3A_599, %parallel_loop3A_600, %parallel_loop3A_601] {strides = array<i32>} : memref<2x128x256xf32, #tpu.memory_space<vmem>>, vector<16xf32>,
        %parallel_loop3A_603 = arith.mulf %parallel_loop3A_602, %parallel_loop3A_497 : vector<16xf32>
        %parallel_loop3A_604 = arith.addf %parallel_loop3A_595, %parallel_loop3A_603 : vector<16xf32>
        %parallel_loop3A_605 = arith.constant 64 : i32
        %parallel_loop3A_606 = arith.addi %parallel_loop3A_605, %parallel_loop3A_483 : i32
        %parallel_loop3A_607 = arith.constant 0 : i32
        %parallel_loop3A_608 = arith.index_cast %parallel_loop3A_607 : i32 to index
        %parallel_loop3A_609 = arith.index_cast %parallel_loop3A_606 : i32 to index
        %parallel_loop3A_610 = arith.constant 32 : index
        %parallel_loop3A_611 = tpu.vector_load %arg11[%parallel_loop3A_608, %parallel_loop3A_609, %parallel_loop3A_610] {strides = array<i32>} : memref<2x128x256xf32, #tpu.memory_space<vmem>>, vector<16xf32>,
        %parallel_loop3A_612 = arith.mulf %parallel_loop3A_611, %parallel_loop3A_504 : vector<16xf32>
        %parallel_loop3A_613 = arith.addf %parallel_loop3A_604, %parallel_loop3A_612 : vector<16xf32>
        %parallel_loop3A_614 = arith.constant 96 : i32
        %parallel_loop3A_615 = arith.addi %parallel_loop3A_614, %parallel_loop3A_483 : i32
        %parallel_loop3A_616 = arith.constant 0 : i32
        %parallel_loop3A_617 = arith.index_cast %parallel_loop3A_616 : i32 to index
        %parallel_loop3A_618 = arith.index_cast %parallel_loop3A_615 : i32 to index
        %parallel_loop3A_619 = arith.constant 32 : index
        %parallel_loop3A_620 = tpu.vector_load %arg11[%parallel_loop3A_617, %parallel_loop3A_618, %parallel_loop3A_619] {strides = array<i32>} : memref<2x128x256xf32, #tpu.memory_space<vmem>>, vector<16xf32>,
        %parallel_loop3A_621 = arith.mulf %parallel_loop3A_620, %parallel_loop3A_511 : vector<16xf32>
        %parallel_loop3A_622 = arith.addf %parallel_loop3A_613, %parallel_loop3A_621 : vector<16xf32>
        %parallel_loop3A_623 = arith.mulf %parallel_loop3A_622, %parallel_loop3A_622 : vector<16xf32>
        %parallel_loop3A_624 = arith.addf %parallel_loop3A_587, %parallel_loop3A_623 : vector<16xf32>
        %parallel_loop3A_625 = arith.constant 0 : i32
        %parallel_loop3A_626 = arith.addi %parallel_loop3A_625, %parallel_loop3A_483 : i32
        %parallel_loop3A_627 = arith.constant 0 : i32
        %parallel_loop3A_628 = arith.index_cast %parallel_loop3A_627 : i32 to index
        %parallel_loop3A_629 = arith.index_cast %parallel_loop3A_626 : i32 to index
        %parallel_loop3A_630 = arith.constant 48 : index
        %parallel_loop3A_631 = tpu.vector_load %arg11[%parallel_loop3A_628, %parallel_loop3A_629, %parallel_loop3A_630] {strides = array<i32>} : memref<2x128x256xf32, #tpu.memory_space<vmem>>, vector<16xf32>,
        %parallel_loop3A_632 = arith.mulf %parallel_loop3A_631, %parallel_loop3A_490 : vector<16xf32>
        %parallel_loop3A_633 = arith.constant 32 : i32
        %parallel_loop3A_634 = arith.addi %parallel_loop3A_633, %parallel_loop3A_483 : i32
        %parallel_loop3A_635 = arith.constant 0 : i32
        %parallel_loop3A_636 = arith.index_cast %parallel_loop3A_635 : i32 to index
        %parallel_loop3A_637 = arith.index_cast %parallel_loop3A_634 : i32 to index
        %parallel_loop3A_638 = arith.constant 48 : index
        %parallel_loop3A_639 = tpu.vector_load %arg11[%parallel_loop3A_636, %parallel_loop3A_637, %parallel_loop3A_638] {strides = array<i32>} : memref<2x128x256xf32, #tpu.memory_space<vmem>>, vector<16xf32>,
        %parallel_loop3A_640 = arith.mulf %parallel_loop3A_639, %parallel_loop3A_497 : vector<16xf32>
        %parallel_loop3A_641 = arith.addf %parallel_loop3A_632, %parallel_loop3A_640 : vector<16xf32>
        %parallel_loop3A_642 = arith.constant 64 : i32
        %parallel_loop3A_643 = arith.addi %parallel_loop3A_642, %parallel_loop3A_483 : i32
        %parallel_loop3A_644 = arith.constant 0 : i32
        %parallel_loop3A_645 = arith.index_cast %parallel_loop3A_644 : i32 to index
        %parallel_loop3A_646 = arith.index_cast %parallel_loop3A_643 : i32 to index
        %parallel_loop3A_647 = arith.constant 48 : index
        %parallel_loop3A_648 = tpu.vector_load %arg11[%parallel_loop3A_645, %parallel_loop3A_646, %parallel_loop3A_647] {strides = array<i32>} : memref<2x128x256xf32, #tpu.memory_space<vmem>>, vector<16xf32>,
        %parallel_loop3A_649 = arith.mulf %parallel_loop3A_648, %parallel_loop3A_504 : vector<16xf32>
        %parallel_loop3A_650 = arith.addf %parallel_loop3A_641, %parallel_loop3A_649 : vector<16xf32>
        %parallel_loop3A_651 = arith.constant 96 : i32
        %parallel_loop3A_652 = arith.addi %parallel_loop3A_651, %parallel_loop3A_483 : i32
        %parallel_loop3A_653 = arith.constant 0 : i32
        %parallel_loop3A_654 = arith.index_cast %parallel_loop3A_653 : i32 to index
        %parallel_loop3A_655 = arith.index_cast %parallel_loop3A_652 : i32 to index
        %parallel_loop3A_656 = arith.constant 48 : index
        %parallel_loop3A_657 = tpu.vector_load %arg11[%parallel_loop3A_654, %parallel_loop3A_655, %parallel_loop3A_656] {strides = array<i32>} : memref<2x128x256xf32, #tpu.memory_space<vmem>>, vector<16xf32>,
        %parallel_loop3A_658 = arith.mulf %parallel_loop3A_657, %parallel_loop3A_511 : vector<16xf32>
        %parallel_loop3A_659 = arith.addf %parallel_loop3A_650, %parallel_loop3A_658 : vector<16xf32>
        %parallel_loop3A_660 = arith.mulf %parallel_loop3A_659, %parallel_loop3A_659 : vector<16xf32>
        %parallel_loop3A_661 = arith.addf %parallel_loop3A_624, %parallel_loop3A_660 : vector<16xf32>
        %parallel_loop3A_662 = arith.constant 0 : i32
        %parallel_loop3A_663 = arith.addi %parallel_loop3A_662, %parallel_loop3A_483 : i32
        %parallel_loop3A_664 = arith.constant 0 : i32
        %parallel_loop3A_665 = arith.index_cast %parallel_loop3A_664 : i32 to index
        %parallel_loop3A_666 = arith.index_cast %parallel_loop3A_663 : i32 to index
        %parallel_loop3A_667 = arith.constant 64 : index
        %parallel_loop3A_668 = tpu.vector_load %arg11[%parallel_loop3A_665, %parallel_loop3A_666, %parallel_loop3A_667] {strides = array<i32>} : memref<2x128x256xf32, #tpu.memory_space<vmem>>, vector<16xf32>,
        %parallel_loop3A_669 = arith.mulf %parallel_loop3A_668, %parallel_loop3A_490 : vector<16xf32>
        %parallel_loop3A_670 = arith.constant 32 : i32
        %parallel_loop3A_671 = arith.addi %parallel_loop3A_670, %parallel_loop3A_483 : i32
        %parallel_loop3A_672 = arith.constant 0 : i32
        %parallel_loop3A_673 = arith.index_cast %parallel_loop3A_672 : i32 to index
        %parallel_loop3A_674 = arith.index_cast %parallel_loop3A_671 : i32 to index
        %parallel_loop3A_675 = arith.constant 64 : index
        %parallel_loop3A_676 = tpu.vector_load %arg11[%parallel_loop3A_673, %parallel_loop3A_674, %parallel_loop3A_675] {strides = array<i32>} : memref<2x128x256xf32, #tpu.memory_space<vmem>>, vector<16xf32>,
        %parallel_loop3A_677 = arith.mulf %parallel_loop3A_676, %parallel_loop3A_497 : vector<16xf32>
        %parallel_loop3A_678 = arith.addf %parallel_loop3A_669, %parallel_loop3A_677 : vector<16xf32>
        %parallel_loop3A_679 = arith.constant 64 : i32
        %parallel_loop3A_680 = arith.addi %parallel_loop3A_679, %parallel_loop3A_483 : i32
        %parallel_loop3A_681 = arith.constant 0 : i32
        %parallel_loop3A_682 = arith.index_cast %parallel_loop3A_681 : i32 to index
        %parallel_loop3A_683 = arith.index_cast %parallel_loop3A_680 : i32 to index
        %parallel_loop3A_684 = arith.constant 64 : index
        %parallel_loop3A_685 = tpu.vector_load %arg11[%parallel_loop3A_682, %parallel_loop3A_683, %parallel_loop3A_684] {strides = array<i32>} : memref<2x128x256xf32, #tpu.memory_space<vmem>>, vector<16xf32>,
        %parallel_loop3A_686 = arith.mulf %parallel_loop3A_685, %parallel_loop3A_504 : vector<16xf32>
        %parallel_loop3A_687 = arith.addf %parallel_loop3A_678, %parallel_loop3A_686 : vector<16xf32>
        %parallel_loop3A_688 = arith.constant 96 : i32
        %parallel_loop3A_689 = arith.addi %parallel_loop3A_688, %parallel_loop3A_483 : i32
        %parallel_loop3A_690 = arith.constant 0 : i32
        %parallel_loop3A_691 = arith.index_cast %parallel_loop3A_690 : i32 to index
        %parallel_loop3A_692 = arith.index_cast %parallel_loop3A_689 : i32 to index
        %parallel_loop3A_693 = arith.constant 64 : index
        %parallel_loop3A_694 = tpu.vector_load %arg11[%parallel_loop3A_691, %parallel_loop3A_692, %parallel_loop3A_693] {strides = array<i32>} : memref<2x128x256xf32, #tpu.memory_space<vmem>>, vector<16xf32>,
        %parallel_loop3A_695 = arith.mulf %parallel_loop3A_694, %parallel_loop3A_511 : vector<16xf32>
        %parallel_loop3A_696 = arith.addf %parallel_loop3A_687, %parallel_loop3A_695 : vector<16xf32>
        %parallel_loop3A_697 = arith.mulf %parallel_loop3A_696, %parallel_loop3A_696 : vector<16xf32>
        %parallel_loop3A_698 = arith.addf %parallel_loop3A_661, %parallel_loop3A_697 : vector<16xf32>
        %parallel_loop3A_699 = arith.constant 0 : i32
        %parallel_loop3A_700 = arith.addi %parallel_loop3A_699, %parallel_loop3A_483 : i32
        %parallel_loop3A_701 = arith.constant 0 : i32
        %parallel_loop3A_702 = arith.index_cast %parallel_loop3A_701 : i32 to index
        %parallel_loop3A_703 = arith.index_cast %parallel_loop3A_700 : i32 to index
        %parallel_loop3A_704 = arith.constant 80 : index
        %parallel_loop3A_705 = tpu.vector_load %arg11[%parallel_loop3A_702, %parallel_loop3A_703, %parallel_loop3A_704] {strides = array<i32>} : memref<2x128x256xf32, #tpu.memory_space<vmem>>, vector<16xf32>,
        %parallel_loop3A_706 = arith.mulf %parallel_loop3A_705, %parallel_loop3A_490 : vector<16xf32>
        %parallel_loop3A_707 = arith.constant 32 : i32
        %parallel_loop3A_708 = arith.addi %parallel_loop3A_707, %parallel_loop3A_483 : i32
        %parallel_loop3A_709 = arith.constant 0 : i32
        %parallel_loop3A_710 = arith.index_cast %parallel_loop3A_709 : i32 to index
        %parallel_loop3A_711 = arith.index_cast %parallel_loop3A_708 : i32 to index
        %parallel_loop3A_712 = arith.constant 80 : index
        %parallel_loop3A_713 = tpu.vector_load %arg11[%parallel_loop3A_710, %parallel_loop3A_711, %parallel_loop3A_712] {strides = array<i32>} : memref<2x128x256xf32, #tpu.memory_space<vmem>>, vector<16xf32>,
        %parallel_loop3A_714 = arith.mulf %parallel_loop3A_713, %parallel_loop3A_497 : vector<16xf32>
        %parallel_loop3A_715 = arith.addf %parallel_loop3A_706, %parallel_loop3A_714 : vector<16xf32>
        %parallel_loop3A_716 = arith.constant 64 : i32
        %parallel_loop3A_717 = arith.addi %parallel_loop3A_716, %parallel_loop3A_483 : i32
        %parallel_loop3A_718 = arith.constant 0 : i32
        %parallel_loop3A_719 = arith.index_cast %parallel_loop3A_718 : i32 to index
        %parallel_loop3A_720 = arith.index_cast %parallel_loop3A_717 : i32 to index
        %parallel_loop3A_721 = arith.constant 80 : index
        %parallel_loop3A_722 = tpu.vector_load %arg11[%parallel_loop3A_719, %parallel_loop3A_720, %parallel_loop3A_721] {strides = array<i32>} : memref<2x128x256xf32, #tpu.memory_space<vmem>>, vector<16xf32>,
        %parallel_loop3A_723 = arith.mulf %parallel_loop3A_722, %parallel_loop3A_504 : vector<16xf32>
        %parallel_loop3A_724 = arith.addf %parallel_loop3A_715, %parallel_loop3A_723 : vector<16xf32>
        %parallel_loop3A_725 = arith.constant 96 : i32
        %parallel_loop3A_726 = arith.addi %parallel_loop3A_725, %parallel_loop3A_483 : i32
        %parallel_loop3A_727 = arith.constant 0 : i32
        %parallel_loop3A_728 = arith.index_cast %parallel_loop3A_727 : i32 to index
        %parallel_loop3A_729 = arith.index_cast %parallel_loop3A_726 : i32 to index
        %parallel_loop3A_730 = arith.constant 80 : index
        %parallel_loop3A_731 = tpu.vector_load %arg11[%parallel_loop3A_728, %parallel_loop3A_729, %parallel_loop3A_730] {strides = array<i32>} : memref<2x128x256xf32, #tpu.memory_space<vmem>>, vector<16xf32>,
        %parallel_loop3A_732 = arith.mulf %parallel_loop3A_731, %parallel_loop3A_511 : vector<16xf32>
        %parallel_loop3A_733 = arith.addf %parallel_loop3A_724, %parallel_loop3A_732 : vector<16xf32>
        %parallel_loop3A_734 = arith.mulf %parallel_loop3A_733, %parallel_loop3A_733 : vector<16xf32>
        %parallel_loop3A_735 = arith.addf %parallel_loop3A_698, %parallel_loop3A_734 : vector<16xf32>
        %parallel_loop3A_736 = arith.constant 0 : i32
        %parallel_loop3A_737 = arith.addi %parallel_loop3A_736, %parallel_loop3A_483 : i32
        %parallel_loop3A_738 = arith.constant 0 : i32
        %parallel_loop3A_739 = arith.index_cast %parallel_loop3A_738 : i32 to index
        %parallel_loop3A_740 = arith.index_cast %parallel_loop3A_737 : i32 to index
        %parallel_loop3A_741 = arith.constant 96 : index
        %parallel_loop3A_742 = tpu.vector_load %arg11[%parallel_loop3A_739, %parallel_loop3A_740, %parallel_loop3A_741] {strides = array<i32>} : memref<2x128x256xf32, #tpu.memory_space<vmem>>, vector<16xf32>,
        %parallel_loop3A_743 = arith.mulf %parallel_loop3A_742, %parallel_loop3A_490 : vector<16xf32>
        %parallel_loop3A_744 = arith.constant 32 : i32
        %parallel_loop3A_745 = arith.addi %parallel_loop3A_744, %parallel_loop3A_483 : i32
        %parallel_loop3A_746 = arith.constant 0 : i32
        %parallel_loop3A_747 = arith.index_cast %parallel_loop3A_746 : i32 to index
        %parallel_loop3A_748 = arith.index_cast %parallel_loop3A_745 : i32 to index
        %parallel_loop3A_749 = arith.constant 96 : index
        %parallel_loop3A_750 = tpu.vector_load %arg11[%parallel_loop3A_747, %parallel_loop3A_748, %parallel_loop3A_749] {strides = array<i32>} : memref<2x128x256xf32, #tpu.memory_space<vmem>>, vector<16xf32>,
        %parallel_loop3A_751 = arith.mulf %parallel_loop3A_750, %parallel_loop3A_497 : vector<16xf32>
        %parallel_loop3A_752 = arith.addf %parallel_loop3A_743, %parallel_loop3A_751 : vector<16xf32>
        %parallel_loop3A_753 = arith.constant 64 : i32
        %parallel_loop3A_754 = arith.addi %parallel_loop3A_753, %parallel_loop3A_483 : i32
        %parallel_loop3A_755 = arith.constant 0 : i32
        %parallel_loop3A_756 = arith.index_cast %parallel_loop3A_755 : i32 to index
        %parallel_loop3A_757 = arith.index_cast %parallel_loop3A_754 : i32 to index
        %parallel_loop3A_758 = arith.constant 96 : index
        %parallel_loop3A_759 = tpu.vector_load %arg11[%parallel_loop3A_756, %parallel_loop3A_757, %parallel_loop3A_758] {strides = array<i32>} : memref<2x128x256xf32, #tpu.memory_space<vmem>>, vector<16xf32>,
        %parallel_loop3A_760 = arith.mulf %parallel_loop3A_759, %parallel_loop3A_504 : vector<16xf32>
        %parallel_loop3A_761 = arith.addf %parallel_loop3A_752, %parallel_loop3A_760 : vector<16xf32>
        %parallel_loop3A_762 = arith.constant 96 : i32
        %parallel_loop3A_763 = arith.addi %parallel_loop3A_762, %parallel_loop3A_483 : i32
        %parallel_loop3A_764 = arith.constant 0 : i32
        %parallel_loop3A_765 = arith.index_cast %parallel_loop3A_764 : i32 to index
        %parallel_loop3A_766 = arith.index_cast %parallel_loop3A_763 : i32 to index
        %parallel_loop3A_767 = arith.constant 96 : index
        %parallel_loop3A_768 = tpu.vector_load %arg11[%parallel_loop3A_765, %parallel_loop3A_766, %parallel_loop3A_767] {strides = array<i32>} : memref<2x128x256xf32, #tpu.memory_space<vmem>>, vector<16xf32>,
        %parallel_loop3A_769 = arith.mulf %parallel_loop3A_768, %parallel_loop3A_511 : vector<16xf32>
        %parallel_loop3A_770 = arith.addf %parallel_loop3A_761, %parallel_loop3A_769 : vector<16xf32>
        %parallel_loop3A_771 = arith.mulf %parallel_loop3A_770, %parallel_loop3A_770 : vector<16xf32>
        %parallel_loop3A_772 = arith.addf %parallel_loop3A_735, %parallel_loop3A_771 : vector<16xf32>
        %parallel_loop3A_773 = arith.constant 0 : i32
        %parallel_loop3A_774 = arith.addi %parallel_loop3A_773, %parallel_loop3A_483 : i32
        %parallel_loop3A_775 = arith.constant 0 : i32
        %parallel_loop3A_776 = arith.index_cast %parallel_loop3A_775 : i32 to index
        %parallel_loop3A_777 = arith.index_cast %parallel_loop3A_774 : i32 to index
        %parallel_loop3A_778 = arith.constant 112 : index
        %parallel_loop3A_779 = tpu.vector_load %arg11[%parallel_loop3A_776, %parallel_loop3A_777, %parallel_loop3A_778] {strides = array<i32>} : memref<2x128x256xf32, #tpu.memory_space<vmem>>, vector<16xf32>,
        %parallel_loop3A_780 = arith.mulf %parallel_loop3A_779, %parallel_loop3A_490 : vector<16xf32>
        %parallel_loop3A_781 = arith.constant 32 : i32
        %parallel_loop3A_782 = arith.addi %parallel_loop3A_781, %parallel_loop3A_483 : i32
        %parallel_loop3A_783 = arith.constant 0 : i32
        %parallel_loop3A_784 = arith.index_cast %parallel_loop3A_783 : i32 to index
        %parallel_loop3A_785 = arith.index_cast %parallel_loop3A_782 : i32 to index
        %parallel_loop3A_786 = arith.constant 112 : index
        %parallel_loop3A_787 = tpu.vector_load %arg11[%parallel_loop3A_784, %parallel_loop3A_785, %parallel_loop3A_786] {strides = array<i32>} : memref<2x128x256xf32, #tpu.memory_space<vmem>>, vector<16xf32>,
        %parallel_loop3A_788 = arith.mulf %parallel_loop3A_787, %parallel_loop3A_497 : vector<16xf32>
        %parallel_loop3A_789 = arith.addf %parallel_loop3A_780, %parallel_loop3A_788 : vector<16xf32>
        %parallel_loop3A_790 = arith.constant 64 : i32
        %parallel_loop3A_791 = arith.addi %parallel_loop3A_790, %parallel_loop3A_483 : i32
        %parallel_loop3A_792 = arith.constant 0 : i32
        %parallel_loop3A_793 = arith.index_cast %parallel_loop3A_792 : i32 to index
        %parallel_loop3A_794 = arith.index_cast %parallel_loop3A_791 : i32 to index
        %parallel_loop3A_795 = arith.constant 112 : index
        %parallel_loop3A_796 = tpu.vector_load %arg11[%parallel_loop3A_793, %parallel_loop3A_794, %parallel_loop3A_795] {strides = array<i32>} : memref<2x128x256xf32, #tpu.memory_space<vmem>>, vector<16xf32>,
        %parallel_loop3A_797 = arith.mulf %parallel_loop3A_796, %parallel_loop3A_504 : vector<16xf32>
        %parallel_loop3A_798 = arith.addf %parallel_loop3A_789, %parallel_loop3A_797 : vector<16xf32>
        %parallel_loop3A_799 = arith.constant 96 : i32
        %parallel_loop3A_800 = arith.addi %parallel_loop3A_799, %parallel_loop3A_483 : i32
        %parallel_loop3A_801 = arith.constant 0 : i32
        %parallel_loop3A_802 = arith.index_cast %parallel_loop3A_801 : i32 to index
        %parallel_loop3A_803 = arith.index_cast %parallel_loop3A_800 : i32 to index
        %parallel_loop3A_804 = arith.constant 112 : index
        %parallel_loop3A_805 = tpu.vector_load %arg11[%parallel_loop3A_802, %parallel_loop3A_803, %parallel_loop3A_804] {strides = array<i32>} : memref<2x128x256xf32, #tpu.memory_space<vmem>>, vector<16xf32>,
        %parallel_loop3A_806 = arith.mulf %parallel_loop3A_805, %parallel_loop3A_511 : vector<16xf32>
        %parallel_loop3A_807 = arith.addf %parallel_loop3A_798, %parallel_loop3A_806 : vector<16xf32>
        %parallel_loop3A_808 = arith.mulf %parallel_loop3A_807, %parallel_loop3A_807 : vector<16xf32>
        %parallel_loop3A_809 = arith.addf %parallel_loop3A_772, %parallel_loop3A_808 : vector<16xf32>
        %parallel_loop3A_810 = arith.constant 0 : i32
        %parallel_loop3A_811 = arith.addi %parallel_loop3A_810, %parallel_loop3A_483 : i32
        %parallel_loop3A_812 = arith.constant 0 : i32
        %parallel_loop3A_813 = arith.index_cast %parallel_loop3A_812 : i32 to index
        %parallel_loop3A_814 = arith.index_cast %parallel_loop3A_811 : i32 to index
        %parallel_loop3A_815 = arith.constant 128 : index
        %parallel_loop3A_816 = tpu.vector_load %arg11[%parallel_loop3A_813, %parallel_loop3A_814, %parallel_loop3A_815] {strides = array<i32>} : memref<2x128x256xf32, #tpu.memory_space<vmem>>, vector<16xf32>,
        %parallel_loop3A_817 = arith.mulf %parallel_loop3A_816, %parallel_loop3A_490 : vector<16xf32>
        %parallel_loop3A_818 = arith.constant 32 : i32
        %parallel_loop3A_819 = arith.addi %parallel_loop3A_818, %parallel_loop3A_483 : i32
        %parallel_loop3A_820 = arith.constant 0 : i32
        %parallel_loop3A_821 = arith.index_cast %parallel_loop3A_820 : i32 to index
        %parallel_loop3A_822 = arith.index_cast %parallel_loop3A_819 : i32 to index
        %parallel_loop3A_823 = arith.constant 128 : index
        %parallel_loop3A_824 = tpu.vector_load %arg11[%parallel_loop3A_821, %parallel_loop3A_822, %parallel_loop3A_823] {strides = array<i32>} : memref<2x128x256xf32, #tpu.memory_space<vmem>>, vector<16xf32>,
        %parallel_loop3A_825 = arith.mulf %parallel_loop3A_824, %parallel_loop3A_497 : vector<16xf32>
        %parallel_loop3A_826 = arith.addf %parallel_loop3A_817, %parallel_loop3A_825 : vector<16xf32>
        %parallel_loop3A_827 = arith.constant 64 : i32
        %parallel_loop3A_828 = arith.addi %parallel_loop3A_827, %parallel_loop3A_483 : i32
        %parallel_loop3A_829 = arith.constant 0 : i32
        %parallel_loop3A_830 = arith.index_cast %parallel_loop3A_829 : i32 to index
        %parallel_loop3A_831 = arith.index_cast %parallel_loop3A_828 : i32 to index
        %parallel_loop3A_832 = arith.constant 128 : index
        %parallel_loop3A_833 = tpu.vector_load %arg11[%parallel_loop3A_830, %parallel_loop3A_831, %parallel_loop3A_832] {strides = array<i32>} : memref<2x128x256xf32, #tpu.memory_space<vmem>>, vector<16xf32>,
        %parallel_loop3A_834 = arith.mulf %parallel_loop3A_833, %parallel_loop3A_504 : vector<16xf32>
        %parallel_loop3A_835 = arith.addf %parallel_loop3A_826, %parallel_loop3A_834 : vector<16xf32>
        %parallel_loop3A_836 = arith.constant 96 : i32
        %parallel_loop3A_837 = arith.addi %parallel_loop3A_836, %parallel_loop3A_483 : i32
        %parallel_loop3A_838 = arith.constant 0 : i32
        %parallel_loop3A_839 = arith.index_cast %parallel_loop3A_838 : i32 to index
        %parallel_loop3A_840 = arith.index_cast %parallel_loop3A_837 : i32 to index
        %parallel_loop3A_841 = arith.constant 128 : index
        %parallel_loop3A_842 = tpu.vector_load %arg11[%parallel_loop3A_839, %parallel_loop3A_840, %parallel_loop3A_841] {strides = array<i32>} : memref<2x128x256xf32, #tpu.memory_space<vmem>>, vector<16xf32>,
        %parallel_loop3A_843 = arith.mulf %parallel_loop3A_842, %parallel_loop3A_511 : vector<16xf32>
        %parallel_loop3A_844 = arith.addf %parallel_loop3A_835, %parallel_loop3A_843 : vector<16xf32>
        %parallel_loop3A_845 = arith.mulf %parallel_loop3A_844, %parallel_loop3A_844 : vector<16xf32>
        %parallel_loop3A_846 = arith.addf %parallel_loop3A_809, %parallel_loop3A_845 : vector<16xf32>
        %parallel_loop3A_847 = arith.constant 0 : i32
        %parallel_loop3A_848 = arith.addi %parallel_loop3A_847, %parallel_loop3A_483 : i32
        %parallel_loop3A_849 = arith.constant 0 : i32
        %parallel_loop3A_850 = arith.index_cast %parallel_loop3A_849 : i32 to index
        %parallel_loop3A_851 = arith.index_cast %parallel_loop3A_848 : i32 to index
        %parallel_loop3A_852 = arith.constant 144 : index
        %parallel_loop3A_853 = tpu.vector_load %arg11[%parallel_loop3A_850, %parallel_loop3A_851, %parallel_loop3A_852] {strides = array<i32>} : memref<2x128x256xf32, #tpu.memory_space<vmem>>, vector<16xf32>,
        %parallel_loop3A_854 = arith.mulf %parallel_loop3A_853, %parallel_loop3A_490 : vector<16xf32>
        %parallel_loop3A_855 = arith.constant 32 : i32
        %parallel_loop3A_856 = arith.addi %parallel_loop3A_855, %parallel_loop3A_483 : i32
        %parallel_loop3A_857 = arith.constant 0 : i32
        %parallel_loop3A_858 = arith.index_cast %parallel_loop3A_857 : i32 to index
        %parallel_loop3A_859 = arith.index_cast %parallel_loop3A_856 : i32 to index
        %parallel_loop3A_860 = arith.constant 144 : index
        %parallel_loop3A_861 = tpu.vector_load %arg11[%parallel_loop3A_858, %parallel_loop3A_859, %parallel_loop3A_860] {strides = array<i32>} : memref<2x128x256xf32, #tpu.memory_space<vmem>>, vector<16xf32>,
        %parallel_loop3A_862 = arith.mulf %parallel_loop3A_861, %parallel_loop3A_497 : vector<16xf32>
        %parallel_loop3A_863 = arith.addf %parallel_loop3A_854, %parallel_loop3A_862 : vector<16xf32>
        %parallel_loop3A_864 = arith.constant 64 : i32
        %parallel_loop3A_865 = arith.addi %parallel_loop3A_864, %parallel_loop3A_483 : i32
        %parallel_loop3A_866 = arith.constant 0 : i32
        %parallel_loop3A_867 = arith.index_cast %parallel_loop3A_866 : i32 to index
        %parallel_loop3A_868 = arith.index_cast %parallel_loop3A_865 : i32 to index
        %parallel_loop3A_869 = arith.constant 144 : index
        %parallel_loop3A_870 = tpu.vector_load %arg11[%parallel_loop3A_867, %parallel_loop3A_868, %parallel_loop3A_869] {strides = array<i32>} : memref<2x128x256xf32, #tpu.memory_space<vmem>>, vector<16xf32>,
        %parallel_loop3A_871 = arith.mulf %parallel_loop3A_870, %parallel_loop3A_504 : vector<16xf32>
        %parallel_loop3A_872 = arith.addf %parallel_loop3A_863, %parallel_loop3A_871 : vector<16xf32>
        %parallel_loop3A_873 = arith.constant 96 : i32
        %parallel_loop3A_874 = arith.addi %parallel_loop3A_873, %parallel_loop3A_483 : i32
        %parallel_loop3A_875 = arith.constant 0 : i32
        %parallel_loop3A_876 = arith.index_cast %parallel_loop3A_875 : i32 to index
        %parallel_loop3A_877 = arith.index_cast %parallel_loop3A_874 : i32 to index
        %parallel_loop3A_878 = arith.constant 144 : index
        %parallel_loop3A_879 = tpu.vector_load %arg11[%parallel_loop3A_876, %parallel_loop3A_877, %parallel_loop3A_878] {strides = array<i32>} : memref<2x128x256xf32, #tpu.memory_space<vmem>>, vector<16xf32>,
        %parallel_loop3A_880 = arith.mulf %parallel_loop3A_879, %parallel_loop3A_511 : vector<16xf32>
        %parallel_loop3A_881 = arith.addf %parallel_loop3A_872, %parallel_loop3A_880 : vector<16xf32>
        %parallel_loop3A_882 = arith.mulf %parallel_loop3A_881, %parallel_loop3A_881 : vector<16xf32>
        %parallel_loop3A_883 = arith.addf %parallel_loop3A_846, %parallel_loop3A_882 : vector<16xf32>
        %parallel_loop3A_884 = arith.constant 0 : i32
        %parallel_loop3A_885 = arith.addi %parallel_loop3A_884, %parallel_loop3A_483 : i32
        %parallel_loop3A_886 = arith.constant 0 : i32
        %parallel_loop3A_887 = arith.index_cast %parallel_loop3A_886 : i32 to index
        %parallel_loop3A_888 = arith.index_cast %parallel_loop3A_885 : i32 to index
        %parallel_loop3A_889 = arith.constant 160 : index
        %parallel_loop3A_890 = tpu.vector_load %arg11[%parallel_loop3A_887, %parallel_loop3A_888, %parallel_loop3A_889] {strides = array<i32>} : memref<2x128x256xf32, #tpu.memory_space<vmem>>, vector<16xf32>,
        %parallel_loop3A_891 = arith.mulf %parallel_loop3A_890, %parallel_loop3A_490 : vector<16xf32>
        %parallel_loop3A_892 = arith.constant 32 : i32
        %parallel_loop3A_893 = arith.addi %parallel_loop3A_892, %parallel_loop3A_483 : i32
        %parallel_loop3A_894 = arith.constant 0 : i32
        %parallel_loop3A_895 = arith.index_cast %parallel_loop3A_894 : i32 to index
        %parallel_loop3A_896 = arith.index_cast %parallel_loop3A_893 : i32 to index
        %parallel_loop3A_897 = arith.constant 160 : index
        %parallel_loop3A_898 = tpu.vector_load %arg11[%parallel_loop3A_895, %parallel_loop3A_896, %parallel_loop3A_897] {strides = array<i32>} : memref<2x128x256xf32, #tpu.memory_space<vmem>>, vector<16xf32>,
        %parallel_loop3A_899 = arith.mulf %parallel_loop3A_898, %parallel_loop3A_497 : vector<16xf32>
        %parallel_loop3A_900 = arith.addf %parallel_loop3A_891, %parallel_loop3A_899 : vector<16xf32>
        %parallel_loop3A_901 = arith.constant 64 : i32
        %parallel_loop3A_902 = arith.addi %parallel_loop3A_901, %parallel_loop3A_483 : i32
        %parallel_loop3A_903 = arith.constant 0 : i32
        %parallel_loop3A_904 = arith.index_cast %parallel_loop3A_903 : i32 to index
        %parallel_loop3A_905 = arith.index_cast %parallel_loop3A_902 : i32 to index
        %parallel_loop3A_906 = arith.constant 160 : index
        %parallel_loop3A_907 = tpu.vector_load %arg11[%parallel_loop3A_904, %parallel_loop3A_905, %parallel_loop3A_906] {strides = array<i32>} : memref<2x128x256xf32, #tpu.memory_space<vmem>>, vector<16xf32>,
        %parallel_loop3A_908 = arith.mulf %parallel_loop3A_907, %parallel_loop3A_504 : vector<16xf32>
        %parallel_loop3A_909 = arith.addf %parallel_loop3A_900, %parallel_loop3A_908 : vector<16xf32>
        %parallel_loop3A_910 = arith.constant 96 : i32
        %parallel_loop3A_911 = arith.addi %parallel_loop3A_910, %parallel_loop3A_483 : i32
        %parallel_loop3A_912 = arith.constant 0 : i32
        %parallel_loop3A_913 = arith.index_cast %parallel_loop3A_912 : i32 to index
        %parallel_loop3A_914 = arith.index_cast %parallel_loop3A_911 : i32 to index
        %parallel_loop3A_915 = arith.constant 160 : index
        %parallel_loop3A_916 = tpu.vector_load %arg11[%parallel_loop3A_913, %parallel_loop3A_914, %parallel_loop3A_915] {strides = array<i32>} : memref<2x128x256xf32, #tpu.memory_space<vmem>>, vector<16xf32>,
        %parallel_loop3A_917 = arith.mulf %parallel_loop3A_916, %parallel_loop3A_511 : vector<16xf32>
        %parallel_loop3A_918 = arith.addf %parallel_loop3A_909, %parallel_loop3A_917 : vector<16xf32>
        %parallel_loop3A_919 = arith.mulf %parallel_loop3A_918, %parallel_loop3A_918 : vector<16xf32>
        %parallel_loop3A_920 = arith.addf %parallel_loop3A_883, %parallel_loop3A_919 : vector<16xf32>
        %parallel_loop3A_921 = arith.constant 0 : i32
        %parallel_loop3A_922 = arith.addi %parallel_loop3A_921, %parallel_loop3A_483 : i32
        %parallel_loop3A_923 = arith.constant 0 : i32
        %parallel_loop3A_924 = arith.index_cast %parallel_loop3A_923 : i32 to index
        %parallel_loop3A_925 = arith.index_cast %parallel_loop3A_922 : i32 to index
        %parallel_loop3A_926 = arith.constant 176 : index
        %parallel_loop3A_927 = tpu.vector_load %arg11[%parallel_loop3A_924, %parallel_loop3A_925, %parallel_loop3A_926] {strides = array<i32>} : memref<2x128x256xf32, #tpu.memory_space<vmem>>, vector<16xf32>,
        %parallel_loop3A_928 = arith.mulf %parallel_loop3A_927, %parallel_loop3A_490 : vector<16xf32>
        %parallel_loop3A_929 = arith.constant 32 : i32
        %parallel_loop3A_930 = arith.addi %parallel_loop3A_929, %parallel_loop3A_483 : i32
        %parallel_loop3A_931 = arith.constant 0 : i32
        %parallel_loop3A_932 = arith.index_cast %parallel_loop3A_931 : i32 to index
        %parallel_loop3A_933 = arith.index_cast %parallel_loop3A_930 : i32 to index
        %parallel_loop3A_934 = arith.constant 176 : index
        %parallel_loop3A_935 = tpu.vector_load %arg11[%parallel_loop3A_932, %parallel_loop3A_933, %parallel_loop3A_934] {strides = array<i32>} : memref<2x128x256xf32, #tpu.memory_space<vmem>>, vector<16xf32>,
        %parallel_loop3A_936 = arith.mulf %parallel_loop3A_935, %parallel_loop3A_497 : vector<16xf32>
        %parallel_loop3A_937 = arith.addf %parallel_loop3A_928, %parallel_loop3A_936 : vector<16xf32>
        %parallel_loop3A_938 = arith.constant 64 : i32
        %parallel_loop3A_939 = arith.addi %parallel_loop3A_938, %parallel_loop3A_483 : i32
        %parallel_loop3A_940 = arith.constant 0 : i32
        %parallel_loop3A_941 = arith.index_cast %parallel_loop3A_940 : i32 to index
        %parallel_loop3A_942 = arith.index_cast %parallel_loop3A_939 : i32 to index
        %parallel_loop3A_943 = arith.constant 176 : index
        %parallel_loop3A_944 = tpu.vector_load %arg11[%parallel_loop3A_941, %parallel_loop3A_942, %parallel_loop3A_943] {strides = array<i32>} : memref<2x128x256xf32, #tpu.memory_space<vmem>>, vector<16xf32>,
        %parallel_loop3A_945 = arith.mulf %parallel_loop3A_944, %parallel_loop3A_504 : vector<16xf32>
        %parallel_loop3A_946 = arith.addf %parallel_loop3A_937, %parallel_loop3A_945 : vector<16xf32>
        %parallel_loop3A_947 = arith.constant 96 : i32
        %parallel_loop3A_948 = arith.addi %parallel_loop3A_947, %parallel_loop3A_483 : i32
        %parallel_loop3A_949 = arith.constant 0 : i32
        %parallel_loop3A_950 = arith.index_cast %parallel_loop3A_949 : i32 to index
        %parallel_loop3A_951 = arith.index_cast %parallel_loop3A_948 : i32 to index
        %parallel_loop3A_952 = arith.constant 176 : index
        %parallel_loop3A_953 = tpu.vector_load %arg11[%parallel_loop3A_950, %parallel_loop3A_951, %parallel_loop3A_952] {strides = array<i32>} : memref<2x128x256xf32, #tpu.memory_space<vmem>>, vector<16xf32>,
        %parallel_loop3A_954 = arith.mulf %parallel_loop3A_953, %parallel_loop3A_511 : vector<16xf32>
        %parallel_loop3A_955 = arith.addf %parallel_loop3A_946, %parallel_loop3A_954 : vector<16xf32>
        %parallel_loop3A_956 = arith.mulf %parallel_loop3A_955, %parallel_loop3A_955 : vector<16xf32>
        %parallel_loop3A_957 = arith.addf %parallel_loop3A_920, %parallel_loop3A_956 : vector<16xf32>
        %parallel_loop3A_958 = arith.constant 0 : i32
        %parallel_loop3A_959 = arith.addi %parallel_loop3A_958, %parallel_loop3A_483 : i32
        %parallel_loop3A_960 = arith.constant 0 : i32
        %parallel_loop3A_961 = arith.index_cast %parallel_loop3A_960 : i32 to index
        %parallel_loop3A_962 = arith.index_cast %parallel_loop3A_959 : i32 to index
        %parallel_loop3A_963 = arith.constant 192 : index
        %parallel_loop3A_964 = tpu.vector_load %arg11[%parallel_loop3A_961, %parallel_loop3A_962, %parallel_loop3A_963] {strides = array<i32>} : memref<2x128x256xf32, #tpu.memory_space<vmem>>, vector<16xf32>,
        %parallel_loop3A_965 = arith.mulf %parallel_loop3A_964, %parallel_loop3A_490 : vector<16xf32>
        %parallel_loop3A_966 = arith.constant 32 : i32
        %parallel_loop3A_967 = arith.addi %parallel_loop3A_966, %parallel_loop3A_483 : i32
        %parallel_loop3A_968 = arith.constant 0 : i32
        %parallel_loop3A_969 = arith.index_cast %parallel_loop3A_968 : i32 to index
        %parallel_loop3A_970 = arith.index_cast %parallel_loop3A_967 : i32 to index
        %parallel_loop3A_971 = arith.constant 192 : index
        %parallel_loop3A_972 = tpu.vector_load %arg11[%parallel_loop3A_969, %parallel_loop3A_970, %parallel_loop3A_971] {strides = array<i32>} : memref<2x128x256xf32, #tpu.memory_space<vmem>>, vector<16xf32>,
        %parallel_loop3A_973 = arith.mulf %parallel_loop3A_972, %parallel_loop3A_497 : vector<16xf32>
        %parallel_loop3A_974 = arith.addf %parallel_loop3A_965, %parallel_loop3A_973 : vector<16xf32>
        %parallel_loop3A_975 = arith.constant 64 : i32
        %parallel_loop3A_976 = arith.addi %parallel_loop3A_975, %parallel_loop3A_483 : i32
        %parallel_loop3A_977 = arith.constant 0 : i32
        %parallel_loop3A_978 = arith.index_cast %parallel_loop3A_977 : i32 to index
        %parallel_loop3A_979 = arith.index_cast %parallel_loop3A_976 : i32 to index
        %parallel_loop3A_980 = arith.constant 192 : index
        %parallel_loop3A_981 = tpu.vector_load %arg11[%parallel_loop3A_978, %parallel_loop3A_979, %parallel_loop3A_980] {strides = array<i32>} : memref<2x128x256xf32, #tpu.memory_space<vmem>>, vector<16xf32>,
        %parallel_loop3A_982 = arith.mulf %parallel_loop3A_981, %parallel_loop3A_504 : vector<16xf32>
        %parallel_loop3A_983 = arith.addf %parallel_loop3A_974, %parallel_loop3A_982 : vector<16xf32>
        %parallel_loop3A_984 = arith.constant 96 : i32
        %parallel_loop3A_985 = arith.addi %parallel_loop3A_984, %parallel_loop3A_483 : i32
        %parallel_loop3A_986 = arith.constant 0 : i32
        %parallel_loop3A_987 = arith.index_cast %parallel_loop3A_986 : i32 to index
        %parallel_loop3A_988 = arith.index_cast %parallel_loop3A_985 : i32 to index
        %parallel_loop3A_989 = arith.constant 192 : index
        %parallel_loop3A_990 = tpu.vector_load %arg11[%parallel_loop3A_987, %parallel_loop3A_988, %parallel_loop3A_989] {strides = array<i32>} : memref<2x128x256xf32, #tpu.memory_space<vmem>>, vector<16xf32>,
        %parallel_loop3A_991 = arith.mulf %parallel_loop3A_990, %parallel_loop3A_511 : vector<16xf32>
        %parallel_loop3A_992 = arith.addf %parallel_loop3A_983, %parallel_loop3A_991 : vector<16xf32>
        %parallel_loop3A_993 = arith.mulf %parallel_loop3A_992, %parallel_loop3A_992 : vector<16xf32>
        %parallel_loop3A_994 = arith.addf %parallel_loop3A_957, %parallel_loop3A_993 : vector<16xf32>
        %parallel_loop3A_995 = arith.constant 0 : i32
        %parallel_loop3A_996 = arith.addi %parallel_loop3A_995, %parallel_loop3A_483 : i32
        %parallel_loop3A_997 = arith.constant 0 : i32
        %parallel_loop3A_998 = arith.index_cast %parallel_loop3A_997 : i32 to index
        %parallel_loop3A_999 = arith.index_cast %parallel_loop3A_996 : i32 to index
        %parallel_loop3A_1000 = arith.constant 208 : index
        %parallel_loop3A_1001 = tpu.vector_load %arg11[%parallel_loop3A_998, %parallel_loop3A_999, %parallel_loop3A_1000] {strides = array<i32>} : memref<2x128x256xf32, #tpu.memory_space<vmem>>, vector<16xf32>,
        %parallel_loop3A_1002 = arith.mulf %parallel_loop3A_1001, %parallel_loop3A_490 : vector<16xf32>
        %parallel_loop3A_1003 = arith.constant 32 : i32
        %parallel_loop3A_1004 = arith.addi %parallel_loop3A_1003, %parallel_loop3A_483 : i32
        %parallel_loop3A_1005 = arith.constant 0 : i32
        %parallel_loop3A_1006 = arith.index_cast %parallel_loop3A_1005 : i32 to index
        %parallel_loop3A_1007 = arith.index_cast %parallel_loop3A_1004 : i32 to index
        %parallel_loop3A_1008 = arith.constant 208 : index
        %parallel_loop3A_1009 = tpu.vector_load %arg11[%parallel_loop3A_1006, %parallel_loop3A_1007, %parallel_loop3A_1008] {strides = array<i32>} : memref<2x128x256xf32, #tpu.memory_space<vmem>>, vector<16xf32>,
        %parallel_loop3A_1010 = arith.mulf %parallel_loop3A_1009, %parallel_loop3A_497 : vector<16xf32>
        %parallel_loop3A_1011 = arith.addf %parallel_loop3A_1002, %parallel_loop3A_1010 : vector<16xf32>
        %parallel_loop3A_1012 = arith.constant 64 : i32
        %parallel_loop3A_1013 = arith.addi %parallel_loop3A_1012, %parallel_loop3A_483 : i32
        %parallel_loop3A_1014 = arith.constant 0 : i32
        %parallel_loop3A_1015 = arith.index_cast %parallel_loop3A_1014 : i32 to index
        %parallel_loop3A_1016 = arith.index_cast %parallel_loop3A_1013 : i32 to index
        %parallel_loop3A_1017 = arith.constant 208 : index
        %parallel_loop3A_1018 = tpu.vector_load %arg11[%parallel_loop3A_1015, %parallel_loop3A_1016, %parallel_loop3A_1017] {strides = array<i32>} : memref<2x128x256xf32, #tpu.memory_space<vmem>>, vector<16xf32>,
        %parallel_loop3A_1019 = arith.mulf %parallel_loop3A_1018, %parallel_loop3A_504 : vector<16xf32>
        %parallel_loop3A_1020 = arith.addf %parallel_loop3A_1011, %parallel_loop3A_1019 : vector<16xf32>
        %parallel_loop3A_1021 = arith.constant 96 : i32
        %parallel_loop3A_1022 = arith.addi %parallel_loop3A_1021, %parallel_loop3A_483 : i32
        %parallel_loop3A_1023 = arith.constant 0 : i32
        %parallel_loop3A_1024 = arith.index_cast %parallel_loop3A_1023 : i32 to index
        %parallel_loop3A_1025 = arith.index_cast %parallel_loop3A_1022 : i32 to index
        %parallel_loop3A_1026 = arith.constant 208 : index
        %parallel_loop3A_1027 = tpu.vector_load %arg11[%parallel_loop3A_1024, %parallel_loop3A_1025, %parallel_loop3A_1026] {strides = array<i32>} : memref<2x128x256xf32, #tpu.memory_space<vmem>>, vector<16xf32>,
        %parallel_loop3A_1028 = arith.mulf %parallel_loop3A_1027, %parallel_loop3A_511 : vector<16xf32>
        %parallel_loop3A_1029 = arith.addf %parallel_loop3A_1020, %parallel_loop3A_1028 : vector<16xf32>
        %parallel_loop3A_1030 = arith.mulf %parallel_loop3A_1029, %parallel_loop3A_1029 : vector<16xf32>
        %parallel_loop3A_1031 = arith.addf %parallel_loop3A_994, %parallel_loop3A_1030 : vector<16xf32>
        %parallel_loop3A_1032 = arith.constant 0 : i32
        %parallel_loop3A_1033 = arith.addi %parallel_loop3A_1032, %parallel_loop3A_483 : i32
        %parallel_loop3A_1034 = arith.constant 0 : i32
        %parallel_loop3A_1035 = arith.index_cast %parallel_loop3A_1034 : i32 to index
        %parallel_loop3A_1036 = arith.index_cast %parallel_loop3A_1033 : i32 to index
        %parallel_loop3A_1037 = arith.constant 224 : index
        %parallel_loop3A_1038 = tpu.vector_load %arg11[%parallel_loop3A_1035, %parallel_loop3A_1036, %parallel_loop3A_1037] {strides = array<i32>} : memref<2x128x256xf32, #tpu.memory_space<vmem>>, vector<16xf32>,
        %parallel_loop3A_1039 = arith.mulf %parallel_loop3A_1038, %parallel_loop3A_490 : vector<16xf32>
        %parallel_loop3A_1040 = arith.constant 32 : i32
        %parallel_loop3A_1041 = arith.addi %parallel_loop3A_1040, %parallel_loop3A_483 : i32
        %parallel_loop3A_1042 = arith.constant 0 : i32
        %parallel_loop3A_1043 = arith.index_cast %parallel_loop3A_1042 : i32 to index
        %parallel_loop3A_1044 = arith.index_cast %parallel_loop3A_1041 : i32 to index
        %parallel_loop3A_1045 = arith.constant 224 : index
        %parallel_loop3A_1046 = tpu.vector_load %arg11[%parallel_loop3A_1043, %parallel_loop3A_1044, %parallel_loop3A_1045] {strides = array<i32>} : memref<2x128x256xf32, #tpu.memory_space<vmem>>, vector<16xf32>,
        %parallel_loop3A_1047 = arith.mulf %parallel_loop3A_1046, %parallel_loop3A_497 : vector<16xf32>
        %parallel_loop3A_1048 = arith.addf %parallel_loop3A_1039, %parallel_loop3A_1047 : vector<16xf32>
        %parallel_loop3A_1049 = arith.constant 64 : i32
        %parallel_loop3A_1050 = arith.addi %parallel_loop3A_1049, %parallel_loop3A_483 : i32
        %parallel_loop3A_1051 = arith.constant 0 : i32
        %parallel_loop3A_1052 = arith.index_cast %parallel_loop3A_1051 : i32 to index
        %parallel_loop3A_1053 = arith.index_cast %parallel_loop3A_1050 : i32 to index
        %parallel_loop3A_1054 = arith.constant 224 : index
        %parallel_loop3A_1055 = tpu.vector_load %arg11[%parallel_loop3A_1052, %parallel_loop3A_1053, %parallel_loop3A_1054] {strides = array<i32>} : memref<2x128x256xf32, #tpu.memory_space<vmem>>, vector<16xf32>,
        %parallel_loop3A_1056 = arith.mulf %parallel_loop3A_1055, %parallel_loop3A_504 : vector<16xf32>
        %parallel_loop3A_1057 = arith.addf %parallel_loop3A_1048, %parallel_loop3A_1056 : vector<16xf32>
        %parallel_loop3A_1058 = arith.constant 96 : i32
        %parallel_loop3A_1059 = arith.addi %parallel_loop3A_1058, %parallel_loop3A_483 : i32
        %parallel_loop3A_1060 = arith.constant 0 : i32
        %parallel_loop3A_1061 = arith.index_cast %parallel_loop3A_1060 : i32 to index
        %parallel_loop3A_1062 = arith.index_cast %parallel_loop3A_1059 : i32 to index
        %parallel_loop3A_1063 = arith.constant 224 : index
        %parallel_loop3A_1064 = tpu.vector_load %arg11[%parallel_loop3A_1061, %parallel_loop3A_1062, %parallel_loop3A_1063] {strides = array<i32>} : memref<2x128x256xf32, #tpu.memory_space<vmem>>, vector<16xf32>,
        %parallel_loop3A_1065 = arith.mulf %parallel_loop3A_1064, %parallel_loop3A_511 : vector<16xf32>
        %parallel_loop3A_1066 = arith.addf %parallel_loop3A_1057, %parallel_loop3A_1065 : vector<16xf32>
        %parallel_loop3A_1067 = arith.mulf %parallel_loop3A_1066, %parallel_loop3A_1066 : vector<16xf32>
        %parallel_loop3A_1068 = arith.addf %parallel_loop3A_1031, %parallel_loop3A_1067 : vector<16xf32>
        %parallel_loop3A_1069 = arith.constant 0 : i32
        %parallel_loop3A_1070 = arith.addi %parallel_loop3A_1069, %parallel_loop3A_483 : i32
        %parallel_loop3A_1071 = arith.constant 0 : i32
        %parallel_loop3A_1072 = arith.index_cast %parallel_loop3A_1071 : i32 to index
        %parallel_loop3A_1073 = arith.index_cast %parallel_loop3A_1070 : i32 to index
        %parallel_loop3A_1074 = arith.constant 240 : index
        %parallel_loop3A_1075 = tpu.vector_load %arg11[%parallel_loop3A_1072, %parallel_loop3A_1073, %parallel_loop3A_1074] {strides = array<i32>} : memref<2x128x256xf32, #tpu.memory_space<vmem>>, vector<16xf32>,
        %parallel_loop3A_1076 = arith.mulf %parallel_loop3A_1075, %parallel_loop3A_490 : vector<16xf32>
        %parallel_loop3A_1077 = arith.constant 32 : i32
        %parallel_loop3A_1078 = arith.addi %parallel_loop3A_1077, %parallel_loop3A_483 : i32
        %parallel_loop3A_1079 = arith.constant 0 : i32
        %parallel_loop3A_1080 = arith.index_cast %parallel_loop3A_1079 : i32 to index
        %parallel_loop3A_1081 = arith.index_cast %parallel_loop3A_1078 : i32 to index
        %parallel_loop3A_1082 = arith.constant 240 : index
        %parallel_loop3A_1083 = tpu.vector_load %arg11[%parallel_loop3A_1080, %parallel_loop3A_1081, %parallel_loop3A_1082] {strides = array<i32>} : memref<2x128x256xf32, #tpu.memory_space<vmem>>, vector<16xf32>,
        %parallel_loop3A_1084 = arith.mulf %parallel_loop3A_1083, %parallel_loop3A_497 : vector<16xf32>
        %parallel_loop3A_1085 = arith.addf %parallel_loop3A_1076, %parallel_loop3A_1084 : vector<16xf32>
        %parallel_loop3A_1086 = arith.constant 64 : i32
        %parallel_loop3A_1087 = arith.addi %parallel_loop3A_1086, %parallel_loop3A_483 : i32
        %parallel_loop3A_1088 = arith.constant 0 : i32
        %parallel_loop3A_1089 = arith.index_cast %parallel_loop3A_1088 : i32 to index
        %parallel_loop3A_1090 = arith.index_cast %parallel_loop3A_1087 : i32 to index
        %parallel_loop3A_1091 = arith.constant 240 : index
        %parallel_loop3A_1092 = tpu.vector_load %arg11[%parallel_loop3A_1089, %parallel_loop3A_1090, %parallel_loop3A_1091] {strides = array<i32>} : memref<2x128x256xf32, #tpu.memory_space<vmem>>, vector<16xf32>,
        %parallel_loop3A_1093 = arith.mulf %parallel_loop3A_1092, %parallel_loop3A_504 : vector<16xf32>
        %parallel_loop3A_1094 = arith.addf %parallel_loop3A_1085, %parallel_loop3A_1093 : vector<16xf32>
        %parallel_loop3A_1095 = arith.constant 96 : i32
        %parallel_loop3A_1096 = arith.addi %parallel_loop3A_1095, %parallel_loop3A_483 : i32
        %parallel_loop3A_1097 = arith.constant 0 : i32
        %parallel_loop3A_1098 = arith.index_cast %parallel_loop3A_1097 : i32 to index
        %parallel_loop3A_1099 = arith.index_cast %parallel_loop3A_1096 : i32 to index
        %parallel_loop3A_1100 = arith.constant 240 : index
        %parallel_loop3A_1101 = tpu.vector_load %arg11[%parallel_loop3A_1098, %parallel_loop3A_1099, %parallel_loop3A_1100] {strides = array<i32>} : memref<2x128x256xf32, #tpu.memory_space<vmem>>, vector<16xf32>,
        %parallel_loop3A_1102 = arith.mulf %parallel_loop3A_1101, %parallel_loop3A_511 : vector<16xf32>
        %parallel_loop3A_1103 = arith.addf %parallel_loop3A_1094, %parallel_loop3A_1102 : vector<16xf32>
        %parallel_loop3A_1104 = arith.mulf %parallel_loop3A_1103, %parallel_loop3A_1103 : vector<16xf32>
        %parallel_loop3A_1105 = arith.addf %parallel_loop3A_1068, %parallel_loop3A_1104 : vector<16xf32>
        %parallel_loop3A_1106 = arith.constant 0 : i32
        %parallel_loop3A_1107 = vector.broadcast %parallel_loop3A_1106 : i32 to vector<16xi32>
        %parallel_loop3A_1108 = arith.cmpi slt, %and3A_26, %parallel_loop3A_1107 : vector<16xi32>
        %parallel_loop3A_1109 = arith.constant 16 : i32
        %parallel_loop3A_1110 = vector.broadcast %parallel_loop3A_1109 : i32 to vector<16xi32>
        %parallel_loop3A_1111 = arith.addi %and3A_26, %parallel_loop3A_1110 : vector<16xi32>
        %parallel_loop3A_1112 = arith.select %parallel_loop3A_1108, %parallel_loop3A_1111, %and3A_26 : vector<16xi1>, vector<16xi32>
        %parallel_loop3A_1113 = vector.shape_cast %parallel_loop3A_1112 : vector<16xi32> to vector<16x1xi32>
        %parallel_loop3A_1114 = vector.shape_cast %parallel_loop3A_1113 : vector<16x1xi32> to vector<16xi32>
        %parallel_loop3A_1115 = tpu.dynamic_gather %parallel_loop3A_1105[%parallel_loop3A_1114] in [0] : vector<16xf32>, vector<16xi32> -> vector<16xf32>
        %parallel_loop3A_1116 = arith.addf %parallel_loop3A_1105, %parallel_loop3A_1115 : vector<16xf32>
        %parallel_loop3A_1117 = arith.constant 0 : i32
        %parallel_loop3A_1118 = vector.broadcast %parallel_loop3A_1117 : i32 to vector<16xi32>
        %parallel_loop3A_1119 = arith.cmpi slt, %and3A_32, %parallel_loop3A_1118 : vector<16xi32>
        %parallel_loop3A_1120 = arith.constant 16 : i32
        %parallel_loop3A_1121 = vector.broadcast %parallel_loop3A_1120 : i32 to vector<16xi32>
        %parallel_loop3A_1122 = arith.addi %and3A_32, %parallel_loop3A_1121 : vector<16xi32>
        %parallel_loop3A_1123 = arith.select %parallel_loop3A_1119, %parallel_loop3A_1122, %and3A_32 : vector<16xi1>, vector<16xi32>
        %parallel_loop3A_1124 = vector.shape_cast %parallel_loop3A_1123 : vector<16xi32> to vector<16x1xi32>
        %parallel_loop3A_1125 = vector.shape_cast %parallel_loop3A_1124 : vector<16x1xi32> to vector<16xi32>
        %parallel_loop3A_1126 = tpu.dynamic_gather %parallel_loop3A_1116[%parallel_loop3A_1125] in [0] : vector<16xf32>, vector<16xi32> -> vector<16xf32>
        %parallel_loop3A_1127 = arith.addf %parallel_loop3A_1116, %parallel_loop3A_1126 : vector<16xf32>
        %parallel_loop3A_1128 = arith.constant 0 : i32
        %parallel_loop3A_1129 = vector.broadcast %parallel_loop3A_1128 : i32 to vector<16xi32>
        %parallel_loop3A_1130 = arith.cmpi slt, %and3A_38, %parallel_loop3A_1129 : vector<16xi32>
        %parallel_loop3A_1131 = arith.constant 16 : i32
        %parallel_loop3A_1132 = vector.broadcast %parallel_loop3A_1131 : i32 to vector<16xi32>
        %parallel_loop3A_1133 = arith.addi %and3A_38, %parallel_loop3A_1132 : vector<16xi32>
        %parallel_loop3A_1134 = arith.select %parallel_loop3A_1130, %parallel_loop3A_1133, %and3A_38 : vector<16xi1>, vector<16xi32>
        %parallel_loop3A_1135 = vector.shape_cast %parallel_loop3A_1134 : vector<16xi32> to vector<16x1xi32>
        %parallel_loop3A_1136 = vector.shape_cast %parallel_loop3A_1135 : vector<16x1xi32> to vector<16xi32>
        %parallel_loop3A_1137 = tpu.dynamic_gather %parallel_loop3A_1127[%parallel_loop3A_1136] in [0] : vector<16xf32>, vector<16xi32> -> vector<16xf32>
        %parallel_loop3A_1138 = arith.addf %parallel_loop3A_1127, %parallel_loop3A_1137 : vector<16xf32>
        %parallel_loop3A_1139 = arith.constant 0 : i32
        %parallel_loop3A_1140 = vector.broadcast %parallel_loop3A_1139 : i32 to vector<16xi32>
        %parallel_loop3A_1141 = arith.cmpi slt, %and3A_44, %parallel_loop3A_1140 : vector<16xi32>
        %parallel_loop3A_1142 = arith.constant 16 : i32
        %parallel_loop3A_1143 = vector.broadcast %parallel_loop3A_1142 : i32 to vector<16xi32>
        %parallel_loop3A_1144 = arith.addi %and3A_44, %parallel_loop3A_1143 : vector<16xi32>
        %parallel_loop3A_1145 = arith.select %parallel_loop3A_1141, %parallel_loop3A_1144, %and3A_44 : vector<16xi1>, vector<16xi32>
        %parallel_loop3A_1146 = vector.shape_cast %parallel_loop3A_1145 : vector<16xi32> to vector<16x1xi32>
        %parallel_loop3A_1147 = vector.shape_cast %parallel_loop3A_1146 : vector<16x1xi32> to vector<16xi32>
        %parallel_loop3A_1148 = tpu.dynamic_gather %parallel_loop3A_1138[%parallel_loop3A_1147] in [0] : vector<16xf32>, vector<16xi32> -> vector<16xf32>
        %parallel_loop3A_1149 = arith.addf %parallel_loop3A_1138, %parallel_loop3A_1148 : vector<16xf32>
        %parallel_loop3A_1150 = arith.constant 1.000000e-24 : f32
        %parallel_loop3A_1151 = vector.broadcast %parallel_loop3A_1150 : f32 to vector<16xf32>
        %parallel_loop3A_1152 = arith.maximumf %parallel_loop3A_1149, %parallel_loop3A_1151 : vector<16xf32>
        %parallel_loop3A_1153 = vector.bitcast %parallel_loop3A_1152 : vector<16xf32> to vector<16xi32>
        %parallel_loop3A_1154 = arith.constant 1 : i32
        %parallel_loop3A_1155 = vector.broadcast %parallel_loop3A_1154 : i32 to vector<16xi32>
        %parallel_loop3A_1156 = arith.shrsi %parallel_loop3A_1153, %parallel_loop3A_1155 : vector<16xi32>
        %parallel_loop3A_1157 = arith.constant 1597463007 : i32
        %parallel_loop3A_1158 = vector.broadcast %parallel_loop3A_1157 : i32 to vector<16xi32>
        %parallel_loop3A_1159 = arith.subi %parallel_loop3A_1158, %parallel_loop3A_1156 : vector<16xi32>
        %parallel_loop3A_1160 = vector.bitcast %parallel_loop3A_1159 : vector<16xi32> to vector<16xf32>
        %parallel_loop3A_1161 = arith.constant 5.000000e-01 : f32
        %parallel_loop3A_1162 = vector.broadcast %parallel_loop3A_1161 : f32 to vector<16xf32>
        %parallel_loop3A_1163 = arith.mulf %parallel_loop3A_1152, %parallel_loop3A_1162 : vector<16xf32>
        %parallel_loop3A_1164 = arith.mulf %parallel_loop3A_1163, %parallel_loop3A_1160 : vector<16xf32>
        %parallel_loop3A_1165 = arith.mulf %parallel_loop3A_1164, %parallel_loop3A_1160 : vector<16xf32>
        %parallel_loop3A_1166 = arith.constant 1.500000e+00 : f32
        %parallel_loop3A_1167 = vector.broadcast %parallel_loop3A_1166 : f32 to vector<16xf32>
        %parallel_loop3A_1168 = arith.subf %parallel_loop3A_1167, %parallel_loop3A_1165 : vector<16xf32>
        %parallel_loop3A_1169 = arith.mulf %parallel_loop3A_1160, %parallel_loop3A_1168 : vector<16xf32>
        %parallel_loop3A_1170 = arith.mulf %parallel_loop3A_1163, %parallel_loop3A_1169 : vector<16xf32>
        %parallel_loop3A_1171 = arith.mulf %parallel_loop3A_1170, %parallel_loop3A_1169 : vector<16xf32>
        %parallel_loop3A_1172 = arith.constant 1.500000e+00 : f32
        %parallel_loop3A_1173 = vector.broadcast %parallel_loop3A_1172 : f32 to vector<16xf32>
        %parallel_loop3A_1174 = arith.subf %parallel_loop3A_1173, %parallel_loop3A_1171 : vector<16xf32>
        %parallel_loop3A_1175 = arith.mulf %parallel_loop3A_1169, %parallel_loop3A_1174 : vector<16xf32>
        %parallel_loop3A_1176 = arith.mulf %parallel_loop3A_548, %parallel_loop3A_1175 : vector<16xf32>
        %parallel_loop3A_1177 = arith.constant 0 : i32
        %parallel_loop3A_1178 = arith.index_cast %parallel_loop3A_1177 : i32 to index
        %parallel_loop3A_1179 = arith.index_cast %parallel_loop3A_483 : i32 to index
        %parallel_loop3A_1180 = arith.constant 0 : index
        %parallel_loop3A_1181 = tpu.vector_load %arg12[%parallel_loop3A_1178, %parallel_loop3A_1179, %parallel_loop3A_1180] {strides = array<i32>} : memref<2x32x256xf32, #tpu.memory_space<vmem>>, vector<16xf32>,
        tpu.vector_store %arg12[%parallel_loop3A_1178, %parallel_loop3A_1179, %parallel_loop3A_1180], %parallel_loop3A_1176 {strides = array<i32>} : memref<2x32x256xf32, #tpu.memory_space<vmem>>, vector<16xf32>,
        %parallel_loop3A_1182 = arith.mulf %parallel_loop3A_585, %parallel_loop3A_1175 : vector<16xf32>
        %parallel_loop3A_1183 = arith.constant 0 : i32
        %parallel_loop3A_1184 = arith.index_cast %parallel_loop3A_1183 : i32 to index
        %parallel_loop3A_1185 = arith.index_cast %parallel_loop3A_483 : i32 to index
        %parallel_loop3A_1186 = arith.constant 16 : index
        %parallel_loop3A_1187 = tpu.vector_load %arg12[%parallel_loop3A_1184, %parallel_loop3A_1185, %parallel_loop3A_1186] {strides = array<i32>} : memref<2x32x256xf32, #tpu.memory_space<vmem>>, vector<16xf32>,
        tpu.vector_store %arg12[%parallel_loop3A_1184, %parallel_loop3A_1185, %parallel_loop3A_1186], %parallel_loop3A_1182 {strides = array<i32>} : memref<2x32x256xf32, #tpu.memory_space<vmem>>, vector<16xf32>,
        %parallel_loop3A_1188 = arith.mulf %parallel_loop3A_622, %parallel_loop3A_1175 : vector<16xf32>
        %parallel_loop3A_1189 = arith.constant 0 : i32
        %parallel_loop3A_1190 = arith.index_cast %parallel_loop3A_1189 : i32 to index
        %parallel_loop3A_1191 = arith.index_cast %parallel_loop3A_483 : i32 to index
        %parallel_loop3A_1192 = arith.constant 32 : index
        %parallel_loop3A_1193 = tpu.vector_load %arg12[%parallel_loop3A_1190, %parallel_loop3A_1191, %parallel_loop3A_1192] {strides = array<i32>} : memref<2x32x256xf32, #tpu.memory_space<vmem>>, vector<16xf32>,
        tpu.vector_store %arg12[%parallel_loop3A_1190, %parallel_loop3A_1191, %parallel_loop3A_1192], %parallel_loop3A_1188 {strides = array<i32>} : memref<2x32x256xf32, #tpu.memory_space<vmem>>, vector<16xf32>,
        %parallel_loop3A_1194 = arith.mulf %parallel_loop3A_659, %parallel_loop3A_1175 : vector<16xf32>
        %parallel_loop3A_1195 = arith.constant 0 : i32
        %parallel_loop3A_1196 = arith.index_cast %parallel_loop3A_1195 : i32 to index
        %parallel_loop3A_1197 = arith.index_cast %parallel_loop3A_483 : i32 to index
        %parallel_loop3A_1198 = arith.constant 48 : index
        %parallel_loop3A_1199 = tpu.vector_load %arg12[%parallel_loop3A_1196, %parallel_loop3A_1197, %parallel_loop3A_1198] {strides = array<i32>} : memref<2x32x256xf32, #tpu.memory_space<vmem>>, vector<16xf32>,
        tpu.vector_store %arg12[%parallel_loop3A_1196, %parallel_loop3A_1197, %parallel_loop3A_1198], %parallel_loop3A_1194 {strides = array<i32>} : memref<2x32x256xf32, #tpu.memory_space<vmem>>, vector<16xf32>,
        %parallel_loop3A_1200 = arith.mulf %parallel_loop3A_696, %parallel_loop3A_1175 : vector<16xf32>
        %parallel_loop3A_1201 = arith.constant 0 : i32
        %parallel_loop3A_1202 = arith.index_cast %parallel_loop3A_1201 : i32 to index
        %parallel_loop3A_1203 = arith.index_cast %parallel_loop3A_483 : i32 to index
        %parallel_loop3A_1204 = arith.constant 64 : index
        %parallel_loop3A_1205 = tpu.vector_load %arg12[%parallel_loop3A_1202, %parallel_loop3A_1203, %parallel_loop3A_1204] {strides = array<i32>} : memref<2x32x256xf32, #tpu.memory_space<vmem>>, vector<16xf32>,
        tpu.vector_store %arg12[%parallel_loop3A_1202, %parallel_loop3A_1203, %parallel_loop3A_1204], %parallel_loop3A_1200 {strides = array<i32>} : memref<2x32x256xf32, #tpu.memory_space<vmem>>, vector<16xf32>,
        %parallel_loop3A_1206 = arith.mulf %parallel_loop3A_733, %parallel_loop3A_1175 : vector<16xf32>
        %parallel_loop3A_1207 = arith.constant 0 : i32
        %parallel_loop3A_1208 = arith.index_cast %parallel_loop3A_1207 : i32 to index
        %parallel_loop3A_1209 = arith.index_cast %parallel_loop3A_483 : i32 to index
        %parallel_loop3A_1210 = arith.constant 80 : index
        %parallel_loop3A_1211 = tpu.vector_load %arg12[%parallel_loop3A_1208, %parallel_loop3A_1209, %parallel_loop3A_1210] {strides = array<i32>} : memref<2x32x256xf32, #tpu.memory_space<vmem>>, vector<16xf32>,
        tpu.vector_store %arg12[%parallel_loop3A_1208, %parallel_loop3A_1209, %parallel_loop3A_1210], %parallel_loop3A_1206 {strides = array<i32>} : memref<2x32x256xf32, #tpu.memory_space<vmem>>, vector<16xf32>,
        %parallel_loop3A_1212 = arith.mulf %parallel_loop3A_770, %parallel_loop3A_1175 : vector<16xf32>
        %parallel_loop3A_1213 = arith.constant 0 : i32
        %parallel_loop3A_1214 = arith.index_cast %parallel_loop3A_1213 : i32 to index
        %parallel_loop3A_1215 = arith.index_cast %parallel_loop3A_483 : i32 to index
        %parallel_loop3A_1216 = arith.constant 96 : index
        %parallel_loop3A_1217 = tpu.vector_load %arg12[%parallel_loop3A_1214, %parallel_loop3A_1215, %parallel_loop3A_1216] {strides = array<i32>} : memref<2x32x256xf32, #tpu.memory_space<vmem>>, vector<16xf32>,
        tpu.vector_store %arg12[%parallel_loop3A_1214, %parallel_loop3A_1215, %parallel_loop3A_1216], %parallel_loop3A_1212 {strides = array<i32>} : memref<2x32x256xf32, #tpu.memory_space<vmem>>, vector<16xf32>,
        %parallel_loop3A_1218 = arith.mulf %parallel_loop3A_807, %parallel_loop3A_1175 : vector<16xf32>
        %parallel_loop3A_1219 = arith.constant 0 : i32
        %parallel_loop3A_1220 = arith.index_cast %parallel_loop3A_1219 : i32 to index
        %parallel_loop3A_1221 = arith.index_cast %parallel_loop3A_483 : i32 to index
        %parallel_loop3A_1222 = arith.constant 112 : index
        %parallel_loop3A_1223 = tpu.vector_load %arg12[%parallel_loop3A_1220, %parallel_loop3A_1221, %parallel_loop3A_1222] {strides = array<i32>} : memref<2x32x256xf32, #tpu.memory_space<vmem>>, vector<16xf32>,
        tpu.vector_store %arg12[%parallel_loop3A_1220, %parallel_loop3A_1221, %parallel_loop3A_1222], %parallel_loop3A_1218 {strides = array<i32>} : memref<2x32x256xf32, #tpu.memory_space<vmem>>, vector<16xf32>,
        %parallel_loop3A_1224 = arith.mulf %parallel_loop3A_844, %parallel_loop3A_1175 : vector<16xf32>
        %parallel_loop3A_1225 = arith.constant 0 : i32
        %parallel_loop3A_1226 = arith.index_cast %parallel_loop3A_1225 : i32 to index
        %parallel_loop3A_1227 = arith.index_cast %parallel_loop3A_483 : i32 to index
        %parallel_loop3A_1228 = arith.constant 128 : index
        %parallel_loop3A_1229 = tpu.vector_load %arg12[%parallel_loop3A_1226, %parallel_loop3A_1227, %parallel_loop3A_1228] {strides = array<i32>} : memref<2x32x256xf32, #tpu.memory_space<vmem>>, vector<16xf32>,
        tpu.vector_store %arg12[%parallel_loop3A_1226, %parallel_loop3A_1227, %parallel_loop3A_1228], %parallel_loop3A_1224 {strides = array<i32>} : memref<2x32x256xf32, #tpu.memory_space<vmem>>, vector<16xf32>,
        %parallel_loop3A_1230 = arith.mulf %parallel_loop3A_881, %parallel_loop3A_1175 : vector<16xf32>
        %parallel_loop3A_1231 = arith.constant 0 : i32
        %parallel_loop3A_1232 = arith.index_cast %parallel_loop3A_1231 : i32 to index
        %parallel_loop3A_1233 = arith.index_cast %parallel_loop3A_483 : i32 to index
        %parallel_loop3A_1234 = arith.constant 144 : index
        %parallel_loop3A_1235 = tpu.vector_load %arg12[%parallel_loop3A_1232, %parallel_loop3A_1233, %parallel_loop3A_1234] {strides = array<i32>} : memref<2x32x256xf32, #tpu.memory_space<vmem>>, vector<16xf32>,
        tpu.vector_store %arg12[%parallel_loop3A_1232, %parallel_loop3A_1233, %parallel_loop3A_1234], %parallel_loop3A_1230 {strides = array<i32>} : memref<2x32x256xf32, #tpu.memory_space<vmem>>, vector<16xf32>,
        %parallel_loop3A_1236 = arith.mulf %parallel_loop3A_918, %parallel_loop3A_1175 : vector<16xf32>
        %parallel_loop3A_1237 = arith.constant 0 : i32
        %parallel_loop3A_1238 = arith.index_cast %parallel_loop3A_1237 : i32 to index
        %parallel_loop3A_1239 = arith.index_cast %parallel_loop3A_483 : i32 to index
        %parallel_loop3A_1240 = arith.constant 160 : index
        %parallel_loop3A_1241 = tpu.vector_load %arg12[%parallel_loop3A_1238, %parallel_loop3A_1239, %parallel_loop3A_1240] {strides = array<i32>} : memref<2x32x256xf32, #tpu.memory_space<vmem>>, vector<16xf32>,
        tpu.vector_store %arg12[%parallel_loop3A_1238, %parallel_loop3A_1239, %parallel_loop3A_1240], %parallel_loop3A_1236 {strides = array<i32>} : memref<2x32x256xf32, #tpu.memory_space<vmem>>, vector<16xf32>,
        %parallel_loop3A_1242 = arith.mulf %parallel_loop3A_955, %parallel_loop3A_1175 : vector<16xf32>
        %parallel_loop3A_1243 = arith.constant 0 : i32
        %parallel_loop3A_1244 = arith.index_cast %parallel_loop3A_1243 : i32 to index
        %parallel_loop3A_1245 = arith.index_cast %parallel_loop3A_483 : i32 to index
        %parallel_loop3A_1246 = arith.constant 176 : index
        %parallel_loop3A_1247 = tpu.vector_load %arg12[%parallel_loop3A_1244, %parallel_loop3A_1245, %parallel_loop3A_1246] {strides = array<i32>} : memref<2x32x256xf32, #tpu.memory_space<vmem>>, vector<16xf32>,
        tpu.vector_store %arg12[%parallel_loop3A_1244, %parallel_loop3A_1245, %parallel_loop3A_1246], %parallel_loop3A_1242 {strides = array<i32>} : memref<2x32x256xf32, #tpu.memory_space<vmem>>, vector<16xf32>,
        %parallel_loop3A_1248 = arith.mulf %parallel_loop3A_992, %parallel_loop3A_1175 : vector<16xf32>
        %parallel_loop3A_1249 = arith.constant 0 : i32
        %parallel_loop3A_1250 = arith.index_cast %parallel_loop3A_1249 : i32 to index
        %parallel_loop3A_1251 = arith.index_cast %parallel_loop3A_483 : i32 to index
        %parallel_loop3A_1252 = arith.constant 192 : index
        %parallel_loop3A_1253 = tpu.vector_load %arg12[%parallel_loop3A_1250, %parallel_loop3A_1251, %parallel_loop3A_1252] {strides = array<i32>} : memref<2x32x256xf32, #tpu.memory_space<vmem>>, vector<16xf32>,
        tpu.vector_store %arg12[%parallel_loop3A_1250, %parallel_loop3A_1251, %parallel_loop3A_1252], %parallel_loop3A_1248 {strides = array<i32>} : memref<2x32x256xf32, #tpu.memory_space<vmem>>, vector<16xf32>,
        %parallel_loop3A_1254 = arith.mulf %parallel_loop3A_1029, %parallel_loop3A_1175 : vector<16xf32>
        %parallel_loop3A_1255 = arith.constant 0 : i32
        %parallel_loop3A_1256 = arith.index_cast %parallel_loop3A_1255 : i32 to index
        %parallel_loop3A_1257 = arith.index_cast %parallel_loop3A_483 : i32 to index
        %parallel_loop3A_1258 = arith.constant 208 : index
        %parallel_loop3A_1259 = tpu.vector_load %arg12[%parallel_loop3A_1256, %parallel_loop3A_1257, %parallel_loop3A_1258] {strides = array<i32>} : memref<2x32x256xf32, #tpu.memory_space<vmem>>, vector<16xf32>,
        tpu.vector_store %arg12[%parallel_loop3A_1256, %parallel_loop3A_1257, %parallel_loop3A_1258], %parallel_loop3A_1254 {strides = array<i32>} : memref<2x32x256xf32, #tpu.memory_space<vmem>>, vector<16xf32>,
        %parallel_loop3A_1260 = arith.mulf %parallel_loop3A_1066, %parallel_loop3A_1175 : vector<16xf32>
        %parallel_loop3A_1261 = arith.constant 0 : i32
        %parallel_loop3A_1262 = arith.index_cast %parallel_loop3A_1261 : i32 to index
        %parallel_loop3A_1263 = arith.index_cast %parallel_loop3A_483 : i32 to index
        %parallel_loop3A_1264 = arith.constant 224 : index
        %parallel_loop3A_1265 = tpu.vector_load %arg12[%parallel_loop3A_1262, %parallel_loop3A_1263, %parallel_loop3A_1264] {strides = array<i32>} : memref<2x32x256xf32, #tpu.memory_space<vmem>>, vector<16xf32>,
        tpu.vector_store %arg12[%parallel_loop3A_1262, %parallel_loop3A_1263, %parallel_loop3A_1264], %parallel_loop3A_1260 {strides = array<i32>} : memref<2x32x256xf32, #tpu.memory_space<vmem>>, vector<16xf32>,
        %parallel_loop3A_1266 = arith.mulf %parallel_loop3A_1103, %parallel_loop3A_1175 : vector<16xf32>
        %parallel_loop3A_1267 = arith.constant 0 : i32
        %parallel_loop3A_1268 = arith.index_cast %parallel_loop3A_1267 : i32 to index
        %parallel_loop3A_1269 = arith.index_cast %parallel_loop3A_483 : i32 to index
        %parallel_loop3A_1270 = arith.constant 240 : index
        %parallel_loop3A_1271 = tpu.vector_load %arg12[%parallel_loop3A_1268, %parallel_loop3A_1269, %parallel_loop3A_1270] {strides = array<i32>} : memref<2x32x256xf32, #tpu.memory_space<vmem>>, vector<16xf32>,
        tpu.vector_store %arg12[%parallel_loop3A_1268, %parallel_loop3A_1269, %parallel_loop3A_1270], %parallel_loop3A_1266 {strides = array<i32>} : memref<2x32x256xf32, #tpu.memory_space<vmem>>, vector<16xf32>,
      } {sc.loop_unroll_factor = 2 : i64, sc.parallel_access}
      %add3A_417 = arith.constant 2 : i32
      %add3A_418 = arith.addi %add3A_403, %add3A_417 : i32
      %lt3A = arith.constant 64 : i32
      %lt3A_419 = arith.cmpi slt, %add3A_418, %lt3A : i32
      %convert_element_type3A_420 = arith.extui %lt3A_419 : i1 to i32
      %cond3A_421 = arith.constant 0 : i32
      %cond3A_422 = arith.cmpi ne, %convert_element_type3A_420, %cond3A_421 : i32
      scf.if %cond3A_422 {
        %add3A_483 = arith.constant 2 : i32
        %add3A_484 = arith.addi %add3A_403, %add3A_483 : i32
        %mul3A_485 = arith.constant 32 : i32
        %mul3A_486 = arith.muli %add3A_484, %mul3A_485 : i32
        %add3A_487 = arith.constant 0 : i32
        %add3A_488 = arith.addi %mul3A_486, %add3A_487 : i32
        %get3A_489 = arith.index_cast %add3A_488 : i32 to index
        %get3A_490 = tpu.vector_load %arg6[%get3A_489] {strides = array<i32>} : memref<2048xf32, #tpu.memory_space<vmem>>, vector<16xf32>,
        %get3A_491 = arith.index_cast %add3A_488 : i32 to index
        %get3A_492 = tpu.vector_load %arg7[%get3A_491] {strides = array<i32>} : memref<2048xf32, #tpu.memory_space<vmem>>, vector<16xf32>,
        %add3A_493 = arith.constant 1.000000e+00 : f32
        %add3A_494 = vector.broadcast %add3A_493 : f32 to vector<16xf32>
        %add3A_495 = arith.addf %get3A_490, %add3A_494 : vector<16xf32>
        %mul3A_496 = arith.constant 6.350000e+01 : f32
        %mul3A_497 = vector.broadcast %mul3A_496 : f32 to vector<16xf32>
        %mul3A_498 = arith.mulf %add3A_495, %mul3A_497 : vector<16xf32>
        %add3A_499 = arith.constant 1.000000e+00 : f32
        %add3A_500 = vector.broadcast %add3A_499 : f32 to vector<16xf32>
        %add3A_501 = arith.addf %get3A_492, %add3A_500 : vector<16xf32>
        %mul3A_502 = arith.constant 6.350000e+01 : f32
        %mul3A_503 = vector.broadcast %mul3A_502 : f32 to vector<16xf32>
        %mul3A_504 = arith.mulf %add3A_501, %mul3A_503 : vector<16xf32>
        %convert_element_type3A_505 = arith.fptosi %mul3A_498 : vector<16xf32> to vector<16xi32>
        %max3A_506 = arith.constant 0 : i32
        %max3A_507 = vector.broadcast %max3A_506 : i32 to vector<16xi32>
        %max3A_508 = arith.maxsi %convert_element_type3A_505, %max3A_507 : vector<16xi32>
        %min3A_509 = arith.constant 126 : i32
        %min3A_510 = vector.broadcast %min3A_509 : i32 to vector<16xi32>
        %min3A_511 = arith.minsi %max3A_508, %min3A_510 : vector<16xi32>
        %convert_element_type3A_512 = arith.fptosi %mul3A_504 : vector<16xf32> to vector<16xi32>
        %max3A_513 = arith.constant 0 : i32
        %max3A_514 = vector.broadcast %max3A_513 : i32 to vector<16xi32>
        %max3A_515 = arith.maxsi %convert_element_type3A_512, %max3A_514 : vector<16xi32>
        %min3A_516 = arith.constant 126 : i32
        %min3A_517 = vector.broadcast %min3A_516 : i32 to vector<16xi32>
        %min3A_518 = arith.minsi %max3A_515, %min3A_517 : vector<16xi32>
        %convert_element_type3A_519 = arith.sitofp %min3A_511 : vector<16xi32> to vector<16xf32>
        %sub3A_520 = arith.subf %mul3A_498, %convert_element_type3A_519 : vector<16xf32>
        %convert_element_type3A_521 = arith.sitofp %min3A_518 : vector<16xi32> to vector<16xf32>
        %sub3A_522 = arith.subf %mul3A_504, %convert_element_type3A_521 : vector<16xf32>
        %sub3A_523 = arith.constant 1.000000e+00 : f32
        %sub3A_524 = vector.broadcast %sub3A_523 : f32 to vector<16xf32>
        %sub3A_525 = arith.subf %sub3A_524, %sub3A_520 : vector<16xf32>
        %sub3A_526 = arith.constant 1.000000e+00 : f32
        %sub3A_527 = vector.broadcast %sub3A_526 : f32 to vector<16xf32>
        %sub3A_528 = arith.subf %sub3A_527, %sub3A_522 : vector<16xf32>
        %mul3A_529 = arith.constant 128 : i32
        %mul3A_530 = vector.broadcast %mul3A_529 : i32 to vector<16xi32>
        %mul3A_531 = arith.muli %min3A_518, %mul3A_530 : vector<16xi32>
        %add3A_532 = vector.broadcast %mul3A_20 : i32 to vector<16xi32>
        %add3A_533 = arith.addi %add3A_532, %mul3A_531 : vector<16xi32>
        %add3A_534 = arith.addi %add3A_533, %min3A_511 : vector<16xi32>
        %swap3A_535 = arith.constant 0 : index
        %swap3A_536 = tpu.vector_load %arg8[%swap3A_535] {strides = array<i32>} : memref<128xi32, #tpu.memory_space<vmem>>, vector<16xi32>,
        tpu.vector_store %arg8[%swap3A_535], %add3A_534 {strides = array<i32>} : memref<128xi32, #tpu.memory_space<vmem>>, vector<16xi32>,
        %add3A_537 = arith.constant 1 : i32
        %add3A_538 = vector.broadcast %add3A_537 : i32 to vector<16xi32>
        %add3A_539 = arith.addi %add3A_534, %add3A_538 : vector<16xi32>
        %swap3A_540 = arith.constant 32 : index
        %swap3A_541 = tpu.vector_load %arg8[%swap3A_540] {strides = array<i32>} : memref<128xi32, #tpu.memory_space<vmem>>, vector<16xi32>,
        tpu.vector_store %arg8[%swap3A_540], %add3A_539 {strides = array<i32>} : memref<128xi32, #tpu.memory_space<vmem>>, vector<16xi32>,
        %add3A_542 = arith.constant 128 : i32
        %add3A_543 = vector.broadcast %add3A_542 : i32 to vector<16xi32>
        %add3A_544 = arith.addi %add3A_534, %add3A_543 : vector<16xi32>
        %swap3A_545 = arith.constant 64 : index
        %swap3A_546 = tpu.vector_load %arg8[%swap3A_545] {strides = array<i32>} : memref<128xi32, #tpu.memory_space<vmem>>, vector<16xi32>,
        tpu.vector_store %arg8[%swap3A_545], %add3A_544 {strides = array<i32>} : memref<128xi32, #tpu.memory_space<vmem>>, vector<16xi32>,
        %add3A_547 = arith.constant 128 : i32
        %add3A_548 = vector.broadcast %add3A_547 : i32 to vector<16xi32>
        %add3A_549 = arith.addi %add3A_534, %add3A_548 : vector<16xi32>
        %add3A_550 = arith.constant 1 : i32
        %add3A_551 = vector.broadcast %add3A_550 : i32 to vector<16xi32>
        %add3A_552 = arith.addi %add3A_549, %add3A_551 : vector<16xi32>
        %swap3A_553 = arith.constant 96 : index
        %swap3A_554 = tpu.vector_load %arg8[%swap3A_553] {strides = array<i32>} : memref<128xi32, #tpu.memory_space<vmem>>, vector<16xi32>,
        tpu.vector_store %arg8[%swap3A_553], %add3A_552 {strides = array<i32>} : memref<128xi32, #tpu.memory_space<vmem>>, vector<16xi32>,
        %mul3A_555 = arith.mulf %sub3A_528, %sub3A_525 : vector<16xf32>
        %swap3A_556 = arith.constant 0 : index
        %swap3A_557 = tpu.vector_load %arg10[%swap3A_556] {strides = array<i32>} : memref<272xf32, #tpu.memory_space<vmem>>, vector<16xf32>,
        tpu.vector_store %arg10[%swap3A_556], %mul3A_555 {strides = array<i32>} : memref<272xf32, #tpu.memory_space<vmem>>, vector<16xf32>,
        %mul3A_558 = arith.mulf %sub3A_528, %sub3A_520 : vector<16xf32>
        %swap3A_559 = arith.constant 32 : index
        %swap3A_560 = tpu.vector_load %arg10[%swap3A_559] {strides = array<i32>} : memref<272xf32, #tpu.memory_space<vmem>>, vector<16xf32>,
        tpu.vector_store %arg10[%swap3A_559], %mul3A_558 {strides = array<i32>} : memref<272xf32, #tpu.memory_space<vmem>>, vector<16xf32>,
        %mul3A_561 = arith.mulf %sub3A_522, %sub3A_525 : vector<16xf32>
        %swap3A_562 = arith.constant 64 : index
        %swap3A_563 = tpu.vector_load %arg10[%swap3A_562] {strides = array<i32>} : memref<272xf32, #tpu.memory_space<vmem>>, vector<16xf32>,
        tpu.vector_store %arg10[%swap3A_562], %mul3A_561 {strides = array<i32>} : memref<272xf32, #tpu.memory_space<vmem>>, vector<16xf32>,
        %mul3A_564 = arith.mulf %sub3A_522, %sub3A_520 : vector<16xf32>
        %swap3A_565 = arith.constant 96 : index
        %swap3A_566 = tpu.vector_load %arg10[%swap3A_565] {strides = array<i32>} : memref<272xf32, #tpu.memory_space<vmem>>, vector<16xf32>,
        tpu.vector_store %arg10[%swap3A_565], %mul3A_564 {strides = array<i32>} : memref<272xf32, #tpu.memory_space<vmem>>, vector<16xf32>,
        %mul3A_567 = arith.constant 32 : i32
        %mul3A_568 = arith.muli %add3A_484, %mul3A_567 : i32
        %add3A_569 = arith.constant 16 : i32
        %add3A_570 = arith.addi %mul3A_568, %add3A_569 : i32
        %get3A_571 = arith.index_cast %add3A_570 : i32 to index
        %get3A_572 = tpu.vector_load %arg6[%get3A_571] {strides = array<i32>} : memref<2048xf32, #tpu.memory_space<vmem>>, vector<16xf32>,
        %get3A_573 = arith.index_cast %add3A_570 : i32 to index
        %get3A_574 = tpu.vector_load %arg7[%get3A_573] {strides = array<i32>} : memref<2048xf32, #tpu.memory_space<vmem>>, vector<16xf32>,
        %add3A_575 = arith.constant 1.000000e+00 : f32
        %add3A_576 = vector.broadcast %add3A_575 : f32 to vector<16xf32>
        %add3A_577 = arith.addf %get3A_572, %add3A_576 : vector<16xf32>
        %mul3A_578 = arith.constant 6.350000e+01 : f32
        %mul3A_579 = vector.broadcast %mul3A_578 : f32 to vector<16xf32>
        %mul3A_580 = arith.mulf %add3A_577, %mul3A_579 : vector<16xf32>
        %add3A_581 = arith.constant 1.000000e+00 : f32
        %add3A_582 = vector.broadcast %add3A_581 : f32 to vector<16xf32>
        %add3A_583 = arith.addf %get3A_574, %add3A_582 : vector<16xf32>
        %mul3A_584 = arith.constant 6.350000e+01 : f32
        %mul3A_585 = vector.broadcast %mul3A_584 : f32 to vector<16xf32>
        %mul3A_586 = arith.mulf %add3A_583, %mul3A_585 : vector<16xf32>
        %convert_element_type3A_587 = arith.fptosi %mul3A_580 : vector<16xf32> to vector<16xi32>
        %max3A_588 = arith.constant 0 : i32
        %max3A_589 = vector.broadcast %max3A_588 : i32 to vector<16xi32>
        %max3A_590 = arith.maxsi %convert_element_type3A_587, %max3A_589 : vector<16xi32>
        %min3A_591 = arith.constant 126 : i32
        %min3A_592 = vector.broadcast %min3A_591 : i32 to vector<16xi32>
        %min3A_593 = arith.minsi %max3A_590, %min3A_592 : vector<16xi32>
        %convert_element_type3A_594 = arith.fptosi %mul3A_586 : vector<16xf32> to vector<16xi32>
        %max3A_595 = arith.constant 0 : i32
        %max3A_596 = vector.broadcast %max3A_595 : i32 to vector<16xi32>
        %max3A_597 = arith.maxsi %convert_element_type3A_594, %max3A_596 : vector<16xi32>
        %min3A_598 = arith.constant 126 : i32
        %min3A_599 = vector.broadcast %min3A_598 : i32 to vector<16xi32>
        %min3A_600 = arith.minsi %max3A_597, %min3A_599 : vector<16xi32>
        %convert_element_type3A_601 = arith.sitofp %min3A_593 : vector<16xi32> to vector<16xf32>
        %sub3A_602 = arith.subf %mul3A_580, %convert_element_type3A_601 : vector<16xf32>
        %convert_element_type3A_603 = arith.sitofp %min3A_600 : vector<16xi32> to vector<16xf32>
        %sub3A_604 = arith.subf %mul3A_586, %convert_element_type3A_603 : vector<16xf32>
        %sub3A_605 = arith.constant 1.000000e+00 : f32
        %sub3A_606 = vector.broadcast %sub3A_605 : f32 to vector<16xf32>
        %sub3A_607 = arith.subf %sub3A_606, %sub3A_602 : vector<16xf32>
        %sub3A_608 = arith.constant 1.000000e+00 : f32
        %sub3A_609 = vector.broadcast %sub3A_608 : f32 to vector<16xf32>
        %sub3A_610 = arith.subf %sub3A_609, %sub3A_604 : vector<16xf32>
        %mul3A_611 = arith.constant 128 : i32
        %mul3A_612 = vector.broadcast %mul3A_611 : i32 to vector<16xi32>
        %mul3A_613 = arith.muli %min3A_600, %mul3A_612 : vector<16xi32>
        %add3A_614 = vector.broadcast %mul3A_20 : i32 to vector<16xi32>
        %add3A_615 = arith.addi %add3A_614, %mul3A_613 : vector<16xi32>
        %add3A_616 = arith.addi %add3A_615, %min3A_593 : vector<16xi32>
        %swap3A_617 = arith.constant 16 : index
        %swap3A_618 = tpu.vector_load %arg8[%swap3A_617] {strides = array<i32>} : memref<128xi32, #tpu.memory_space<vmem>>, vector<16xi32>,
        tpu.vector_store %arg8[%swap3A_617], %add3A_616 {strides = array<i32>} : memref<128xi32, #tpu.memory_space<vmem>>, vector<16xi32>,
        %add3A_619 = arith.constant 1 : i32
        %add3A_620 = vector.broadcast %add3A_619 : i32 to vector<16xi32>
        %add3A_621 = arith.addi %add3A_616, %add3A_620 : vector<16xi32>
        %swap3A_622 = arith.constant 48 : index
        %swap3A_623 = tpu.vector_load %arg8[%swap3A_622] {strides = array<i32>} : memref<128xi32, #tpu.memory_space<vmem>>, vector<16xi32>,
        tpu.vector_store %arg8[%swap3A_622], %add3A_621 {strides = array<i32>} : memref<128xi32, #tpu.memory_space<vmem>>, vector<16xi32>,
        %add3A_624 = arith.constant 128 : i32
        %add3A_625 = vector.broadcast %add3A_624 : i32 to vector<16xi32>
        %add3A_626 = arith.addi %add3A_616, %add3A_625 : vector<16xi32>
        %swap3A_627 = arith.constant 80 : index
        %swap3A_628 = tpu.vector_load %arg8[%swap3A_627] {strides = array<i32>} : memref<128xi32, #tpu.memory_space<vmem>>, vector<16xi32>,
        tpu.vector_store %arg8[%swap3A_627], %add3A_626 {strides = array<i32>} : memref<128xi32, #tpu.memory_space<vmem>>, vector<16xi32>,
        %add3A_629 = arith.constant 128 : i32
        %add3A_630 = vector.broadcast %add3A_629 : i32 to vector<16xi32>
        %add3A_631 = arith.addi %add3A_616, %add3A_630 : vector<16xi32>
        %add3A_632 = arith.constant 1 : i32
        %add3A_633 = vector.broadcast %add3A_632 : i32 to vector<16xi32>
        %add3A_634 = arith.addi %add3A_631, %add3A_633 : vector<16xi32>
        %swap3A_635 = arith.constant 112 : index
        %swap3A_636 = tpu.vector_load %arg8[%swap3A_635] {strides = array<i32>} : memref<128xi32, #tpu.memory_space<vmem>>, vector<16xi32>,
        tpu.vector_store %arg8[%swap3A_635], %add3A_634 {strides = array<i32>} : memref<128xi32, #tpu.memory_space<vmem>>, vector<16xi32>,
        %mul3A_637 = arith.mulf %sub3A_610, %sub3A_607 : vector<16xf32>
        %swap3A_638 = arith.constant 16 : index
        %swap3A_639 = tpu.vector_load %arg10[%swap3A_638] {strides = array<i32>} : memref<272xf32, #tpu.memory_space<vmem>>, vector<16xf32>,
        tpu.vector_store %arg10[%swap3A_638], %mul3A_637 {strides = array<i32>} : memref<272xf32, #tpu.memory_space<vmem>>, vector<16xf32>,
        %mul3A_640 = arith.mulf %sub3A_610, %sub3A_602 : vector<16xf32>
        %swap3A_641 = arith.constant 48 : index
        %swap3A_642 = tpu.vector_load %arg10[%swap3A_641] {strides = array<i32>} : memref<272xf32, #tpu.memory_space<vmem>>, vector<16xf32>,
        tpu.vector_store %arg10[%swap3A_641], %mul3A_640 {strides = array<i32>} : memref<272xf32, #tpu.memory_space<vmem>>, vector<16xf32>,
        %mul3A_643 = arith.mulf %sub3A_604, %sub3A_607 : vector<16xf32>
        %swap3A_644 = arith.constant 80 : index
        %swap3A_645 = tpu.vector_load %arg10[%swap3A_644] {strides = array<i32>} : memref<272xf32, #tpu.memory_space<vmem>>, vector<16xf32>,
        tpu.vector_store %arg10[%swap3A_644], %mul3A_643 {strides = array<i32>} : memref<272xf32, #tpu.memory_space<vmem>>, vector<16xf32>,
        %mul3A_646 = arith.mulf %sub3A_604, %sub3A_602 : vector<16xf32>
        %swap3A_647 = arith.constant 112 : index
        %swap3A_648 = tpu.vector_load %arg10[%swap3A_647] {strides = array<i32>} : memref<272xf32, #tpu.memory_space<vmem>>, vector<16xf32>,
        tpu.vector_store %arg10[%swap3A_647], %mul3A_646 {strides = array<i32>} : memref<272xf32, #tpu.memory_space<vmem>>, vector<16xf32>,
        %dma_start3A_649 = arith.constant 0 : i32
        %dma_start3A_650 = arith.constant 0 : i32
        %dma_start3A_651 = arith.constant 0 : i32
        %dma_start3A_652 = tpu.memref_slice %arg11[%dma_start3A_649, %dma_start3A_650, %dma_start3A_651] : memref<2x128x256xf32, #tpu.memory_space<vmem>> -> memref<1x128x256xf32, #tpu.memory_space<vmem>>
        %dma_start3A_653 = tpu.memref_squeeze %dma_start3A_652 : memref<1x128x256xf32, #tpu.memory_space<vmem>> -> memref<128x256xf32, #tpu.memory_space<vmem>>
        %dma_start3A_654 = arith.constant 0 : i32
        %dma_start3A_655 = arith.constant 0 : i32
        %dma_start3A_656 = tpu.memref_slice %arg2[%dma_start3A_654, %dma_start3A_655] : memref<262144x256xf32, #tpu.memory_space<hbm>> -> memref<262144x256xf32, #tpu.memory_space<hbm>>
        tpu.enqueue_indirect_dma source(%dma_start3A_656 : memref<262144x256xf32, #tpu.memory_space<hbm>>) target(%dma_start3A_653 : memref<128x256xf32, #tpu.memory_space<vmem>>) offsets(%arg8 : memref<128xi32, #tpu.memory_space<vmem>>) semaphore(%arg13 : memref<!tpu.dma_semaphore, #tpu.memory_space<semaphore_mem>>)
      } else {
      }
      %mul3A_423 = arith.constant 32 : i32
      %mul3A_424 = arith.muli %add3A_403, %mul3A_423 : i32
      %add3A_425 = arith.addi %mul3A_2, %mul3A_424 : i32
      %dma_start3A_426 = arith.constant 0 : i32
      %dma_start3A_427 = arith.constant 0 : i32
      %dma_start3A_428 = arith.constant 0 : i32
      %dma_start3A_429 = tpu.memref_slice %arg12[%dma_start3A_426, %dma_start3A_427, %dma_start3A_428] : memref<2x32x256xf32, #tpu.memory_space<vmem>> -> memref<1x32x256xf32, #tpu.memory_space<vmem>>
      %dma_start3A_430 = tpu.memref_squeeze %dma_start3A_429 : memref<1x32x256xf32, #tpu.memory_space<vmem>> -> memref<32x256xf32, #tpu.memory_space<vmem>>
      %dma_start3A_431 = arith.constant 0 : i32
      %dma_start3A_432 = tpu.memref_slice %arg5[%add3A_425, %dma_start3A_431] : memref<65536x256xf32, #tpu.memory_space<hbm>> -> memref<32x256xf32, #tpu.memory_space<hbm>>
      %dma_start3A_433 = arith.constant 0 : i32
      %dma_start3A_434 = tpu.memref_slice %arg5[%add3A_425, %dma_start3A_433] : memref<65536x256xf32, #tpu.memory_space<hbm>> -> memref<32x256xf32, #tpu.memory_space<hbm>>
      %dma_start3A_435 = arith.constant 0 : i32
      %dma_start3A_436 = arith.constant 0 : i32
      %dma_start3A_437 = tpu.memref_slice %arg12[%dma_start3A_426, %dma_start3A_435, %dma_start3A_436] : memref<2x32x256xf32, #tpu.memory_space<vmem>> -> memref<1x32x256xf32, #tpu.memory_space<vmem>>
      %dma_start3A_438 = tpu.memref_squeeze %dma_start3A_437 : memref<1x32x256xf32, #tpu.memory_space<vmem>> -> memref<32x256xf32, #tpu.memory_space<vmem>>
      tpu.enqueue_dma source(%dma_start3A_438 : memref<32x256xf32, #tpu.memory_space<vmem>>) target(%dma_start3A_434 : memref<32x256xf32, #tpu.memory_space<hbm>>) target_semaphore(%arg15 : memref<!tpu.dma_semaphore, #tpu.memory_space<semaphore_mem>>)
      %mul3A_439 = arith.constant 2 : i32
      %mul3A_440 = arith.muli %scan3A_398, %mul3A_439 : i32
      %add3A_441 = arith.constant 1 : i32
      %add3A_442 = arith.addi %mul3A_440, %add3A_441 : i32
      %dma_wait3A_443 = arith.constant 1 : i32
      %dma_wait3A_444 = arith.constant 0 : i32
      %dma_wait3A_445 = arith.constant 0 : i32
      %dma_wait3A_446 = tpu.memref_slice %arg11[%dma_wait3A_443, %dma_wait3A_444, %dma_wait3A_445] : memref<2x128x256xf32, #tpu.memory_space<vmem>> -> memref<1x128x256xf32, #tpu.memory_space<vmem>>
      %dma_wait3A_447 = tpu.memref_squeeze %dma_wait3A_446 : memref<1x128x256xf32, #tpu.memory_space<vmem>> -> memref<128x256xf32, #tpu.memory_space<vmem>>
      %dma_wait3A_448 = arith.constant 0 : i32
      %dma_wait3A_449 = arith.constant 0 : i32
      %dma_wait3A_450 = tpu.memref_slice %arg2[%dma_wait3A_448, %dma_wait3A_449] : memref<262144x256xf32, #tpu.memory_space<hbm>> -> memref<262144x256xf32, #tpu.memory_space<hbm>>
      tpu.wait_indirect_dma semaphore(%arg14 : memref<!tpu.dma_semaphore, #tpu.memory_space<semaphore_mem>>) src(%dma_wait3A_450 : memref<262144x256xf32, #tpu.memory_space<hbm>>) dst(%dma_wait3A_447 : memref<128x256xf32, #tpu.memory_space<vmem>>)
      %ge3A_451 = arith.constant 2 : i32
      %ge3A_452 = arith.cmpi sge, %add3A_442, %ge3A_451 : i32
      %convert_element_type3A_453 = arith.extui %ge3A_452 : i1 to i32
      %cond3A_454 = arith.constant 0 : i32
      %cond3A_455 = arith.cmpi ne, %convert_element_type3A_453, %cond3A_454 : i32
      scf.if %cond3A_455 {
        %dma_wait3A_483 = arith.constant 1 : i32
        %dma_wait3A_484 = arith.constant 0 : i32
        %dma_wait3A_485 = arith.constant 0 : i32
        %dma_wait3A_486 = tpu.memref_slice %arg12[%dma_wait3A_483, %dma_wait3A_484, %dma_wait3A_485] : memref<2x32x256xf32, #tpu.memory_space<vmem>> -> memref<1x32x256xf32, #tpu.memory_space<vmem>>
        %dma_wait3A_487 = tpu.memref_squeeze %dma_wait3A_486 : memref<1x32x256xf32, #tpu.memory_space<vmem>> -> memref<32x256xf32, #tpu.memory_space<vmem>>
        %dma_wait3A_488 = arith.constant 0 : i32
        %dma_wait3A_489 = tpu.memref_slice %arg5[%mul3A_2, %dma_wait3A_488] : memref<65536x256xf32, #tpu.memory_space<hbm>> -> memref<32x256xf32, #tpu.memory_space<hbm>>
        %dma_wait3A_490 = arith.constant 0 : i32
        %dma_wait3A_491 = tpu.memref_slice %arg5[%mul3A_2, %dma_wait3A_490] : memref<65536x256xf32, #tpu.memory_space<hbm>> -> memref<32x256xf32, #tpu.memory_space<hbm>>
        %dma_wait3A_492 = arith.constant 0 : i32
        %dma_wait3A_493 = arith.constant 0 : i32
        %dma_wait3A_494 = tpu.memref_slice %arg12[%dma_wait3A_483, %dma_wait3A_492, %dma_wait3A_493] : memref<2x32x256xf32, #tpu.memory_space<vmem>> -> memref<1x32x256xf32, #tpu.memory_space<vmem>>
        %dma_wait3A_495 = tpu.memref_squeeze %dma_wait3A_494 : memref<1x32x256xf32, #tpu.memory_space<vmem>> -> memref<32x256xf32, #tpu.memory_space<vmem>>
        tpu.wait_dma2 semaphore(%arg16 : memref<!tpu.dma_semaphore, #tpu.memory_space<semaphore_mem>>) src(%dma_wait3A_495 : memref<32x256xf32, #tpu.memory_space<vmem>>) dst(%dma_wait3A_491 : memref<32x256xf32, #tpu.memory_space<hbm>>)
      } else {
      }
      %parallel_loop3A_456 = arith.constant 0 : i32
      %parallel_loop3A_457 = arith.constant 32 : i32
      %parallel_loop3A_458 = arith.constant 1 : i32
      scf.for %parallel_loop3A_483 = %parallel_loop3A_456 to %parallel_loop3A_457 step %parallel_loop3A_458  : i32 {
        %parallel_loop3A_484 = arith.constant 128 : i32
        %parallel_loop3A_485 = arith.addi %parallel_loop3A_484, %parallel_loop3A_483 : i32
        %parallel_loop3A_486 = arith.index_cast %parallel_loop3A_485 : i32 to index
        %parallel_loop3A_487 = tpu.vector_load %arg10[%parallel_loop3A_486] {strides = array<i32>} : memref<272xf32, #tpu.memory_space<vmem>>, vector<16xf32>,
        %parallel_loop3A_488 = vector.extract_strided_slice %parallel_loop3A_487 {offsets = [0], sizes = [1], strides = [1]} : vector<16xf32> to vector<1xf32>
        %parallel_loop3A_489 = vector.extract %parallel_loop3A_488[0] : f32 from vector<1xf32>
        %parallel_loop3A_490 = vector.broadcast %parallel_loop3A_489 : f32 to vector<16xf32>
        %parallel_loop3A_491 = arith.constant 160 : i32
        %parallel_loop3A_492 = arith.addi %parallel_loop3A_491, %parallel_loop3A_483 : i32
        %parallel_loop3A_493 = arith.index_cast %parallel_loop3A_492 : i32 to index
        %parallel_loop3A_494 = tpu.vector_load %arg10[%parallel_loop3A_493] {strides = array<i32>} : memref<272xf32, #tpu.memory_space<vmem>>, vector<16xf32>,
        %parallel_loop3A_495 = vector.extract_strided_slice %parallel_loop3A_494 {offsets = [0], sizes = [1], strides = [1]} : vector<16xf32> to vector<1xf32>
        %parallel_loop3A_496 = vector.extract %parallel_loop3A_495[0] : f32 from vector<1xf32>
        %parallel_loop3A_497 = vector.broadcast %parallel_loop3A_496 : f32 to vector<16xf32>
        %parallel_loop3A_498 = arith.constant 192 : i32
        %parallel_loop3A_499 = arith.addi %parallel_loop3A_498, %parallel_loop3A_483 : i32
        %parallel_loop3A_500 = arith.index_cast %parallel_loop3A_499 : i32 to index
        %parallel_loop3A_501 = tpu.vector_load %arg10[%parallel_loop3A_500] {strides = array<i32>} : memref<272xf32, #tpu.memory_space<vmem>>, vector<16xf32>,
        %parallel_loop3A_502 = vector.extract_strided_slice %parallel_loop3A_501 {offsets = [0], sizes = [1], strides = [1]} : vector<16xf32> to vector<1xf32>
        %parallel_loop3A_503 = vector.extract %parallel_loop3A_502[0] : f32 from vector<1xf32>
        %parallel_loop3A_504 = vector.broadcast %parallel_loop3A_503 : f32 to vector<16xf32>
        %parallel_loop3A_505 = arith.constant 224 : i32
        %parallel_loop3A_506 = arith.addi %parallel_loop3A_505, %parallel_loop3A_483 : i32
        %parallel_loop3A_507 = arith.index_cast %parallel_loop3A_506 : i32 to index
        %parallel_loop3A_508 = tpu.vector_load %arg10[%parallel_loop3A_507] {strides = array<i32>} : memref<272xf32, #tpu.memory_space<vmem>>, vector<16xf32>,
        %parallel_loop3A_509 = vector.extract_strided_slice %parallel_loop3A_508 {offsets = [0], sizes = [1], strides = [1]} : vector<16xf32> to vector<1xf32>
        %parallel_loop3A_510 = vector.extract %parallel_loop3A_509[0] : f32 from vector<1xf32>
        %parallel_loop3A_511 = vector.broadcast %parallel_loop3A_510 : f32 to vector<16xf32>
        %parallel_loop3A_512 = arith.constant 0.000000e+00 : f32
        %parallel_loop3A_513 = vector.broadcast %parallel_loop3A_512 : f32 to vector<16xf32>
        %parallel_loop3A_514 = arith.constant 0 : i32
        %parallel_loop3A_515 = arith.addi %parallel_loop3A_514, %parallel_loop3A_483 : i32
        %parallel_loop3A_516 = arith.constant 1 : i32
        %parallel_loop3A_517 = arith.index_cast %parallel_loop3A_516 : i32 to index
        %parallel_loop3A_518 = arith.index_cast %parallel_loop3A_515 : i32 to index
        %parallel_loop3A_519 = arith.constant 0 : index
        %parallel_loop3A_520 = tpu.vector_load %arg11[%parallel_loop3A_517, %parallel_loop3A_518, %parallel_loop3A_519] {strides = array<i32>} : memref<2x128x256xf32, #tpu.memory_space<vmem>>, vector<16xf32>,
        %parallel_loop3A_521 = arith.mulf %parallel_loop3A_520, %parallel_loop3A_490 : vector<16xf32>
        %parallel_loop3A_522 = arith.constant 32 : i32
        %parallel_loop3A_523 = arith.addi %parallel_loop3A_522, %parallel_loop3A_483 : i32
        %parallel_loop3A_524 = arith.constant 1 : i32
        %parallel_loop3A_525 = arith.index_cast %parallel_loop3A_524 : i32 to index
        %parallel_loop3A_526 = arith.index_cast %parallel_loop3A_523 : i32 to index
        %parallel_loop3A_527 = arith.constant 0 : index
        %parallel_loop3A_528 = tpu.vector_load %arg11[%parallel_loop3A_525, %parallel_loop3A_526, %parallel_loop3A_527] {strides = array<i32>} : memref<2x128x256xf32, #tpu.memory_space<vmem>>, vector<16xf32>,
        %parallel_loop3A_529 = arith.mulf %parallel_loop3A_528, %parallel_loop3A_497 : vector<16xf32>
        %parallel_loop3A_530 = arith.addf %parallel_loop3A_521, %parallel_loop3A_529 : vector<16xf32>
        %parallel_loop3A_531 = arith.constant 64 : i32
        %parallel_loop3A_532 = arith.addi %parallel_loop3A_531, %parallel_loop3A_483 : i32
        %parallel_loop3A_533 = arith.constant 1 : i32
        %parallel_loop3A_534 = arith.index_cast %parallel_loop3A_533 : i32 to index
        %parallel_loop3A_535 = arith.index_cast %parallel_loop3A_532 : i32 to index
        %parallel_loop3A_536 = arith.constant 0 : index
        %parallel_loop3A_537 = tpu.vector_load %arg11[%parallel_loop3A_534, %parallel_loop3A_535, %parallel_loop3A_536] {strides = array<i32>} : memref<2x128x256xf32, #tpu.memory_space<vmem>>, vector<16xf32>,
        %parallel_loop3A_538 = arith.mulf %parallel_loop3A_537, %parallel_loop3A_504 : vector<16xf32>
        %parallel_loop3A_539 = arith.addf %parallel_loop3A_530, %parallel_loop3A_538 : vector<16xf32>
        %parallel_loop3A_540 = arith.constant 96 : i32
        %parallel_loop3A_541 = arith.addi %parallel_loop3A_540, %parallel_loop3A_483 : i32
        %parallel_loop3A_542 = arith.constant 1 : i32
        %parallel_loop3A_543 = arith.index_cast %parallel_loop3A_542 : i32 to index
        %parallel_loop3A_544 = arith.index_cast %parallel_loop3A_541 : i32 to index
        %parallel_loop3A_545 = arith.constant 0 : index
        %parallel_loop3A_546 = tpu.vector_load %arg11[%parallel_loop3A_543, %parallel_loop3A_544, %parallel_loop3A_545] {strides = array<i32>} : memref<2x128x256xf32, #tpu.memory_space<vmem>>, vector<16xf32>,
        %parallel_loop3A_547 = arith.mulf %parallel_loop3A_546, %parallel_loop3A_511 : vector<16xf32>
        %parallel_loop3A_548 = arith.addf %parallel_loop3A_539, %parallel_loop3A_547 : vector<16xf32>
        %parallel_loop3A_549 = arith.mulf %parallel_loop3A_548, %parallel_loop3A_548 : vector<16xf32>
        %parallel_loop3A_550 = arith.addf %parallel_loop3A_513, %parallel_loop3A_549 : vector<16xf32>
        %parallel_loop3A_551 = arith.constant 0 : i32
        %parallel_loop3A_552 = arith.addi %parallel_loop3A_551, %parallel_loop3A_483 : i32
        %parallel_loop3A_553 = arith.constant 1 : i32
        %parallel_loop3A_554 = arith.index_cast %parallel_loop3A_553 : i32 to index
        %parallel_loop3A_555 = arith.index_cast %parallel_loop3A_552 : i32 to index
        %parallel_loop3A_556 = arith.constant 16 : index
        %parallel_loop3A_557 = tpu.vector_load %arg11[%parallel_loop3A_554, %parallel_loop3A_555, %parallel_loop3A_556] {strides = array<i32>} : memref<2x128x256xf32, #tpu.memory_space<vmem>>, vector<16xf32>,
        %parallel_loop3A_558 = arith.mulf %parallel_loop3A_557, %parallel_loop3A_490 : vector<16xf32>
        %parallel_loop3A_559 = arith.constant 32 : i32
        %parallel_loop3A_560 = arith.addi %parallel_loop3A_559, %parallel_loop3A_483 : i32
        %parallel_loop3A_561 = arith.constant 1 : i32
        %parallel_loop3A_562 = arith.index_cast %parallel_loop3A_561 : i32 to index
        %parallel_loop3A_563 = arith.index_cast %parallel_loop3A_560 : i32 to index
        %parallel_loop3A_564 = arith.constant 16 : index
        %parallel_loop3A_565 = tpu.vector_load %arg11[%parallel_loop3A_562, %parallel_loop3A_563, %parallel_loop3A_564] {strides = array<i32>} : memref<2x128x256xf32, #tpu.memory_space<vmem>>, vector<16xf32>,
        %parallel_loop3A_566 = arith.mulf %parallel_loop3A_565, %parallel_loop3A_497 : vector<16xf32>
        %parallel_loop3A_567 = arith.addf %parallel_loop3A_558, %parallel_loop3A_566 : vector<16xf32>
        %parallel_loop3A_568 = arith.constant 64 : i32
        %parallel_loop3A_569 = arith.addi %parallel_loop3A_568, %parallel_loop3A_483 : i32
        %parallel_loop3A_570 = arith.constant 1 : i32
        %parallel_loop3A_571 = arith.index_cast %parallel_loop3A_570 : i32 to index
        %parallel_loop3A_572 = arith.index_cast %parallel_loop3A_569 : i32 to index
        %parallel_loop3A_573 = arith.constant 16 : index
        %parallel_loop3A_574 = tpu.vector_load %arg11[%parallel_loop3A_571, %parallel_loop3A_572, %parallel_loop3A_573] {strides = array<i32>} : memref<2x128x256xf32, #tpu.memory_space<vmem>>, vector<16xf32>,
        %parallel_loop3A_575 = arith.mulf %parallel_loop3A_574, %parallel_loop3A_504 : vector<16xf32>
        %parallel_loop3A_576 = arith.addf %parallel_loop3A_567, %parallel_loop3A_575 : vector<16xf32>
        %parallel_loop3A_577 = arith.constant 96 : i32
        %parallel_loop3A_578 = arith.addi %parallel_loop3A_577, %parallel_loop3A_483 : i32
        %parallel_loop3A_579 = arith.constant 1 : i32
        %parallel_loop3A_580 = arith.index_cast %parallel_loop3A_579 : i32 to index
        %parallel_loop3A_581 = arith.index_cast %parallel_loop3A_578 : i32 to index
        %parallel_loop3A_582 = arith.constant 16 : index
        %parallel_loop3A_583 = tpu.vector_load %arg11[%parallel_loop3A_580, %parallel_loop3A_581, %parallel_loop3A_582] {strides = array<i32>} : memref<2x128x256xf32, #tpu.memory_space<vmem>>, vector<16xf32>,
        %parallel_loop3A_584 = arith.mulf %parallel_loop3A_583, %parallel_loop3A_511 : vector<16xf32>
        %parallel_loop3A_585 = arith.addf %parallel_loop3A_576, %parallel_loop3A_584 : vector<16xf32>
        %parallel_loop3A_586 = arith.mulf %parallel_loop3A_585, %parallel_loop3A_585 : vector<16xf32>
        %parallel_loop3A_587 = arith.addf %parallel_loop3A_550, %parallel_loop3A_586 : vector<16xf32>
        %parallel_loop3A_588 = arith.constant 0 : i32
        %parallel_loop3A_589 = arith.addi %parallel_loop3A_588, %parallel_loop3A_483 : i32
        %parallel_loop3A_590 = arith.constant 1 : i32
        %parallel_loop3A_591 = arith.index_cast %parallel_loop3A_590 : i32 to index
        %parallel_loop3A_592 = arith.index_cast %parallel_loop3A_589 : i32 to index
        %parallel_loop3A_593 = arith.constant 32 : index
        %parallel_loop3A_594 = tpu.vector_load %arg11[%parallel_loop3A_591, %parallel_loop3A_592, %parallel_loop3A_593] {strides = array<i32>} : memref<2x128x256xf32, #tpu.memory_space<vmem>>, vector<16xf32>,
        %parallel_loop3A_595 = arith.mulf %parallel_loop3A_594, %parallel_loop3A_490 : vector<16xf32>
        %parallel_loop3A_596 = arith.constant 32 : i32
        %parallel_loop3A_597 = arith.addi %parallel_loop3A_596, %parallel_loop3A_483 : i32
        %parallel_loop3A_598 = arith.constant 1 : i32
        %parallel_loop3A_599 = arith.index_cast %parallel_loop3A_598 : i32 to index
        %parallel_loop3A_600 = arith.index_cast %parallel_loop3A_597 : i32 to index
        %parallel_loop3A_601 = arith.constant 32 : index
        %parallel_loop3A_602 = tpu.vector_load %arg11[%parallel_loop3A_599, %parallel_loop3A_600, %parallel_loop3A_601] {strides = array<i32>} : memref<2x128x256xf32, #tpu.memory_space<vmem>>, vector<16xf32>,
        %parallel_loop3A_603 = arith.mulf %parallel_loop3A_602, %parallel_loop3A_497 : vector<16xf32>
        %parallel_loop3A_604 = arith.addf %parallel_loop3A_595, %parallel_loop3A_603 : vector<16xf32>
        %parallel_loop3A_605 = arith.constant 64 : i32
        %parallel_loop3A_606 = arith.addi %parallel_loop3A_605, %parallel_loop3A_483 : i32
        %parallel_loop3A_607 = arith.constant 1 : i32
        %parallel_loop3A_608 = arith.index_cast %parallel_loop3A_607 : i32 to index
        %parallel_loop3A_609 = arith.index_cast %parallel_loop3A_606 : i32 to index
        %parallel_loop3A_610 = arith.constant 32 : index
        %parallel_loop3A_611 = tpu.vector_load %arg11[%parallel_loop3A_608, %parallel_loop3A_609, %parallel_loop3A_610] {strides = array<i32>} : memref<2x128x256xf32, #tpu.memory_space<vmem>>, vector<16xf32>,
        %parallel_loop3A_612 = arith.mulf %parallel_loop3A_611, %parallel_loop3A_504 : vector<16xf32>
        %parallel_loop3A_613 = arith.addf %parallel_loop3A_604, %parallel_loop3A_612 : vector<16xf32>
        %parallel_loop3A_614 = arith.constant 96 : i32
        %parallel_loop3A_615 = arith.addi %parallel_loop3A_614, %parallel_loop3A_483 : i32
        %parallel_loop3A_616 = arith.constant 1 : i32
        %parallel_loop3A_617 = arith.index_cast %parallel_loop3A_616 : i32 to index
        %parallel_loop3A_618 = arith.index_cast %parallel_loop3A_615 : i32 to index
        %parallel_loop3A_619 = arith.constant 32 : index
        %parallel_loop3A_620 = tpu.vector_load %arg11[%parallel_loop3A_617, %parallel_loop3A_618, %parallel_loop3A_619] {strides = array<i32>} : memref<2x128x256xf32, #tpu.memory_space<vmem>>, vector<16xf32>,
        %parallel_loop3A_621 = arith.mulf %parallel_loop3A_620, %parallel_loop3A_511 : vector<16xf32>
        %parallel_loop3A_622 = arith.addf %parallel_loop3A_613, %parallel_loop3A_621 : vector<16xf32>
        %parallel_loop3A_623 = arith.mulf %parallel_loop3A_622, %parallel_loop3A_622 : vector<16xf32>
        %parallel_loop3A_624 = arith.addf %parallel_loop3A_587, %parallel_loop3A_623 : vector<16xf32>
        %parallel_loop3A_625 = arith.constant 0 : i32
        %parallel_loop3A_626 = arith.addi %parallel_loop3A_625, %parallel_loop3A_483 : i32
        %parallel_loop3A_627 = arith.constant 1 : i32
        %parallel_loop3A_628 = arith.index_cast %parallel_loop3A_627 : i32 to index
        %parallel_loop3A_629 = arith.index_cast %parallel_loop3A_626 : i32 to index
        %parallel_loop3A_630 = arith.constant 48 : index
        %parallel_loop3A_631 = tpu.vector_load %arg11[%parallel_loop3A_628, %parallel_loop3A_629, %parallel_loop3A_630] {strides = array<i32>} : memref<2x128x256xf32, #tpu.memory_space<vmem>>, vector<16xf32>,
        %parallel_loop3A_632 = arith.mulf %parallel_loop3A_631, %parallel_loop3A_490 : vector<16xf32>
        %parallel_loop3A_633 = arith.constant 32 : i32
        %parallel_loop3A_634 = arith.addi %parallel_loop3A_633, %parallel_loop3A_483 : i32
        %parallel_loop3A_635 = arith.constant 1 : i32
        %parallel_loop3A_636 = arith.index_cast %parallel_loop3A_635 : i32 to index
        %parallel_loop3A_637 = arith.index_cast %parallel_loop3A_634 : i32 to index
        %parallel_loop3A_638 = arith.constant 48 : index
        %parallel_loop3A_639 = tpu.vector_load %arg11[%parallel_loop3A_636, %parallel_loop3A_637, %parallel_loop3A_638] {strides = array<i32>} : memref<2x128x256xf32, #tpu.memory_space<vmem>>, vector<16xf32>,
        %parallel_loop3A_640 = arith.mulf %parallel_loop3A_639, %parallel_loop3A_497 : vector<16xf32>
        %parallel_loop3A_641 = arith.addf %parallel_loop3A_632, %parallel_loop3A_640 : vector<16xf32>
        %parallel_loop3A_642 = arith.constant 64 : i32
        %parallel_loop3A_643 = arith.addi %parallel_loop3A_642, %parallel_loop3A_483 : i32
        %parallel_loop3A_644 = arith.constant 1 : i32
        %parallel_loop3A_645 = arith.index_cast %parallel_loop3A_644 : i32 to index
        %parallel_loop3A_646 = arith.index_cast %parallel_loop3A_643 : i32 to index
        %parallel_loop3A_647 = arith.constant 48 : index
        %parallel_loop3A_648 = tpu.vector_load %arg11[%parallel_loop3A_645, %parallel_loop3A_646, %parallel_loop3A_647] {strides = array<i32>} : memref<2x128x256xf32, #tpu.memory_space<vmem>>, vector<16xf32>,
        %parallel_loop3A_649 = arith.mulf %parallel_loop3A_648, %parallel_loop3A_504 : vector<16xf32>
        %parallel_loop3A_650 = arith.addf %parallel_loop3A_641, %parallel_loop3A_649 : vector<16xf32>
        %parallel_loop3A_651 = arith.constant 96 : i32
        %parallel_loop3A_652 = arith.addi %parallel_loop3A_651, %parallel_loop3A_483 : i32
        %parallel_loop3A_653 = arith.constant 1 : i32
        %parallel_loop3A_654 = arith.index_cast %parallel_loop3A_653 : i32 to index
        %parallel_loop3A_655 = arith.index_cast %parallel_loop3A_652 : i32 to index
        %parallel_loop3A_656 = arith.constant 48 : index
        %parallel_loop3A_657 = tpu.vector_load %arg11[%parallel_loop3A_654, %parallel_loop3A_655, %parallel_loop3A_656] {strides = array<i32>} : memref<2x128x256xf32, #tpu.memory_space<vmem>>, vector<16xf32>,
        %parallel_loop3A_658 = arith.mulf %parallel_loop3A_657, %parallel_loop3A_511 : vector<16xf32>
        %parallel_loop3A_659 = arith.addf %parallel_loop3A_650, %parallel_loop3A_658 : vector<16xf32>
        %parallel_loop3A_660 = arith.mulf %parallel_loop3A_659, %parallel_loop3A_659 : vector<16xf32>
        %parallel_loop3A_661 = arith.addf %parallel_loop3A_624, %parallel_loop3A_660 : vector<16xf32>
        %parallel_loop3A_662 = arith.constant 0 : i32
        %parallel_loop3A_663 = arith.addi %parallel_loop3A_662, %parallel_loop3A_483 : i32
        %parallel_loop3A_664 = arith.constant 1 : i32
        %parallel_loop3A_665 = arith.index_cast %parallel_loop3A_664 : i32 to index
        %parallel_loop3A_666 = arith.index_cast %parallel_loop3A_663 : i32 to index
        %parallel_loop3A_667 = arith.constant 64 : index
        %parallel_loop3A_668 = tpu.vector_load %arg11[%parallel_loop3A_665, %parallel_loop3A_666, %parallel_loop3A_667] {strides = array<i32>} : memref<2x128x256xf32, #tpu.memory_space<vmem>>, vector<16xf32>,
        %parallel_loop3A_669 = arith.mulf %parallel_loop3A_668, %parallel_loop3A_490 : vector<16xf32>
        %parallel_loop3A_670 = arith.constant 32 : i32
        %parallel_loop3A_671 = arith.addi %parallel_loop3A_670, %parallel_loop3A_483 : i32
        %parallel_loop3A_672 = arith.constant 1 : i32
        %parallel_loop3A_673 = arith.index_cast %parallel_loop3A_672 : i32 to index
        %parallel_loop3A_674 = arith.index_cast %parallel_loop3A_671 : i32 to index
        %parallel_loop3A_675 = arith.constant 64 : index
        %parallel_loop3A_676 = tpu.vector_load %arg11[%parallel_loop3A_673, %parallel_loop3A_674, %parallel_loop3A_675] {strides = array<i32>} : memref<2x128x256xf32, #tpu.memory_space<vmem>>, vector<16xf32>,
        %parallel_loop3A_677 = arith.mulf %parallel_loop3A_676, %parallel_loop3A_497 : vector<16xf32>
        %parallel_loop3A_678 = arith.addf %parallel_loop3A_669, %parallel_loop3A_677 : vector<16xf32>
        %parallel_loop3A_679 = arith.constant 64 : i32
        %parallel_loop3A_680 = arith.addi %parallel_loop3A_679, %parallel_loop3A_483 : i32
        %parallel_loop3A_681 = arith.constant 1 : i32
        %parallel_loop3A_682 = arith.index_cast %parallel_loop3A_681 : i32 to index
        %parallel_loop3A_683 = arith.index_cast %parallel_loop3A_680 : i32 to index
        %parallel_loop3A_684 = arith.constant 64 : index
        %parallel_loop3A_685 = tpu.vector_load %arg11[%parallel_loop3A_682, %parallel_loop3A_683, %parallel_loop3A_684] {strides = array<i32>} : memref<2x128x256xf32, #tpu.memory_space<vmem>>, vector<16xf32>,
        %parallel_loop3A_686 = arith.mulf %parallel_loop3A_685, %parallel_loop3A_504 : vector<16xf32>
        %parallel_loop3A_687 = arith.addf %parallel_loop3A_678, %parallel_loop3A_686 : vector<16xf32>
        %parallel_loop3A_688 = arith.constant 96 : i32
        %parallel_loop3A_689 = arith.addi %parallel_loop3A_688, %parallel_loop3A_483 : i32
        %parallel_loop3A_690 = arith.constant 1 : i32
        %parallel_loop3A_691 = arith.index_cast %parallel_loop3A_690 : i32 to index
        %parallel_loop3A_692 = arith.index_cast %parallel_loop3A_689 : i32 to index
        %parallel_loop3A_693 = arith.constant 64 : index
        %parallel_loop3A_694 = tpu.vector_load %arg11[%parallel_loop3A_691, %parallel_loop3A_692, %parallel_loop3A_693] {strides = array<i32>} : memref<2x128x256xf32, #tpu.memory_space<vmem>>, vector<16xf32>,
        %parallel_loop3A_695 = arith.mulf %parallel_loop3A_694, %parallel_loop3A_511 : vector<16xf32>
        %parallel_loop3A_696 = arith.addf %parallel_loop3A_687, %parallel_loop3A_695 : vector<16xf32>
        %parallel_loop3A_697 = arith.mulf %parallel_loop3A_696, %parallel_loop3A_696 : vector<16xf32>
        %parallel_loop3A_698 = arith.addf %parallel_loop3A_661, %parallel_loop3A_697 : vector<16xf32>
        %parallel_loop3A_699 = arith.constant 0 : i32
        %parallel_loop3A_700 = arith.addi %parallel_loop3A_699, %parallel_loop3A_483 : i32
        %parallel_loop3A_701 = arith.constant 1 : i32
        %parallel_loop3A_702 = arith.index_cast %parallel_loop3A_701 : i32 to index
        %parallel_loop3A_703 = arith.index_cast %parallel_loop3A_700 : i32 to index
        %parallel_loop3A_704 = arith.constant 80 : index
        %parallel_loop3A_705 = tpu.vector_load %arg11[%parallel_loop3A_702, %parallel_loop3A_703, %parallel_loop3A_704] {strides = array<i32>} : memref<2x128x256xf32, #tpu.memory_space<vmem>>, vector<16xf32>,
        %parallel_loop3A_706 = arith.mulf %parallel_loop3A_705, %parallel_loop3A_490 : vector<16xf32>
        %parallel_loop3A_707 = arith.constant 32 : i32
        %parallel_loop3A_708 = arith.addi %parallel_loop3A_707, %parallel_loop3A_483 : i32
        %parallel_loop3A_709 = arith.constant 1 : i32
        %parallel_loop3A_710 = arith.index_cast %parallel_loop3A_709 : i32 to index
        %parallel_loop3A_711 = arith.index_cast %parallel_loop3A_708 : i32 to index
        %parallel_loop3A_712 = arith.constant 80 : index
        %parallel_loop3A_713 = tpu.vector_load %arg11[%parallel_loop3A_710, %parallel_loop3A_711, %parallel_loop3A_712] {strides = array<i32>} : memref<2x128x256xf32, #tpu.memory_space<vmem>>, vector<16xf32>,
        %parallel_loop3A_714 = arith.mulf %parallel_loop3A_713, %parallel_loop3A_497 : vector<16xf32>
        %parallel_loop3A_715 = arith.addf %parallel_loop3A_706, %parallel_loop3A_714 : vector<16xf32>
        %parallel_loop3A_716 = arith.constant 64 : i32
        %parallel_loop3A_717 = arith.addi %parallel_loop3A_716, %parallel_loop3A_483 : i32
        %parallel_loop3A_718 = arith.constant 1 : i32
        %parallel_loop3A_719 = arith.index_cast %parallel_loop3A_718 : i32 to index
        %parallel_loop3A_720 = arith.index_cast %parallel_loop3A_717 : i32 to index
        %parallel_loop3A_721 = arith.constant 80 : index
        %parallel_loop3A_722 = tpu.vector_load %arg11[%parallel_loop3A_719, %parallel_loop3A_720, %parallel_loop3A_721] {strides = array<i32>} : memref<2x128x256xf32, #tpu.memory_space<vmem>>, vector<16xf32>,
        %parallel_loop3A_723 = arith.mulf %parallel_loop3A_722, %parallel_loop3A_504 : vector<16xf32>
        %parallel_loop3A_724 = arith.addf %parallel_loop3A_715, %parallel_loop3A_723 : vector<16xf32>
        %parallel_loop3A_725 = arith.constant 96 : i32
        %parallel_loop3A_726 = arith.addi %parallel_loop3A_725, %parallel_loop3A_483 : i32
        %parallel_loop3A_727 = arith.constant 1 : i32
        %parallel_loop3A_728 = arith.index_cast %parallel_loop3A_727 : i32 to index
        %parallel_loop3A_729 = arith.index_cast %parallel_loop3A_726 : i32 to index
        %parallel_loop3A_730 = arith.constant 80 : index
        %parallel_loop3A_731 = tpu.vector_load %arg11[%parallel_loop3A_728, %parallel_loop3A_729, %parallel_loop3A_730] {strides = array<i32>} : memref<2x128x256xf32, #tpu.memory_space<vmem>>, vector<16xf32>,
        %parallel_loop3A_732 = arith.mulf %parallel_loop3A_731, %parallel_loop3A_511 : vector<16xf32>
        %parallel_loop3A_733 = arith.addf %parallel_loop3A_724, %parallel_loop3A_732 : vector<16xf32>
        %parallel_loop3A_734 = arith.mulf %parallel_loop3A_733, %parallel_loop3A_733 : vector<16xf32>
        %parallel_loop3A_735 = arith.addf %parallel_loop3A_698, %parallel_loop3A_734 : vector<16xf32>
        %parallel_loop3A_736 = arith.constant 0 : i32
        %parallel_loop3A_737 = arith.addi %parallel_loop3A_736, %parallel_loop3A_483 : i32
        %parallel_loop3A_738 = arith.constant 1 : i32
        %parallel_loop3A_739 = arith.index_cast %parallel_loop3A_738 : i32 to index
        %parallel_loop3A_740 = arith.index_cast %parallel_loop3A_737 : i32 to index
        %parallel_loop3A_741 = arith.constant 96 : index
        %parallel_loop3A_742 = tpu.vector_load %arg11[%parallel_loop3A_739, %parallel_loop3A_740, %parallel_loop3A_741] {strides = array<i32>} : memref<2x128x256xf32, #tpu.memory_space<vmem>>, vector<16xf32>,
        %parallel_loop3A_743 = arith.mulf %parallel_loop3A_742, %parallel_loop3A_490 : vector<16xf32>
        %parallel_loop3A_744 = arith.constant 32 : i32
        %parallel_loop3A_745 = arith.addi %parallel_loop3A_744, %parallel_loop3A_483 : i32
        %parallel_loop3A_746 = arith.constant 1 : i32
        %parallel_loop3A_747 = arith.index_cast %parallel_loop3A_746 : i32 to index
        %parallel_loop3A_748 = arith.index_cast %parallel_loop3A_745 : i32 to index
        %parallel_loop3A_749 = arith.constant 96 : index
        %parallel_loop3A_750 = tpu.vector_load %arg11[%parallel_loop3A_747, %parallel_loop3A_748, %parallel_loop3A_749] {strides = array<i32>} : memref<2x128x256xf32, #tpu.memory_space<vmem>>, vector<16xf32>,
        %parallel_loop3A_751 = arith.mulf %parallel_loop3A_750, %parallel_loop3A_497 : vector<16xf32>
        %parallel_loop3A_752 = arith.addf %parallel_loop3A_743, %parallel_loop3A_751 : vector<16xf32>
        %parallel_loop3A_753 = arith.constant 64 : i32
        %parallel_loop3A_754 = arith.addi %parallel_loop3A_753, %parallel_loop3A_483 : i32
        %parallel_loop3A_755 = arith.constant 1 : i32
        %parallel_loop3A_756 = arith.index_cast %parallel_loop3A_755 : i32 to index
        %parallel_loop3A_757 = arith.index_cast %parallel_loop3A_754 : i32 to index
        %parallel_loop3A_758 = arith.constant 96 : index
        %parallel_loop3A_759 = tpu.vector_load %arg11[%parallel_loop3A_756, %parallel_loop3A_757, %parallel_loop3A_758] {strides = array<i32>} : memref<2x128x256xf32, #tpu.memory_space<vmem>>, vector<16xf32>,
        %parallel_loop3A_760 = arith.mulf %parallel_loop3A_759, %parallel_loop3A_504 : vector<16xf32>
        %parallel_loop3A_761 = arith.addf %parallel_loop3A_752, %parallel_loop3A_760 : vector<16xf32>
        %parallel_loop3A_762 = arith.constant 96 : i32
        %parallel_loop3A_763 = arith.addi %parallel_loop3A_762, %parallel_loop3A_483 : i32
        %parallel_loop3A_764 = arith.constant 1 : i32
        %parallel_loop3A_765 = arith.index_cast %parallel_loop3A_764 : i32 to index
        %parallel_loop3A_766 = arith.index_cast %parallel_loop3A_763 : i32 to index
        %parallel_loop3A_767 = arith.constant 96 : index
        %parallel_loop3A_768 = tpu.vector_load %arg11[%parallel_loop3A_765, %parallel_loop3A_766, %parallel_loop3A_767] {strides = array<i32>} : memref<2x128x256xf32, #tpu.memory_space<vmem>>, vector<16xf32>,
        %parallel_loop3A_769 = arith.mulf %parallel_loop3A_768, %parallel_loop3A_511 : vector<16xf32>
        %parallel_loop3A_770 = arith.addf %parallel_loop3A_761, %parallel_loop3A_769 : vector<16xf32>
        %parallel_loop3A_771 = arith.mulf %parallel_loop3A_770, %parallel_loop3A_770 : vector<16xf32>
        %parallel_loop3A_772 = arith.addf %parallel_loop3A_735, %parallel_loop3A_771 : vector<16xf32>
        %parallel_loop3A_773 = arith.constant 0 : i32
        %parallel_loop3A_774 = arith.addi %parallel_loop3A_773, %parallel_loop3A_483 : i32
        %parallel_loop3A_775 = arith.constant 1 : i32
        %parallel_loop3A_776 = arith.index_cast %parallel_loop3A_775 : i32 to index
        %parallel_loop3A_777 = arith.index_cast %parallel_loop3A_774 : i32 to index
        %parallel_loop3A_778 = arith.constant 112 : index
        %parallel_loop3A_779 = tpu.vector_load %arg11[%parallel_loop3A_776, %parallel_loop3A_777, %parallel_loop3A_778] {strides = array<i32>} : memref<2x128x256xf32, #tpu.memory_space<vmem>>, vector<16xf32>,
        %parallel_loop3A_780 = arith.mulf %parallel_loop3A_779, %parallel_loop3A_490 : vector<16xf32>
        %parallel_loop3A_781 = arith.constant 32 : i32
        %parallel_loop3A_782 = arith.addi %parallel_loop3A_781, %parallel_loop3A_483 : i32
        %parallel_loop3A_783 = arith.constant 1 : i32
        %parallel_loop3A_784 = arith.index_cast %parallel_loop3A_783 : i32 to index
        %parallel_loop3A_785 = arith.index_cast %parallel_loop3A_782 : i32 to index
        %parallel_loop3A_786 = arith.constant 112 : index
        %parallel_loop3A_787 = tpu.vector_load %arg11[%parallel_loop3A_784, %parallel_loop3A_785, %parallel_loop3A_786] {strides = array<i32>} : memref<2x128x256xf32, #tpu.memory_space<vmem>>, vector<16xf32>,
        %parallel_loop3A_788 = arith.mulf %parallel_loop3A_787, %parallel_loop3A_497 : vector<16xf32>
        %parallel_loop3A_789 = arith.addf %parallel_loop3A_780, %parallel_loop3A_788 : vector<16xf32>
        %parallel_loop3A_790 = arith.constant 64 : i32
        %parallel_loop3A_791 = arith.addi %parallel_loop3A_790, %parallel_loop3A_483 : i32
        %parallel_loop3A_792 = arith.constant 1 : i32
        %parallel_loop3A_793 = arith.index_cast %parallel_loop3A_792 : i32 to index
        %parallel_loop3A_794 = arith.index_cast %parallel_loop3A_791 : i32 to index
        %parallel_loop3A_795 = arith.constant 112 : index
        %parallel_loop3A_796 = tpu.vector_load %arg11[%parallel_loop3A_793, %parallel_loop3A_794, %parallel_loop3A_795] {strides = array<i32>} : memref<2x128x256xf32, #tpu.memory_space<vmem>>, vector<16xf32>,
        %parallel_loop3A_797 = arith.mulf %parallel_loop3A_796, %parallel_loop3A_504 : vector<16xf32>
        %parallel_loop3A_798 = arith.addf %parallel_loop3A_789, %parallel_loop3A_797 : vector<16xf32>
        %parallel_loop3A_799 = arith.constant 96 : i32
        %parallel_loop3A_800 = arith.addi %parallel_loop3A_799, %parallel_loop3A_483 : i32
        %parallel_loop3A_801 = arith.constant 1 : i32
        %parallel_loop3A_802 = arith.index_cast %parallel_loop3A_801 : i32 to index
        %parallel_loop3A_803 = arith.index_cast %parallel_loop3A_800 : i32 to index
        %parallel_loop3A_804 = arith.constant 112 : index
        %parallel_loop3A_805 = tpu.vector_load %arg11[%parallel_loop3A_802, %parallel_loop3A_803, %parallel_loop3A_804] {strides = array<i32>} : memref<2x128x256xf32, #tpu.memory_space<vmem>>, vector<16xf32>,
        %parallel_loop3A_806 = arith.mulf %parallel_loop3A_805, %parallel_loop3A_511 : vector<16xf32>
        %parallel_loop3A_807 = arith.addf %parallel_loop3A_798, %parallel_loop3A_806 : vector<16xf32>
        %parallel_loop3A_808 = arith.mulf %parallel_loop3A_807, %parallel_loop3A_807 : vector<16xf32>
        %parallel_loop3A_809 = arith.addf %parallel_loop3A_772, %parallel_loop3A_808 : vector<16xf32>
        %parallel_loop3A_810 = arith.constant 0 : i32
        %parallel_loop3A_811 = arith.addi %parallel_loop3A_810, %parallel_loop3A_483 : i32
        %parallel_loop3A_812 = arith.constant 1 : i32
        %parallel_loop3A_813 = arith.index_cast %parallel_loop3A_812 : i32 to index
        %parallel_loop3A_814 = arith.index_cast %parallel_loop3A_811 : i32 to index
        %parallel_loop3A_815 = arith.constant 128 : index
        %parallel_loop3A_816 = tpu.vector_load %arg11[%parallel_loop3A_813, %parallel_loop3A_814, %parallel_loop3A_815] {strides = array<i32>} : memref<2x128x256xf32, #tpu.memory_space<vmem>>, vector<16xf32>,
        %parallel_loop3A_817 = arith.mulf %parallel_loop3A_816, %parallel_loop3A_490 : vector<16xf32>
        %parallel_loop3A_818 = arith.constant 32 : i32
        %parallel_loop3A_819 = arith.addi %parallel_loop3A_818, %parallel_loop3A_483 : i32
        %parallel_loop3A_820 = arith.constant 1 : i32
        %parallel_loop3A_821 = arith.index_cast %parallel_loop3A_820 : i32 to index
        %parallel_loop3A_822 = arith.index_cast %parallel_loop3A_819 : i32 to index
        %parallel_loop3A_823 = arith.constant 128 : index
        %parallel_loop3A_824 = tpu.vector_load %arg11[%parallel_loop3A_821, %parallel_loop3A_822, %parallel_loop3A_823] {strides = array<i32>} : memref<2x128x256xf32, #tpu.memory_space<vmem>>, vector<16xf32>,
        %parallel_loop3A_825 = arith.mulf %parallel_loop3A_824, %parallel_loop3A_497 : vector<16xf32>
        %parallel_loop3A_826 = arith.addf %parallel_loop3A_817, %parallel_loop3A_825 : vector<16xf32>
        %parallel_loop3A_827 = arith.constant 64 : i32
        %parallel_loop3A_828 = arith.addi %parallel_loop3A_827, %parallel_loop3A_483 : i32
        %parallel_loop3A_829 = arith.constant 1 : i32
        %parallel_loop3A_830 = arith.index_cast %parallel_loop3A_829 : i32 to index
        %parallel_loop3A_831 = arith.index_cast %parallel_loop3A_828 : i32 to index
        %parallel_loop3A_832 = arith.constant 128 : index
        %parallel_loop3A_833 = tpu.vector_load %arg11[%parallel_loop3A_830, %parallel_loop3A_831, %parallel_loop3A_832] {strides = array<i32>} : memref<2x128x256xf32, #tpu.memory_space<vmem>>, vector<16xf32>,
        %parallel_loop3A_834 = arith.mulf %parallel_loop3A_833, %parallel_loop3A_504 : vector<16xf32>
        %parallel_loop3A_835 = arith.addf %parallel_loop3A_826, %parallel_loop3A_834 : vector<16xf32>
        %parallel_loop3A_836 = arith.constant 96 : i32
        %parallel_loop3A_837 = arith.addi %parallel_loop3A_836, %parallel_loop3A_483 : i32
        %parallel_loop3A_838 = arith.constant 1 : i32
        %parallel_loop3A_839 = arith.index_cast %parallel_loop3A_838 : i32 to index
        %parallel_loop3A_840 = arith.index_cast %parallel_loop3A_837 : i32 to index
        %parallel_loop3A_841 = arith.constant 128 : index
        %parallel_loop3A_842 = tpu.vector_load %arg11[%parallel_loop3A_839, %parallel_loop3A_840, %parallel_loop3A_841] {strides = array<i32>} : memref<2x128x256xf32, #tpu.memory_space<vmem>>, vector<16xf32>,
        %parallel_loop3A_843 = arith.mulf %parallel_loop3A_842, %parallel_loop3A_511 : vector<16xf32>
        %parallel_loop3A_844 = arith.addf %parallel_loop3A_835, %parallel_loop3A_843 : vector<16xf32>
        %parallel_loop3A_845 = arith.mulf %parallel_loop3A_844, %parallel_loop3A_844 : vector<16xf32>
        %parallel_loop3A_846 = arith.addf %parallel_loop3A_809, %parallel_loop3A_845 : vector<16xf32>
        %parallel_loop3A_847 = arith.constant 0 : i32
        %parallel_loop3A_848 = arith.addi %parallel_loop3A_847, %parallel_loop3A_483 : i32
        %parallel_loop3A_849 = arith.constant 1 : i32
        %parallel_loop3A_850 = arith.index_cast %parallel_loop3A_849 : i32 to index
        %parallel_loop3A_851 = arith.index_cast %parallel_loop3A_848 : i32 to index
        %parallel_loop3A_852 = arith.constant 144 : index
        %parallel_loop3A_853 = tpu.vector_load %arg11[%parallel_loop3A_850, %parallel_loop3A_851, %parallel_loop3A_852] {strides = array<i32>} : memref<2x128x256xf32, #tpu.memory_space<vmem>>, vector<16xf32>,
        %parallel_loop3A_854 = arith.mulf %parallel_loop3A_853, %parallel_loop3A_490 : vector<16xf32>
        %parallel_loop3A_855 = arith.constant 32 : i32
        %parallel_loop3A_856 = arith.addi %parallel_loop3A_855, %parallel_loop3A_483 : i32
        %parallel_loop3A_857 = arith.constant 1 : i32
        %parallel_loop3A_858 = arith.index_cast %parallel_loop3A_857 : i32 to index
        %parallel_loop3A_859 = arith.index_cast %parallel_loop3A_856 : i32 to index
        %parallel_loop3A_860 = arith.constant 144 : index
        %parallel_loop3A_861 = tpu.vector_load %arg11[%parallel_loop3A_858, %parallel_loop3A_859, %parallel_loop3A_860] {strides = array<i32>} : memref<2x128x256xf32, #tpu.memory_space<vmem>>, vector<16xf32>,
        %parallel_loop3A_862 = arith.mulf %parallel_loop3A_861, %parallel_loop3A_497 : vector<16xf32>
        %parallel_loop3A_863 = arith.addf %parallel_loop3A_854, %parallel_loop3A_862 : vector<16xf32>
        %parallel_loop3A_864 = arith.constant 64 : i32
        %parallel_loop3A_865 = arith.addi %parallel_loop3A_864, %parallel_loop3A_483 : i32
        %parallel_loop3A_866 = arith.constant 1 : i32
        %parallel_loop3A_867 = arith.index_cast %parallel_loop3A_866 : i32 to index
        %parallel_loop3A_868 = arith.index_cast %parallel_loop3A_865 : i32 to index
        %parallel_loop3A_869 = arith.constant 144 : index
        %parallel_loop3A_870 = tpu.vector_load %arg11[%parallel_loop3A_867, %parallel_loop3A_868, %parallel_loop3A_869] {strides = array<i32>} : memref<2x128x256xf32, #tpu.memory_space<vmem>>, vector<16xf32>,
        %parallel_loop3A_871 = arith.mulf %parallel_loop3A_870, %parallel_loop3A_504 : vector<16xf32>
        %parallel_loop3A_872 = arith.addf %parallel_loop3A_863, %parallel_loop3A_871 : vector<16xf32>
        %parallel_loop3A_873 = arith.constant 96 : i32
        %parallel_loop3A_874 = arith.addi %parallel_loop3A_873, %parallel_loop3A_483 : i32
        %parallel_loop3A_875 = arith.constant 1 : i32
        %parallel_loop3A_876 = arith.index_cast %parallel_loop3A_875 : i32 to index
        %parallel_loop3A_877 = arith.index_cast %parallel_loop3A_874 : i32 to index
        %parallel_loop3A_878 = arith.constant 144 : index
        %parallel_loop3A_879 = tpu.vector_load %arg11[%parallel_loop3A_876, %parallel_loop3A_877, %parallel_loop3A_878] {strides = array<i32>} : memref<2x128x256xf32, #tpu.memory_space<vmem>>, vector<16xf32>,
        %parallel_loop3A_880 = arith.mulf %parallel_loop3A_879, %parallel_loop3A_511 : vector<16xf32>
        %parallel_loop3A_881 = arith.addf %parallel_loop3A_872, %parallel_loop3A_880 : vector<16xf32>
        %parallel_loop3A_882 = arith.mulf %parallel_loop3A_881, %parallel_loop3A_881 : vector<16xf32>
        %parallel_loop3A_883 = arith.addf %parallel_loop3A_846, %parallel_loop3A_882 : vector<16xf32>
        %parallel_loop3A_884 = arith.constant 0 : i32
        %parallel_loop3A_885 = arith.addi %parallel_loop3A_884, %parallel_loop3A_483 : i32
        %parallel_loop3A_886 = arith.constant 1 : i32
        %parallel_loop3A_887 = arith.index_cast %parallel_loop3A_886 : i32 to index
        %parallel_loop3A_888 = arith.index_cast %parallel_loop3A_885 : i32 to index
        %parallel_loop3A_889 = arith.constant 160 : index
        %parallel_loop3A_890 = tpu.vector_load %arg11[%parallel_loop3A_887, %parallel_loop3A_888, %parallel_loop3A_889] {strides = array<i32>} : memref<2x128x256xf32, #tpu.memory_space<vmem>>, vector<16xf32>,
        %parallel_loop3A_891 = arith.mulf %parallel_loop3A_890, %parallel_loop3A_490 : vector<16xf32>
        %parallel_loop3A_892 = arith.constant 32 : i32
        %parallel_loop3A_893 = arith.addi %parallel_loop3A_892, %parallel_loop3A_483 : i32
        %parallel_loop3A_894 = arith.constant 1 : i32
        %parallel_loop3A_895 = arith.index_cast %parallel_loop3A_894 : i32 to index
        %parallel_loop3A_896 = arith.index_cast %parallel_loop3A_893 : i32 to index
        %parallel_loop3A_897 = arith.constant 160 : index
        %parallel_loop3A_898 = tpu.vector_load %arg11[%parallel_loop3A_895, %parallel_loop3A_896, %parallel_loop3A_897] {strides = array<i32>} : memref<2x128x256xf32, #tpu.memory_space<vmem>>, vector<16xf32>,
        %parallel_loop3A_899 = arith.mulf %parallel_loop3A_898, %parallel_loop3A_497 : vector<16xf32>
        %parallel_loop3A_900 = arith.addf %parallel_loop3A_891, %parallel_loop3A_899 : vector<16xf32>
        %parallel_loop3A_901 = arith.constant 64 : i32
        %parallel_loop3A_902 = arith.addi %parallel_loop3A_901, %parallel_loop3A_483 : i32
        %parallel_loop3A_903 = arith.constant 1 : i32
        %parallel_loop3A_904 = arith.index_cast %parallel_loop3A_903 : i32 to index
        %parallel_loop3A_905 = arith.index_cast %parallel_loop3A_902 : i32 to index
        %parallel_loop3A_906 = arith.constant 160 : index
        %parallel_loop3A_907 = tpu.vector_load %arg11[%parallel_loop3A_904, %parallel_loop3A_905, %parallel_loop3A_906] {strides = array<i32>} : memref<2x128x256xf32, #tpu.memory_space<vmem>>, vector<16xf32>,
        %parallel_loop3A_908 = arith.mulf %parallel_loop3A_907, %parallel_loop3A_504 : vector<16xf32>
        %parallel_loop3A_909 = arith.addf %parallel_loop3A_900, %parallel_loop3A_908 : vector<16xf32>
        %parallel_loop3A_910 = arith.constant 96 : i32
        %parallel_loop3A_911 = arith.addi %parallel_loop3A_910, %parallel_loop3A_483 : i32
        %parallel_loop3A_912 = arith.constant 1 : i32
        %parallel_loop3A_913 = arith.index_cast %parallel_loop3A_912 : i32 to index
        %parallel_loop3A_914 = arith.index_cast %parallel_loop3A_911 : i32 to index
        %parallel_loop3A_915 = arith.constant 160 : index
        %parallel_loop3A_916 = tpu.vector_load %arg11[%parallel_loop3A_913, %parallel_loop3A_914, %parallel_loop3A_915] {strides = array<i32>} : memref<2x128x256xf32, #tpu.memory_space<vmem>>, vector<16xf32>,
        %parallel_loop3A_917 = arith.mulf %parallel_loop3A_916, %parallel_loop3A_511 : vector<16xf32>
        %parallel_loop3A_918 = arith.addf %parallel_loop3A_909, %parallel_loop3A_917 : vector<16xf32>
        %parallel_loop3A_919 = arith.mulf %parallel_loop3A_918, %parallel_loop3A_918 : vector<16xf32>
        %parallel_loop3A_920 = arith.addf %parallel_loop3A_883, %parallel_loop3A_919 : vector<16xf32>
        %parallel_loop3A_921 = arith.constant 0 : i32
        %parallel_loop3A_922 = arith.addi %parallel_loop3A_921, %parallel_loop3A_483 : i32
        %parallel_loop3A_923 = arith.constant 1 : i32
        %parallel_loop3A_924 = arith.index_cast %parallel_loop3A_923 : i32 to index
        %parallel_loop3A_925 = arith.index_cast %parallel_loop3A_922 : i32 to index
        %parallel_loop3A_926 = arith.constant 176 : index
        %parallel_loop3A_927 = tpu.vector_load %arg11[%parallel_loop3A_924, %parallel_loop3A_925, %parallel_loop3A_926] {strides = array<i32>} : memref<2x128x256xf32, #tpu.memory_space<vmem>>, vector<16xf32>,
        %parallel_loop3A_928 = arith.mulf %parallel_loop3A_927, %parallel_loop3A_490 : vector<16xf32>
        %parallel_loop3A_929 = arith.constant 32 : i32
        %parallel_loop3A_930 = arith.addi %parallel_loop3A_929, %parallel_loop3A_483 : i32
        %parallel_loop3A_931 = arith.constant 1 : i32
        %parallel_loop3A_932 = arith.index_cast %parallel_loop3A_931 : i32 to index
        %parallel_loop3A_933 = arith.index_cast %parallel_loop3A_930 : i32 to index
        %parallel_loop3A_934 = arith.constant 176 : index
        %parallel_loop3A_935 = tpu.vector_load %arg11[%parallel_loop3A_932, %parallel_loop3A_933, %parallel_loop3A_934] {strides = array<i32>} : memref<2x128x256xf32, #tpu.memory_space<vmem>>, vector<16xf32>,
        %parallel_loop3A_936 = arith.mulf %parallel_loop3A_935, %parallel_loop3A_497 : vector<16xf32>
        %parallel_loop3A_937 = arith.addf %parallel_loop3A_928, %parallel_loop3A_936 : vector<16xf32>
        %parallel_loop3A_938 = arith.constant 64 : i32
        %parallel_loop3A_939 = arith.addi %parallel_loop3A_938, %parallel_loop3A_483 : i32
        %parallel_loop3A_940 = arith.constant 1 : i32
        %parallel_loop3A_941 = arith.index_cast %parallel_loop3A_940 : i32 to index
        %parallel_loop3A_942 = arith.index_cast %parallel_loop3A_939 : i32 to index
        %parallel_loop3A_943 = arith.constant 176 : index
        %parallel_loop3A_944 = tpu.vector_load %arg11[%parallel_loop3A_941, %parallel_loop3A_942, %parallel_loop3A_943] {strides = array<i32>} : memref<2x128x256xf32, #tpu.memory_space<vmem>>, vector<16xf32>,
        %parallel_loop3A_945 = arith.mulf %parallel_loop3A_944, %parallel_loop3A_504 : vector<16xf32>
        %parallel_loop3A_946 = arith.addf %parallel_loop3A_937, %parallel_loop3A_945 : vector<16xf32>
        %parallel_loop3A_947 = arith.constant 96 : i32
        %parallel_loop3A_948 = arith.addi %parallel_loop3A_947, %parallel_loop3A_483 : i32
        %parallel_loop3A_949 = arith.constant 1 : i32
        %parallel_loop3A_950 = arith.index_cast %parallel_loop3A_949 : i32 to index
        %parallel_loop3A_951 = arith.index_cast %parallel_loop3A_948 : i32 to index
        %parallel_loop3A_952 = arith.constant 176 : index
        %parallel_loop3A_953 = tpu.vector_load %arg11[%parallel_loop3A_950, %parallel_loop3A_951, %parallel_loop3A_952] {strides = array<i32>} : memref<2x128x256xf32, #tpu.memory_space<vmem>>, vector<16xf32>,
        %parallel_loop3A_954 = arith.mulf %parallel_loop3A_953, %parallel_loop3A_511 : vector<16xf32>
        %parallel_loop3A_955 = arith.addf %parallel_loop3A_946, %parallel_loop3A_954 : vector<16xf32>
        %parallel_loop3A_956 = arith.mulf %parallel_loop3A_955, %parallel_loop3A_955 : vector<16xf32>
        %parallel_loop3A_957 = arith.addf %parallel_loop3A_920, %parallel_loop3A_956 : vector<16xf32>
        %parallel_loop3A_958 = arith.constant 0 : i32
        %parallel_loop3A_959 = arith.addi %parallel_loop3A_958, %parallel_loop3A_483 : i32
        %parallel_loop3A_960 = arith.constant 1 : i32
        %parallel_loop3A_961 = arith.index_cast %parallel_loop3A_960 : i32 to index
        %parallel_loop3A_962 = arith.index_cast %parallel_loop3A_959 : i32 to index
        %parallel_loop3A_963 = arith.constant 192 : index
        %parallel_loop3A_964 = tpu.vector_load %arg11[%parallel_loop3A_961, %parallel_loop3A_962, %parallel_loop3A_963] {strides = array<i32>} : memref<2x128x256xf32, #tpu.memory_space<vmem>>, vector<16xf32>,
        %parallel_loop3A_965 = arith.mulf %parallel_loop3A_964, %parallel_loop3A_490 : vector<16xf32>
        %parallel_loop3A_966 = arith.constant 32 : i32
        %parallel_loop3A_967 = arith.addi %parallel_loop3A_966, %parallel_loop3A_483 : i32
        %parallel_loop3A_968 = arith.constant 1 : i32
        %parallel_loop3A_969 = arith.index_cast %parallel_loop3A_968 : i32 to index
        %parallel_loop3A_970 = arith.index_cast %parallel_loop3A_967 : i32 to index
        %parallel_loop3A_971 = arith.constant 192 : index
        %parallel_loop3A_972 = tpu.vector_load %arg11[%parallel_loop3A_969, %parallel_loop3A_970, %parallel_loop3A_971] {strides = array<i32>} : memref<2x128x256xf32, #tpu.memory_space<vmem>>, vector<16xf32>,
        %parallel_loop3A_973 = arith.mulf %parallel_loop3A_972, %parallel_loop3A_497 : vector<16xf32>
        %parallel_loop3A_974 = arith.addf %parallel_loop3A_965, %parallel_loop3A_973 : vector<16xf32>
        %parallel_loop3A_975 = arith.constant 64 : i32
        %parallel_loop3A_976 = arith.addi %parallel_loop3A_975, %parallel_loop3A_483 : i32
        %parallel_loop3A_977 = arith.constant 1 : i32
        %parallel_loop3A_978 = arith.index_cast %parallel_loop3A_977 : i32 to index
        %parallel_loop3A_979 = arith.index_cast %parallel_loop3A_976 : i32 to index
        %parallel_loop3A_980 = arith.constant 192 : index
        %parallel_loop3A_981 = tpu.vector_load %arg11[%parallel_loop3A_978, %parallel_loop3A_979, %parallel_loop3A_980] {strides = array<i32>} : memref<2x128x256xf32, #tpu.memory_space<vmem>>, vector<16xf32>,
        %parallel_loop3A_982 = arith.mulf %parallel_loop3A_981, %parallel_loop3A_504 : vector<16xf32>
        %parallel_loop3A_983 = arith.addf %parallel_loop3A_974, %parallel_loop3A_982 : vector<16xf32>
        %parallel_loop3A_984 = arith.constant 96 : i32
        %parallel_loop3A_985 = arith.addi %parallel_loop3A_984, %parallel_loop3A_483 : i32
        %parallel_loop3A_986 = arith.constant 1 : i32
        %parallel_loop3A_987 = arith.index_cast %parallel_loop3A_986 : i32 to index
        %parallel_loop3A_988 = arith.index_cast %parallel_loop3A_985 : i32 to index
        %parallel_loop3A_989 = arith.constant 192 : index
        %parallel_loop3A_990 = tpu.vector_load %arg11[%parallel_loop3A_987, %parallel_loop3A_988, %parallel_loop3A_989] {strides = array<i32>} : memref<2x128x256xf32, #tpu.memory_space<vmem>>, vector<16xf32>,
        %parallel_loop3A_991 = arith.mulf %parallel_loop3A_990, %parallel_loop3A_511 : vector<16xf32>
        %parallel_loop3A_992 = arith.addf %parallel_loop3A_983, %parallel_loop3A_991 : vector<16xf32>
        %parallel_loop3A_993 = arith.mulf %parallel_loop3A_992, %parallel_loop3A_992 : vector<16xf32>
        %parallel_loop3A_994 = arith.addf %parallel_loop3A_957, %parallel_loop3A_993 : vector<16xf32>
        %parallel_loop3A_995 = arith.constant 0 : i32
        %parallel_loop3A_996 = arith.addi %parallel_loop3A_995, %parallel_loop3A_483 : i32
        %parallel_loop3A_997 = arith.constant 1 : i32
        %parallel_loop3A_998 = arith.index_cast %parallel_loop3A_997 : i32 to index
        %parallel_loop3A_999 = arith.index_cast %parallel_loop3A_996 : i32 to index
        %parallel_loop3A_1000 = arith.constant 208 : index
        %parallel_loop3A_1001 = tpu.vector_load %arg11[%parallel_loop3A_998, %parallel_loop3A_999, %parallel_loop3A_1000] {strides = array<i32>} : memref<2x128x256xf32, #tpu.memory_space<vmem>>, vector<16xf32>,
        %parallel_loop3A_1002 = arith.mulf %parallel_loop3A_1001, %parallel_loop3A_490 : vector<16xf32>
        %parallel_loop3A_1003 = arith.constant 32 : i32
        %parallel_loop3A_1004 = arith.addi %parallel_loop3A_1003, %parallel_loop3A_483 : i32
        %parallel_loop3A_1005 = arith.constant 1 : i32
        %parallel_loop3A_1006 = arith.index_cast %parallel_loop3A_1005 : i32 to index
        %parallel_loop3A_1007 = arith.index_cast %parallel_loop3A_1004 : i32 to index
        %parallel_loop3A_1008 = arith.constant 208 : index
        %parallel_loop3A_1009 = tpu.vector_load %arg11[%parallel_loop3A_1006, %parallel_loop3A_1007, %parallel_loop3A_1008] {strides = array<i32>} : memref<2x128x256xf32, #tpu.memory_space<vmem>>, vector<16xf32>,
        %parallel_loop3A_1010 = arith.mulf %parallel_loop3A_1009, %parallel_loop3A_497 : vector<16xf32>
        %parallel_loop3A_1011 = arith.addf %parallel_loop3A_1002, %parallel_loop3A_1010 : vector<16xf32>
        %parallel_loop3A_1012 = arith.constant 64 : i32
        %parallel_loop3A_1013 = arith.addi %parallel_loop3A_1012, %parallel_loop3A_483 : i32
        %parallel_loop3A_1014 = arith.constant 1 : i32
        %parallel_loop3A_1015 = arith.index_cast %parallel_loop3A_1014 : i32 to index
        %parallel_loop3A_1016 = arith.index_cast %parallel_loop3A_1013 : i32 to index
        %parallel_loop3A_1017 = arith.constant 208 : index
        %parallel_loop3A_1018 = tpu.vector_load %arg11[%parallel_loop3A_1015, %parallel_loop3A_1016, %parallel_loop3A_1017] {strides = array<i32>} : memref<2x128x256xf32, #tpu.memory_space<vmem>>, vector<16xf32>,
        %parallel_loop3A_1019 = arith.mulf %parallel_loop3A_1018, %parallel_loop3A_504 : vector<16xf32>
        %parallel_loop3A_1020 = arith.addf %parallel_loop3A_1011, %parallel_loop3A_1019 : vector<16xf32>
        %parallel_loop3A_1021 = arith.constant 96 : i32
        %parallel_loop3A_1022 = arith.addi %parallel_loop3A_1021, %parallel_loop3A_483 : i32
        %parallel_loop3A_1023 = arith.constant 1 : i32
        %parallel_loop3A_1024 = arith.index_cast %parallel_loop3A_1023 : i32 to index
        %parallel_loop3A_1025 = arith.index_cast %parallel_loop3A_1022 : i32 to index
        %parallel_loop3A_1026 = arith.constant 208 : index
        %parallel_loop3A_1027 = tpu.vector_load %arg11[%parallel_loop3A_1024, %parallel_loop3A_1025, %parallel_loop3A_1026] {strides = array<i32>} : memref<2x128x256xf32, #tpu.memory_space<vmem>>, vector<16xf32>,
        %parallel_loop3A_1028 = arith.mulf %parallel_loop3A_1027, %parallel_loop3A_511 : vector<16xf32>
        %parallel_loop3A_1029 = arith.addf %parallel_loop3A_1020, %parallel_loop3A_1028 : vector<16xf32>
        %parallel_loop3A_1030 = arith.mulf %parallel_loop3A_1029, %parallel_loop3A_1029 : vector<16xf32>
        %parallel_loop3A_1031 = arith.addf %parallel_loop3A_994, %parallel_loop3A_1030 : vector<16xf32>
        %parallel_loop3A_1032 = arith.constant 0 : i32
        %parallel_loop3A_1033 = arith.addi %parallel_loop3A_1032, %parallel_loop3A_483 : i32
        %parallel_loop3A_1034 = arith.constant 1 : i32
        %parallel_loop3A_1035 = arith.index_cast %parallel_loop3A_1034 : i32 to index
        %parallel_loop3A_1036 = arith.index_cast %parallel_loop3A_1033 : i32 to index
        %parallel_loop3A_1037 = arith.constant 224 : index
        %parallel_loop3A_1038 = tpu.vector_load %arg11[%parallel_loop3A_1035, %parallel_loop3A_1036, %parallel_loop3A_1037] {strides = array<i32>} : memref<2x128x256xf32, #tpu.memory_space<vmem>>, vector<16xf32>,
        %parallel_loop3A_1039 = arith.mulf %parallel_loop3A_1038, %parallel_loop3A_490 : vector<16xf32>
        %parallel_loop3A_1040 = arith.constant 32 : i32
        %parallel_loop3A_1041 = arith.addi %parallel_loop3A_1040, %parallel_loop3A_483 : i32
        %parallel_loop3A_1042 = arith.constant 1 : i32
        %parallel_loop3A_1043 = arith.index_cast %parallel_loop3A_1042 : i32 to index
        %parallel_loop3A_1044 = arith.index_cast %parallel_loop3A_1041 : i32 to index
        %parallel_loop3A_1045 = arith.constant 224 : index
        %parallel_loop3A_1046 = tpu.vector_load %arg11[%parallel_loop3A_1043, %parallel_loop3A_1044, %parallel_loop3A_1045] {strides = array<i32>} : memref<2x128x256xf32, #tpu.memory_space<vmem>>, vector<16xf32>,
        %parallel_loop3A_1047 = arith.mulf %parallel_loop3A_1046, %parallel_loop3A_497 : vector<16xf32>
        %parallel_loop3A_1048 = arith.addf %parallel_loop3A_1039, %parallel_loop3A_1047 : vector<16xf32>
        %parallel_loop3A_1049 = arith.constant 64 : i32
        %parallel_loop3A_1050 = arith.addi %parallel_loop3A_1049, %parallel_loop3A_483 : i32
        %parallel_loop3A_1051 = arith.constant 1 : i32
        %parallel_loop3A_1052 = arith.index_cast %parallel_loop3A_1051 : i32 to index
        %parallel_loop3A_1053 = arith.index_cast %parallel_loop3A_1050 : i32 to index
        %parallel_loop3A_1054 = arith.constant 224 : index
        %parallel_loop3A_1055 = tpu.vector_load %arg11[%parallel_loop3A_1052, %parallel_loop3A_1053, %parallel_loop3A_1054] {strides = array<i32>} : memref<2x128x256xf32, #tpu.memory_space<vmem>>, vector<16xf32>,
        %parallel_loop3A_1056 = arith.mulf %parallel_loop3A_1055, %parallel_loop3A_504 : vector<16xf32>
        %parallel_loop3A_1057 = arith.addf %parallel_loop3A_1048, %parallel_loop3A_1056 : vector<16xf32>
        %parallel_loop3A_1058 = arith.constant 96 : i32
        %parallel_loop3A_1059 = arith.addi %parallel_loop3A_1058, %parallel_loop3A_483 : i32
        %parallel_loop3A_1060 = arith.constant 1 : i32
        %parallel_loop3A_1061 = arith.index_cast %parallel_loop3A_1060 : i32 to index
        %parallel_loop3A_1062 = arith.index_cast %parallel_loop3A_1059 : i32 to index
        %parallel_loop3A_1063 = arith.constant 224 : index
        %parallel_loop3A_1064 = tpu.vector_load %arg11[%parallel_loop3A_1061, %parallel_loop3A_1062, %parallel_loop3A_1063] {strides = array<i32>} : memref<2x128x256xf32, #tpu.memory_space<vmem>>, vector<16xf32>,
        %parallel_loop3A_1065 = arith.mulf %parallel_loop3A_1064, %parallel_loop3A_511 : vector<16xf32>
        %parallel_loop3A_1066 = arith.addf %parallel_loop3A_1057, %parallel_loop3A_1065 : vector<16xf32>
        %parallel_loop3A_1067 = arith.mulf %parallel_loop3A_1066, %parallel_loop3A_1066 : vector<16xf32>
        %parallel_loop3A_1068 = arith.addf %parallel_loop3A_1031, %parallel_loop3A_1067 : vector<16xf32>
        %parallel_loop3A_1069 = arith.constant 0 : i32
        %parallel_loop3A_1070 = arith.addi %parallel_loop3A_1069, %parallel_loop3A_483 : i32
        %parallel_loop3A_1071 = arith.constant 1 : i32
        %parallel_loop3A_1072 = arith.index_cast %parallel_loop3A_1071 : i32 to index
        %parallel_loop3A_1073 = arith.index_cast %parallel_loop3A_1070 : i32 to index
        %parallel_loop3A_1074 = arith.constant 240 : index
        %parallel_loop3A_1075 = tpu.vector_load %arg11[%parallel_loop3A_1072, %parallel_loop3A_1073, %parallel_loop3A_1074] {strides = array<i32>} : memref<2x128x256xf32, #tpu.memory_space<vmem>>, vector<16xf32>,
        %parallel_loop3A_1076 = arith.mulf %parallel_loop3A_1075, %parallel_loop3A_490 : vector<16xf32>
        %parallel_loop3A_1077 = arith.constant 32 : i32
        %parallel_loop3A_1078 = arith.addi %parallel_loop3A_1077, %parallel_loop3A_483 : i32
        %parallel_loop3A_1079 = arith.constant 1 : i32
        %parallel_loop3A_1080 = arith.index_cast %parallel_loop3A_1079 : i32 to index
        %parallel_loop3A_1081 = arith.index_cast %parallel_loop3A_1078 : i32 to index
        %parallel_loop3A_1082 = arith.constant 240 : index
        %parallel_loop3A_1083 = tpu.vector_load %arg11[%parallel_loop3A_1080, %parallel_loop3A_1081, %parallel_loop3A_1082] {strides = array<i32>} : memref<2x128x256xf32, #tpu.memory_space<vmem>>, vector<16xf32>,
        %parallel_loop3A_1084 = arith.mulf %parallel_loop3A_1083, %parallel_loop3A_497 : vector<16xf32>
        %parallel_loop3A_1085 = arith.addf %parallel_loop3A_1076, %parallel_loop3A_1084 : vector<16xf32>
        %parallel_loop3A_1086 = arith.constant 64 : i32
        %parallel_loop3A_1087 = arith.addi %parallel_loop3A_1086, %parallel_loop3A_483 : i32
        %parallel_loop3A_1088 = arith.constant 1 : i32
        %parallel_loop3A_1089 = arith.index_cast %parallel_loop3A_1088 : i32 to index
        %parallel_loop3A_1090 = arith.index_cast %parallel_loop3A_1087 : i32 to index
        %parallel_loop3A_1091 = arith.constant 240 : index
        %parallel_loop3A_1092 = tpu.vector_load %arg11[%parallel_loop3A_1089, %parallel_loop3A_1090, %parallel_loop3A_1091] {strides = array<i32>} : memref<2x128x256xf32, #tpu.memory_space<vmem>>, vector<16xf32>,
        %parallel_loop3A_1093 = arith.mulf %parallel_loop3A_1092, %parallel_loop3A_504 : vector<16xf32>
        %parallel_loop3A_1094 = arith.addf %parallel_loop3A_1085, %parallel_loop3A_1093 : vector<16xf32>
        %parallel_loop3A_1095 = arith.constant 96 : i32
        %parallel_loop3A_1096 = arith.addi %parallel_loop3A_1095, %parallel_loop3A_483 : i32
        %parallel_loop3A_1097 = arith.constant 1 : i32
        %parallel_loop3A_1098 = arith.index_cast %parallel_loop3A_1097 : i32 to index
        %parallel_loop3A_1099 = arith.index_cast %parallel_loop3A_1096 : i32 to index
        %parallel_loop3A_1100 = arith.constant 240 : index
        %parallel_loop3A_1101 = tpu.vector_load %arg11[%parallel_loop3A_1098, %parallel_loop3A_1099, %parallel_loop3A_1100] {strides = array<i32>} : memref<2x128x256xf32, #tpu.memory_space<vmem>>, vector<16xf32>,
        %parallel_loop3A_1102 = arith.mulf %parallel_loop3A_1101, %parallel_loop3A_511 : vector<16xf32>
        %parallel_loop3A_1103 = arith.addf %parallel_loop3A_1094, %parallel_loop3A_1102 : vector<16xf32>
        %parallel_loop3A_1104 = arith.mulf %parallel_loop3A_1103, %parallel_loop3A_1103 : vector<16xf32>
        %parallel_loop3A_1105 = arith.addf %parallel_loop3A_1068, %parallel_loop3A_1104 : vector<16xf32>
        %parallel_loop3A_1106 = arith.constant 0 : i32
        %parallel_loop3A_1107 = vector.broadcast %parallel_loop3A_1106 : i32 to vector<16xi32>
        %parallel_loop3A_1108 = arith.cmpi slt, %and3A_26, %parallel_loop3A_1107 : vector<16xi32>
        %parallel_loop3A_1109 = arith.constant 16 : i32
        %parallel_loop3A_1110 = vector.broadcast %parallel_loop3A_1109 : i32 to vector<16xi32>
        %parallel_loop3A_1111 = arith.addi %and3A_26, %parallel_loop3A_1110 : vector<16xi32>
        %parallel_loop3A_1112 = arith.select %parallel_loop3A_1108, %parallel_loop3A_1111, %and3A_26 : vector<16xi1>, vector<16xi32>
        %parallel_loop3A_1113 = vector.shape_cast %parallel_loop3A_1112 : vector<16xi32> to vector<16x1xi32>
        %parallel_loop3A_1114 = vector.shape_cast %parallel_loop3A_1113 : vector<16x1xi32> to vector<16xi32>
        %parallel_loop3A_1115 = tpu.dynamic_gather %parallel_loop3A_1105[%parallel_loop3A_1114] in [0] : vector<16xf32>, vector<16xi32> -> vector<16xf32>
        %parallel_loop3A_1116 = arith.addf %parallel_loop3A_1105, %parallel_loop3A_1115 : vector<16xf32>
        %parallel_loop3A_1117 = arith.constant 0 : i32
        %parallel_loop3A_1118 = vector.broadcast %parallel_loop3A_1117 : i32 to vector<16xi32>
        %parallel_loop3A_1119 = arith.cmpi slt, %and3A_32, %parallel_loop3A_1118 : vector<16xi32>
        %parallel_loop3A_1120 = arith.constant 16 : i32
        %parallel_loop3A_1121 = vector.broadcast %parallel_loop3A_1120 : i32 to vector<16xi32>
        %parallel_loop3A_1122 = arith.addi %and3A_32, %parallel_loop3A_1121 : vector<16xi32>
        %parallel_loop3A_1123 = arith.select %parallel_loop3A_1119, %parallel_loop3A_1122, %and3A_32 : vector<16xi1>, vector<16xi32>
        %parallel_loop3A_1124 = vector.shape_cast %parallel_loop3A_1123 : vector<16xi32> to vector<16x1xi32>
        %parallel_loop3A_1125 = vector.shape_cast %parallel_loop3A_1124 : vector<16x1xi32> to vector<16xi32>
        %parallel_loop3A_1126 = tpu.dynamic_gather %parallel_loop3A_1116[%parallel_loop3A_1125] in [0] : vector<16xf32>, vector<16xi32> -> vector<16xf32>
        %parallel_loop3A_1127 = arith.addf %parallel_loop3A_1116, %parallel_loop3A_1126 : vector<16xf32>
        %parallel_loop3A_1128 = arith.constant 0 : i32
        %parallel_loop3A_1129 = vector.broadcast %parallel_loop3A_1128 : i32 to vector<16xi32>
        %parallel_loop3A_1130 = arith.cmpi slt, %and3A_38, %parallel_loop3A_1129 : vector<16xi32>
        %parallel_loop3A_1131 = arith.constant 16 : i32
        %parallel_loop3A_1132 = vector.broadcast %parallel_loop3A_1131 : i32 to vector<16xi32>
        %parallel_loop3A_1133 = arith.addi %and3A_38, %parallel_loop3A_1132 : vector<16xi32>
        %parallel_loop3A_1134 = arith.select %parallel_loop3A_1130, %parallel_loop3A_1133, %and3A_38 : vector<16xi1>, vector<16xi32>
        %parallel_loop3A_1135 = vector.shape_cast %parallel_loop3A_1134 : vector<16xi32> to vector<16x1xi32>
        %parallel_loop3A_1136 = vector.shape_cast %parallel_loop3A_1135 : vector<16x1xi32> to vector<16xi32>
        %parallel_loop3A_1137 = tpu.dynamic_gather %parallel_loop3A_1127[%parallel_loop3A_1136] in [0] : vector<16xf32>, vector<16xi32> -> vector<16xf32>
        %parallel_loop3A_1138 = arith.addf %parallel_loop3A_1127, %parallel_loop3A_1137 : vector<16xf32>
        %parallel_loop3A_1139 = arith.constant 0 : i32
        %parallel_loop3A_1140 = vector.broadcast %parallel_loop3A_1139 : i32 to vector<16xi32>
        %parallel_loop3A_1141 = arith.cmpi slt, %and3A_44, %parallel_loop3A_1140 : vector<16xi32>
        %parallel_loop3A_1142 = arith.constant 16 : i32
        %parallel_loop3A_1143 = vector.broadcast %parallel_loop3A_1142 : i32 to vector<16xi32>
        %parallel_loop3A_1144 = arith.addi %and3A_44, %parallel_loop3A_1143 : vector<16xi32>
        %parallel_loop3A_1145 = arith.select %parallel_loop3A_1141, %parallel_loop3A_1144, %and3A_44 : vector<16xi1>, vector<16xi32>
        %parallel_loop3A_1146 = vector.shape_cast %parallel_loop3A_1145 : vector<16xi32> to vector<16x1xi32>
        %parallel_loop3A_1147 = vector.shape_cast %parallel_loop3A_1146 : vector<16x1xi32> to vector<16xi32>
        %parallel_loop3A_1148 = tpu.dynamic_gather %parallel_loop3A_1138[%parallel_loop3A_1147] in [0] : vector<16xf32>, vector<16xi32> -> vector<16xf32>
        %parallel_loop3A_1149 = arith.addf %parallel_loop3A_1138, %parallel_loop3A_1148 : vector<16xf32>
        %parallel_loop3A_1150 = arith.constant 1.000000e-24 : f32
        %parallel_loop3A_1151 = vector.broadcast %parallel_loop3A_1150 : f32 to vector<16xf32>
        %parallel_loop3A_1152 = arith.maximumf %parallel_loop3A_1149, %parallel_loop3A_1151 : vector<16xf32>
        %parallel_loop3A_1153 = vector.bitcast %parallel_loop3A_1152 : vector<16xf32> to vector<16xi32>
        %parallel_loop3A_1154 = arith.constant 1 : i32
        %parallel_loop3A_1155 = vector.broadcast %parallel_loop3A_1154 : i32 to vector<16xi32>
        %parallel_loop3A_1156 = arith.shrsi %parallel_loop3A_1153, %parallel_loop3A_1155 : vector<16xi32>
        %parallel_loop3A_1157 = arith.constant 1597463007 : i32
        %parallel_loop3A_1158 = vector.broadcast %parallel_loop3A_1157 : i32 to vector<16xi32>
        %parallel_loop3A_1159 = arith.subi %parallel_loop3A_1158, %parallel_loop3A_1156 : vector<16xi32>
        %parallel_loop3A_1160 = vector.bitcast %parallel_loop3A_1159 : vector<16xi32> to vector<16xf32>
        %parallel_loop3A_1161 = arith.constant 5.000000e-01 : f32
        %parallel_loop3A_1162 = vector.broadcast %parallel_loop3A_1161 : f32 to vector<16xf32>
        %parallel_loop3A_1163 = arith.mulf %parallel_loop3A_1152, %parallel_loop3A_1162 : vector<16xf32>
        %parallel_loop3A_1164 = arith.mulf %parallel_loop3A_1163, %parallel_loop3A_1160 : vector<16xf32>
        %parallel_loop3A_1165 = arith.mulf %parallel_loop3A_1164, %parallel_loop3A_1160 : vector<16xf32>
        %parallel_loop3A_1166 = arith.constant 1.500000e+00 : f32
        %parallel_loop3A_1167 = vector.broadcast %parallel_loop3A_1166 : f32 to vector<16xf32>
        %parallel_loop3A_1168 = arith.subf %parallel_loop3A_1167, %parallel_loop3A_1165 : vector<16xf32>
        %parallel_loop3A_1169 = arith.mulf %parallel_loop3A_1160, %parallel_loop3A_1168 : vector<16xf32>
        %parallel_loop3A_1170 = arith.mulf %parallel_loop3A_1163, %parallel_loop3A_1169 : vector<16xf32>
        %parallel_loop3A_1171 = arith.mulf %parallel_loop3A_1170, %parallel_loop3A_1169 : vector<16xf32>
        %parallel_loop3A_1172 = arith.constant 1.500000e+00 : f32
        %parallel_loop3A_1173 = vector.broadcast %parallel_loop3A_1172 : f32 to vector<16xf32>
        %parallel_loop3A_1174 = arith.subf %parallel_loop3A_1173, %parallel_loop3A_1171 : vector<16xf32>
        %parallel_loop3A_1175 = arith.mulf %parallel_loop3A_1169, %parallel_loop3A_1174 : vector<16xf32>
        %parallel_loop3A_1176 = arith.mulf %parallel_loop3A_548, %parallel_loop3A_1175 : vector<16xf32>
        %parallel_loop3A_1177 = arith.constant 1 : i32
        %parallel_loop3A_1178 = arith.index_cast %parallel_loop3A_1177 : i32 to index
        %parallel_loop3A_1179 = arith.index_cast %parallel_loop3A_483 : i32 to index
        %parallel_loop3A_1180 = arith.constant 0 : index
        %parallel_loop3A_1181 = tpu.vector_load %arg12[%parallel_loop3A_1178, %parallel_loop3A_1179, %parallel_loop3A_1180] {strides = array<i32>} : memref<2x32x256xf32, #tpu.memory_space<vmem>>, vector<16xf32>,
        tpu.vector_store %arg12[%parallel_loop3A_1178, %parallel_loop3A_1179, %parallel_loop3A_1180], %parallel_loop3A_1176 {strides = array<i32>} : memref<2x32x256xf32, #tpu.memory_space<vmem>>, vector<16xf32>,
        %parallel_loop3A_1182 = arith.mulf %parallel_loop3A_585, %parallel_loop3A_1175 : vector<16xf32>
        %parallel_loop3A_1183 = arith.constant 1 : i32
        %parallel_loop3A_1184 = arith.index_cast %parallel_loop3A_1183 : i32 to index
        %parallel_loop3A_1185 = arith.index_cast %parallel_loop3A_483 : i32 to index
        %parallel_loop3A_1186 = arith.constant 16 : index
        %parallel_loop3A_1187 = tpu.vector_load %arg12[%parallel_loop3A_1184, %parallel_loop3A_1185, %parallel_loop3A_1186] {strides = array<i32>} : memref<2x32x256xf32, #tpu.memory_space<vmem>>, vector<16xf32>,
        tpu.vector_store %arg12[%parallel_loop3A_1184, %parallel_loop3A_1185, %parallel_loop3A_1186], %parallel_loop3A_1182 {strides = array<i32>} : memref<2x32x256xf32, #tpu.memory_space<vmem>>, vector<16xf32>,
        %parallel_loop3A_1188 = arith.mulf %parallel_loop3A_622, %parallel_loop3A_1175 : vector<16xf32>
        %parallel_loop3A_1189 = arith.constant 1 : i32
        %parallel_loop3A_1190 = arith.index_cast %parallel_loop3A_1189 : i32 to index
        %parallel_loop3A_1191 = arith.index_cast %parallel_loop3A_483 : i32 to index
        %parallel_loop3A_1192 = arith.constant 32 : index
        %parallel_loop3A_1193 = tpu.vector_load %arg12[%parallel_loop3A_1190, %parallel_loop3A_1191, %parallel_loop3A_1192] {strides = array<i32>} : memref<2x32x256xf32, #tpu.memory_space<vmem>>, vector<16xf32>,
        tpu.vector_store %arg12[%parallel_loop3A_1190, %parallel_loop3A_1191, %parallel_loop3A_1192], %parallel_loop3A_1188 {strides = array<i32>} : memref<2x32x256xf32, #tpu.memory_space<vmem>>, vector<16xf32>,
        %parallel_loop3A_1194 = arith.mulf %parallel_loop3A_659, %parallel_loop3A_1175 : vector<16xf32>
        %parallel_loop3A_1195 = arith.constant 1 : i32
        %parallel_loop3A_1196 = arith.index_cast %parallel_loop3A_1195 : i32 to index
        %parallel_loop3A_1197 = arith.index_cast %parallel_loop3A_483 : i32 to index
        %parallel_loop3A_1198 = arith.constant 48 : index
        %parallel_loop3A_1199 = tpu.vector_load %arg12[%parallel_loop3A_1196, %parallel_loop3A_1197, %parallel_loop3A_1198] {strides = array<i32>} : memref<2x32x256xf32, #tpu.memory_space<vmem>>, vector<16xf32>,
        tpu.vector_store %arg12[%parallel_loop3A_1196, %parallel_loop3A_1197, %parallel_loop3A_1198], %parallel_loop3A_1194 {strides = array<i32>} : memref<2x32x256xf32, #tpu.memory_space<vmem>>, vector<16xf32>,
        %parallel_loop3A_1200 = arith.mulf %parallel_loop3A_696, %parallel_loop3A_1175 : vector<16xf32>
        %parallel_loop3A_1201 = arith.constant 1 : i32
        %parallel_loop3A_1202 = arith.index_cast %parallel_loop3A_1201 : i32 to index
        %parallel_loop3A_1203 = arith.index_cast %parallel_loop3A_483 : i32 to index
        %parallel_loop3A_1204 = arith.constant 64 : index
        %parallel_loop3A_1205 = tpu.vector_load %arg12[%parallel_loop3A_1202, %parallel_loop3A_1203, %parallel_loop3A_1204] {strides = array<i32>} : memref<2x32x256xf32, #tpu.memory_space<vmem>>, vector<16xf32>,
        tpu.vector_store %arg12[%parallel_loop3A_1202, %parallel_loop3A_1203, %parallel_loop3A_1204], %parallel_loop3A_1200 {strides = array<i32>} : memref<2x32x256xf32, #tpu.memory_space<vmem>>, vector<16xf32>,
        %parallel_loop3A_1206 = arith.mulf %parallel_loop3A_733, %parallel_loop3A_1175 : vector<16xf32>
        %parallel_loop3A_1207 = arith.constant 1 : i32
        %parallel_loop3A_1208 = arith.index_cast %parallel_loop3A_1207 : i32 to index
        %parallel_loop3A_1209 = arith.index_cast %parallel_loop3A_483 : i32 to index
        %parallel_loop3A_1210 = arith.constant 80 : index
        %parallel_loop3A_1211 = tpu.vector_load %arg12[%parallel_loop3A_1208, %parallel_loop3A_1209, %parallel_loop3A_1210] {strides = array<i32>} : memref<2x32x256xf32, #tpu.memory_space<vmem>>, vector<16xf32>,
        tpu.vector_store %arg12[%parallel_loop3A_1208, %parallel_loop3A_1209, %parallel_loop3A_1210], %parallel_loop3A_1206 {strides = array<i32>} : memref<2x32x256xf32, #tpu.memory_space<vmem>>, vector<16xf32>,
        %parallel_loop3A_1212 = arith.mulf %parallel_loop3A_770, %parallel_loop3A_1175 : vector<16xf32>
        %parallel_loop3A_1213 = arith.constant 1 : i32
        %parallel_loop3A_1214 = arith.index_cast %parallel_loop3A_1213 : i32 to index
        %parallel_loop3A_1215 = arith.index_cast %parallel_loop3A_483 : i32 to index
        %parallel_loop3A_1216 = arith.constant 96 : index
        %parallel_loop3A_1217 = tpu.vector_load %arg12[%parallel_loop3A_1214, %parallel_loop3A_1215, %parallel_loop3A_1216] {strides = array<i32>} : memref<2x32x256xf32, #tpu.memory_space<vmem>>, vector<16xf32>,
        tpu.vector_store %arg12[%parallel_loop3A_1214, %parallel_loop3A_1215, %parallel_loop3A_1216], %parallel_loop3A_1212 {strides = array<i32>} : memref<2x32x256xf32, #tpu.memory_space<vmem>>, vector<16xf32>,
        %parallel_loop3A_1218 = arith.mulf %parallel_loop3A_807, %parallel_loop3A_1175 : vector<16xf32>
        %parallel_loop3A_1219 = arith.constant 1 : i32
        %parallel_loop3A_1220 = arith.index_cast %parallel_loop3A_1219 : i32 to index
        %parallel_loop3A_1221 = arith.index_cast %parallel_loop3A_483 : i32 to index
        %parallel_loop3A_1222 = arith.constant 112 : index
        %parallel_loop3A_1223 = tpu.vector_load %arg12[%parallel_loop3A_1220, %parallel_loop3A_1221, %parallel_loop3A_1222] {strides = array<i32>} : memref<2x32x256xf32, #tpu.memory_space<vmem>>, vector<16xf32>,
        tpu.vector_store %arg12[%parallel_loop3A_1220, %parallel_loop3A_1221, %parallel_loop3A_1222], %parallel_loop3A_1218 {strides = array<i32>} : memref<2x32x256xf32, #tpu.memory_space<vmem>>, vector<16xf32>,
        %parallel_loop3A_1224 = arith.mulf %parallel_loop3A_844, %parallel_loop3A_1175 : vector<16xf32>
        %parallel_loop3A_1225 = arith.constant 1 : i32
        %parallel_loop3A_1226 = arith.index_cast %parallel_loop3A_1225 : i32 to index
        %parallel_loop3A_1227 = arith.index_cast %parallel_loop3A_483 : i32 to index
        %parallel_loop3A_1228 = arith.constant 128 : index
        %parallel_loop3A_1229 = tpu.vector_load %arg12[%parallel_loop3A_1226, %parallel_loop3A_1227, %parallel_loop3A_1228] {strides = array<i32>} : memref<2x32x256xf32, #tpu.memory_space<vmem>>, vector<16xf32>,
        tpu.vector_store %arg12[%parallel_loop3A_1226, %parallel_loop3A_1227, %parallel_loop3A_1228], %parallel_loop3A_1224 {strides = array<i32>} : memref<2x32x256xf32, #tpu.memory_space<vmem>>, vector<16xf32>,
        %parallel_loop3A_1230 = arith.mulf %parallel_loop3A_881, %parallel_loop3A_1175 : vector<16xf32>
        %parallel_loop3A_1231 = arith.constant 1 : i32
        %parallel_loop3A_1232 = arith.index_cast %parallel_loop3A_1231 : i32 to index
        %parallel_loop3A_1233 = arith.index_cast %parallel_loop3A_483 : i32 to index
        %parallel_loop3A_1234 = arith.constant 144 : index
        %parallel_loop3A_1235 = tpu.vector_load %arg12[%parallel_loop3A_1232, %parallel_loop3A_1233, %parallel_loop3A_1234] {strides = array<i32>} : memref<2x32x256xf32, #tpu.memory_space<vmem>>, vector<16xf32>,
        tpu.vector_store %arg12[%parallel_loop3A_1232, %parallel_loop3A_1233, %parallel_loop3A_1234], %parallel_loop3A_1230 {strides = array<i32>} : memref<2x32x256xf32, #tpu.memory_space<vmem>>, vector<16xf32>,
        %parallel_loop3A_1236 = arith.mulf %parallel_loop3A_918, %parallel_loop3A_1175 : vector<16xf32>
        %parallel_loop3A_1237 = arith.constant 1 : i32
        %parallel_loop3A_1238 = arith.index_cast %parallel_loop3A_1237 : i32 to index
        %parallel_loop3A_1239 = arith.index_cast %parallel_loop3A_483 : i32 to index
        %parallel_loop3A_1240 = arith.constant 160 : index
        %parallel_loop3A_1241 = tpu.vector_load %arg12[%parallel_loop3A_1238, %parallel_loop3A_1239, %parallel_loop3A_1240] {strides = array<i32>} : memref<2x32x256xf32, #tpu.memory_space<vmem>>, vector<16xf32>,
        tpu.vector_store %arg12[%parallel_loop3A_1238, %parallel_loop3A_1239, %parallel_loop3A_1240], %parallel_loop3A_1236 {strides = array<i32>} : memref<2x32x256xf32, #tpu.memory_space<vmem>>, vector<16xf32>,
        %parallel_loop3A_1242 = arith.mulf %parallel_loop3A_955, %parallel_loop3A_1175 : vector<16xf32>
        %parallel_loop3A_1243 = arith.constant 1 : i32
        %parallel_loop3A_1244 = arith.index_cast %parallel_loop3A_1243 : i32 to index
        %parallel_loop3A_1245 = arith.index_cast %parallel_loop3A_483 : i32 to index
        %parallel_loop3A_1246 = arith.constant 176 : index
        %parallel_loop3A_1247 = tpu.vector_load %arg12[%parallel_loop3A_1244, %parallel_loop3A_1245, %parallel_loop3A_1246] {strides = array<i32>} : memref<2x32x256xf32, #tpu.memory_space<vmem>>, vector<16xf32>,
        tpu.vector_store %arg12[%parallel_loop3A_1244, %parallel_loop3A_1245, %parallel_loop3A_1246], %parallel_loop3A_1242 {strides = array<i32>} : memref<2x32x256xf32, #tpu.memory_space<vmem>>, vector<16xf32>,
        %parallel_loop3A_1248 = arith.mulf %parallel_loop3A_992, %parallel_loop3A_1175 : vector<16xf32>
        %parallel_loop3A_1249 = arith.constant 1 : i32
        %parallel_loop3A_1250 = arith.index_cast %parallel_loop3A_1249 : i32 to index
        %parallel_loop3A_1251 = arith.index_cast %parallel_loop3A_483 : i32 to index
        %parallel_loop3A_1252 = arith.constant 192 : index
        %parallel_loop3A_1253 = tpu.vector_load %arg12[%parallel_loop3A_1250, %parallel_loop3A_1251, %parallel_loop3A_1252] {strides = array<i32>} : memref<2x32x256xf32, #tpu.memory_space<vmem>>, vector<16xf32>,
        tpu.vector_store %arg12[%parallel_loop3A_1250, %parallel_loop3A_1251, %parallel_loop3A_1252], %parallel_loop3A_1248 {strides = array<i32>} : memref<2x32x256xf32, #tpu.memory_space<vmem>>, vector<16xf32>,
        %parallel_loop3A_1254 = arith.mulf %parallel_loop3A_1029, %parallel_loop3A_1175 : vector<16xf32>
        %parallel_loop3A_1255 = arith.constant 1 : i32
        %parallel_loop3A_1256 = arith.index_cast %parallel_loop3A_1255 : i32 to index
        %parallel_loop3A_1257 = arith.index_cast %parallel_loop3A_483 : i32 to index
        %parallel_loop3A_1258 = arith.constant 208 : index
        %parallel_loop3A_1259 = tpu.vector_load %arg12[%parallel_loop3A_1256, %parallel_loop3A_1257, %parallel_loop3A_1258] {strides = array<i32>} : memref<2x32x256xf32, #tpu.memory_space<vmem>>, vector<16xf32>,
        tpu.vector_store %arg12[%parallel_loop3A_1256, %parallel_loop3A_1257, %parallel_loop3A_1258], %parallel_loop3A_1254 {strides = array<i32>} : memref<2x32x256xf32, #tpu.memory_space<vmem>>, vector<16xf32>,
        %parallel_loop3A_1260 = arith.mulf %parallel_loop3A_1066, %parallel_loop3A_1175 : vector<16xf32>
        %parallel_loop3A_1261 = arith.constant 1 : i32
        %parallel_loop3A_1262 = arith.index_cast %parallel_loop3A_1261 : i32 to index
        %parallel_loop3A_1263 = arith.index_cast %parallel_loop3A_483 : i32 to index
        %parallel_loop3A_1264 = arith.constant 224 : index
        %parallel_loop3A_1265 = tpu.vector_load %arg12[%parallel_loop3A_1262, %parallel_loop3A_1263, %parallel_loop3A_1264] {strides = array<i32>} : memref<2x32x256xf32, #tpu.memory_space<vmem>>, vector<16xf32>,
        tpu.vector_store %arg12[%parallel_loop3A_1262, %parallel_loop3A_1263, %parallel_loop3A_1264], %parallel_loop3A_1260 {strides = array<i32>} : memref<2x32x256xf32, #tpu.memory_space<vmem>>, vector<16xf32>,
        %parallel_loop3A_1266 = arith.mulf %parallel_loop3A_1103, %parallel_loop3A_1175 : vector<16xf32>
        %parallel_loop3A_1267 = arith.constant 1 : i32
        %parallel_loop3A_1268 = arith.index_cast %parallel_loop3A_1267 : i32 to index
        %parallel_loop3A_1269 = arith.index_cast %parallel_loop3A_483 : i32 to index
        %parallel_loop3A_1270 = arith.constant 240 : index
        %parallel_loop3A_1271 = tpu.vector_load %arg12[%parallel_loop3A_1268, %parallel_loop3A_1269, %parallel_loop3A_1270] {strides = array<i32>} : memref<2x32x256xf32, #tpu.memory_space<vmem>>, vector<16xf32>,
        tpu.vector_store %arg12[%parallel_loop3A_1268, %parallel_loop3A_1269, %parallel_loop3A_1270], %parallel_loop3A_1266 {strides = array<i32>} : memref<2x32x256xf32, #tpu.memory_space<vmem>>, vector<16xf32>,
      } {sc.loop_unroll_factor = 2 : i64, sc.parallel_access}
      %add3A_459 = arith.constant 2 : i32
      %add3A_460 = arith.addi %add3A_442, %add3A_459 : i32
      %lt3A_461 = arith.constant 64 : i32
      %lt3A_462 = arith.cmpi slt, %add3A_460, %lt3A_461 : i32
      %convert_element_type3A_463 = arith.extui %lt3A_462 : i1 to i32
      %cond3A_464 = arith.constant 0 : i32
      %cond3A_465 = arith.cmpi ne, %convert_element_type3A_463, %cond3A_464 : i32
      scf.if %cond3A_465 {
        %add3A_483 = arith.constant 2 : i32
        %add3A_484 = arith.addi %add3A_442, %add3A_483 : i32
        %mul3A_485 = arith.constant 32 : i32
        %mul3A_486 = arith.muli %add3A_484, %mul3A_485 : i32
        %add3A_487 = arith.constant 0 : i32
        %add3A_488 = arith.addi %mul3A_486, %add3A_487 : i32
        %get3A_489 = arith.index_cast %add3A_488 : i32 to index
        %get3A_490 = tpu.vector_load %arg6[%get3A_489] {strides = array<i32>} : memref<2048xf32, #tpu.memory_space<vmem>>, vector<16xf32>,
        %get3A_491 = arith.index_cast %add3A_488 : i32 to index
        %get3A_492 = tpu.vector_load %arg7[%get3A_491] {strides = array<i32>} : memref<2048xf32, #tpu.memory_space<vmem>>, vector<16xf32>,
        %add3A_493 = arith.constant 1.000000e+00 : f32
        %add3A_494 = vector.broadcast %add3A_493 : f32 to vector<16xf32>
        %add3A_495 = arith.addf %get3A_490, %add3A_494 : vector<16xf32>
        %mul3A_496 = arith.constant 6.350000e+01 : f32
        %mul3A_497 = vector.broadcast %mul3A_496 : f32 to vector<16xf32>
        %mul3A_498 = arith.mulf %add3A_495, %mul3A_497 : vector<16xf32>
        %add3A_499 = arith.constant 1.000000e+00 : f32
        %add3A_500 = vector.broadcast %add3A_499 : f32 to vector<16xf32>
        %add3A_501 = arith.addf %get3A_492, %add3A_500 : vector<16xf32>
        %mul3A_502 = arith.constant 6.350000e+01 : f32
        %mul3A_503 = vector.broadcast %mul3A_502 : f32 to vector<16xf32>
        %mul3A_504 = arith.mulf %add3A_501, %mul3A_503 : vector<16xf32>
        %convert_element_type3A_505 = arith.fptosi %mul3A_498 : vector<16xf32> to vector<16xi32>
        %max3A_506 = arith.constant 0 : i32
        %max3A_507 = vector.broadcast %max3A_506 : i32 to vector<16xi32>
        %max3A_508 = arith.maxsi %convert_element_type3A_505, %max3A_507 : vector<16xi32>
        %min3A_509 = arith.constant 126 : i32
        %min3A_510 = vector.broadcast %min3A_509 : i32 to vector<16xi32>
        %min3A_511 = arith.minsi %max3A_508, %min3A_510 : vector<16xi32>
        %convert_element_type3A_512 = arith.fptosi %mul3A_504 : vector<16xf32> to vector<16xi32>
        %max3A_513 = arith.constant 0 : i32
        %max3A_514 = vector.broadcast %max3A_513 : i32 to vector<16xi32>
        %max3A_515 = arith.maxsi %convert_element_type3A_512, %max3A_514 : vector<16xi32>
        %min3A_516 = arith.constant 126 : i32
        %min3A_517 = vector.broadcast %min3A_516 : i32 to vector<16xi32>
        %min3A_518 = arith.minsi %max3A_515, %min3A_517 : vector<16xi32>
        %convert_element_type3A_519 = arith.sitofp %min3A_511 : vector<16xi32> to vector<16xf32>
        %sub3A_520 = arith.subf %mul3A_498, %convert_element_type3A_519 : vector<16xf32>
        %convert_element_type3A_521 = arith.sitofp %min3A_518 : vector<16xi32> to vector<16xf32>
        %sub3A_522 = arith.subf %mul3A_504, %convert_element_type3A_521 : vector<16xf32>
        %sub3A_523 = arith.constant 1.000000e+00 : f32
        %sub3A_524 = vector.broadcast %sub3A_523 : f32 to vector<16xf32>
        %sub3A_525 = arith.subf %sub3A_524, %sub3A_520 : vector<16xf32>
        %sub3A_526 = arith.constant 1.000000e+00 : f32
        %sub3A_527 = vector.broadcast %sub3A_526 : f32 to vector<16xf32>
        %sub3A_528 = arith.subf %sub3A_527, %sub3A_522 : vector<16xf32>
        %mul3A_529 = arith.constant 128 : i32
        %mul3A_530 = vector.broadcast %mul3A_529 : i32 to vector<16xi32>
        %mul3A_531 = arith.muli %min3A_518, %mul3A_530 : vector<16xi32>
        %add3A_532 = vector.broadcast %mul3A_20 : i32 to vector<16xi32>
        %add3A_533 = arith.addi %add3A_532, %mul3A_531 : vector<16xi32>
        %add3A_534 = arith.addi %add3A_533, %min3A_511 : vector<16xi32>
        %swap3A_535 = arith.constant 0 : index
        %swap3A_536 = tpu.vector_load %arg9[%swap3A_535] {strides = array<i32>} : memref<128xi32, #tpu.memory_space<vmem>>, vector<16xi32>,
        tpu.vector_store %arg9[%swap3A_535], %add3A_534 {strides = array<i32>} : memref<128xi32, #tpu.memory_space<vmem>>, vector<16xi32>,
        %add3A_537 = arith.constant 1 : i32
        %add3A_538 = vector.broadcast %add3A_537 : i32 to vector<16xi32>
        %add3A_539 = arith.addi %add3A_534, %add3A_538 : vector<16xi32>
        %swap3A_540 = arith.constant 32 : index
        %swap3A_541 = tpu.vector_load %arg9[%swap3A_540] {strides = array<i32>} : memref<128xi32, #tpu.memory_space<vmem>>, vector<16xi32>,
        tpu.vector_store %arg9[%swap3A_540], %add3A_539 {strides = array<i32>} : memref<128xi32, #tpu.memory_space<vmem>>, vector<16xi32>,
        %add3A_542 = arith.constant 128 : i32
        %add3A_543 = vector.broadcast %add3A_542 : i32 to vector<16xi32>
        %add3A_544 = arith.addi %add3A_534, %add3A_543 : vector<16xi32>
        %swap3A_545 = arith.constant 64 : index
        %swap3A_546 = tpu.vector_load %arg9[%swap3A_545] {strides = array<i32>} : memref<128xi32, #tpu.memory_space<vmem>>, vector<16xi32>,
        tpu.vector_store %arg9[%swap3A_545], %add3A_544 {strides = array<i32>} : memref<128xi32, #tpu.memory_space<vmem>>, vector<16xi32>,
        %add3A_547 = arith.constant 128 : i32
        %add3A_548 = vector.broadcast %add3A_547 : i32 to vector<16xi32>
        %add3A_549 = arith.addi %add3A_534, %add3A_548 : vector<16xi32>
        %add3A_550 = arith.constant 1 : i32
        %add3A_551 = vector.broadcast %add3A_550 : i32 to vector<16xi32>
        %add3A_552 = arith.addi %add3A_549, %add3A_551 : vector<16xi32>
        %swap3A_553 = arith.constant 96 : index
        %swap3A_554 = tpu.vector_load %arg9[%swap3A_553] {strides = array<i32>} : memref<128xi32, #tpu.memory_space<vmem>>, vector<16xi32>,
        tpu.vector_store %arg9[%swap3A_553], %add3A_552 {strides = array<i32>} : memref<128xi32, #tpu.memory_space<vmem>>, vector<16xi32>,
        %mul3A_555 = arith.mulf %sub3A_528, %sub3A_525 : vector<16xf32>
        %swap3A_556 = arith.constant 128 : index
        %swap3A_557 = tpu.vector_load %arg10[%swap3A_556] {strides = array<i32>} : memref<272xf32, #tpu.memory_space<vmem>>, vector<16xf32>,
        tpu.vector_store %arg10[%swap3A_556], %mul3A_555 {strides = array<i32>} : memref<272xf32, #tpu.memory_space<vmem>>, vector<16xf32>,
        %mul3A_558 = arith.mulf %sub3A_528, %sub3A_520 : vector<16xf32>
        %swap3A_559 = arith.constant 160 : index
        %swap3A_560 = tpu.vector_load %arg10[%swap3A_559] {strides = array<i32>} : memref<272xf32, #tpu.memory_space<vmem>>, vector<16xf32>,
        tpu.vector_store %arg10[%swap3A_559], %mul3A_558 {strides = array<i32>} : memref<272xf32, #tpu.memory_space<vmem>>, vector<16xf32>,
        %mul3A_561 = arith.mulf %sub3A_522, %sub3A_525 : vector<16xf32>
        %swap3A_562 = arith.constant 192 : index
        %swap3A_563 = tpu.vector_load %arg10[%swap3A_562] {strides = array<i32>} : memref<272xf32, #tpu.memory_space<vmem>>, vector<16xf32>,
        tpu.vector_store %arg10[%swap3A_562], %mul3A_561 {strides = array<i32>} : memref<272xf32, #tpu.memory_space<vmem>>, vector<16xf32>,
        %mul3A_564 = arith.mulf %sub3A_522, %sub3A_520 : vector<16xf32>
        %swap3A_565 = arith.constant 224 : index
        %swap3A_566 = tpu.vector_load %arg10[%swap3A_565] {strides = array<i32>} : memref<272xf32, #tpu.memory_space<vmem>>, vector<16xf32>,
        tpu.vector_store %arg10[%swap3A_565], %mul3A_564 {strides = array<i32>} : memref<272xf32, #tpu.memory_space<vmem>>, vector<16xf32>,
        %mul3A_567 = arith.constant 32 : i32
        %mul3A_568 = arith.muli %add3A_484, %mul3A_567 : i32
        %add3A_569 = arith.constant 16 : i32
        %add3A_570 = arith.addi %mul3A_568, %add3A_569 : i32
        %get3A_571 = arith.index_cast %add3A_570 : i32 to index
        %get3A_572 = tpu.vector_load %arg6[%get3A_571] {strides = array<i32>} : memref<2048xf32, #tpu.memory_space<vmem>>, vector<16xf32>,
        %get3A_573 = arith.index_cast %add3A_570 : i32 to index
        %get3A_574 = tpu.vector_load %arg7[%get3A_573] {strides = array<i32>} : memref<2048xf32, #tpu.memory_space<vmem>>, vector<16xf32>,
        %add3A_575 = arith.constant 1.000000e+00 : f32
        %add3A_576 = vector.broadcast %add3A_575 : f32 to vector<16xf32>
        %add3A_577 = arith.addf %get3A_572, %add3A_576 : vector<16xf32>
        %mul3A_578 = arith.constant 6.350000e+01 : f32
        %mul3A_579 = vector.broadcast %mul3A_578 : f32 to vector<16xf32>
        %mul3A_580 = arith.mulf %add3A_577, %mul3A_579 : vector<16xf32>
        %add3A_581 = arith.constant 1.000000e+00 : f32
        %add3A_582 = vector.broadcast %add3A_581 : f32 to vector<16xf32>
        %add3A_583 = arith.addf %get3A_574, %add3A_582 : vector<16xf32>
        %mul3A_584 = arith.constant 6.350000e+01 : f32
        %mul3A_585 = vector.broadcast %mul3A_584 : f32 to vector<16xf32>
        %mul3A_586 = arith.mulf %add3A_583, %mul3A_585 : vector<16xf32>
        %convert_element_type3A_587 = arith.fptosi %mul3A_580 : vector<16xf32> to vector<16xi32>
        %max3A_588 = arith.constant 0 : i32
        %max3A_589 = vector.broadcast %max3A_588 : i32 to vector<16xi32>
        %max3A_590 = arith.maxsi %convert_element_type3A_587, %max3A_589 : vector<16xi32>
        %min3A_591 = arith.constant 126 : i32
        %min3A_592 = vector.broadcast %min3A_591 : i32 to vector<16xi32>
        %min3A_593 = arith.minsi %max3A_590, %min3A_592 : vector<16xi32>
        %convert_element_type3A_594 = arith.fptosi %mul3A_586 : vector<16xf32> to vector<16xi32>
        %max3A_595 = arith.constant 0 : i32
        %max3A_596 = vector.broadcast %max3A_595 : i32 to vector<16xi32>
        %max3A_597 = arith.maxsi %convert_element_type3A_594, %max3A_596 : vector<16xi32>
        %min3A_598 = arith.constant 126 : i32
        %min3A_599 = vector.broadcast %min3A_598 : i32 to vector<16xi32>
        %min3A_600 = arith.minsi %max3A_597, %min3A_599 : vector<16xi32>
        %convert_element_type3A_601 = arith.sitofp %min3A_593 : vector<16xi32> to vector<16xf32>
        %sub3A_602 = arith.subf %mul3A_580, %convert_element_type3A_601 : vector<16xf32>
        %convert_element_type3A_603 = arith.sitofp %min3A_600 : vector<16xi32> to vector<16xf32>
        %sub3A_604 = arith.subf %mul3A_586, %convert_element_type3A_603 : vector<16xf32>
        %sub3A_605 = arith.constant 1.000000e+00 : f32
        %sub3A_606 = vector.broadcast %sub3A_605 : f32 to vector<16xf32>
        %sub3A_607 = arith.subf %sub3A_606, %sub3A_602 : vector<16xf32>
        %sub3A_608 = arith.constant 1.000000e+00 : f32
        %sub3A_609 = vector.broadcast %sub3A_608 : f32 to vector<16xf32>
        %sub3A_610 = arith.subf %sub3A_609, %sub3A_604 : vector<16xf32>
        %mul3A_611 = arith.constant 128 : i32
        %mul3A_612 = vector.broadcast %mul3A_611 : i32 to vector<16xi32>
        %mul3A_613 = arith.muli %min3A_600, %mul3A_612 : vector<16xi32>
        %add3A_614 = vector.broadcast %mul3A_20 : i32 to vector<16xi32>
        %add3A_615 = arith.addi %add3A_614, %mul3A_613 : vector<16xi32>
        %add3A_616 = arith.addi %add3A_615, %min3A_593 : vector<16xi32>
        %swap3A_617 = arith.constant 16 : index
        %swap3A_618 = tpu.vector_load %arg9[%swap3A_617] {strides = array<i32>} : memref<128xi32, #tpu.memory_space<vmem>>, vector<16xi32>,
        tpu.vector_store %arg9[%swap3A_617], %add3A_616 {strides = array<i32>} : memref<128xi32, #tpu.memory_space<vmem>>, vector<16xi32>,
        %add3A_619 = arith.constant 1 : i32
        %add3A_620 = vector.broadcast %add3A_619 : i32 to vector<16xi32>
        %add3A_621 = arith.addi %add3A_616, %add3A_620 : vector<16xi32>
        %swap3A_622 = arith.constant 48 : index
        %swap3A_623 = tpu.vector_load %arg9[%swap3A_622] {strides = array<i32>} : memref<128xi32, #tpu.memory_space<vmem>>, vector<16xi32>,
        tpu.vector_store %arg9[%swap3A_622], %add3A_621 {strides = array<i32>} : memref<128xi32, #tpu.memory_space<vmem>>, vector<16xi32>,
        %add3A_624 = arith.constant 128 : i32
        %add3A_625 = vector.broadcast %add3A_624 : i32 to vector<16xi32>
        %add3A_626 = arith.addi %add3A_616, %add3A_625 : vector<16xi32>
        %swap3A_627 = arith.constant 80 : index
        %swap3A_628 = tpu.vector_load %arg9[%swap3A_627] {strides = array<i32>} : memref<128xi32, #tpu.memory_space<vmem>>, vector<16xi32>,
        tpu.vector_store %arg9[%swap3A_627], %add3A_626 {strides = array<i32>} : memref<128xi32, #tpu.memory_space<vmem>>, vector<16xi32>,
        %add3A_629 = arith.constant 128 : i32
        %add3A_630 = vector.broadcast %add3A_629 : i32 to vector<16xi32>
        %add3A_631 = arith.addi %add3A_616, %add3A_630 : vector<16xi32>
        %add3A_632 = arith.constant 1 : i32
        %add3A_633 = vector.broadcast %add3A_632 : i32 to vector<16xi32>
        %add3A_634 = arith.addi %add3A_631, %add3A_633 : vector<16xi32>
        %swap3A_635 = arith.constant 112 : index
        %swap3A_636 = tpu.vector_load %arg9[%swap3A_635] {strides = array<i32>} : memref<128xi32, #tpu.memory_space<vmem>>, vector<16xi32>,
        tpu.vector_store %arg9[%swap3A_635], %add3A_634 {strides = array<i32>} : memref<128xi32, #tpu.memory_space<vmem>>, vector<16xi32>,
        %mul3A_637 = arith.mulf %sub3A_610, %sub3A_607 : vector<16xf32>
        %swap3A_638 = arith.constant 144 : index
        %swap3A_639 = tpu.vector_load %arg10[%swap3A_638] {strides = array<i32>} : memref<272xf32, #tpu.memory_space<vmem>>, vector<16xf32>,
        tpu.vector_store %arg10[%swap3A_638], %mul3A_637 {strides = array<i32>} : memref<272xf32, #tpu.memory_space<vmem>>, vector<16xf32>,
        %mul3A_640 = arith.mulf %sub3A_610, %sub3A_602 : vector<16xf32>
        %swap3A_641 = arith.constant 176 : index
        %swap3A_642 = tpu.vector_load %arg10[%swap3A_641] {strides = array<i32>} : memref<272xf32, #tpu.memory_space<vmem>>, vector<16xf32>,
        tpu.vector_store %arg10[%swap3A_641], %mul3A_640 {strides = array<i32>} : memref<272xf32, #tpu.memory_space<vmem>>, vector<16xf32>,
        %mul3A_643 = arith.mulf %sub3A_604, %sub3A_607 : vector<16xf32>
        %swap3A_644 = arith.constant 208 : index
        %swap3A_645 = tpu.vector_load %arg10[%swap3A_644] {strides = array<i32>} : memref<272xf32, #tpu.memory_space<vmem>>, vector<16xf32>,
        tpu.vector_store %arg10[%swap3A_644], %mul3A_643 {strides = array<i32>} : memref<272xf32, #tpu.memory_space<vmem>>, vector<16xf32>,
        %mul3A_646 = arith.mulf %sub3A_604, %sub3A_602 : vector<16xf32>
        %swap3A_647 = arith.constant 240 : index
        %swap3A_648 = tpu.vector_load %arg10[%swap3A_647] {strides = array<i32>} : memref<272xf32, #tpu.memory_space<vmem>>, vector<16xf32>,
        tpu.vector_store %arg10[%swap3A_647], %mul3A_646 {strides = array<i32>} : memref<272xf32, #tpu.memory_space<vmem>>, vector<16xf32>,
        %dma_start3A_649 = arith.constant 1 : i32
        %dma_start3A_650 = arith.constant 0 : i32
        %dma_start3A_651 = arith.constant 0 : i32
        %dma_start3A_652 = tpu.memref_slice %arg11[%dma_start3A_649, %dma_start3A_650, %dma_start3A_651] : memref<2x128x256xf32, #tpu.memory_space<vmem>> -> memref<1x128x256xf32, #tpu.memory_space<vmem>>
        %dma_start3A_653 = tpu.memref_squeeze %dma_start3A_652 : memref<1x128x256xf32, #tpu.memory_space<vmem>> -> memref<128x256xf32, #tpu.memory_space<vmem>>
        %dma_start3A_654 = arith.constant 0 : i32
        %dma_start3A_655 = arith.constant 0 : i32
        %dma_start3A_656 = tpu.memref_slice %arg2[%dma_start3A_654, %dma_start3A_655] : memref<262144x256xf32, #tpu.memory_space<hbm>> -> memref<262144x256xf32, #tpu.memory_space<hbm>>
        tpu.enqueue_indirect_dma source(%dma_start3A_656 : memref<262144x256xf32, #tpu.memory_space<hbm>>) target(%dma_start3A_653 : memref<128x256xf32, #tpu.memory_space<vmem>>) offsets(%arg9 : memref<128xi32, #tpu.memory_space<vmem>>) semaphore(%arg14 : memref<!tpu.dma_semaphore, #tpu.memory_space<semaphore_mem>>)
      } else {
      }
      %mul3A_466 = arith.constant 32 : i32
      %mul3A_467 = arith.muli %add3A_442, %mul3A_466 : i32
      %add3A_468 = arith.addi %mul3A_2, %mul3A_467 : i32
      %dma_start3A_469 = arith.constant 1 : i32
      %dma_start3A_470 = arith.constant 0 : i32
      %dma_start3A_471 = arith.constant 0 : i32
      %dma_start3A_472 = tpu.memref_slice %arg12[%dma_start3A_469, %dma_start3A_470, %dma_start3A_471] : memref<2x32x256xf32, #tpu.memory_space<vmem>> -> memref<1x32x256xf32, #tpu.memory_space<vmem>>
      %dma_start3A_473 = tpu.memref_squeeze %dma_start3A_472 : memref<1x32x256xf32, #tpu.memory_space<vmem>> -> memref<32x256xf32, #tpu.memory_space<vmem>>
      %dma_start3A_474 = arith.constant 0 : i32
      %dma_start3A_475 = tpu.memref_slice %arg5[%add3A_468, %dma_start3A_474] : memref<65536x256xf32, #tpu.memory_space<hbm>> -> memref<32x256xf32, #tpu.memory_space<hbm>>
      %dma_start3A_476 = arith.constant 0 : i32
      %dma_start3A_477 = tpu.memref_slice %arg5[%add3A_468, %dma_start3A_476] : memref<65536x256xf32, #tpu.memory_space<hbm>> -> memref<32x256xf32, #tpu.memory_space<hbm>>
      %dma_start3A_478 = arith.constant 0 : i32
      %dma_start3A_479 = arith.constant 0 : i32
      %dma_start3A_480 = tpu.memref_slice %arg12[%dma_start3A_469, %dma_start3A_478, %dma_start3A_479] : memref<2x32x256xf32, #tpu.memory_space<vmem>> -> memref<1x32x256xf32, #tpu.memory_space<vmem>>
      %dma_start3A_481 = tpu.memref_squeeze %dma_start3A_480 : memref<1x32x256xf32, #tpu.memory_space<vmem>> -> memref<32x256xf32, #tpu.memory_space<vmem>>
      tpu.enqueue_dma source(%dma_start3A_481 : memref<32x256xf32, #tpu.memory_space<vmem>>) target(%dma_start3A_477 : memref<32x256xf32, #tpu.memory_space<hbm>>) target_semaphore(%arg16 : memref<!tpu.dma_semaphore, #tpu.memory_space<semaphore_mem>>)
      %scan3A_482 = arith.constant 0 : i32
      scf.yield %scan3A_482 : i32
    }
    %scan3A_372 = arith.constant 32 : i32
    %dma_wait3A = arith.constant 0 : i32
    %dma_wait3A_373 = arith.constant 0 : i32
    %dma_wait3A_374 = arith.constant 0 : i32
    %dma_wait3A_375 = tpu.memref_slice %arg12[%dma_wait3A, %dma_wait3A_373, %dma_wait3A_374] : memref<2x32x256xf32, #tpu.memory_space<vmem>> -> memref<1x32x256xf32, #tpu.memory_space<vmem>>
    %dma_wait3A_376 = tpu.memref_squeeze %dma_wait3A_375 : memref<1x32x256xf32, #tpu.memory_space<vmem>> -> memref<32x256xf32, #tpu.memory_space<vmem>>
    %dma_wait3A_377 = arith.constant 0 : i32
    %dma_wait3A_378 = tpu.memref_slice %arg5[%mul3A_2, %dma_wait3A_377] : memref<65536x256xf32, #tpu.memory_space<hbm>> -> memref<32x256xf32, #tpu.memory_space<hbm>>
    %dma_wait3A_379 = arith.constant 0 : i32
    %dma_wait3A_380 = tpu.memref_slice %arg5[%mul3A_2, %dma_wait3A_379] : memref<65536x256xf32, #tpu.memory_space<hbm>> -> memref<32x256xf32, #tpu.memory_space<hbm>>
    %dma_wait3A_381 = arith.constant 0 : i32
    %dma_wait3A_382 = arith.constant 0 : i32
    %dma_wait3A_383 = tpu.memref_slice %arg12[%dma_wait3A, %dma_wait3A_381, %dma_wait3A_382] : memref<2x32x256xf32, #tpu.memory_space<vmem>> -> memref<1x32x256xf32, #tpu.memory_space<vmem>>
    %dma_wait3A_384 = tpu.memref_squeeze %dma_wait3A_383 : memref<1x32x256xf32, #tpu.memory_space<vmem>> -> memref<32x256xf32, #tpu.memory_space<vmem>>
    tpu.wait_dma2 semaphore(%arg15 : memref<!tpu.dma_semaphore, #tpu.memory_space<semaphore_mem>>) src(%dma_wait3A_384 : memref<32x256xf32, #tpu.memory_space<vmem>>) dst(%dma_wait3A_380 : memref<32x256xf32, #tpu.memory_space<hbm>>)
    %dma_wait3A_385 = arith.constant 1 : i32
    %dma_wait3A_386 = arith.constant 0 : i32
    %dma_wait3A_387 = arith.constant 0 : i32
    %dma_wait3A_388 = tpu.memref_slice %arg12[%dma_wait3A_385, %dma_wait3A_386, %dma_wait3A_387] : memref<2x32x256xf32, #tpu.memory_space<vmem>> -> memref<1x32x256xf32, #tpu.memory_space<vmem>>
    %dma_wait3A_389 = tpu.memref_squeeze %dma_wait3A_388 : memref<1x32x256xf32, #tpu.memory_space<vmem>> -> memref<32x256xf32, #tpu.memory_space<vmem>>
    %dma_wait3A_390 = arith.constant 0 : i32
    %dma_wait3A_391 = tpu.memref_slice %arg5[%mul3A_2, %dma_wait3A_390] : memref<65536x256xf32, #tpu.memory_space<hbm>> -> memref<32x256xf32, #tpu.memory_space<hbm>>
    %dma_wait3A_392 = arith.constant 0 : i32
    %dma_wait3A_393 = tpu.memref_slice %arg5[%mul3A_2, %dma_wait3A_392] : memref<65536x256xf32, #tpu.memory_space<hbm>> -> memref<32x256xf32, #tpu.memory_space<hbm>>
    %dma_wait3A_394 = arith.constant 0 : i32
    %dma_wait3A_395 = arith.constant 0 : i32
    %dma_wait3A_396 = tpu.memref_slice %arg12[%dma_wait3A_385, %dma_wait3A_394, %dma_wait3A_395] : memref<2x32x256xf32, #tpu.memory_space<vmem>> -> memref<1x32x256xf32, #tpu.memory_space<vmem>>
    %dma_wait3A_397 = tpu.memref_squeeze %dma_wait3A_396 : memref<1x32x256xf32, #tpu.memory_space<vmem>> -> memref<32x256xf32, #tpu.memory_space<vmem>>
    tpu.wait_dma2 semaphore(%arg16 : memref<!tpu.dma_semaphore, #tpu.memory_space<semaphore_mem>>) src(%dma_wait3A_397 : memref<32x256xf32, #tpu.memory_space<vmem>>) dst(%dma_wait3A_393 : memref<32x256xf32, #tpu.memory_space<hbm>>)
    return
  }
}

</mosaic_0001>

<sc_bundles>
// kernel: kernel.3.cloned.1.call-start
scs
__scs_entry_jumppad:
0x0: {  	(pc) =	sbr.rel $0x88, $3  }
0x1: {  	(tag) =	ssettag $0x0;
	lr =	simm.s32 $0x1  }
0x2: {  	[smem:$0x3F9F] =	sst lr;
	_ =	strace $0xD0000000  }
0x3: {  	_ = 	snop  }
0x4: {  	_ = 	snop  }
0x5: {  	_ = 	snop  }
0x6: {  	_ = 	snop  }
0x7: {  	_ = 	snop  }
__scs_overlays_trampoline_lowered:
0x8: {  	[smem:$0x3FAE] =	sst s0  }
0x9: {  	[smem:$0x3FAF] =	sst s1  }
0xa: {  	[smem:$0x3FB0] =	sst s2  }
0xb: {  	[smem:$0x3FB1] =	sst s3  }
0xc: {  	[smem:$0x3FB2] =	sst s4  }
0xd: {  	[smem:$0x3FB3] =	sst s5  }
0xe: {  	[smem:$0x3FB4] =	sst s6  }
0xf: {  	[smem:$0x3FB5] =	sst s7  }
0x10: {  	[smem:$0x3FB6] =	sst s8  }
0x11: {  	[smem:$0x3FB7] =	sst s9;
	s0 =	simm.s32 @!p0 $0x0  }
0x12: {  	s1 =	sld [smem:$0x3F9D];
	s0 =	simm.s32 @p0 $0x1  }
0x13: {  	[smem:$0x3FB8] =	sst s0;
	s0 =	simm.s32 @!p1 $0x0  }
0x14: {  	s2 =	sld [smem:$0x3F9C];
	s0 =	simm.s32 @p1 $0x1  }
0x15: {  	[smem:$0x3FB9] =	sst s0;
	s0 =	simm.s32 @!p2 $0x0  }
0x16: {  	s3 =	sld [smem:$0x3FDB];
	s0 =	simm.s32 @p2 $0x1  }
0x17: {  	s4 =	simm.s32 $0x1BF5;
	[smem:$0x3FBB] =	sst s0  }
0x18: {  	s0 =	sld [smem:$0x3F9E];
	_ =	swait.ge [sflag:s4], $0x0  }
0x19: {  	s7 =	sld [smem:$0x3F9F]  }
0x1a: {  	s8 =	sadd.s32 $0xFFFFE003, lr  }
0x1b: {  	s9 =	sadd.s32 $0xFFFFFEF7, lr;
	s5 =	simm.s32 $0xFFFFFFFF;
	p2 =	slt.u32 s8, $0xFFFFF086  }
0x1c: {  	p1 =	slt.u32 s9, $0xF7A;
	s5 =	simm.s32 @!p2 $0x0  }
0x1d: {  	s5 =	simm.s32 @p1 $0x1;
	p0 =	seq.s32 s7, s2  }
0x1e: {  	s7 =	smul.u32 @!p0 $0xF7A, s2;
	p2 =	seq.s32 @!p0 s5, $0x0  }
0x1f: {  	s9 =	smul.u32 $0xF7A, s1;
	s8 =	simm.s32 @!p0 $0x1BF5;
	p2 =	por !p2, p0  }
0x20: {  	[sflag:s8] =	ssyncset.s32 @!p0 $0xFFFFF086;
	s6 =	sadd.s32 @!p0 s3, s7;
	s7 =	simm.s32 @!p0 $0x108  }
0x21: {  	s3 =	sadd.s32 s3, s9;
	s6 =	sadd.s32 @!p0 $0x88, s6;
	s7 =	simm.s32 @p2 $0x1082  }
0x22: {  	[simem:s7], [sflag:s8] =	dma.local @!p0 [hbm:s6], $0xF7A  }
0x23: {  	s9 =	sor.u32 $0xD0000000, s2;
	s6 =	simm.s32 $0x108;
	_ =	swait.ge @!p0 [sflag:s8], $0x0  }
0x24: {  	s3 =	sadd.s32 $0x88, s3;
	s6 =	simm.s32 @!p1 $0x1082;
	[sflag:s4] =	ssyncset.s32 $0xFFFFF086  }
0x25: {  	[simem:s6], [sflag:s4] =	dma.local [hbm:s3], $0xF7A  }
0x26: {  	[smem:$0x3F9F] =	sst s1;
	(tag) =	ssettag s2;
	_ =	strace s9  }
0x27: {  	s1 =	sld [smem:$0x3FAF]  }
0x28: {  	s2 =	sld [smem:$0x3FB0]  }
0x29: {  	s4 =	sld [smem:$0x3FB2]  }
0x2a: {  	p0 =	seq.s32 s5, $0x0;
	s5 =	sld [smem:$0x3FB3]  }
0x2b: {  	s6 =	sld [smem:$0x3FB4]  }
0x2c: {  	s7 =	sld [smem:$0x3FB5]  }
0x2d: {  	s3 =	simm.s32 $0x108;
	s8 =	sld [smem:$0x3FB6]  }
0x2e: {  	s3 =	simm.s32 @!p0 $0x1082;
	s9 =	sld [smem:$0x3FB7]  }
0x2f: {  	lr =	sadd.s32 s0, s3;
	s0 =	sld [smem:$0x3FAE]  }
0x30: {  	s3 =	sld [smem:$0x3FB1]  }
0x31: {  	[smem:$0x3FBA] =	sst s10  }
0x32: {  	s10 =	sld [smem:$0x3FB8];
	_ =	sdelay $0x3  }
0x33: {  	p0 =	seq.s32 s10, $0x1;
	s10 =	sld [smem:$0x3FBA];
	_ =	sdelay $0x3  }
0x34: {  	[smem:$0x3FBA] =	sst s10  }
0x35: {  	s10 =	sld [smem:$0x3FB9];
	_ =	sdelay $0x3  }
0x36: {  	p1 =	seq.s32 s10, $0x1;
	s10 =	sld [smem:$0x3FBA];
	_ =	sdelay $0x3  }
0x37: {  	[smem:$0x3FBA] =	sst s10  }
0x38: {  	s10 =	sld [smem:$0x3FBB]  }
0x39: {  	_ = 	snop;
	(pc) =	sbr.ind lr, $3  }
0x3a: {  	_ = 	snop  }
0x3b: {  	_ = 	snop  }
0x3c: {  	p2 =	seq.s32 s10, $0x1;
	s10 =	sld [smem:$0x3FBA]  }
0x3d: {  	_ =	shalt  }
0x3e: {  	_ =	shalt  }
0x3f: {  	_ =	shalt  }
0x40: {  	_ =	shalt  }
0x41: {  	_ =	shalt  }
0x42: {  	_ =	shalt  }
0x43: {  	_ =	shalt  }
0x44: {  	_ =	shalt  }
0x45: {  	_ =	shalt  }
0x46: {  	_ =	shalt  }
0x47: {  	_ =	shalt  }
0x48: {  	_ =	shalt  }
0x49: {  	_ =	shalt  }
0x4a: {  	_ =	shalt  }
0x4b: {  	_ =	shalt  }
0x4c: {  	_ =	shalt  }
0x4d: {  	_ =	shalt  }
0x4e: {  	_ =	shalt  }
0x4f: {  	_ =	shalt  }
0x50: {  	_ =	shalt  }
0x51: {  	_ =	shalt  }
0x52: {  	_ =	shalt  }
0x53: {  	_ =	shalt  }
0x54: {  	_ =	shalt  }
0x55: {  	_ =	shalt  }
0x56: {  	_ =	shalt  }
0x57: {  	_ =	shalt  }
0x58: {  	_ =	shalt  }
0x59: {  	_ =	shalt  }
0x5a: {  	_ =	shalt  }
0x5b: {  	_ =	shalt  }
0x5c: {  	_ =	shalt  }
0x5d: {  	_ =	shalt  }
0x5e: {  	_ =	shalt  }
0x5f: {  	_ =	shalt  }
0x60: {  	_ =	shalt  }
0x61: {  	_ =	shalt  }
0x62: {  	_ =	shalt  }
0x63: {  	_ =	shalt  }
0x64: {  	_ =	shalt  }
0x65: {  	_ =	shalt  }
0x66: {  	_ =	shalt  }
0x67: {  	_ =	shalt  }
0x68: {  	_ =	shalt  }
0x69: {  	_ =	shalt  }
0x6a: {  	_ =	shalt  }
0x6b: {  	_ =	shalt  }
0x6c: {  	_ =	shalt  }
0x6d: {  	_ =	shalt  }
0x6e: {  	_ =	shalt  }
0x6f: {  	_ =	shalt  }
0x70: {  	_ =	shalt  }
0x71: {  	_ =	shalt  }
0x72: {  	_ =	shalt  }
0x73: {  	_ =	shalt  }
0x74: {  	_ =	shalt  }
0x75: {  	_ =	shalt  }
0x76: {  	_ =	shalt  }
0x77: {  	_ =	shalt  }
0x78: {  	_ =	shalt  }
0x79: {  	_ =	shalt  }
0x7a: {  	_ =	shalt  }
0x7b: {  	_ =	shalt  }
0x7c: {  	_ =	shalt  }
0x7d: {  	_ =	shalt  }
0x7e: {  	_ =	shalt  }
0x7f: {  	_ =	shalt  }
0x80: {  	_ =	shalt  }
0x81: {  	_ =	shalt  }
0x82: {  	_ =	shalt  }
0x83: {  	_ =	shalt  }
0x84: {  	_ =	shalt  }
0x85: {  	_ =	shalt  }
0x86: {  	_ =	shalt  }
0x87: {  	_ =	shalt  }
.Lfunc_end0:
.L_simem_size_0:
called_computation.2_lowered:
.L_overlay_start_0:
0x88: {  	s2 =	sld [smem:$0x3FD9]  }
0x89: {  	s3 =	sld [smem:$0x3FFE];
	_ =	sdelay $0x1  }
0x8a: {  	s1 =	srdreg.scid  }
0x8b: {  	s0 =	sand.u32 $0x1, s1  }
0x8c: {  	s17 =	sshll.u32 s0, $0xA;
	s2 =	sadd.s32 s3, s2  }
0x8d: {  	s2 =	sadd.s32 s2, s17  }
0x8e: {  	[smem:$0x3FC6] =	sst s2  }
0x8f: {  	_ = 	snop  }
0x90: {  	s2 =	sld [smem:$0x3FD0];
	(tm) =	ssettm $0x1  }
0x91: {  	s18 =	sld [smem:$0x3FFB];
	_ =	sdelay $0x3  }
0x92: {  	_ =	strace s18  }
0x93: {  	s3 =	sld [smem:$0x3FFC];
	_ =	sdelay $0x3  }
0x94: {  	_ =	strace s3  }
0x95: {  	s3 =	sld [smem:$0x3FFD];
	_ =	sdelay $0x3  }
0x96: {  	_ =	strace s3  }
0x97: {  	_ =	strace $0x8FFFFFFF  }
0x98: {  	s19 =	sld [smem:$0x3FDB];
	_ =	sdelay $0x1  }
0x99: {  	s4 =	simm.s32 $_scs_section_size  }
0x9a: {  	s5 =	simm.s32 $_size__tile_overlayer_lowered;
	s6 =	simm.s32 $_tile_overlayer_lowered  }
0x9b: {  	s22 =	simm.s32 $0x1BFF;
	s21 =	sshll.u32 s6, $0x1;
	s3 =	sadd.s32 s4, s19  }
0x9c: {  	s7 =	simm.s32 $0x0;
	s20 =	sshll.u32 s5, $0x1;
	s5 =	sadd.s32 s21, s3  }
0x9d: {  	[timem:s7], [sflag:s22] =	dma.local [hbm:s5], s20  }
0x9e: {  	_ =	swait.ge [sflag:s22], s20  }
0x9f: {  	s4 =	ssub.s32 $0x0, s20;
	[sflag:s22] =	ssyncset.done $0x0  }
0xa0: {  	[sflag:s22] =	ssyncadd.s32 s4;
	_ =	sdelay $0x1  }
0xa1: {  	s23 =	simm.s32 $0x1B8B  }
0xa2: {  	_ =	swait.ge [sflag:s23], $0x1  }
0xa3: {  	[sflag:s23] =	ssyncset.done $0x0  }
0xa4: {  	s25 =	simm.s32 $0x1B8E;
	s24 =	sld [smem:$0x3FFE];
	[sflag:s23] =	ssyncadd.s32 $0xFFFFFFFF  }
0xa5: {  	s26 =	simm.s32 $execute0_lowered;
	[smem:$0x3FD2] =	sst s25  }
0xa6: {  	s5 =	sshll.u32 s26, $0x1;
	_ =	strace $0x80000049;
	[dreg:$0x1] =	wrdreg $0xFFFFFFFF  }
0xa7: {  	s28 =	simm.s32 $_size_execute0_lowered;
	s3 =	sadd.s32 s3, s5;
	[dreg:$0x0] =	wrdreg $0x0  }
0xa8: {  	s5 =	sshll.u32 s28, $0x1;
	[dreg:$0x2] =	wrdreg s3  }
0xa9: {  	[dreg:$0x3] =	wrdreg s5  }
0xaa: {  	[dreg:$0x4] =	wrdreg $0xC0  }
0xab: {  	_ =	task [dreg:s7], $0x5FFFF  }
0xac: {  	[dreg:$0x1] =	wrdreg $0xFFFFFFFF  }
0xad: {  	[dreg:$0x0] =	wrdreg $0x60  }
0xae: {  	[dreg:$0x2] =	wrdreg s24  }
0xaf: {  	[dreg:$0x3] =	wrdreg s2  }
0xb0: {  	[dreg:$0x4] =	wrdreg $0x9  }
0xb1: {  	_ =	task.clear_ibuf [dreg:s7], $0x5FFFF;
	_ =	strace $0x90000049  }
0xb2: {  	s29 =	simm.s32 $0x9;
	_ =	strace $0x8000004B  }
0xb3: {  	_ =	swait.ge [sflag:s29], $0x1  }
0xb4: {  	[sflag:s29] =	ssyncadd.s32 $0xFFFFFFFF  }
0xb5: {  	_ =	strace $0x9000004B  }
0xb6: {  	_ =	sfence  }
0xb7: {  	s30 =	sld [smem:$0x0];
	_ =	sdelay $0x2  }
0xb8: {  	s31 =	sshll.u32 s1, $0xD;
	s1 =	sshrl.u32 s1, $0x2  }
0xb9: {  	s3 =	sand.u32 $0x4000, s31;
	s1 =	sadd.s32 s1, s30  }
0xba: {  	s0 =	sor.u32 s3, s0;
	s1 =	sshll.u32 s1, $0x11  }
0xbb: {  	s0 =	sor.u32 s1, s0  }
0xbc: {  	s0 =	sadd.s32 $0x8F2B, s0  }
0xbd: {  	[sflag:s0] =	ssyncadd.remote.s32 $0x1  }
0xbe: {  	_ =	sfence.sel $0xFFFF  }
0xbf: {  	[dreg:$0x0] =	wrdreg $0xFFFFFFFF;
	(pc) =	sbr.abs _section_cstart, $3  }
0xc0: {  	[dreg:$0x1] =	wrdreg $0xFFFFFFFF  }
0xc1: {  	_ =	task.clear_ibuf [dreg:s7], $0x2FFFF;
	_ =	strace $0x9FFFFFFF  }
0xc2: {  	(tm) =	ssettm $0x7FFFFFFF  }
0xc3: {  	_ =	shalt  }
tec
execute0_lowered:
.L_overlay_start_1:
0x0: {  	(tag) =	ssettag $0x1  }
0x1: {  	s3 =	srdreg.scid;
	s9 =	stileid.u32  }
0x2: {  	s4 =	sand.u32 $0x1, s3;
	s5 =	sshll.u32 s9, $0x1  }
0x3: {  	v0 =	vimm.s32 $0x3210FEDC;
	v1 =	vimm.s32 $0x76543210;
	v55 =	vimm.s32 $0xFEDCBA98;
	s5 =	sor.u32 s4, s5  }
0x4: {  	v3 =	vimm.s32 $0xBA987654;
	v4 =	vimm.s32 $0x10FEDCBA;
	v5 =	vimm.s32 $0x98765432;
	p1 =	seq.s32 s4, $0x1;
	p0 =	seq.s32 s5, $0x0  }
0x5: {  	v6 =	vimm.s32 $0xFEDCBA9;
	v7 =	vimm.s32 $0x87654321;
	v58 =	vlaneseq.u32;
	p0 =	por !p0, !p1  }
0x6: {  	s0 =	rddreg [dreg:$0x0];
	s8 =	simm.s32 $0x1;
	v0 =	vunpack.c.l.s4.s8 v0;
	v1 =	vunpack.c.l.s4.s8 v1;
	v3 =	vunpack.c.l.s4.s8 v3;
	p0 =	por !p0, !p0  }
0x7: {  	s1 =	rddreg [dreg:$0x1];
	s2 =	simm.s32 $0x0;
	v4 =	vunpack.c.l.s4.s8 v4;
	v5 =	vunpack.c.l.s4.s8 v5;
	v6 =	vunpack.c.l.s4.s8 v6;
	s8 =	simm.s32 @!p0 $0x0  }
0x8: {  	s16 =	simm.s32 $0xDA80;
	s22 =	simm.s32 $0xE280;
	v7 =	vunpack.c.l.s4.s8 v7;
	v59 =	vshrl.u32 v58, $0x3;
	v60 =	vand.u32 $0x7, v58;
	s8 =	ssub.s32 s9, s8  }
0x9: {  	s10 =	simm.s32 $0xF280;
	s11 =	simm.s32 $0xFA80;
	v61 =	vor.u32 $0x8, v58;
	v0 =	vunpack.c.0.s8.s32 v0;
	v3 =	vunpack.c.0.s8.s32 v3;
	s8 =	sshll.u32 s8, $0xE  }
0xa: {  	s12 =	simm.s32 $0x10280;
	s13 =	simm.s32 $0x10A80;
	[smem:$0x7FF] =	sst s2;
	v4 =	vunpack.c.0.s8.s32 v4;
	v5 =	vunpack.c.0.s8.s32 v5;
	v2 =	vmov s8  }
0xb: {  	s14 =	simm.s32 $0x11280;
	s15 =	simm.s32 $0x2;
	_ =	strace $0x8000004A;
	v56 =	vunpack.c.0.s8.s32 v6;
	v57 =	vunpack.c.0.s8.s32 v7;
	[tilespmem:$0x1FF80] =	vst v2;
	v2 =	vunpack.c.l.s4.s8 v55  }
0xc: {  	s17 =	simm.s32 $0x13280;
	s3 =	sadd.s32 $0x1000, s0;
	s4 =	ssub.s32 $0x2, s4;
	[tilespmem:$0x1FF90] =	vst v60;
	v0 =	vcombine.low v3, v0;
	v4 =	vcombine.low v5, v4;
	v5 =	vmul.u32 $0x8, v59  }
0xd: {  	[tilespmem:$0x1FFB0] =	vst v61;
	s6 =	sshll.u32 s5, $0x8;
	s5 =	sshll.u32 s5, $0x10;
	s30 =	sshrl.u32 s4, $0x1;
	v2 =	vunpack.c.0.s8.s32 v2  }
.Ltmp0:
0xe: {  	v1 =	vunpack.c.0.s8.s32 v1;
	s7 =	sadd.s32 s6, s0;
	s0 =	sadd.s32 s5, s0;
	v3 =	vcombine.low v57, v56;
	[tilespmem:$0x1FFA0] =	vst v5;
	v0 =	vand.u32 $0xF, v0;
	(pc) =	sbr.rel .LBB2_1-.Ltmp0, $4  }
0xf: {  	s5 =	ssub.s32 s4, s30;
	s4 =	simm.s32 $0x1;
	s1 =	sadd.s32 s1, s6;
	v62 =	vand.u32 $0xF, v4;
	[tilespmem:$0x1FFD0] =	vst v0;
	v2 =	vand.u32 $0xF, v2  }
0x10: {  	s6 =	simm.s32 $0xD280;
	s7 =	sadd.s32 $0x801000, s7;
	[dreg:$0x4] =	wrdreg s1;
	v63 =	vand.u32 $0xF, v3;
	[tilespmem:$0x1FFE0] =	vst v62;
	v1 =	vcombine.low v2, v1  }
0x11: {  	s31 =	smax.u32 s5, $0x1;
	s5 =	simm.s32 $0x0;
	[dreg:$0x3] =	wrdreg s7;
	[tilespmem:$0x1FFF0] =	vst v63  }
0x12: {  	vm0 =	vmmov $0xffff;
	s7 =	sadd.s32 $0x803000, s0;
	[dreg:$0x5] =	wrdreg s31;
	s9 =	simm.s32 $0xEA80;
	[tilespmem:$0x1FFC0] =	vst v1  }
.LBB2_11:
0x13: {  	s0 =	simm.s32 $0x3  }
0x14: {  	_ =	swait.ge [sflag:s0], $0x2000  }
0x15: {  	[sflag:s0] =	ssyncset.done $0x0  }
0x16: {  	s1 =	simm.s32 $0x4;
	[sflag:s0] =	ssyncadd.s32 $0xFFFFE000  }
0x17: {  	_ =	swait.ge [sflag:s1], $0x2000  }
0x18: {  	s5 =	rddreg [dreg:$0x6]  }
0x19: {  	s31 =	rddreg [dreg:$0x5];
	s5 =	sadd.s32 $0x1, s5  }
0x1a: {  	p0 =	sne.s32 s5, s31  }
.Ltmp1:
0x1b: {  	_ = 	snop;
	(pc) =	sbr.rel @!p0 .LBB2_12-.Ltmp1, $3  }
0x1c: {  	_ =	sdelay $0x1  }
0x1d: {  	[sflag:s1] =	ssyncset.done $0x0  }
0x1e: {  	[sflag:s1] =	ssyncadd.s32 $0xFFFFE000  }
.LBB2_1:
0x1f: {  	[dreg:$0x6] =	wrdreg s5  }
0x20: {  	s0 =	rddreg [dreg:$0x3];
	s19 =	simm.s32 $0x5  }
0x21: {  	[tilespmem:s2], [sflag:$0x5] =	stream.linear.gather [hbm4b:s0+s2], $0x800, $0x38;
	[tilespmem:$0x15280] =	vst v63  }
0x22: {  	_ =	swait.ge [sflag:s19], $0x800  }
0x23: {  	[sflag:s19] =	ssyncset.done $0x0  }
0x24: {  	s1 =	simm.s32 $0x800;
	s20 =	rddreg [dreg:$0x4];
	[sflag:s19] =	ssyncadd.s32 $0xFFFFF800  }
0x25: {  	[tilespmem:s1], [sflag:$0x5] =	stream.linear.gather [hbm4b:s20+s2], $0x800, $0x38;
	[tilespmem:$0x15280] =	vst v63  }
0x26: {  	_ =	swait.ge [sflag:s19], $0x800  }
0x27: {  	[sflag:s19] =	ssyncset.done $0x0  }
0x28: {  	[sflag:s19] =	ssyncadd.s32 $0xFFFFF800  }
0x29: {  	v0 =	vld [tilespmem:$0x0]  }
0x2a: {  	v1 =	vld [tilespmem:$0x800];
	_ =	sdelay $0x3  }
0x2b: {  	v0 =	vadd.f32 $1.000000000e+00, v0  }
0x2c: {  	v1 =	vadd.f32 $1.000000000e+00, v1  }
0x2d: {  	v3 =	vld [tilespmem:$0x10];
	v0 =	vmul.f32 $6.350000000e+01, v0  }
0x2e: {  	v5 =	vld [tilespmem:$0x810];
	v1 =	vmul.f32 $6.350000000e+01, v1  }
0x2f: {  	v2 =	vtrunc.f32 v0  }
0x30: {  	v4 =	vtrunc.f32 v1;
	v2 =	vcvt.f32.s32 v2  }
0x31: {  	v4 =	vcvt.f32.s32 v4  }
0x32: {  	v12 =	vld [tilespmem:$0x1FF80];
	v3 =	vadd.f32 $1.000000000e+00, v3;
	vm1 =	vgt.s32 v2, $0x0  }
0x33: {  	v5 =	vadd.f32 $1.000000000e+00, v5;
	v2 =	vnsel vm1, $0x0, v2;
	vm1 =	vgt.s32 v4, $0x0  }
0x34: {  	v3 =	vmul.f32 $6.350000000e+01, v3;
	v2 =	vmin.u32 v2, $0x7E;
	v4 =	vnsel vm1, $0x0, v4  }
0x35: {  	v5 =	vmul.f32 $6.350000000e+01, v5;
	v4 =	vmin.u32 v4, $0x7E;
	v6 =	vcvt.s32.f32 v2  }
0x36: {  	v43 =	vtrunc.f32 v3;
	v7 =	vcvt.s32.f32 v4;
	v4 =	vshll.u32 v4, $0x7  }
0x37: {  	v44 =	vtrunc.f32 v5;
	v0 =	vsub.f32 v0, v6;
	v4 =	vor.u32 v12, v4  }
0x38: {  	v6 =	vcvt.f32.s32 v43;
	v1 =	vsub.f32 v1, v7;
	v2 =	vor.u32 v2, v4  }
0x39: {  	v45 =	vcvt.f32.s32 v44;
	v8 =	vsub.f32 $1.000000000e+00, v0;
	v9 =	vadd.s32 $0x1, v2  }
0x3a: {  	vm1 =	vgt.s32 v6, $0x0;
	[tilespmem:$0x1000] =	vst v2;
	v10 =	vadd.s32 $0x80, v2;
	v46 =	vsub.f32 $1.000000000e+00, v1  }
0x3b: {  	v2 =	vadd.s32 $0x81, v2;
	v6 =	vnsel vm1, $0x0, v6;
	vm1 =	vgt.s32 v45, $0x0;
	[tilespmem:$0x1020] =	vst v9;
	v47 =	vld [tilespmem:$0x1000]  }
0x3c: {  	[tilespmem:$0x1040] =	vst v10;
	v6 =	vmin.u32 v6, $0x7E;
	v4 =	vnsel vm1, $0x0, v45;
	v48 =	vmul.f32 v46, v8  }
0x3d: {  	[tilespmem:$0x1060] =	vst v2;
	v4 =	vmin.u32 v4, $0x7E;
	v11 =	vcvt.s32.f32 v6;
	v49 =	vmul.f32 v46, v0  }
0x3e: {  	v13 =	vld [tilespmem:$0x1FF90];
	v8 =	vmul.f32 v8, v1;
	v50 =	vcvt.s32.f32 v4;
	[tilespmem:$0x1100] =	vst v48  }
0x3f: {  	v14 =	vld [tilespmem:$0x1FFA0];
	v0 =	vmul.f32 v1, v0;
	v52 =	vshll.u32 v4, $0x7;
	v3 =	vsub.f32 v3, v11;
	[tilespmem:$0x1120] =	vst v49  }
0x40: {  	v15 =	vld [tilespmem:$0x1FFB0];
	[tilespmem:$0x1140] =	vst v8;
	v2 =	vor.u32 v12, v52;
	v51 =	vsub.f32 v5, v50;
	v54 =	vshll.u32 v47, $0x1  }
0x41: {  	[tilespmem:$0x1160] =	vst v0;
	v55 =	vor.u32 v6, v2;
	v56 =	vand.u32 $0x7, v47;
	v5 =	vand.u32 $0xFFFFFFF0, v54  }
0x42: {  	[tilespmem:$0x1010] =	vst v55;
	v58 =	vadd.s32 $0x1, v55;
	v2 =	vor.u32 v56, v5  }
0x43: {  	v53 =	vsub.f32 $1.000000000e+00, v3;
	v59 =	vadd.s32 $0x80, v55;
	[tilespmem:$0x1030] =	vst v58;
	v60 =	vperm.xlane v2, v13  }
0x44: {  	v0 =	vadd.s32 $0x81, v55;
	v57 =	vsub.f32 $1.000000000e+00, v51;
	[tilespmem:$0x1050] =	vst v59;
	v9 =	vmul.f32 v51, v3  }
0x45: {  	[tilespmem:$0x1070] =	vst v0;
	v2 =	vperm.xlane v2, v15;
	v4 =	vmul.f32 v53, v51;
	v63 =	vadd.s32 v14, v60  }
0x46: {  	v61 =	vmul.f32 v57, v53;
	[tilespmem:$0x1170] =	vst v9  }
0x47: {  	v62 =	vmul.f32 v57, v3;
	v10 =	vadd.s32 v14, v2;
	[tilespmem:$0x1150] =	vst v4  }
0x48: {  	[tilespmem:$0x1110] =	vst v61  }
0x49: {  	s21 =	simm.s32 $0x1280;
	[tilespmem:$0x1130] =	vst v62  }
0x4a: {  	[tilespmem:s21], [sflag:$0x1] =	stream.indirect_vreg.gather [hbm4b:s3+s2], $0x80, v63, vm0, $0xb8;
	[tilespmem:$0x15280] =	vst v63  }
0x4b: {  	s23 =	simm.s32 $0x1A80  }
0x4c: {  	[tilespmem:s23], [sflag:$0x1] =	stream.indirect_vreg.gather [hbm4b:s3+s2], $0x80, v10, vm0, $0xb8;
	[tilespmem:$0x15280] =	vst v63  }
0x4d: {  	v11 =	vld [tilespmem:$0x1010];
	_ =	sdelay $0x4  }
0x4e: {  	v16 =	vshll.u32 v11, $0x1  }
0x4f: {  	v0 =	vand.u32 $0x7, v11;
	v1 =	vand.u32 $0xFFFFFFF0, v16  }
0x50: {  	v0 =	vor.u32 v0, v1  }
0x51: {  	v1 =	vperm.xlane v0, v13;
	_ =	sdelay $0x1  }
0x52: {  	v0 =	vperm.xlane v0, v15;
	v1 =	vadd.s32 v14, v1;
	_ =	sdelay $0x1  }
0x53: {  	v0 =	vadd.s32 v14, v0;
	_ =	sdelay $0x1  }
0x54: {  	s24 =	simm.s32 $0x2280  }
0x55: {  	[tilespmem:s24], [sflag:$0x1] =	stream.indirect_vreg.gather [hbm4b:s3+s2], $0x80, v1, vm0, $0xb8;
	[tilespmem:$0x15280] =	vst v63  }
0x56: {  	s25 =	simm.s32 $0x2A80  }
0x57: {  	[tilespmem:s25], [sflag:$0x1] =	stream.indirect_vreg.gather [hbm4b:s3+s2], $0x80, v0, vm0, $0xb8;
	[tilespmem:$0x15280] =	vst v63  }
0x58: {  	v0 =	vld [tilespmem:$0x1020];
	_ =	sdelay $0x4  }
0x59: {  	v17 =	vshll.u32 v0, $0x1  }
0x5a: {  	v0 =	vand.u32 $0x7, v0;
	v1 =	vand.u32 $0xFFFFFFF0, v17  }
0x5b: {  	v0 =	vor.u32 v0, v1  }
0x5c: {  	v1 =	vperm.xlane v0, v13;
	_ =	sdelay $0x1  }
0x5d: {  	v0 =	vperm.xlane v0, v15;
	v1 =	vadd.s32 v14, v1;
	_ =	sdelay $0x1  }
0x5e: {  	v0 =	vadd.s32 v14, v0;
	_ =	sdelay $0x1  }
0x5f: {  	s26 =	simm.s32 $0x3280  }
0x60: {  	[tilespmem:s26], [sflag:$0x1] =	stream.indirect_vreg.gather [hbm4b:s3+s2], $0x80, v1, vm0, $0xb8;
	[tilespmem:$0x15280] =	vst v63  }
0x61: {  	s28 =	simm.s32 $0x3A80  }
0x62: {  	[tilespmem:s28], [sflag:$0x1] =	stream.indirect_vreg.gather [hbm4b:s3+s2], $0x80, v0, vm0, $0xb8;
	[tilespmem:$0x15280] =	vst v63  }
0x63: {  	v0 =	vld [tilespmem:$0x1030];
	_ =	sdelay $0x4  }
0x64: {  	v18 =	vshll.u32 v0, $0x1  }
0x65: {  	v0 =	vand.u32 $0x7, v0;
	v1 =	vand.u32 $0xFFFFFFF0, v18  }
0x66: {  	v0 =	vor.u32 v0, v1  }
0x67: {  	v1 =	vperm.xlane v0, v13;
	_ =	sdelay $0x1  }
0x68: {  	v0 =	vperm.xlane v0, v15;
	v1 =	vadd.s32 v14, v1;
	_ =	sdelay $0x1  }
0x69: {  	v0 =	vadd.s32 v14, v0;
	_ =	sdelay $0x1  }
0x6a: {  	s29 =	simm.s32 $0x4280  }
0x6b: {  	[tilespmem:s29], [sflag:$0x1] =	stream.indirect_vreg.gather [hbm4b:s3+s2], $0x80, v1, vm0, $0xb8;
	[tilespmem:$0x15280] =	vst v63  }
0x6c: {  	s30 =	simm.s32 $0x4A80  }
0x6d: {  	[tilespmem:s30], [sflag:$0x1] =	stream.indirect_vreg.gather [hbm4b:s3+s2], $0x80, v0, vm0, $0xb8;
	[tilespmem:$0x15280] =	vst v63  }
0x6e: {  	v0 =	vld [tilespmem:$0x1040];
	_ =	sdelay $0x4  }
0x6f: {  	v19 =	vshll.u32 v0, $0x1  }
0x70: {  	v0 =	vand.u32 $0x7, v0;
	v1 =	vand.u32 $0xFFFFFFF0, v19  }
0x71: {  	v0 =	vor.u32 v0, v1  }
0x72: {  	v1 =	vperm.xlane v0, v13;
	_ =	sdelay $0x1  }
0x73: {  	v0 =	vperm.xlane v0, v15;
	v1 =	vadd.s32 v14, v1;
	_ =	sdelay $0x1  }
0x74: {  	v0 =	vadd.s32 v14, v0;
	_ =	sdelay $0x1  }
0x75: {  	s31 =	simm.s32 $0x5280  }
0x76: {  	[tilespmem:s31], [sflag:$0x1] =	stream.indirect_vreg.gather [hbm4b:s3+s2], $0x80, v1, vm0, $0xb8;
	[tilespmem:$0x15280] =	vst v63  }
0x77: {  	s1 =	simm.s32 $0x5A80  }
0x78: {  	[tilespmem:s1], [sflag:$0x1] =	stream.indirect_vreg.gather [hbm4b:s3+s2], $0x80, v0, vm0, $0xb8;
	[tilespmem:$0x15280] =	vst v63  }
0x79: {  	v0 =	vld [tilespmem:$0x1050];
	_ =	sdelay $0x4  }
0x7a: {  	v20 =	vshll.u32 v0, $0x1  }
0x7b: {  	v0 =	vand.u32 $0x7, v0;
	v1 =	vand.u32 $0xFFFFFFF0, v20  }
0x7c: {  	v0 =	vor.u32 v0, v1  }
0x7d: {  	v1 =	vperm.xlane v0, v13;
	_ =	sdelay $0x1  }
0x7e: {  	v0 =	vperm.xlane v0, v15;
	v1 =	vadd.s32 v14, v1;
	_ =	sdelay $0x1  }
0x7f: {  	v0 =	vadd.s32 v14, v0;
	_ =	sdelay $0x1  }
0x80: {  	s5 =	simm.s32 $0x6280  }
0x81: {  	[tilespmem:s5], [sflag:$0x1] =	stream.indirect_vreg.gather [hbm4b:s3+s2], $0x80, v1, vm0, $0xb8;
	[tilespmem:$0x15280] =	vst v63  }
0x82: {  	s8 =	simm.s32 $0x6A80  }
0x83: {  	[tilespmem:s8], [sflag:$0x1] =	stream.indirect_vreg.gather [hbm4b:s3+s2], $0x80, v0, vm0, $0xb8;
	[tilespmem:$0x15280] =	vst v63  }
0x84: {  	v0 =	vld [tilespmem:$0x1060];
	_ =	sdelay $0x4  }
0x85: {  	v21 =	vshll.u32 v0, $0x1  }
0x86: {  	v0 =	vand.u32 $0x7, v0;
	v1 =	vand.u32 $0xFFFFFFF0, v21  }
0x87: {  	v0 =	vor.u32 v0, v1  }
0x88: {  	v1 =	vperm.xlane v0, v13;
	_ =	sdelay $0x1  }
0x89: {  	v0 =	vperm.xlane v0, v15;
	v1 =	vadd.s32 v14, v1;
	_ =	sdelay $0x1  }
0x8a: {  	v0 =	vadd.s32 v14, v0;
	_ =	sdelay $0x1  }
0x8b: {  	s18 =	simm.s32 $0x7280  }
0x8c: {  	[tilespmem:s18], [sflag:$0x1] =	stream.indirect_vreg.gather [hbm4b:s3+s2], $0x80, v1, vm0, $0xb8;
	[tilespmem:$0x15280] =	vst v63  }
0x8d: {  	s19 =	simm.s32 $0x7A80  }
0x8e: {  	[tilespmem:s19], [sflag:$0x1] =	stream.indirect_vreg.gather [hbm4b:s3+s2], $0x80, v0, vm0, $0xb8;
	[tilespmem:$0x15280] =	vst v63  }
0x8f: {  	v0 =	vld [tilespmem:$0x1070];
	_ =	sdelay $0x4  }
0x90: {  	v22 =	vshll.u32 v0, $0x1  }
0x91: {  	v0 =	vand.u32 $0x7, v0;
	v1 =	vand.u32 $0xFFFFFFF0, v22  }
0x92: {  	v0 =	vor.u32 v0, v1  }
0x93: {  	v1 =	vperm.xlane v0, v13;
	_ =	sdelay $0x1  }
0x94: {  	v0 =	vperm.xlane v0, v15;
	v1 =	vadd.s32 v14, v1;
	_ =	sdelay $0x1  }
0x95: {  	v0 =	vadd.s32 v14, v0;
	_ =	sdelay $0x1  }
0x96: {  	s20 =	simm.s32 $0x8280  }
0x97: {  	[tilespmem:s20], [sflag:$0x1] =	stream.indirect_vreg.gather [hbm4b:s3+s2], $0x80, v1, vm0, $0xb8;
	[tilespmem:$0x15280] =	vst v63  }
0x98: {  	s21 =	simm.s32 $0x8A80  }
0x99: {  	[tilespmem:s21], [sflag:$0x1] =	stream.indirect_vreg.gather [hbm4b:s3+s2], $0x80, v0, vm0, $0xb8;
	[tilespmem:$0x15280] =	vst v63  }
0x9a: {  	v0 =	vld [tilespmem:$0x20]  }
0x9b: {  	v1 =	vld [tilespmem:$0x820]  }
0x9c: {  	v24 =	vld [tilespmem:$0x30];
	_ =	sdelay $0x1  }
0x9d: {  	v26 =	vld [tilespmem:$0x830]  }
0x9e: {  	v0 =	vadd.f32 $1.000000000e+00, v0  }
0x9f: {  	v1 =	vadd.f32 $1.000000000e+00, v1  }
0xa0: {  	v3 =	vadd.f32 $1.000000000e+00, v24;
	v0 =	vmul.f32 $6.350000000e+01, v0  }
0xa1: {  	v1 =	vmul.f32 $6.350000000e+01, v1  }
0xa2: {  	v5 =	vadd.f32 $1.000000000e+00, v26;
	v3 =	vmul.f32 $6.350000000e+01, v3;
	v23 =	vtrunc.f32 v0  }
0xa3: {  	v25 =	vtrunc.f32 v1;
	v2 =	vcvt.f32.s32 v23  }
0xa4: {  	v5 =	vmul.f32 $6.350000000e+01, v5;
	v4 =	vcvt.f32.s32 v25  }
0xa5: {  	v29 =	vtrunc.f32 v3;
	vm1 =	vgt.s32 v2, $0x0  }
0xa6: {  	v30 =	vtrunc.f32 v5;
	v2 =	vnsel vm1, $0x0, v2;
	vm1 =	vgt.s32 v4, $0x0  }
0xa7: {  	v6 =	vcvt.f32.s32 v29;
	v2 =	vmin.u32 v2, $0x7E;
	v4 =	vnsel vm1, $0x0, v4  }
0xa8: {  	v32 =	vcvt.f32.s32 v30;
	v4 =	vmin.u32 v4, $0x7E;
	v27 =	vcvt.s32.f32 v2  }
0xa9: {  	vm1 =	vgt.s32 v6, $0x0;
	v28 =	vcvt.s32.f32 v4;
	v4 =	vshll.u32 v4, $0x7  }
0xaa: {  	v6 =	vnsel vm1, $0x0, v6;
	v0 =	vsub.f32 v0, v27;
	v4 =	vor.u32 v12, v4  }
0xab: {  	vm1 =	vgt.s32 v32, $0x0;
	v1 =	vsub.f32 v1, v28;
	v2 =	vor.u32 v2, v4  }
0xac: {  	v4 =	vnsel vm1, $0x0, v32;
	v31 =	vsub.f32 $1.000000000e+00, v0;
	v34 =	vadd.s32 $0x1, v2;
	[tilespmem:$0x1080] =	vst v2  }
0xad: {  	v35 =	vadd.s32 $0x80, v2;
	v2 =	vadd.s32 $0x81, v2;
	v4 =	vmin.u32 v4, $0x7E;
	[tilespmem:$0x10A0] =	vst v34;
	v36 =	vld [tilespmem:$0x1080]  }
0xae: {  	v33 =	vsub.f32 $1.000000000e+00, v1;
	[tilespmem:$0x10C0] =	vst v35;
	v42 =	vshll.u32 v4, $0x7;
	v8 =	vmul.f32 v31, v1  }
0xaf: {  	v6 =	vmin.u32 v6, $0x7E;
	[tilespmem:$0x10E0] =	vst v2;
	v2 =	vor.u32 v12, v42  }
0xb0: {  	v38 =	vcvt.s32.f32 v6;
	v37 =	vmul.f32 v33, v31;
	v45 =	vor.u32 v6, v2;
	[tilespmem:$0x11C0] =	vst v8  }
0xb1: {  	v40 =	vcvt.s32.f32 v4;
	v39 =	vmul.f32 v33, v0;
	[tilespmem:$0x1090] =	vst v45  }
0xb2: {  	v3 =	vsub.f32 v3, v38;
	v0 =	vmul.f32 v1, v0;
	[tilespmem:$0x1180] =	vst v37;
	v44 =	vshll.u32 v36, $0x1  }
0xb3: {  	v41 =	vsub.f32 v5, v40;
	[tilespmem:$0x11A0] =	vst v39;
	v46 =	vand.u32 $0x7, v36;
	v5 =	vand.u32 $0xFFFFFFF0, v44  }
0xb4: {  	v43 =	vsub.f32 $1.000000000e+00, v3;
	v48 =	vadd.s32 $0x1, v45;
	[tilespmem:$0x11E0] =	vst v0;
	v2 =	vor.u32 v46, v5  }
0xb5: {  	v49 =	vadd.s32 $0x80, v45;
	[tilespmem:$0x10B0] =	vst v48;
	v50 =	vperm.xlane v2, v13  }
0xb6: {  	v47 =	vsub.f32 $1.000000000e+00, v41;
	[tilespmem:$0x10D0] =	vst v49;
	v0 =	vadd.s32 $0x81, v45;
	v4 =	vmul.f32 v43, v41  }
0xb7: {  	v54 =	vmul.f32 v41, v3;
	[tilespmem:$0x10F0] =	vst v0;
	v2 =	vperm.xlane v2, v15;
	v53 =	vadd.s32 v14, v50  }
0xb8: {  	v51 =	vmul.f32 v47, v43;
	[tilespmem:$0x11D0] =	vst v4  }
0xb9: {  	v52 =	vmul.f32 v47, v3;
	[tilespmem:$0x11F0] =	vst v54;
	v55 =	vadd.s32 v14, v2  }
0xba: {  	[tilespmem:$0x1190] =	vst v51  }
0xbb: {  	s23 =	simm.s32 $0x9280;
	[tilespmem:$0x11B0] =	vst v52  }
0xbc: {  	[tilespmem:s23], [sflag:$0x2] =	stream.indirect_vreg.gather [hbm4b:s3+s2], $0x80, v53, vm0, $0xb8;
	[tilespmem:$0x15280] =	vst v63  }
0xbd: {  	s24 =	simm.s32 $0x9A80  }
0xbe: {  	[tilespmem:s24], [sflag:$0x2] =	stream.indirect_vreg.gather [hbm4b:s3+s2], $0x80, v55, vm0, $0xb8;
	[tilespmem:$0x15280] =	vst v63  }
0xbf: {  	v56 =	vld [tilespmem:$0x1090];
	_ =	sdelay $0x4  }
0xc0: {  	v57 =	vshll.u32 v56, $0x1  }
0xc1: {  	v0 =	vand.u32 $0x7, v56;
	v1 =	vand.u32 $0xFFFFFFF0, v57  }
0xc2: {  	v0 =	vor.u32 v0, v1  }
0xc3: {  	v1 =	vperm.xlane v0, v13;
	_ =	sdelay $0x1  }
0xc4: {  	v0 =	vperm.xlane v0, v15;
	v1 =	vadd.s32 v14, v1;
	_ =	sdelay $0x1  }
0xc5: {  	v0 =	vadd.s32 v14, v0;
	_ =	sdelay $0x1  }
0xc6: {  	s25 =	simm.s32 $0xA280  }
0xc7: {  	[tilespmem:s25], [sflag:$0x2] =	stream.indirect_vreg.gather [hbm4b:s3+s2], $0x80, v1, vm0, $0xb8;
	[tilespmem:$0x15280] =	vst v63  }
0xc8: {  	s26 =	simm.s32 $0xAA80  }
0xc9: {  	[tilespmem:s26], [sflag:$0x2] =	stream.indirect_vreg.gather [hbm4b:s3+s2], $0x80, v0, vm0, $0xb8;
	[tilespmem:$0x15280] =	vst v63  }
0xca: {  	v0 =	vld [tilespmem:$0x10A0];
	_ =	sdelay $0x4  }
0xcb: {  	v58 =	vshll.u32 v0, $0x1  }
0xcc: {  	v0 =	vand.u32 $0x7, v0;
	v1 =	vand.u32 $0xFFFFFFF0, v58  }
0xcd: {  	v0 =	vor.u32 v0, v1  }
0xce: {  	v1 =	vperm.xlane v0, v13;
	_ =	sdelay $0x1  }
0xcf: {  	v0 =	vperm.xlane v0, v15;
	v1 =	vadd.s32 v14, v1;
	_ =	sdelay $0x1  }
0xd0: {  	v0 =	vadd.s32 v14, v0;
	_ =	sdelay $0x1  }
0xd1: {  	s28 =	simm.s32 $0xB280  }
0xd2: {  	[tilespmem:s28], [sflag:$0x2] =	stream.indirect_vreg.gather [hbm4b:s3+s2], $0x80, v1, vm0, $0xb8;
	[tilespmem:$0x15280] =	vst v63  }
0xd3: {  	s29 =	simm.s32 $0xBA80  }
0xd4: {  	[tilespmem:s29], [sflag:$0x2] =	stream.indirect_vreg.gather [hbm4b:s3+s2], $0x80, v0, vm0, $0xb8;
	[tilespmem:$0x15280] =	vst v63  }
0xd5: {  	v0 =	vld [tilespmem:$0x10B0];
	_ =	sdelay $0x4  }
0xd6: {  	v59 =	vshll.u32 v0, $0x1  }
0xd7: {  	v0 =	vand.u32 $0x7, v0;
	v1 =	vand.u32 $0xFFFFFFF0, v59  }
0xd8: {  	v0 =	vor.u32 v0, v1  }
0xd9: {  	v1 =	vperm.xlane v0, v13;
	_ =	sdelay $0x1  }
0xda: {  	v0 =	vperm.xlane v0, v15;
	v1 =	vadd.s32 v14, v1;
	_ =	sdelay $0x1  }
0xdb: {  	v0 =	vadd.s32 v14, v0;
	_ =	sdelay $0x1  }
0xdc: {  	s30 =	simm.s32 $0xC280  }
0xdd: {  	[tilespmem:s30], [sflag:$0x2] =	stream.indirect_vreg.gather [hbm4b:s3+s2], $0x80, v1, vm0, $0xb8;
	[tilespmem:$0x15280] =	vst v63  }
0xde: {  	s31 =	simm.s32 $0xCA80  }
0xdf: {  	[tilespmem:s31], [sflag:$0x2] =	stream.indirect_vreg.gather [hbm4b:s3+s2], $0x80, v0, vm0, $0xb8;
	[tilespmem:$0x15280] =	vst v63  }
0xe0: {  	v0 =	vld [tilespmem:$0x10C0];
	_ =	sdelay $0x4  }
0xe1: {  	v60 =	vshll.u32 v0, $0x1  }
0xe2: {  	v0 =	vand.u32 $0x7, v0;
	v1 =	vand.u32 $0xFFFFFFF0, v60  }
0xe3: {  	v0 =	vor.u32 v0, v1  }
0xe4: {  	v1 =	vperm.xlane v0, v13;
	_ =	sdelay $0x1  }
0xe5: {  	v0 =	vperm.xlane v0, v15;
	v1 =	vadd.s32 v14, v1;
	_ =	sdelay $0x1  }
0xe6: {  	v0 =	vadd.s32 v14, v0;
	_ =	sdelay $0x2  }
0xe7: {  	[tilespmem:s6], [sflag:$0x2] =	stream.indirect_vreg.gather [hbm4b:s3+s2], $0x80, v1, vm0, $0xb8;
	[tilespmem:$0x15280] =	vst v63  }
0xe8: {  	_ = 	snop  }
0xe9: {  	[tilespmem:s16], [sflag:$0x2] =	stream.indirect_vreg.gather [hbm4b:s3+s2], $0x80, v0, vm0, $0xb8;
	[tilespmem:$0x15280] =	vst v63  }
0xea: {  	v0 =	vld [tilespmem:$0x10D0];
	_ =	sdelay $0x4  }
0xeb: {  	v61 =	vshll.u32 v0, $0x1  }
0xec: {  	v0 =	vand.u32 $0x7, v0;
	v1 =	vand.u32 $0xFFFFFFF0, v61  }
0xed: {  	v0 =	vor.u32 v0, v1  }
0xee: {  	v1 =	vperm.xlane v0, v13;
	_ =	sdelay $0x1  }
0xef: {  	v0 =	vperm.xlane v0, v15;
	v1 =	vadd.s32 v14, v1;
	_ =	sdelay $0x1  }
0xf0: {  	v0 =	vadd.s32 v14, v0;
	_ =	sdelay $0x2  }
0xf1: {  	[tilespmem:s22], [sflag:$0x2] =	stream.indirect_vreg.gather [hbm4b:s3+s2], $0x80, v1, vm0, $0xb8;
	[tilespmem:$0x15280] =	vst v63  }
0xf2: {  	_ = 	snop  }
0xf3: {  	[tilespmem:s9], [sflag:$0x2] =	stream.indirect_vreg.gather [hbm4b:s3+s2], $0x80, v0, vm0, $0xb8;
	[tilespmem:$0x15280] =	vst v63  }
0xf4: {  	v0 =	vld [tilespmem:$0x10E0];
	_ =	sdelay $0x4  }
0xf5: {  	v62 =	vshll.u32 v0, $0x1  }
0xf6: {  	v0 =	vand.u32 $0x7, v0;
	v1 =	vand.u32 $0xFFFFFFF0, v62  }
0xf7: {  	v0 =	vor.u32 v0, v1  }
0xf8: {  	v1 =	vperm.xlane v0, v13;
	_ =	sdelay $0x1  }
0xf9: {  	v0 =	vperm.xlane v0, v15;
	v1 =	vadd.s32 v14, v1;
	_ =	sdelay $0x1  }
0xfa: {  	v0 =	vadd.s32 v14, v0;
	_ =	sdelay $0x2  }
0xfb: {  	[tilespmem:s10], [sflag:$0x2] =	stream.indirect_vreg.gather [hbm4b:s3+s2], $0x80, v1, vm0, $0xb8;
	[tilespmem:$0x15280] =	vst v63  }
0xfc: {  	_ = 	snop  }
0xfd: {  	[tilespmem:s11], [sflag:$0x2] =	stream.indirect_vreg.gather [hbm4b:s3+s2], $0x80, v0, vm0, $0xb8;
	[tilespmem:$0x15280] =	vst v63  }
0xfe: {  	v0 =	vld [tilespmem:$0x10F0];
	_ =	sdelay $0x4  }
0xff: {  	v63 =	vshll.u32 v0, $0x1  }
0x100: {  	v0 =	vand.u32 $0x7, v0;
	v1 =	vand.u32 $0xFFFFFFF0, v63  }
0x101: {  	v0 =	vor.u32 v0, v1  }
0x102: {  	v1 =	vperm.xlane v0, v13;
	_ =	sdelay $0x1  }
0x103: {  	v0 =	vperm.xlane v0, v15;
	v1 =	vadd.s32 v14, v1;
	_ =	sdelay $0x1  }
0x104: {  	v0 =	vadd.s32 v14, v0  }
.Ltmp2:
0x105: {  	_ = 	snop;
	(pc) =	sbr.rel .LBB2_2-.Ltmp2, $4  }
0x106: {  	_ = 	snop  }
0x107: {  	[tilespmem:s12], [sflag:$0x2] =	stream.indirect_vreg.gather [hbm4b:s3+s2], $0x80, v1, vm0, $0xb8;
	[tilespmem:$0x15280] =	vst v63  }
0x108: {  	s18 =	simm.s32 $0x0  }
0x109: {  	[tilespmem:s13], [sflag:$0x2] =	stream.indirect_vreg.gather [hbm4b:s3+s2], $0x80, v0, vm0, $0xb8;
	[tilespmem:$0x15280] =	vst v63  }
.LBB2_10:
0x10a: {  	s18 =	sadd.s32 $0x1, s18  }
0x10b: {  	p0 =	sne.s32 s18, $0x20  }
.Ltmp3:
0x10c: {  	_ = 	snop;
	(pc) =	sbr.rel @!p0 .LBB2_11-.Ltmp3, $3  }
0x10d: {  	_ =	sdelay $0x1  }
0x10e: {  	s0 =	sadd.s32 $0x400, s20  }
0x10f: {  	[hbm4b:s0+s2] =	stream.linear.scatter [tilespmem:s17], [sflag:$0x4], $0x2000, $0x38;
	[tilespmem:$0x15280] =	vst v63  }
.LBB2_2:
0x110: {  	_ =	swait.ge [sflag:s4], $0x8000  }
0x111: {  	p0 =	seq.s32 s18, $0x0;
	[sflag:s4] =	ssyncset.done $0x0  }
0x112: {  	s0 =	simm.s32 @!p0 $0x3;
	[sflag:s4] =	ssyncadd.s32 $0xFFFF8000  }
0x113: {  	_ =	swait.ge @!p0 [sflag:s0], $0x2000  }
0x114: {  	[sflag:s0] =	ssyncset.done @!p0 $0x0  }
0x115: {  	s23 =	simm.s32 $0x1140;
	[sflag:s0] =	ssyncadd.s32 @!p0 $0xFFFFE000  }
0x116: {  	v8 =	vld.msk [tilespmem:s23+$0x21 ss:$0x0], $0xffff  }
0x117: {  	s26 =	simm.s32 $0x0;
	v9 =	vld.msk [tilespmem:s23+$0x1 ss:$0x0], $0xffff  }
0x118: {  	s19 =	sand.u32 $0x1800, s26;
	s1 =	sand.u32 $0x300, s26;
	v0 =	vld.msk [tilespmem:s23+$0xFFFFFFC1 ss:$0x0], $0xffff  }
0x119: {  	s20 =	sor.u32 s1, s19;
	v10 =	vld.msk [tilespmem:s23+$0xFFFFFFE1 ss:$0x0], $0xffff  }
0x11a: {  	v1 =	vld [tilespmem:s20+$0x1770]  }
0x11b: {  	v5 =	vld [tilespmem:s20+$0x1760]  }
0x11c: {  	v6 =	vld [tilespmem:s20+$0x1750]  }
0x11d: {  	v7 =	vld [tilespmem:s20+$0x1740]  }
0x11e: {  	v12 =	vld [tilespmem:s20+$0x1730]  }
0x11f: {  	v13 =	vld [tilespmem:s20+$0x1720]  }
0x120: {  	v14 =	vld [tilespmem:s20+$0x1710]  }
0x121: {  	v15 =	vld [tilespmem:s20+$0x1700]  }
0x122: {  	v17 =	vld [tilespmem:s20+$0x1370]  }
0x123: {  	v20 =	vld [tilespmem:s20+$0x1360]  }
0x124: {  	v21 =	vld [tilespmem:s20+$0x1350]  }
0x125: {  	v22 =	vld [tilespmem:s20+$0x1340]  }
0x126: {  	v23 =	vld [tilespmem:s20+$0x1330]  }
0x127: {  	s21 =	simm.s32 $0x4100;
	s25 =	simm.s32 $0x2080;
	v25 =	vld [tilespmem:s20+$0x1320]  }
0x128: {  	s30 =	sand.u32 $0x5800, s21;
	s31 =	sand.u32 $0x380, s25;
	v27 =	vld [tilespmem:s20+$0x1300]  }
0x129: {  	s25 =	sor.u32 s31, s30;
	v28 =	vld [tilespmem:s20+$0x1310]  }
0x12a: {  	v32 =	vld [tilespmem:s25+$0x16E0]  }
0x12b: {  	v35 =	vld [tilespmem:s25+$0x16D0]  }
0x12c: {  	v37 =	vld [tilespmem:s25+$0x16C0]  }
0x12d: {  	v39 =	vld [tilespmem:s25+$0x16B0]  }
0x12e: {  	v41 =	vld [tilespmem:s25+$0x16A0]  }
0x12f: {  	v43 =	vld [tilespmem:s25+$0x1690]  }
0x130: {  	v11 =	vld [tilespmem:s25+$0x1680]  }
0x131: {  	v24 =	vld [tilespmem:s25+$0x12F0]  }
0x132: {  	v45 =	vld [tilespmem:s25+$0x12E0]  }
0x133: {  	v44 =	vld [tilespmem:s25+$0x12D0]  }
0x134: {  	v48 =	vld [tilespmem:s25+$0x12C0]  }
0x135: {  	v49 =	vld [tilespmem:s25+$0x12B0]  }
0x136: {  	s28 =	simm.s32 $0x6100;
	s29 =	simm.s32 $0x3080;
	v51 =	vld [tilespmem:s25+$0x12A0]  }
0x137: {  	s19 =	sand.u32 $0x380, s29;
	s0 =	sand.u32 $0x7800, s28;
	v52 =	vld [tilespmem:s25+$0x1280]  }
0x138: {  	s24 =	sor.u32 s19, s0;
	v56 =	vld [tilespmem:s25+$0x1290]  }
0x139: {  	v29 =	vld [tilespmem:s24+$0x16E0]  }
0x13a: {  	v31 =	vld [tilespmem:s24+$0x16D0]  }
0x13b: {  	v34 =	vld [tilespmem:s24+$0x16C0]  }
0x13c: {  	v36 =	vld [tilespmem:s24+$0x16B0]  }
0x13d: {  	v38 =	vld [tilespmem:s24+$0x16A0]  }
0x13e: {  	v40 =	vld [tilespmem:s24+$0x1690]  }
0x13f: {  	v42 =	vld [tilespmem:s24+$0x1680]  }
0x140: {  	v4 =	vld [tilespmem:s24+$0x12F0]  }
0x141: {  	v3 =	vld [tilespmem:s24+$0x12E0]  }
0x142: {  	v30 =	vld [tilespmem:s24+$0x12D0]  }
0x143: {  	v46 =	vld [tilespmem:s24+$0x12C0]  }
0x144: {  	s5 =	simm.s32 $0x2100;
	s8 =	simm.s32 $0x1080;
	v47 =	vld [tilespmem:s24+$0x12B0]  }
0x145: {  	s0 =	sand.u32 $0x3800, s5;
	s19 =	sand.u32 $0x380, s8;
	v50 =	vld [tilespmem:s24+$0x1280]  }
0x146: {  	s19 =	sor.u32 s19, s0;
	v58 =	vld [tilespmem:s24+$0x1290]  }
0x147: {  	v53 =	vld [tilespmem:s19+$0x1280]  }
0x148: {  	s26 =	simm.s32 $0x2000;
	v54 =	vld [tilespmem:s19+$0x1290];
	v1 =	vmul.f32 v1, v0  }
0x149: {  	s0 =	sand.u32 $0x3800, s26;
	v55 =	vld [tilespmem:s19+$0x12A0]  }
0x14a: {  	v57 =	vld [tilespmem:s19+$0x12B0];
	s28 =	sor.u32 s1, s0;
	[tilespmem:$0x1FD80] =	vst v1  }
0x14b: {  	v1 =	vld [tilespmem:s28+$0x1280];
	_ =	sdelay $0x2  }
0x14c: {  	v18 =	vmul.f32 v6, v0;
	v6 =	vld [tilespmem:s19+$0x12C0]  }
0x14d: {  	v16 =	vmul.f32 v5, v0;
	v5 =	vld [tilespmem:s24+$0x12A0]  }
0x14e: {  	v59 =	vld [tilespmem:s19+$0x12D0];
	[tilespmem:$0x1FD90] =	vst v1  }
0x14f: {  	v1 =	vld [tilespmem:s28+$0x1290]  }
0x150: {  	v26 =	vmul.f32 v12, v0  }
0x151: {  	v19 =	vmul.f32 v7, v0;
	v7 =	vmul.f32 v14, v0  }
0x152: {  	v33 =	vmul.f32 v13, v0;
	v60 =	vmul.f32 v17, v0  }
0x153: {  	v61 =	vmul.f32 v15, v0;
	v62 =	vmul.f32 v21, v0  }
0x154: {  	v14 =	vmul.f32 v20, v0;
	v23 =	vmul.f32 v23, v0;
	v63 =	vld [tilespmem:s19+$0x12E0];
	[tilespmem:$0x1FDA0] =	vst v1  }
0x155: {  	v25 =	vmul.f32 v25, v0;
	v12 =	vmul.f32 v32, v9;
	v20 =	vld [tilespmem:s20+$0x1290]  }
0x156: {  	v52 =	vmul.f32 v52, v9;
	v17 =	vmul.f32 v29, v8  }
0x157: {  	v13 =	vmul.f32 v31, v8;
	v21 =	vmul.f32 v34, v8  }
0x158: {  	v29 =	vmul.f32 v35, v9;
	v31 =	vmul.f32 v36, v8;
	v2 =	vld [tilespmem:s19+$0x12F0]  }
0x159: {  	v36 =	vmul.f32 v37, v9;
	v1 =	vmul.f32 v22, v0;
	v15 =	vld [tilespmem:s20+$0x1280]  }
0x15a: {  	v22 =	vmul.f32 v27, v0;
	v27 =	vmul.f32 v28, v0;
	v0 =	vld [tilespmem:s19+$0x1680];
	[tilespmem:$0x1FDB0] =	vst v20  }
0x15b: {  	v32 =	vmul.f32 v54, v10;
	v28 =	vmul.f32 v53, v10;
	v35 =	vld [tilespmem:s19+$0x1690]  }
0x15c: {  	v37 =	vmul.f32 v55, v10;
	v55 =	vmul.f32 v40, v8;
	v20 =	vld.msk [tilespmem:s23+$0xFFFFFFE0 ss:$0x0], $0xffff  }
0x15d: {  	s29 =	simm.s32 $0x4000;
	v40 =	vmul.f32 v51, v9;
	v51 =	vmul.f32 v57, v10;
	v28 =	vadd.f32 v28, v22;
	v53 =	vld [tilespmem:s19+$0x16A0]  }
0x15e: {  	s0 =	sand.u32 $0x5800, s29;
	v57 =	vmul.f32 v58, v8;
	v27 =	vadd.f32 v32, v27;
	v32 =	vmul.f32 v56, v9;
	v22 =	vld.msk [tilespmem:s23+$0xFFFFFFC0 ss:$0x0], $0xffff  }
0x15f: {  	s0 =	sor.u32 s1, s0;
	v56 =	vmul.f32 v42, v8;
	v42 =	vmul.f32 v50, v8;
	v28 =	vadd.f32 v52, v28;
	v54 =	vld [tilespmem:s19+$0x16B0]  }
0x160: {  	v58 =	vmul.f32 v49, v9;
	v37 =	vadd.f32 v37, v25;
	v32 =	vadd.f32 v32, v27;
	v34 =	vld [tilespmem:s0+$0x1280]  }
0x161: {  	v23 =	vadd.f32 v51, v23;
	v6 =	vmul.f32 v6, v10;
	v42 =	vadd.f32 v42, v28;
	v52 =	vld [tilespmem:s19+$0x16C0]  }
0x162: {  	v37 =	vadd.f32 v40, v37;
	v5 =	vmul.f32 v5, v8;
	v27 =	vadd.f32 v57, v32;
	v25 =	vld [tilespmem:s0+$0x1290]  }
0x163: {  	v51 =	vmul.f32 v48, v9;
	v1 =	vadd.f32 v6, v1;
	v50 =	vld [tilespmem:s19+$0x16D0];
	[tilespmem:$0x1FE60] =	vst v42  }
0x164: {  	v49 =	vadd.f32 v58, v23;
	v23 =	vmul.f32 v59, v10;
	v40 =	vadd.f32 v5, v37;
	v28 =	vld [tilespmem:s28+$0x12A0];
	[tilespmem:$0x1FE70] =	vst v27  }
0x165: {  	v1 =	vadd.f32 v51, v1;
	v51 =	vmul.f32 v44, v9;
	v44 =	vmul.f32 v47, v8;
	v6 =	vld [tilespmem:s19+$0x16E0]  }
0x166: {  	v47 =	vadd.f32 v23, v62;
	v32 =	vld [tilespmem:s20+$0x12A0];
	[tilespmem:$0x1FE80] =	vst v40  }
0x167: {  	s26 =	simm.s32 $0x6000;
	v23 =	vadd.f32 v44, v49;
	v57 =	vmul.f32 v42, v42;
	v5 =	vmul.f32 v27, v27;
	v37 =	vld [tilespmem:s19+$0x16F0]  }
0x168: {  	s30 =	sand.u32 $0x7800, s26;
	v24 =	vmul.f32 v24, v9;
	v4 =	vmul.f32 v4, v8;
	v48 =	vld.msk [tilespmem:s23+$0x0 ss:$0x0], $0xffff  }
0x169: {  	s21 =	sor.u32 s1, s30;
	v30 =	vmul.f32 v30, v8;
	v62 =	vmul.f32 v63, v10;
	v5 =	vadd.f32 v5, v57;
	v57 =	vld [tilespmem:s25+$0x16F0];
	[tilespmem:$0x1FE90] =	vst v23  }
0x16a: {  	v63 =	vmul.f32 v40, v40;
	v47 =	vadd.f32 v51, v47;
	v42 =	vmul.f32 v46, v8;
	v59 =	vld [tilespmem:s21+$0x1280]  }
0x16b: {  	v14 =	vadd.f32 v62, v14;
	v2 =	vmul.f32 v2, v10;
	v40 =	vmul.f32 v45, v9;
	v46 =	vld [tilespmem:s24+$0x16F0]  }
0x16c: {  	v49 =	vadd.f32 v42, v1;
	v1 =	vmul.f32 v23, v23;
	v5 =	vadd.f32 v63, v5;
	v62 =	vld [tilespmem:s21+$0x1290]  }
0x16d: {  	v3 =	vmul.f32 v3, v8;
	v2 =	vadd.f32 v2, v60;
	v23 =	vadd.f32 v30, v47;
	v63 =	vld [tilespmem:s0+$0x12A0]  }
0x16e: {  	v14 =	vadd.f32 v40, v14;
	v60 =	vld [tilespmem:s28+$0x12B0];
	v30 =	vmul.f32 v49, v49;
	v1 =	vadd.f32 v1, v5  }
0x16f: {  	v58 =	vmul.f32 v43, v9;
	v0 =	vmul.f32 v0, v10;
	v43 =	vadd.f32 v24, v2;
	v5 =	vld [tilespmem:s20+$0x12B0]  }
0x170: {  	[tilespmem:$0x1FEA0] =	vst v23;
	v2 =	vadd.f32 v3, v14;
	v3 =	vld [tilespmem:$0x1FDA0];
	v1 =	vadd.f32 v30, v1;
	v30 =	vmul.f32 v23, v23  }
0x171: {  	v11 =	vmul.f32 v11, v9;
	v0 =	vadd.f32 v0, v61;
	v35 =	vmul.f32 v35, v10;
	v24 =	vld.msk [tilespmem:s23+$0x20 ss:$0x0], $0xffff  }
0x172: {  	v61 =	vld [tilespmem:s21+$0x12A0];
	[tilespmem:$0x1FEB0] =	vst v2;
	v1 =	vadd.f32 v30, v1;
	v30 =	vmul.f32 v2, v2;
	v2 =	vadd.f32 v4, v43  }
0x173: {  	v39 =	vmul.f32 v39, v9;
	v0 =	vadd.f32 v11, v0;
	v14 =	vld [tilespmem:s0+$0x12B0]  }
0x174: {  	v41 =	vmul.f32 v41, v9;
	v11 =	vmul.f32 v53, v10;
	v7 =	vadd.f32 v35, v7;
	v35 =	vld [tilespmem:s28+$0x12C0];
	[tilespmem:$0x1FEC0] =	vst v2  }
0x175: {  	v1 =	vadd.f32 v30, v1;
	v30 =	vmul.f32 v2, v2;
	v2 =	vadd.f32 v56, v0;
	v4 =	vld [tilespmem:s20+$0x12C0]  }
0x176: {  	v51 =	vmul.f32 v54, v10;
	v44 =	vmul.f32 v50, v10;
	v11 =	vadd.f32 v11, v33;
	v54 =	vld [tilespmem:s21+$0x12B0]  }
0x177: {  	v7 =	vadd.f32 v58, v7;
	[tilespmem:$0x1FED0] =	vst v2;
	v1 =	vadd.f32 v30, v1;
	v30 =	vmul.f32 v2, v2;
	v2 =	vld [tilespmem:$0x1FD80]  }
0x178: {  	v26 =	vadd.f32 v51, v26;
	v18 =	vadd.f32 v44, v18;
	v58 =	vmul.f32 v52, v10;
	v0 =	vld [tilespmem:s0+$0x12C0]  }
0x179: {  	v38 =	vmul.f32 v38, v8;
	v11 =	vadd.f32 v41, v11;
	v51 =	vadd.f32 v55, v7;
	v41 =	vld [tilespmem:s28+$0x12D0]  }
0x17a: {  	v6 =	vmul.f32 v6, v10;
	v26 =	vadd.f32 v39, v26;
	v19 =	vadd.f32 v58, v19;
	v7 =	vld [tilespmem:s20+$0x12D0]  }
0x17b: {  	v55 =	vadd.f32 v38, v11;
	v45 =	vld [tilespmem:s21+$0x12C0];
	v1 =	vadd.f32 v30, v1;
	v30 =	vmul.f32 v51, v51  }
0x17c: {  	v18 =	vadd.f32 v29, v18;
	v10 =	vmul.f32 v37, v10;
	v53 =	vadd.f32 v31, v26;
	v47 =	vld [tilespmem:s0+$0x12D0]  }
0x17d: {  	v11 =	vadd.f32 v36, v19;
	v19 =	vld [tilespmem:s28+$0x12E0];
	v1 =	vadd.f32 v30, v1;
	v30 =	vmul.f32 v55, v55  }
0x17e: {  	v6 =	vadd.f32 v6, v16;
	v10 =	vadd.f32 v10, v2;
	v2 =	vld [tilespmem:$0x1FD90]  }
0x17f: {  	v29 =	vmul.f32 v53, v53;
	v50 =	vadd.f32 v21, v11;
	v26 =	vld [tilespmem:s20+$0x12E0];
	v1 =	vadd.f32 v30, v1  }
0x180: {  	v9 =	vmul.f32 v57, v9;
	v52 =	vadd.f32 v13, v18;
	v16 =	vld [tilespmem:s21+$0x12D0]  }
0x181: {  	v6 =	vadd.f32 v12, v6;
	v21 =	vld [tilespmem:s0+$0x12E0];
	v11 =	vmul.f32 v50, v50;
	v1 =	vadd.f32 v29, v1  }
0x182: {  	v13 =	vld [tilespmem:s20+$0x12F0];
	v9 =	vadd.f32 v9, v10;
	v10 =	vmul.f32 v52, v52  }
0x183: {  	v18 =	vld [tilespmem:s21+$0x12E0];
	v12 =	vmul.f32 v2, v20;
	v1 =	vadd.f32 v11, v1;
	v2 =	vadd.f32 v17, v6  }
0x184: {  	v30 =	vld [tilespmem:s28+$0x12F0]  }
0x185: {  	[tilespmem:$0x1FEE0] =	vst v2;
	v1 =	vadd.f32 v10, v1;
	v10 =	vmul.f32 v2, v2;
	v2 =	vld [tilespmem:$0x1FDB0]  }
0x186: {  	v6 =	vld [tilespmem:s0+$0x12F0]  }
0x187: {  	v17 =	vld [tilespmem:s28+$0x1680]  }
0x188: {  	v8 =	vmul.f32 v46, v8;
	v11 =	vmul.f32 v15, v22;
	v29 =	vld [tilespmem:s20+$0x1680]  }
0x189: {  	v28 =	vmul.f32 v28, v20;
	v63 =	vmul.f32 v63, v48;
	v27 =	vld [tilespmem:s21+$0x12F0]  }
0x18a: {  	v57 =	vadd.f32 v8, v9;
	v9 =	vmul.f32 v34, v48;
	v8 =	vadd.f32 v12, v11;
	v40 =	vld [tilespmem:s0+$0x1680]  }
0x18b: {  	v5 =	vmul.f32 v5, v22;
	v14 =	vmul.f32 v14, v48;
	v31 =	vld [tilespmem:s28+$0x1690]  }
0x18c: {  	v15 =	vmul.f32 v3, v20;
	v33 =	vld [tilespmem:s21+$0x1680];
	v8 =	vadd.f32 v9, v8;
	v9 =	vmul.f32 v59, v24  }
0x18d: {  	v12 =	vmul.f32 v25, v48;
	v25 =	vld [tilespmem:s0+$0x1690];
	v11 =	vmul.f32 v2, v22  }
0x18e: {  	v4 =	vmul.f32 v4, v22;
	v0 =	vmul.f32 v0, v48;
	v2 =	vadd.f32 v9, v8;
	v9 =	vld [tilespmem:$0x1FFC0]  }
0x18f: {  	v36 =	vld [tilespmem:s28+$0x16A0];
	v1 =	vadd.f32 v10, v1;
	v10 =	vmul.f32 v57, v57;
	v11 =	vadd.f32 v15, v11  }
0x190: {  	v7 =	vmul.f32 v7, v22;
	v37 =	vld [tilespmem:s20+$0x16A0];
	v15 =	vmul.f32 v32, v22  }
0x191: {  	v34 =	vld [tilespmem:s21+$0x1690];
	v1 =	vadd.f32 v10, v1;
	v10 =	vadd.f32 v12, v11;
	v11 =	vmul.f32 v62, v24  }
0x192: {  	v39 =	vmul.f32 v45, v24;
	v38 =	vmul.f32 v47, v48;
	v8 =	vld [tilespmem:$0x1FFD0];
	v12 =	vadd.f32 v28, v15  }
0x193: {  	v56 =	vld [tilespmem:s0+$0x16A0];
	v15 =	vperm.xlane v1, v9;
	v3 =	vadd.f32 v11, v10;
	v10 =	vmul.f32 v60, v20  }
0x194: {  	v19 =	vmul.f32 v19, v20;
	v6 =	vmul.f32 v6, v48;
	v32 =	vld [tilespmem:s20+$0x1690];
	[tilespmem:$0x1FDC0] =	vst v2;
	v12 =	vadd.f32 v63, v12  }
0x195: {  	v11 =	vmul.f32 v61, v24;
	v1 =	vadd.f32 v1, v15;
	v5 =	vadd.f32 v10, v5;
	[tilespmem:$0x1FDD0] =	vst v3;
	v10 =	vld [tilespmem:$0x1FFE0]  }
0x196: {  	v17 =	vmul.f32 v17, v20;
	v15 =	vmul.f32 v35, v20;
	v58 =	vld [tilespmem:s28+$0x16B0]  }
0x197: {  	v28 =	vadd.f32 v11, v12;
	v11 =	vmul.f32 v2, v2;
	v42 =	vperm.xlane v1, v8;
	v35 =	vld [tilespmem:s20+$0x16B0]  }
0x198: {  	v12 =	vmul.f32 v3, v3;
	v4 =	vadd.f32 v15, v4;
	v15 =	vmul.f32 v41, v20;
	v41 =	vld [tilespmem:s0+$0x16B0]  }
0x199: {  	v5 =	vadd.f32 v14, v5;
	v14 =	vmul.f32 v54, v24;
	v54 =	vld [tilespmem:s21+$0x16A0];
	v1 =	vadd.f32 v1, v42  }
0x19a: {  	v29 =	vmul.f32 v29, v22;
	v12 =	vadd.f32 v12, v11;
	[tilespmem:$0x1FDE0] =	vst v28;
	v11 =	vld [tilespmem:$0x1FFF0];
	v7 =	vadd.f32 v15, v7  }
0x19b: {  	v15 =	vmul.f32 v26, v22;
	v26 =	vld [tilespmem:s21+$0x16B0];
	v2 =	vadd.f32 v14, v5;
	v5 =	vperm.xlane v1, v10  }
0x19c: {  	v56 =	vmul.f32 v56, v48;
	v0 =	vadd.f32 v0, v4;
	v60 =	vld [tilespmem:s0+$0x16C0];
	v14 =	vmul.f32 v28, v28  }
0x19d: {  	v42 =	vmul.f32 v13, v22;
	v28 =	vld [tilespmem:s28+$0x16C0];
	v15 =	vadd.f32 v19, v15;
	v1 =	vadd.f32 v1, v5  }
0x19e: {  	v19 =	vld [tilespmem:s20+$0x16D0];
	v14 =	vadd.f32 v14, v12;
	v12 =	vmovc v2;
	v43 =	vmul.f32 v2, v2;
	v2 =	vadd.f32 v39, v0  }
0x19f: {  	v0 =	vadd.f32 v38, v7;
	v7 =	vmul.f32 v16, v24;
	v39 =	vld [tilespmem:s28+$0x16D0];
	v47 =	vperm.xlane v1, v11  }
0x1a0: {  	v16 =	vmul.f32 v21, v48;
	v21 =	vmul.f32 v30, v20;
	v5 =	vld [tilespmem:s20+$0x16C0];
	[tilespmem:$0x1FDF0] =	vst v2  }
0x1a1: {  	v58 =	vmul.f32 v58, v20;
	v14 =	vadd.f32 v43, v14;
	v59 =	vld [tilespmem:s21+$0x16C0];
	v1 =	vadd.f32 v1, v47  }
0x1a2: {  	v30 =	vmul.f32 v2, v2;
	v13 =	vadd.f32 v7, v0;
	v7 =	vadd.f32 v16, v15;
	v4 =	vld [tilespmem:s0+$0x16D0]  }
0x1a3: {  	v16 =	vmul.f32 v18, v24;
	v43 =	vmul.f32 v37, v22;
	v61 =	vld [tilespmem:s28+$0x16E0];
	v0 =	vmax.f32 v1, $1.000000020e-24  }
0x1a4: {  	v26 =	vmul.f32 v26, v24;
	v63 =	vld [tilespmem:s20+$0x16E0];
	v28 =	vmul.f32 v28, v20;
	v15 =	vshra.s32 v0, $0x1  }
0x1a5: {  	v3 =	vld [tilespmem:s21+$0x16D0];
	v5 =	vmul.f32 v5, v22;
	v0 =	vmul.f32 $5.000000000e-01, v0;
	v62 =	vsub.s32 $0x5F3759DF, v15  }
0x1a6: {  	s19 =	simm.s32 $0x1142;
	v2 =	vld [tilespmem:s0+$0x16E0];
	v15 =	vadd.f32 v21, v42;
	v21 =	vadd.f32 v30, v14;
	v30 =	vmul.f32 v13, v13  }
0x1a7: {  	v46 =	vld.msk [tilespmem:s19+$0x1 ss:$0x0], $0xffff;
	v14 =	vadd.f32 v16, v7;
	v7 =	vmul.f32 v27, v24;
	v18 =	vmul.f32 v62, v0  }
0x1a8: {  	v38 =	vld.msk [tilespmem:s19+$0xFFFFFFE1 ss:$0x0], $0xffff;
	v16 =	vadd.f32 v17, v29;
	v17 =	vmul.f32 v40, v48;
	v6 =	vadd.f32 v6, v15  }
0x1a9: {  	v1 =	vld [tilespmem:s28+$0x16F0];
	v21 =	vadd.f32 v30, v21;
	v30 =	vmul.f32 v32, v22;
	v27 =	vmul.f32 v62, v18  }
0x1aa: {  	v29 =	vld [tilespmem:s20+$0x16F0];
	v18 =	vmul.f32 v31, v20;
	v31 =	vmul.f32 v14, v14  }
0x1ab: {  	v32 =	vld [tilespmem:s21+$0x16E0];
	v15 =	vadd.f32 v7, v6;
	v6 =	vadd.f32 v17, v16;
	v16 =	vmul.f32 v33, v24  }
0x1ac: {  	s24 =	simm.s32 $0x200;
	s23 =	simm.s32 $0x100;
	v5 =	vadd.f32 v28, v5;
	v7 =	vld [tilespmem:s0+$0x16F0];
	v17 =	vadd.f32 v18, v30;
	v18 =	vmul.f32 v25, v48  }
0x1ad: {  	s31 =	sand.u32 $0x1800, s24;
	s25 =	sand.u32 $0x300, s23;
	v30 =	vld [tilespmem:s21+$0x16F0];
	v21 =	vadd.f32 v31, v21;
	v25 =	vmul.f32 v36, v20;
	v16 =	vadd.f32 v16, v6  }
0x1ae: {  	v31 =	vld.msk [tilespmem:s19+$0x21 ss:$0x0], $0xffff;
	s21 =	sor.u32 s25, s31;
	v6 =	vmul.f32 v15, v15;
	v17 =	vadd.f32 v18, v17;
	v18 =	vmul.f32 v34, v24  }
0x1af: {  	v28 =	vmul.f32 v60, v48;
	v4 =	vmul.f32 v4, v48;
	v37 =	vld [tilespmem:s21+$0x1760];
	v33 =	vadd.f32 v25, v43  }
0x1b0: {  	v40 =	vld [tilespmem:s21+$0x1750];
	v6 =	vadd.f32 v6, v21;
	v21 =	vmul.f32 v35, v22;
	v47 =	vadd.f32 v18, v17  }
0x1b1: {  	v3 =	vmul.f32 v3, v24;
	v25 =	vld.msk [tilespmem:s19+$0xFFFFFFC1 ss:$0x0], $0xffff;
	v18 =	vadd.f32 v56, v33;
	v56 =	vmul.f32 v54, v24  }
0x1b2: {  	v45 =	vmul.f32 v16, v16;
	v33 =	vld [tilespmem:s21+$0x1770];
	v21 =	vadd.f32 v58, v21;
	v58 =	vmul.f32 v41, v48;
	[tilespmem:$0x1FE00] =	vst v47  }
0x1b3: {  	v2 =	vmul.f32 v2, v48;
	v1 =	vmul.f32 v1, v20;
	v17 =	vmovc v8;
	v8 =	vadd.f32 v56, v18;
	v54 =	vld [tilespmem:s21+$0x1740]  }
0x1b4: {  	v6 =	vadd.f32 v45, v6;
	v44 =	vmul.f32 v47, v47;
	v21 =	vadd.f32 v58, v21;
	v56 =	vld [tilespmem:s21+$0x1730]  }
0x1b5: {  	v5 =	vadd.f32 v28, v5;
	v45 =	vmul.f32 v19, v22;
	v47 =	vmul.f32 v39, v20;
	v39 =	vld [tilespmem:s21+$0x1720];
	[tilespmem:$0x1FE10] =	vst v8  }
0x1b6: {  	v6 =	vadd.f32 v44, v6;
	v58 =	vmul.f32 v8, v8;
	v8 =	vadd.f32 v26, v21;
	v26 =	vld [tilespmem:s21+$0x1710]  }
0x1b7: {  	v28 =	vadd.f32 v47, v45;
	v44 =	vmul.f32 v61, v20;
	v21 =	vmul.f32 v59, v24;
	v34 =	vld [tilespmem:s21+$0x1700]  }
0x1b8: {  	v59 =	vmul.f32 v63, v22;
	v63 =	vld [tilespmem:s21+$0x1370];
	v22 =	vmul.f32 v29, v22;
	v6 =	vadd.f32 v58, v6;
	[tilespmem:$0x1FE20] =	vst v8  }
0x1b9: {  	v4 =	vadd.f32 v4, v28;
	v45 =	vmul.f32 v8, v8;
	v8 =	vadd.f32 v21, v5;
	v5 =	vld [tilespmem:s21+$0x1360]  }
0x1ba: {  	v7 =	vmul.f32 v7, v48;
	v28 =	vadd.f32 v44, v59;
	v1 =	vadd.f32 v1, v22;
	v59 =	vld [tilespmem:s21+$0x1350]  }
0x1bb: {  	v29 =	vld [tilespmem:s21+$0x1340];
	v6 =	vadd.f32 v45, v6;
	[tilespmem:$0x1FE30] =	vst v8;
	v47 =	vmul.f32 v8, v8;
	v8 =	vadd.f32 v3, v4  }
0x1bc: {  	v18 =	vsub.f32 $1.500000000e+00, v27;
	v2 =	vadd.f32 v2, v28;
	v4 =	vmul.f32 v32, v24;
	v3 =	vld [tilespmem:s21+$0x1330]  }
0x1bd: {  	s5 =	simm.s32 $0x3180;
	s1 =	simm.s32 $0x6300;
	v1 =	vadd.f32 v7, v1;
	v28 =	vld [tilespmem:s21+$0x1320];
	v6 =	vadd.f32 v47, v6;
	[tilespmem:$0x1FE40] =	vst v8  }
0x1be: {  	s0 =	sand.u32 $0x7800, s1;
	s1 =	sand.u32 $0x380, s5;
	v27 =	vmul.f32 v8, v8;
	v2 =	vadd.f32 v4, v2;
	v4 =	vmul.f32 v30, v24;
	v32 =	vld [tilespmem:s21+$0x1300]  }
0x1bf: {  	s28 =	sor.u32 s1, s0;
	v7 =	vld [tilespmem:s21+$0x1310]  }
0x1c0: {  	v47 =	vld [tilespmem:s28+$0x16E0];
	v6 =	vadd.f32 v27, v6;
	[tilespmem:$0x1FE50] =	vst v2;
	v27 =	vmul.f32 v2, v2;
	v2 =	vadd.f32 v4, v1;
	_ =	sdelay $0x1  }
0x1c1: {  	v1 =	vadd.f32 v27, v6;
	v4 =	vmul.f32 v2, v2  }
0x1c2: {  	s8 =	simm.s32 $0x4300;
	s29 =	simm.s32 $0x2180  }
0x1c3: {  	s26 =	sand.u32 $0x5800, s8;
	s29 =	sand.u32 $0x380, s29;
	v4 =	vadd.f32 v4, v1  }
0x1c4: {  	s30 =	simm.s32 $0x2300;
	s0 =	sor.u32 s29, s26;
	s31 =	simm.s32 $0x1180;
	v42 =	vmul.f32 v40, v25  }
0x1c5: {  	s1 =	sand.u32 $0x3800, s30;
	s26 =	sand.u32 $0x380, s31;
	v24 =	vmul.f32 v62, v18;
	v35 =	vld [tilespmem:s0+$0x1680];
	v27 =	vperm.xlane v4, v9  }
0x1c6: {  	s1 =	sor.u32 s26, s1;
	v43 =	vmul.f32 v37, v25;
	v61 =	vmul.f32 v33, v25;
	v40 =	vld [tilespmem:s0+$0x1280]  }
0x1c7: {  	v37 =	vmul.f32 v56, v25;
	v0 =	vmul.f32 v24, v0;
	v56 =	vld [tilespmem:s1+$0x1280];
	v4 =	vadd.f32 v4, v27  }
0x1c8: {  	v36 =	vmul.f32 v54, v25;
	v33 =	vmul.f32 v26, v25;
	v26 =	vld [tilespmem:s1+$0x1290]  }
0x1c9: {  	v23 =	vmov v2;
	v0 =	vmul.f32 v0, v24;
	v2 =	vld [tilespmem:s0+$0x12A0];
	v48 =	vperm.xlane v4, v17  }
0x1ca: {  	v6 =	vmul.f32 v5, v25;
	v5 =	vmul.f32 v3, v25;
	v3 =	vld [tilespmem:s1+$0x12B0]  }
0x1cb: {  	v39 =	vmul.f32 v39, v25;
	v0 =	vsub.f32 $1.500000000e+00, v0;
	v4 =	vadd.f32 v4, v48;
	v48 =	vld [tilespmem:s1+$0x12A0]  }
0x1cc: {  	v54 =	vmul.f32 v63, v25;
	v34 =	vmul.f32 v34, v25;
	v1 =	vld [tilespmem:s0+$0x1290]  }
0x1cd: {  	v58 =	vmul.f32 v0, v24;
	v24 =	vld [tilespmem:s0+$0x12B0];
	v0 =	vperm.xlane v4, v10  }
0x1ce: {  	v32 =	vmul.f32 v32, v25;
	v56 =	vmul.f32 v56, v38;
	v27 =	vld [tilespmem:s28+$0x1280]  }
0x1cf: {  	v4 =	vadd.f32 v4, v0;
	v0 =	vmul.f32 v7, v25;
	v7 =	vmul.f32 v26, v38;
	v26 =	vld [tilespmem:s28+$0x1290]  }
0x1d0: {  	v28 =	vmul.f32 v28, v25;
	v32 =	vadd.f32 v56, v32;
	v56 =	vmul.f32 v48, v38;
	v48 =	vld [tilespmem:s1+$0x12C0]  }
0x1d1: {  	v59 =	vmul.f32 v59, v25;
	v0 =	vadd.f32 v7, v0;
	v7 =	vmul.f32 v40, v46;
	v40 =	vld [tilespmem:s28+$0x12A0]  }
0x1d2: {  	v29 =	vmul.f32 v29, v25;
	v1 =	vmul.f32 v1, v46;
	v25 =	vadd.f32 v56, v28;
	v28 =	vld [tilespmem:s0+$0x12C0]  }
0x1d3: {  	v2 =	vmul.f32 v2, v46;
	v56 =	vld [tilespmem:s1+$0x12E0]  }
0x1d4: {  	v7 =	vadd.f32 v7, v32;
	v0 =	vadd.f32 v1, v0;
	v1 =	vmul.f32 v3, v38;
	v3 =	vld [tilespmem:s1+$0x12D0]  }
0x1d5: {  	v30 =	vld [tilespmem:s28+$0x12B0];
	v2 =	vadd.f32 v2, v25;
	v25 =	vmul.f32 v27, v31;
	v26 =	vmul.f32 v26, v31  }
0x1d6: {  	v27 =	vld [tilespmem:s0+$0x12D0];
	v1 =	vadd.f32 v1, v5;
	v5 =	vmul.f32 v24, v46;
	v48 =	vmul.f32 v48, v38  }
0x1d7: {  	v25 =	vadd.f32 v25, v7;
	v24 =	vadd.f32 v26, v0;
	v0 =	vmul.f32 v40, v31;
	v7 =	vld [tilespmem:s0+$0x12E0]  }
0x1d8: {  	v1 =	vadd.f32 v5, v1;
	v5 =	vadd.f32 v48, v29;
	v28 =	vmul.f32 v28, v46;
	v29 =	vld [tilespmem:s28+$0x12C0]  }
0x1d9: {  	v56 =	vmul.f32 v56, v38;
	v26 =	vadd.f32 v0, v2;
	v2 =	vmul.f32 v3, v38;
	v3 =	vld [tilespmem:s1+$0x12F0]  }
0x1da: {  	v0 =	vmul.f32 v30, v31;
	v30 =	vld [tilespmem:s28+$0x12D0];
	v63 =	vmul.f32 v24, v24  }
0x1db: {  	v5 =	vadd.f32 v28, v5;
	v28 =	vmul.f32 v25, v25;
	v2 =	vadd.f32 v2, v59;
	v59 =	vld [tilespmem:s0+$0x12F0]  }
0x1dc: {  	v48 =	vmul.f32 v27, v46;
	v6 =	vadd.f32 v56, v6;
	v27 =	vadd.f32 v0, v1;
	v0 =	vld [tilespmem:s1+$0x1680]  }
0x1dd: {  	v1 =	vmul.f32 v26, v26;
	v28 =	vadd.f32 v63, v28;
	v63 =	vld [tilespmem:s28+$0x12E0];
	v29 =	vmul.f32 v29, v31  }
0x1de: {  	v7 =	vmul.f32 v7, v46;
	v2 =	vadd.f32 v48, v2;
	v48 =	vld [tilespmem:s1+$0x1690];
	v3 =	vmul.f32 v3, v38  }
0x1df: {  	v56 =	vld [tilespmem:s0+$0x1690];
	v1 =	vadd.f32 v1, v28;
	v28 =	vadd.f32 v29, v5;
	v29 =	vmul.f32 v27, v27  }
0x1e0: {  	v6 =	vadd.f32 v7, v6;
	v5 =	vmul.f32 v30, v31;
	v3 =	vadd.f32 v3, v54;
	v54 =	vld [tilespmem:s28+$0x12F0]  }
0x1e1: {  	v7 =	vmul.f32 v59, v46;
	v0 =	vmul.f32 v0, v38;
	v59 =	vld [tilespmem:s0+$0x16A0];
	v1 =	vadd.f32 v29, v1  }
0x1e2: {  	v29 =	vadd.f32 v5, v2;
	v2 =	vld [tilespmem:s1+$0x16A0];
	v5 =	vmul.f32 v63, v31;
	v30 =	vmul.f32 v28, v28  }
0x1e3: {  	v3 =	vadd.f32 v7, v3;
	v7 =	vld [tilespmem:s28+$0x1680];
	v0 =	vadd.f32 v0, v34;
	v48 =	vmul.f32 v48, v38  }
0x1e4: {  	v63 =	vmul.f32 v35, v46;
	v1 =	vadd.f32 v30, v1;
	v30 =	vadd.f32 v5, v6;
	v5 =	vld [tilespmem:s1+$0x16B0]  }
0x1e5: {  	v6 =	vmul.f32 v29, v29;
	v33 =	vadd.f32 v48, v33;
	v48 =	vld [tilespmem:s28+$0x1690]  }
0x1e6: {  	v41 =	vld [tilespmem:s0+$0x16B0];
	v19 =	vmul.f32 v58, v57;
	v0 =	vadd.f32 v63, v0;
	v63 =	vmul.f32 v54, v31  }
0x1e7: {  	v1 =	vadd.f32 v6, v1;
	v6 =	vmul.f32 v56, v46;
	v54 =	vld [tilespmem:s1+$0x16C0];
	v2 =	vmul.f32 v2, v38  }
0x1e8: {  	v35 =	vld [tilespmem:s28+$0x16A0];
	v56 =	vmul.f32 v30, v30;
	v32 =	vadd.f32 v63, v3;
	v3 =	vmul.f32 v7, v31  }
0x1e9: {  	v59 =	vmul.f32 v59, v46;
	v7 =	vld [tilespmem:s0+$0x16C0];
	v6 =	vadd.f32 v6, v33;
	v2 =	vadd.f32 v2, v39  }
0x1ea: {  	v39 =	vld [tilespmem:s28+$0x16B0];
	v34 =	vadd.f32 v3, v0;
	v0 =	vmul.f32 v5, v38;
	v5 =	vmul.f32 v48, v31  }
0x1eb: {  	v1 =	vadd.f32 v56, v1;
	v3 =	vld [tilespmem:s1+$0x16D0];
	v63 =	vmul.f32 v32, v32;
	v48 =	vmul.f32 v41, v46  }
0x1ec: {  	v44 =	vld [tilespmem:s28+$0x16C0];
	v2 =	vadd.f32 v59, v2;
	v59 =	vmul.f32 v54, v38;
	v0 =	vadd.f32 v0, v37  }
0x1ed: {  	v62 =	vld [tilespmem:s0+$0x16D0];
	v1 =	vadd.f32 v63, v1;
	v37 =	vadd.f32 v5, v6;
	v6 =	vmul.f32 v34, v34  }
0x1ee: {  	v54 =	vld [tilespmem:s1+$0x16E0];
	v63 =	vmul.f32 v35, v31;
	v36 =	vadd.f32 v59, v36;
	v0 =	vadd.f32 v48, v0  }
0x1ef: {  	v60 =	vld [tilespmem:s28+$0x16D0];
	v1 =	vadd.f32 v6, v1;
	v6 =	vmul.f32 v7, v46;
	v48 =	vmul.f32 v37, v37  }
0x1f0: {  	v45 =	vld [tilespmem:s0+$0x16E0];
	v33 =	vadd.f32 v63, v2;
	v2 =	vmul.f32 v39, v31;
	v3 =	vmul.f32 v3, v38  }
0x1f1: {  	v57 =	vld.msk [tilespmem:s19+$0x20 ss:$0x0], $0xffff;
	v59 =	vmul.f32 v44, v31;
	v6 =	vadd.f32 v6, v36;
	v1 =	vadd.f32 v48, v1  }
0x1f2: {  	s5 =	simm.s32 $0x2200;
	v35 =	vadd.f32 v2, v0;
	v0 =	vmul.f32 v33, v33;
	v3 =	vadd.f32 v3, v42;
	v42 =	vld [tilespmem:s1+$0x16F0]  }
0x1f3: {  	s26 =	sand.u32 $0x3800, s5;
	v62 =	vmul.f32 v62, v46;
	v63 =	vld [tilespmem:s0+$0x16F0];
	v54 =	vmul.f32 v54, v38  }
0x1f4: {  	s26 =	sor.u32 s25, s26;
	v41 =	vld.msk [tilespmem:s19+$0xFFFFFFC0 ss:$0x0], $0xffff;
	v0 =	vadd.f32 v0, v1;
	v48 =	vmul.f32 v35, v35;
	v36 =	vadd.f32 v59, v6  }
0x1f5: {  	v5 =	vld [tilespmem:s26+$0x1280];
	v2 =	vadd.f32 v54, v43;
	v6 =	vmul.f32 v60, v31;
	v3 =	vadd.f32 v62, v3  }
0x1f6: {  	s8 =	simm.s32 $0x4200;
	v7 =	vld [tilespmem:s21+$0x1280];
	v1 =	vmul.f32 v45, v46;
	v0 =	vadd.f32 v48, v0;
	v59 =	vmul.f32 v36, v36  }
0x1f7: {  	s29 =	sand.u32 $0x5800, s8;
	v39 =	vld.msk [tilespmem:s19+$0xFFFFFFE0 ss:$0x0], $0xffff;
	v42 =	vmul.f32 v42, v38;
	v38 =	vadd.f32 v6, v3;
	v3 =	vperm.xlane v4, v11  }
0x1f8: {  	s30 =	simm.s32 $0x6200;
	s0 =	sor.u32 s25, s29;
	v44 =	vmul.f32 v63, v46;
	v46 =	vld.msk [tilespmem:s19+$0x0 ss:$0x0], $0xffff;
	v1 =	vadd.f32 v1, v2  }
0x1f9: {  	s1 =	sand.u32 $0x7800, s30;
	v2 =	vld [tilespmem:s0+$0x1280];
	v0 =	vadd.f32 v59, v0;
	v18 =	vadd.f32 v4, v3;
	v3 =	vmul.f32 v38, v38  }
0x1fa: {  	v54 =	vld [tilespmem:s28+$0x16F0];
	s31 =	sor.u32 s25, s1  }
0x1fb: {  	v0 =	vadd.f32 v3, v0;
	v3 =	vld [tilespmem:s31+$0x1280]  }
0x1fc: {  	v5 =	vmul.f32 v5, v39;
	v7 =	vmul.f32 v7, v41  }
0x1fd: {  	v8 =	vld [tilespmem:$0x1FE60];
	v47 =	vmul.f32 v47, v31;
	v42 =	vadd.f32 v42, v61  }
0x1fe: {  	v40 =	vld [tilespmem:s26+$0x1290];
	v5 =	vadd.f32 v5, v7;
	v2 =	vmul.f32 v2, v46  }
0x1ff: {  	v56 =	vld [tilespmem:s21+$0x1290];
	v45 =	vmul.f32 v54, v31;
	v31 =	vadd.f32 v47, v1;
	v4 =	vadd.f32 v44, v42  }
0x200: {  	v60 =	vld [tilespmem:s26+$0x12A0];
	v2 =	vadd.f32 v2, v5;
	v3 =	vmul.f32 v3, v57  }
0x201: {  	v6 =	vld [tilespmem:s0+$0x1290];
	v48 =	vmul.f32 v31, v31;
	v63 =	vadd.f32 v45, v4  }
0x202: {  	v42 =	vadd.f32 v3, v2;
	v3 =	vld [tilespmem:$0x1FEB0]  }
0x203: {  	v5 =	vld [tilespmem:$0x1FE80];
	v0 =	vadd.f32 v48, v0;
	v59 =	vmul.f32 v63, v63  }
0x204: {  	v43 =	vld [tilespmem:s0+$0x12A0]  }
0x205: {  	v7 =	vmul.f32 v40, v39;
	v1 =	vld [tilespmem:s21+$0x12A0];
	v0 =	vadd.f32 v59, v0  }
0x206: {  	v54 =	vmul.f32 v56, v41;
	v61 =	vmul.f32 v58, v8;
	v8 =	vld [tilespmem:$0x1FE70]  }
0x207: {  	v44 =	vld [tilespmem:s26+$0x12B0];
	v21 =	vmul.f32 v58, v3;
	v3 =	vperm.xlane v0, v9  }
0x208: {  	v7 =	vadd.f32 v7, v54;
	v20 =	vmul.f32 v58, v5;
	v5 =	vmul.f32 v6, v46;
	v2 =	vld [tilespmem:$0x1FEA0]  }
0x209: {  	v0 =	vadd.f32 v0, v3;
	v3 =	vld [tilespmem:$0x1FEC0]  }
0x20a: {  	v5 =	vadd.f32 v5, v7;
	v7 =	vld [tilespmem:$0x1FE90]  }
0x20b: {  	v4 =	vld [tilespmem:s31+$0x1290]  }
0x20c: {  	v62 =	vmul.f32 v60, v39;
	v1 =	vmul.f32 v1, v41;
	v48 =	vld [tilespmem:s31+$0x12A0]  }
0x20d: {  	v22 =	vmul.f32 v58, v8;
	v8 =	vmul.f32 v58, v49;
	v6 =	vld [tilespmem:s21+$0x12B0]  }
0x20e: {  	v2 =	vmul.f32 v58, v2;
	v60 =	vmul.f32 v58, v3;
	v3 =	vld [tilespmem:$0x1FED0]  }
0x20f: {  	v59 =	vmul.f32 v58, v7;
	v7 =	vld [tilespmem:s0+$0x12B0];
	[tilespmem:$0x1FEF0] =	vst v8  }
0x210: {  	v1 =	vadd.f32 v62, v1;
	v54 =	vld [tilespmem:s26+$0x12C0];
	[tilespmem:$0x1FF00] =	vst v2;
	v2 =	vmul.f32 v43, v46  }
0x211: {  	v4 =	vmul.f32 v4, v57  }
0x212: {  	v45 =	vmul.f32 v48, v57;
	v56 =	vld [tilespmem:s21+$0x12C0];
	v1 =	vadd.f32 v2, v1;
	v2 =	vmul.f32 v6, v41  }
0x213: {  	v43 =	vadd.f32 v4, v5;
	v5 =	vld [tilespmem:s31+$0x12B0];
	v6 =	vmul.f32 v44, v39;
	v3 =	vmul.f32 v58, v3  }
0x214: {  	v40 =	vld [tilespmem:s0+$0x12C0];
	v45 =	vadd.f32 v45, v1;
	v1 =	vmul.f32 v58, v51  }
0x215: {  	v44 =	vld [tilespmem:s26+$0x12D0];
	v2 =	vadd.f32 v6, v2;
	v7 =	vmul.f32 v7, v46;
	[tilespmem:$0x1FF10] =	vst v3  }
0x216: {  	v4 =	vld [tilespmem:s21+$0x12D0];
	[tilespmem:$0x1FF20] =	vst v1;
	v1 =	vperm.xlane v0, v17  }
0x217: {  	v7 =	vadd.f32 v7, v2  }
0x218: {  	v2 =	vmul.f32 v42, v42;
	v0 =	vadd.f32 v0, v1;
	v1 =	vmul.f32 v43, v43  }
0x219: {  	v6 =	vmul.f32 v58, v55;
	v51 =	vld [tilespmem:s31+$0x12C0]  }
0x21a: {  	v54 =	vmul.f32 v54, v39;
	v62 =	vld [tilespmem:s0+$0x12D0];
	v2 =	vadd.f32 v1, v2;
	v1 =	vmul.f32 v58, v53  }
0x21b: {  	v56 =	vmul.f32 v56, v41;
	v48 =	vmul.f32 v5, v57;
	v49 =	vld [tilespmem:s26+$0x12E0];
	[tilespmem:$0x1FF30] =	vst v6  }
0x21c: {  	v6 =	vmul.f32 v58, v50;
	v5 =	vld [tilespmem:s21+$0x12E0];
	[tilespmem:$0x1FF40] =	vst v1;
	v1 =	vperm.xlane v0, v10  }
0x21d: {  	v8 =	vld [tilespmem:$0x1FEE0];
	v47 =	vadd.f32 v48, v7;
	v7 =	vmul.f32 v40, v46  }
0x21e: {  	v3 =	vadd.f32 v54, v56;
	v53 =	vld [tilespmem:s31+$0x12D0];
	[tilespmem:$0x1FF50] =	vst v6;
	v1 =	vadd.f32 v0, v1;
	v0 =	vmul.f32 v58, v52  }
0x21f: {  	v44 =	vmul.f32 v44, v39;
	v4 =	vmul.f32 v4, v41;
	v50 =	vld [tilespmem:s0+$0x12E0]  }
0x220: {  	v56 =	vmul.f32 v45, v45;
	v6 =	vadd.f32 v7, v3;
	v40 =	vld [tilespmem:s26+$0x12F0];
	[tilespmem:$0x1FF60] =	vst v0  }
0x221: {  	v4 =	vadd.f32 v44, v4;
	v52 =	vmul.f32 v62, v46;
	v0 =	vperm.xlane v1, v11;
	v7 =	vld [tilespmem:s21+$0x12F0]  }
0x222: {  	v8 =	vmul.f32 v58, v8;
	v44 =	vmul.f32 v51, v57;
	v3 =	vadd.f32 v56, v2;
	v51 =	vld [tilespmem:s31+$0x12E0]  }
0x223: {  	v5 =	vmul.f32 v5, v41;
	v4 =	vadd.f32 v52, v4;
	v62 =	vld [tilespmem:s0+$0x12F0];
	v2 =	vadd.f32 v1, v0  }
0x224: {  	v55 =	vld [tilespmem:s26+$0x1680];
	[tilespmem:$0x1FF70] =	vst v8;
	v1 =	vmul.f32 v49, v39;
	v0 =	vmul.f32 v47, v47;
	v49 =	vadd.f32 v44, v6  }
0x225: {  	v6 =	vld [tilespmem:s21+$0x1680];
	v58 =	vmul.f32 v50, v46;
	v40 =	vmul.f32 v40, v39;
	v2 =	vmax.f32 v2, $1.000000020e-24  }
0x226: {  	v1 =	vadd.f32 v1, v5;
	v5 =	vmul.f32 v53, v57;
	v48 =	vshra.s32 v2, $0x1  }
0x227: {  	v56 =	vld [tilespmem:s31+$0x12F0];
	v0 =	vadd.f32 v0, v3;
	v3 =	vmul.f32 $5.000000000e-01, v2;
	v44 =	vsub.s32 $0x5F3759DF, v48  }
0x228: {  	v52 =	vld [tilespmem:s0+$0x1680];
	v50 =	vadd.f32 v5, v4;
	v4 =	vmul.f32 v7, v41;
	v51 =	vmul.f32 v51, v57  }
0x229: {  	v48 =	vld [tilespmem:s21+$0x1690];
	v1 =	vadd.f32 v58, v1;
	v58 =	vmul.f32 v49, v49;
	v7 =	vmul.f32 v44, v3  }
0x22a: {  	v54 =	vld [tilespmem:s26+$0x1690];
	v6 =	vmul.f32 v6, v41;
	v4 =	vadd.f32 v40, v4;
	v40 =	vmul.f32 v62, v46  }
0x22b: {  	v5 =	vld [tilespmem:s31+$0x1680];
	v2 =	vadd.f32 v58, v0;
	v58 =	vmul.f32 v55, v39;
	v7 =	vmul.f32 v44, v7  }
0x22c: {  	v55 =	vld [tilespmem:s26+$0x16A0];
	v51 =	vadd.f32 v51, v1;
	v0 =	vmul.f32 v50, v50;
	v4 =	vadd.f32 v40, v4  }
0x22d: {  	v6 =	vadd.f32 v58, v6;
	v58 =	vmul.f32 v56, v57;
	v1 =	vsub.f32 $1.500000000e+00, v7;
	v7 =	vld [tilespmem:s21+$0x16A0]  }
0x22e: {  	v0 =	vadd.f32 v0, v2;
	v2 =	vmul.f32 v52, v46;
	v40 =	vmul.f32 v48, v41  }
0x22f: {  	v48 =	vmul.f32 v51, v51;
	v1 =	vmul.f32 v44, v1;
	v44 =	vld [tilespmem:s0+$0x16A0]  }
0x230: {  	v5 =	vmul.f32 v5, v57;
	v52 =	vadd.f32 v58, v4;
	v2 =	vadd.f32 v2, v6  }
0x231: {  	[tilespmem:s20+$0x11770] =	vst v19;
	v4 =	vmul.f32 v54, v39;
	v0 =	vadd.f32 v48, v0;
	v55 =	vmul.f32 v55, v39  }
0x232: {  	[tilespmem:s20+$0x11300] =	vst v61;
	v54 =	vadd.f32 v5, v2;
	v5 =	vmul.f32 v52, v52;
	v7 =	vmul.f32 v7, v41  }
0x233: {  	[tilespmem:s20+$0x11310] =	vst v22  }
0x234: {  	[tilespmem:s20+$0x11320] =	vst v20;
	v0 =	vadd.f32 v5, v0;
	v7 =	vadd.f32 v55, v7;
	v5 =	vmul.f32 v44, v46  }
0x235: {  	[tilespmem:s20+$0x11330] =	vst v59;
	v62 =	vld [tilespmem:s0+$0x1690]  }
0x236: {  	v5 =	vadd.f32 v5, v7;
	v7 =	vld [tilespmem:$0x1FEF0]  }
0x237: {  	v53 =	vld [tilespmem:s31+$0x1690]  }
0x238: {  	v58 =	vld [tilespmem:s26+$0x16B0]  }
0x239: {  	v6 =	vld [tilespmem:s21+$0x16B0]  }
0x23a: {  	v4 =	vadd.f32 v4, v40;
	v40 =	vmul.f32 v62, v46  }
0x23b: {  	v62 =	vld [tilespmem:s31+$0x16A0];
	[tilespmem:s20+$0x11340] =	vst v7  }
0x23c: {  	v56 =	vmul.f32 v53, v57;
	v4 =	vadd.f32 v40, v4;
	v8 =	vld [tilespmem:$0x1FF00]  }
0x23d: {  	v3 =	vmul.f32 v1, v3  }
0x23e: {  	v56 =	vadd.f32 v56, v4;
	v4 =	vmul.f32 v6, v41;
	v6 =	vmul.f32 v58, v39  }
0x23f: {  	[tilespmem:s20+$0x11360] =	vst v21  }
0x240: {  	v2 =	vmul.f32 v3, v1;
	v4 =	vadd.f32 v6, v4;
	v6 =	vmul.f32 v62, v57;
	[tilespmem:s20+$0x11370] =	vst v60  }
0x241: {  	[tilespmem:s20+$0x11350] =	vst v8  }
0x242: {  	v2 =	vsub.f32 $1.500000000e+00, v2;
	v60 =	vadd.f32 v6, v5;
	v5 =	vld [tilespmem:$0x1FF10];
	_ =	sdelay $0x1  }
0x243: {  	v59 =	vmul.f32 v2, v1;
	v2 =	vmul.f32 v54, v54;
	_ =	sdelay $0x1  }
0x244: {  	v58 =	vmul.f32 v56, v56;
	v0 =	vadd.f32 v2, v0  }
0x245: {  	[tilespmem:s20+$0x11700] =	vst v5  }
0x246: {  	v5 =	vadd.f32 v58, v0;
	v0 =	vld [tilespmem:$0x1FF20];
	_ =	sdelay $0x4  }
0x247: {  	[tilespmem:s20+$0x11710] =	vst v0  }
0x248: {  	v0 =	vld [tilespmem:$0x1FF30];
	_ =	sdelay $0x4  }
0x249: {  	[tilespmem:s20+$0x11720] =	vst v0  }
0x24a: {  	v0 =	vld [tilespmem:$0x1FF40];
	_ =	sdelay $0x2  }
0x24b: {  	v61 =	vld [tilespmem:s21+$0x16C0]  }
0x24c: {  	v48 =	vld [tilespmem:s0+$0x16B0]  }
0x24d: {  	v40 =	vld [tilespmem:s0+$0x16C0];
	[tilespmem:s20+$0x11730] =	vst v0  }
0x24e: {  	v0 =	vld [tilespmem:$0x1FF50]  }
0x24f: {  	v44 =	vld [tilespmem:s31+$0x16B0]  }
0x250: {  	v3 =	vld [tilespmem:s26+$0x16C0]  }
0x251: {  	v55 =	vld [tilespmem:s0+$0x16D0]  }
0x252: {  	v1 =	vld [tilespmem:s26+$0x16D0];
	v7 =	vmul.f32 v48, v46  }
0x253: {  	v6 =	vld [tilespmem:s26+$0x16E0];
	[tilespmem:s20+$0x11740] =	vst v0  }
0x254: {  	v4 =	vadd.f32 v7, v4;
	v7 =	vmul.f32 v44, v57;
	v8 =	vld [tilespmem:$0x1FF60]  }
0x255: {  	v3 =	vmul.f32 v3, v39;
	v2 =	vmul.f32 v61, v41;
	v48 =	vld [tilespmem:s21+$0x16D0]  }
0x256: {  	v61 =	vadd.f32 v7, v4;
	v7 =	vld [tilespmem:s21+$0x16E0]  }
0x257: {  	v62 =	vld [tilespmem:s31+$0x16C0];
	v2 =	vadd.f32 v3, v2;
	v3 =	vmul.f32 v40, v46  }
0x258: {  	v53 =	vld [tilespmem:s0+$0x16E0];
	v63 =	vmul.f32 v59, v63;
	v4 =	vmax.f32 v18, $1.000000020e-24  }
0x259: {  	v18 =	vld [tilespmem:s31+$0x16D0];
	v40 =	vmul.f32 $5.000000000e-01, v4;
	v6 =	vmul.f32 v6, v39;
	v58 =	vadd.f32 v3, v2;
	[tilespmem:s20+$0x11750] =	vst v8  }
0x25a: {  	v2 =	vshra.s32 v4, $0x1;
	v3 =	vmul.f32 v48, v41;
	v4 =	vmul.f32 v1, v39;
	v8 =	vld [tilespmem:$0x1FF70]  }
0x25b: {  	v7 =	vmul.f32 v7, v41;
	v1 =	vld [tilespmem:s26+$0x16F0];
	v44 =	vsub.s32 $0x5F3759DF, v2;
	v2 =	vmul.f32 v60, v60  }
0x25c: {  	v62 =	vmul.f32 v62, v57;
	v4 =	vadd.f32 v4, v3;
	v3 =	vld [tilespmem:s21+$0x16F0];
	v0 =	vmul.f32 v55, v46  }
0x25d: {  	v6 =	vadd.f32 v6, v7;
	v7 =	vmul.f32 v53, v46;
	v5 =	vadd.f32 v2, v5;
	v2 =	vld [tilespmem:s31+$0x16E0]  }
0x25e: {  	v48 =	vmul.f32 v44, v40;
	v62 =	vadd.f32 v62, v58;
	v58 =	vadd.f32 v0, v4;
	v0 =	vld [tilespmem:s0+$0x16F0];
	[tilespmem:s21+$0x11770] =	vst v63  }
0x25f: {  	s25 =	simm.s32 $0x2;
	s19 =	sshll.u32 s18, $0x6;
	s26 =	simm.s32 $0x1144;
	v55 =	vmul.f32 v61, v61;
	v4 =	vld [tilespmem:s31+$0x16F0];
	v63 =	vmul.f32 v18, v57;
	[tilespmem:s20+$0x11760] =	vst v8  }
.LBB2_3:
0x260: {  	_ = 	snop  }
0x261: {  	v53 =	vld.msk [tilespmem:s26+$0x21 ss:$0x0], $0xffff;
	v5 =	vadd.f32 v55, v5;
	v8 =	vmul.f32 v62, v62  }
0x262: {  	s23 =	sadd.s32 $0x100, s23;
	s24 =	sadd.s32 $0x200, s24;
	v55 =	vld.msk [tilespmem:s26+$0x1 ss:$0x0], $0xffff;
	v63 =	vadd.f32 v63, v58;
	v1 =	vmul.f32 v1, v39;
	v3 =	vmul.f32 v3, v41  }
0x263: {  	v6 =	vadd.f32 v7, v6;
	s0 =	sand.u32 $0x1800, s24;
	s29 =	sand.u32 $0x300, s23;
	v7 =	vmul.f32 v44, v48;
	v58 =	vld.msk [tilespmem:s26+$0xFFFFFFE1 ss:$0x0], $0xffff;
	v2 =	vmul.f32 v2, v57  }
0x264: {  	s1 =	sor.u32 s29, s0;
	v5 =	vadd.f32 v8, v5;
	v39 =	vld.msk [tilespmem:s26+$0xFFFFFFC1 ss:$0x0], $0xffff;
	v0 =	vmul.f32 v0, v46;
	v1 =	vadd.f32 v1, v3  }
0x265: {  	v8 =	vmul.f32 v63, v63;
	v41 =	vld [tilespmem:s1+$0x1770];
	v3 =	vadd.f32 v2, v6;
	v2 =	vmul.f32 v4, v57  }
0x266: {  	v46 =	vld [tilespmem:s1+$0x1760];
	v4 =	vsub.f32 $1.500000000e+00, v7;
	v6 =	vmul.f32 v59, v25;
	v1 =	vadd.f32 v0, v1  }
0x267: {  	v5 =	vadd.f32 v8, v5;
	v25 =	vld [tilespmem:s1+$0x1740];
	v7 =	vmul.f32 v3, v3  }
0x268: {  	v0 =	vld [tilespmem:s1+$0x1750];
	v8 =	vmul.f32 v44, v4;
	[tilespmem:s21+$0x11300] =	vst v6;
	v44 =	vadd.f32 v2, v1;
	v1 =	vmul.f32 v59, v24  }
0x269: {  	v2 =	vmul.f32 v59, v26;
	v26 =	vld [tilespmem:s1+$0x1730];
	v4 =	vadd.f32 v7, v5;
	v5 =	vmul.f32 v59, v27  }
0x26a: {  	v6 =	vmul.f32 v8, v40;
	v24 =	vld [tilespmem:s1+$0x1720];
	v7 =	vmul.f32 v44, v44;
	[tilespmem:s21+$0x11310] =	vst v1  }
0x26b: {  	v57 =	vmul.f32 v59, v28;
	v28 =	vld [tilespmem:s1+$0x1710];
	[tilespmem:s21+$0x11320] =	vst v2  }
0x26c: {  	v2 =	vmul.f32 v6, v8;
	v27 =	vld [tilespmem:s1+$0x1700];
	v6 =	vadd.f32 v7, v4;
	[tilespmem:s21+$0x11330] =	vst v5  }
0x26d: {  	v1 =	vld [tilespmem:s1+$0x1370]  }
0x26e: {  	[tilespmem:s21+$0x11340] =	vst v57;
	v57 =	vperm.xlane v6, v9;
	v9 =	vld [tilespmem:$0x1FDD0]  }
0x26f: {  	v48 =	vsub.f32 $1.500000000e+00, v2;
	_ =	sdelay $0x1  }
0x270: {  	v8 =	vmul.f32 v48, v8  }
0x271: {  	v5 =	vmul.f32 v59, v32  }
0x272: {  	v32 =	vmul.f32 v59, v33;
	v33 =	vmul.f32 v8, v9;
	v9 =	vmov v43  }
0x273: {  	[tilespmem:$0x1FDD0] =	vst v9;
	v9 =	vld [tilespmem:$0x1FDE0];
	_ =	sdelay $0x4  }
0x274: {  	v48 =	vmul.f32 v8, v9;
	v9 =	vmov v45  }
0x275: {  	[tilespmem:$0x1FDE0] =	vst v9;
	v9 =	vld [tilespmem:$0x1FDF0]  }
0x276: {  	v29 =	vmul.f32 v59, v29  }
0x277: {  	v4 =	vmul.f32 v59, v30  }
0x278: {  	v2 =	vld [tilespmem:s1+$0x1360];
	[tilespmem:s21+$0x11350] =	vst v29  }
0x279: {  	v30 =	vld [tilespmem:s1+$0x1350];
	[tilespmem:s21+$0x11360] =	vst v4  }
0x27a: {  	v29 =	vld [tilespmem:s1+$0x1340];
	[tilespmem:s21+$0x11370] =	vst v5;
	v5 =	vmul.f32 v59, v36;
	v36 =	vmul.f32 v8, v9;
	v9 =	vmov v49  }
0x27b: {  	[tilespmem:$0x1FDF0] =	vst v9;
	v9 =	vld [tilespmem:$0x1FE10];
	_ =	sdelay $0x3  }
0x27c: {  	v7 =	vmul.f32 v59, v34;
	v6 =	vadd.f32 v6, v57;
	v57 =	vmul.f32 v59, v38;
	v38 =	vld [tilespmem:s1+$0x1330]  }
0x27d: {  	[tilespmem:s20+$0x112C0] =	vst v36;
	v36 =	vmul.f32 v8, v9;
	v9 =	vld [tilespmem:$0x1FE20]  }
0x27e: {  	s28 =	sadd.s32 $0x2000, s24;
	s8 =	sadd.s32 $0x4000, s24;
	s31 =	sadd.s32 $0x6000, s24;
	[tilespmem:s21+$0x11700] =	vst v7;
	v7 =	vld [tilespmem:$0x1FDC0]  }
0x27f: {  	s5 =	sand.u32 $0x3800, s28;
	s28 =	sand.u32 $0x5800, s8;
	s8 =	sadd.s32 $0x6100, s24;
	v34 =	vmul.f32 v59, v37  }
0x280: {  	s30 =	sor.u32 s29, s5;
	s28 =	sor.u32 s29, s28;
	s5 =	sand.u32 $0x7800, s31  }
0x281: {  	v19 =	vmov v42;
	s0 =	sand.u32 $0x7800, s8;
	s29 =	sor.u32 s29, s5;
	s5 =	sadd.s32 $0x3080, s23;
	v42 =	vld [tilespmem:s1+$0x1320];
	[tilespmem:s21+$0x11710] =	vst v34  }
0x282: {  	s8 =	sadd.s32 $0x4100, s24;
	s31 =	sand.u32 $0x380, s5;
	s5 =	sadd.s32 $0x2080, s23;
	v43 =	vld [tilespmem:s1+$0x1300];
	[tilespmem:s20+$0x112A0] =	vst v48;
	v48 =	vmul.f32 v8, v9;
	v9 =	vmov v60  }
0x283: {  	s8 =	sand.u32 $0x5800, s8;
	s31 =	sor.u32 s31, s0;
	s5 =	sand.u32 $0x380, s5;
	v7 =	vmul.f32 v8, v7;
	[tilespmem:$0x1FE10] =	vst v9;
	v9 =	vld [tilespmem:$0x1FE30]  }
0x284: {  	v18 =	vmov v47;
	s0 =	sor.u32 s5, s8;
	v4 =	vmul.f32 v59, v35;
	[tilespmem:$0x1FDC0] =	vst v19;
	v35 =	vperm.xlane v6, v17;
	v47 =	vld [tilespmem:s31+$0x16E0]  }
0x285: {  	v19 =	vmov v50;
	v50 =	vld [tilespmem:s0+$0x16E0];
	[tilespmem:s20+$0x11280] =	vst v7;
	v7 =	vmul.f32 v8, v12  }
0x286: {  	v20 =	vmov v51;
	v51 =	vld [tilespmem:s31+$0x16C0];
	v6 =	vadd.f32 v6, v35;
	[tilespmem:s20+$0x11290] =	vst v33;
	v33 =	vmul.f32 v8, v13  }
0x287: {  	[tilespmem:s20+$0x112B0] =	vst v7;
	v7 =	vld [tilespmem:$0x1FE00]  }
0x288: {  	v40 =	vperm.xlane v6, v10;
	[tilespmem:s20+$0x112D0] =	vst v33;
	v33 =	vmul.f32 v8, v9;
	v9 =	vld [tilespmem:$0x1FE40]  }
0x289: {  	v22 =	vmov v54;
	v37 =	vmul.f32 v8, v16;
	v54 =	vld [tilespmem:s0+$0x16D0]  }
0x28a: {  	v34 =	vmul.f32 v8, v15;
	v13 =	vmov v63;
	v63 =	vld [tilespmem:s31+$0x1680];
	v6 =	vadd.f32 v6, v40  }
0x28b: {  	[tilespmem:s20+$0x11680] =	vst v37;
	v35 =	vmul.f32 v8, v14;
	v10 =	vmov v56;
	v56 =	vld [tilespmem:s31+$0x16B0]  }
0x28c: {  	[tilespmem:s20+$0x112F0] =	vst v34;
	v12 =	vmov v3;
	v45 =	vld [tilespmem:s1+$0x1310];
	v3 =	vperm.xlane v6, v11  }
0x28d: {  	v21 =	vmov v52;
	[tilespmem:s20+$0x112E0] =	vst v35;
	v7 =	vmul.f32 v8, v7;
	v52 =	vmul.f32 v8, v9;
	v9 =	vld [tilespmem:$0x1FE50]  }
0x28e: {  	[tilespmem:$0x1FE00] =	vst v10;
	v10 =	vmov v61;
	v61 =	vld [tilespmem:s31+$0x16A0]  }
0x28f: {  	v3 =	vadd.f32 v6, v3;
	v6 =	vld [tilespmem:s0+$0x16B0];
	[tilespmem:s20+$0x11690] =	vst v7  }
0x290: {  	v49 =	vld [tilespmem:s31+$0x16D0];
	[tilespmem:s20+$0x116A0] =	vst v36  }
0x291: {  	v7 =	vld [tilespmem:s31+$0x1690];
	[tilespmem:s20+$0x116B0] =	vst v48  }
0x292: {  	v60 =	vld [tilespmem:s0+$0x16C0];
	[tilespmem:s20+$0x116C0] =	vst v33;
	v35 =	vmul.f32 v8, v9  }
0x293: {  	v3 =	vmax.f32 v3, $1.000000020e-24;
	[tilespmem:s20+$0x116D0] =	vst v52;
	v52 =	vld [tilespmem:s0+$0x1690];
	v8 =	vmul.f32 v8, v23  }
0x294: {  	v59 =	vmul.f32 v59, v31;
	v31 =	vshra.s32 v3, $0x1;
	v9 =	vmov v62;
	v62 =	vld [tilespmem:s0+$0x16A0];
	[tilespmem:s20+$0x116E0] =	vst v35  }
0x295: {  	v23 =	vmov v44;
	v44 =	vsub.s32 $0x5F3759DF, v31;
	v31 =	vmul.f32 v41, v39;
	v41 =	vld [tilespmem:s31+$0x12F0];
	[tilespmem:s20+$0x116F0] =	vst v8;
	s20 =	smov.u32 s21  }
0x296: {  	v37 =	vmul.f32 v26, v39;
	v34 =	vmul.f32 v24, v39;
	v8 =	vld [tilespmem:s0+$0x1680];
	[tilespmem:s20+$0x11720] =	vst v32  }
0x297: {  	v26 =	vmul.f32 v38, v39;
	v33 =	vmul.f32 v25, v39;
	v25 =	vld [tilespmem:s31+$0x12E0];
	[tilespmem:s20+$0x11730] =	vst v4  }
0x298: {  	v40 =	vmul.f32 $5.000000000e-01, v3;
	v3 =	vmul.f32 v1, v39;
	v4 =	vld [tilespmem:s0+$0x12F0];
	[tilespmem:s20+$0x11740] =	vst v5  }
0x299: {  	v1 =	vmul.f32 v27, v39;
	v27 =	vmul.f32 v29, v39;
	v24 =	vld [tilespmem:s31+$0x12D0];
	[tilespmem:s20+$0x11750] =	vst v57  }
0x29a: {  	v38 =	vmul.f32 v49, v53;
	v49 =	vmul.f32 v56, v53;
	v29 =	vld [tilespmem:s0+$0x12E0];
	[tilespmem:s20+$0x11760] =	vst v59  }
0x29b: {  	v36 =	vmul.f32 v46, v39;
	v35 =	vmul.f32 v0, v39;
	v59 =	vld [tilespmem:s31+$0x12C0]  }
0x29c: {  	[tilespmem:$0x1FE30] =	vst v9;
	v0 =	vmul.f32 v61, v53;
	v61 =	vmul.f32 v52, v55;
	v9 =	vld [tilespmem:s0+$0x12D0]  }
0x29d: {  	[tilespmem:$0x1FE20] =	vst v10;
	v32 =	vmul.f32 v28, v39;
	v28 =	vmul.f32 v2, v39;
	v10 =	vld [tilespmem:s31+$0x12B0]  }
0x29e: {  	v5 =	vmul.f32 v30, v39;
	v57 =	vmul.f32 v42, v39;
	v11 =	vld [tilespmem:s0+$0x12C0]  }
0x29f: {  	v42 =	vmul.f32 v47, v53;
	v47 =	vmul.f32 v54, v55;
	v54 =	vld [tilespmem:s0+$0x12B0]  }
0x2a0: {  	s5 =	sadd.s32 $0x2100, s24;
	s8 =	sadd.s32 $0x1080, s23;
	v30 =	vmul.f32 v43, v39;
	v39 =	vmul.f32 v45, v39;
	v56 =	vld [tilespmem:s31+$0x1280]  }
0x2a1: {  	s21 =	smov.u32 s1;
	s1 =	sand.u32 $0x3800, s5;
	s5 =	sand.u32 $0x380, s8;
	v45 =	vmul.f32 v51, v53;
	v51 =	vmul.f32 v6, v55;
	v6 =	vld [tilespmem:s0+$0x12A0]  }
0x2a2: {  	v2 =	vmul.f32 v7, v53;
	s1 =	sor.u32 s5, s1;
	v43 =	vmul.f32 v50, v55;
	v7 =	vld [tilespmem:s0+$0x1280]  }
0x2a3: {  	v50 =	vmul.f32 v60, v55;
	v46 =	vmul.f32 v62, v55;
	v52 =	vld [tilespmem:s1+$0x1280]  }
0x2a4: {  	v60 =	vmul.f32 v63, v53;
	v62 =	vmul.f32 v41, v53;
	v41 =	vld [tilespmem:s1+$0x1290]  }
0x2a5: {  	[tilespmem:$0x1FE40] =	vst v13;
	v8 =	vmul.f32 v8, v55;
	v63 =	vmul.f32 v25, v53;
	v25 =	vld [tilespmem:s1+$0x12A0]  }
0x2a6: {  	[tilespmem:$0x1FE50] =	vst v12;
	v12 =	vmul.f32 v24, v53;
	v24 =	vld [tilespmem:s0+$0x1290];
	v13 =	vmul.f32 v59, v53  }
0x2a7: {  	v14 =	vld [tilespmem:s31+$0x1290];
	v9 =	vmul.f32 v9, v55;
	v10 =	vmul.f32 v10, v53  }
0x2a8: {  	v59 =	vld [tilespmem:s1+$0x12B0];
	v11 =	vmul.f32 v11, v55;
	v52 =	vmul.f32 v52, v58  }
0x2a9: {  	v16 =	vld [tilespmem:s1+$0x12C0];
	v56 =	vmul.f32 v56, v53;
	v41 =	vmul.f32 v41, v58  }
0x2aa: {  	v17 =	vld [tilespmem:s31+$0x12A0];
	v7 =	vmul.f32 v7, v55;
	v25 =	vmul.f32 v25, v58;
	v30 =	vadd.f32 v52, v30  }
0x2ab: {  	v15 =	vmul.f32 v54, v55;
	v39 =	vadd.f32 v41, v39;
	v41 =	vld [tilespmem:s1+$0x12D0];
	v24 =	vmul.f32 v24, v55  }
0x2ac: {  	v6 =	vmul.f32 v6, v55;
	v25 =	vadd.f32 v25, v57;
	v7 =	vadd.f32 v7, v30  }
0x2ad: {  	v14 =	vmul.f32 v14, v53;
	v30 =	vld [tilespmem:s1+$0x12E0];
	v57 =	vmul.f32 v59, v58;
	v24 =	vadd.f32 v24, v39  }
0x2ae: {  	v54 =	vld [tilespmem:s30+$0x1290];
	v16 =	vmul.f32 v16, v58;
	v6 =	vadd.f32 v6, v25;
	v25 =	vadd.f32 v56, v7  }
0x2af: {  	v52 =	vld [tilespmem:s30+$0x1280];
	v7 =	vmul.f32 v17, v53;
	v26 =	vadd.f32 v57, v26;
	v24 =	vadd.f32 v14, v24  }
0x2b0: {  	v16 =	vadd.f32 v16, v27;
	v14 =	vld [tilespmem:s1+$0x12F0];
	v17 =	vmul.f32 v41, v58;
	v27 =	vmul.f32 v25, v25  }
0x2b1: {  	v59 =	vld [tilespmem:s21+$0x1280];
	v15 =	vadd.f32 v15, v26;
	v39 =	vmul.f32 v24, v24;
	v26 =	vadd.f32 v7, v6  }
0x2b2: {  	v6 =	vld [tilespmem:s1+$0x1680];
	v7 =	vadd.f32 v11, v16;
	v5 =	vadd.f32 v17, v5;
	v11 =	vmul.f32 v30, v58  }
0x2b3: {  	v29 =	vmul.f32 v29, v55;
	v56 =	vld [tilespmem:s21+$0x1290];
	v16 =	vadd.f32 v39, v27;
	v27 =	vadd.f32 v10, v15  }
0x2b4: {  	v17 =	vmul.f32 v26, v26;
	v10 =	vld [tilespmem:s1+$0x1690];
	v5 =	vadd.f32 v9, v5;
	v9 =	vadd.f32 v11, v28  }
0x2b5: {  	v4 =	vmul.f32 v4, v55;
	v28 =	vadd.f32 v13, v7;
	v7 =	vld [tilespmem:s1+$0x16A0];
	v11 =	vmul.f32 v14, v58  }
0x2b6: {  	v39 =	vld.msk [tilespmem:s26+$0xFFFFFFE0 ss:$0x0], $0xffff;
	v14 =	vadd.f32 v17, v16;
	v15 =	vmul.f32 v27, v27;
	v9 =	vadd.f32 v29, v9  }
0x2b7: {  	v41 =	vld.msk [tilespmem:s26+$0xFFFFFFC0 ss:$0x0], $0xffff;
	v29 =	vadd.f32 v12, v5;
	v3 =	vadd.f32 v11, v3;
	v6 =	vmul.f32 v6, v58  }
0x2b8: {  	v13 =	vmul.f32 v28, v28;
	v5 =	vld [tilespmem:s1+$0x16B0];
	v11 =	vadd.f32 v15, v14;
	v30 =	vadd.f32 v63, v9  }
0x2b9: {  	v57 =	vld.msk [tilespmem:s26+$0x20 ss:$0x0], $0xffff;
	v3 =	vadd.f32 v4, v3;
	v1 =	vadd.f32 v6, v1;
	v4 =	vmul.f32 v10, v58  }
0x2ba: {  	v9 =	vld [tilespmem:s1+$0x16C0];
	v10 =	vmul.f32 v29, v29;
	v7 =	vmul.f32 v7, v58;
	v6 =	vadd.f32 v13, v11  }
0x2bb: {  	v12 =	vld [tilespmem:s28+$0x1280];
	v16 =	vmul.f32 v54, v39;
	v1 =	vadd.f32 v8, v1;
	v4 =	vadd.f32 v4, v32  }
0x2bc: {  	v8 =	vmul.f32 v30, v30;
	v32 =	vadd.f32 v62, v3;
	v3 =	vld [tilespmem:s1+$0x16D0];
	v6 =	vadd.f32 v10, v6  }
0x2bd: {  	v17 =	vld [tilespmem:s28+$0x12B0];
	v7 =	vadd.f32 v7, v34;
	v5 =	vmul.f32 v5, v58;
	v4 =	vadd.f32 v61, v4  }
0x2be: {  	v34 =	vadd.f32 v60, v1;
	v1 =	vld [tilespmem:s1+$0x16E0];
	v6 =	vadd.f32 v8, v6;
	v8 =	vmul.f32 v32, v32  }
0x2bf: {  	v14 =	vld [tilespmem:s28+$0x12A0];
	v7 =	vadd.f32 v46, v7;
	v5 =	vadd.f32 v5, v37;
	v9 =	vmul.f32 v9, v58  }
0x2c0: {  	v37 =	vadd.f32 v2, v4;
	v2 =	vld [tilespmem:s1+$0x16F0];
	v6 =	vadd.f32 v8, v6;
	v8 =	vmul.f32 v34, v34  }
0x2c1: {  	v15 =	vld [tilespmem:s21+$0x12B0];
	v4 =	vadd.f32 v51, v5;
	v5 =	vadd.f32 v9, v33;
	v3 =	vmul.f32 v3, v58  }
0x2c2: {  	v33 =	vadd.f32 v0, v7;
	v0 =	vld [tilespmem:s0+$0x16F0];
	v6 =	vadd.f32 v8, v6;
	v8 =	vmul.f32 v37, v37  }
0x2c3: {  	v13 =	vld [tilespmem:s21+$0x12A0];
	v5 =	vadd.f32 v50, v5;
	v3 =	vadd.f32 v3, v35;
	v1 =	vmul.f32 v1, v58  }
0x2c4: {  	v35 =	vadd.f32 v49, v4;
	v4 =	vld [tilespmem:s31+$0x16F0];
	v6 =	vadd.f32 v8, v6;
	v8 =	vmul.f32 v33, v33  }
0x2c5: {  	v11 =	vld [tilespmem:s28+$0x1290];
	v3 =	vadd.f32 v47, v3;
	v1 =	vadd.f32 v1, v36;
	v2 =	vmul.f32 v2, v58  }
0x2c6: {  	v10 =	vld [tilespmem:s30+$0x12A0];
	v36 =	vadd.f32 v45, v5;
	v6 =	vadd.f32 v8, v6;
	v8 =	vmul.f32 v35, v35  }
0x2c7: {  	v46 =	vld.msk [tilespmem:s26+$0x0 ss:$0x0], $0xffff;
	v0 =	vmul.f32 v0, v55;
	v1 =	vadd.f32 v43, v1;
	v2 =	vadd.f32 v2, v31  }
0x2c8: {  	v60 =	vld [tilespmem:s30+$0x12C0];
	v13 =	vmul.f32 v13, v41;
	v38 =	vadd.f32 v38, v3;
	v6 =	vadd.f32 v8, v6  }
0x2c9: {  	v7 =	vld [tilespmem:s29+$0x1280];
	v8 =	vmul.f32 v36, v36;
	v0 =	vadd.f32 v0, v2;
	v2 =	vmul.f32 v4, v53  }
0x2ca: {  	v9 =	vld [tilespmem:s29+$0x1290];
	v3 =	vmul.f32 v52, v39;
	v31 =	vadd.f32 v42, v1;
	v1 =	vmul.f32 v59, v41  }
0x2cb: {  	v5 =	vld [tilespmem:s30+$0x12B0];
	v6 =	vadd.f32 v8, v6;
	v8 =	vmul.f32 v38, v38;
	v53 =	vadd.f32 v2, v0  }
0x2cc: {  	v4 =	vld [tilespmem:s29+$0x12A0];
	v0 =	vadd.f32 v3, v1;
	v1 =	vmul.f32 v12, v46;
	v2 =	vmul.f32 v56, v41  }
0x2cd: {  	v11 =	vmul.f32 v11, v46;
	v3 =	vld [tilespmem:s21+$0x12C0];
	v6 =	vadd.f32 v8, v6;
	v8 =	vmul.f32 v31, v31  }
0x2ce: {  	v12 =	vld [tilespmem:s29+$0x12B0];
	v2 =	vadd.f32 v16, v2;
	v0 =	vadd.f32 v1, v0;
	v1 =	vmul.f32 v7, v57  }
0x2cf: {  	v10 =	vmul.f32 v10, v39;
	v16 =	vld [tilespmem:s28+$0x12C0];
	v6 =	vadd.f32 v8, v6;
	v8 =	vmul.f32 v53, v53  }
0x2d0: {  	v7 =	vld [tilespmem:s30+$0x12D0];
	v2 =	vadd.f32 v11, v2;
	v42 =	vadd.f32 v1, v0;
	v0 =	vmul.f32 v14, v46  }
0x2d1: {  	v11 =	vld [tilespmem:$0x1FFC0];
	v6 =	vadd.f32 v8, v6;
	v8 =	vmul.f32 v9, v57;
	v9 =	vadd.f32 v10, v13  }
0x2d2: {  	v1 =	vld [tilespmem:s29+$0x12C0]  }
0x2d3: {  	v4 =	vmul.f32 v4, v57;
	v10 =	vld [tilespmem:s21+$0x12D0];
	v0 =	vadd.f32 v0, v9  }
0x2d4: {  	v5 =	vmul.f32 v5, v39;
	v13 =	vld [tilespmem:s21+$0x12E0]  }
0x2d5: {  	v43 =	vadd.f32 v8, v2;
	v2 =	vmul.f32 v15, v41;
	v45 =	vadd.f32 v4, v0;
	v4 =	vld [tilespmem:$0x1FFD0]  }
0x2d6: {  	v8 =	vld [tilespmem:s28+$0x12D0];
	v11 =	vperm.xlane v6, v11  }
0x2d7: {  	v9 =	vld [tilespmem:s30+$0x12E0];
	v2 =	vadd.f32 v5, v2;
	v5 =	vmul.f32 v17, v46  }
0x2d8: {  	v0 =	vmul.f32 v3, v41;
	v3 =	vld [tilespmem:s29+$0x12D0];
	v6 =	vadd.f32 v6, v11;
	v11 =	vmul.f32 v60, v39  }
0x2d9: {  	v12 =	vmul.f32 v12, v57;
	v14 =	vmul.f32 v42, v42;
	v2 =	vadd.f32 v5, v2;
	v5 =	vld [tilespmem:s28+$0x12E0]  }
0x2da: {  	v15 =	vmul.f32 v43, v43;
	v0 =	vadd.f32 v11, v0;
	v11 =	vld [tilespmem:s30+$0x12F0];
	v4 =	vperm.xlane v6, v4  }
0x2db: {  	v7 =	vmul.f32 v7, v39;
	v47 =	vadd.f32 v12, v2;
	v2 =	vmul.f32 v10, v41;
	v12 =	vld [tilespmem:$0x1FFE0]  }
0x2dc: {  	v10 =	vld [tilespmem:s29+$0x12E0];
	v4 =	vadd.f32 v6, v4;
	v6 =	vadd.f32 v15, v14;
	v14 =	vmul.f32 v16, v46  }
0x2dd: {  	v2 =	vadd.f32 v7, v2;
	v7 =	vmul.f32 v8, v46;
	v8 =	vld [tilespmem:s30+$0x1680]  }
0x2de: {  	v1 =	vmul.f32 v1, v57;
	v9 =	vmul.f32 v9, v39;
	v15 =	vld [tilespmem:s21+$0x12F0];
	v0 =	vadd.f32 v14, v0  }
0x2df: {  	v3 =	vmul.f32 v3, v57;
	v16 =	vmul.f32 v45, v45;
	v14 =	vld [tilespmem:s28+$0x12F0]  }
0x2e0: {  	v2 =	vadd.f32 v7, v2;
	v12 =	vperm.xlane v4, v12;
	v49 =	vadd.f32 v1, v0;
	v1 =	vld [tilespmem:$0x1FFF0]  }
0x2e1: {  	v5 =	vmul.f32 v5, v46;
	v11 =	vmul.f32 v11, v39;
	v0 =	vld [tilespmem:s29+$0x12F0]  }
0x2e2: {  	v50 =	vadd.f32 v3, v2;
	v3 =	vld [tilespmem:s29+$0x1680];
	v4 =	vadd.f32 v4, v12;
	v12 =	vmul.f32 v13, v41  }
0x2e3: {  	v6 =	vadd.f32 v16, v6;
	v16 =	vmul.f32 v47, v47;
	v10 =	vmul.f32 v10, v57;
	v13 =	vld [tilespmem:s21+$0x1680]  }
0x2e4: {  	v15 =	vmul.f32 v15, v41;
	v61 =	vmul.f32 v50, v50;
	v7 =	vadd.f32 v9, v12;
	v9 =	vld [tilespmem:s28+$0x1680]  }
0x2e5: {  	v12 =	vld [tilespmem:s30+$0x1690];
	v14 =	vmul.f32 v14, v46;
	v1 =	vperm.xlane v4, v1  }
0x2e6: {  	v2 =	vadd.f32 v5, v7;
	v5 =	vadd.f32 v11, v15;
	v7 =	vld [tilespmem:s28+$0x1690];
	v0 =	vmul.f32 v0, v57  }
0x2e7: {  	v15 =	vld [tilespmem:s30+$0x16A0];
	v1 =	vadd.f32 v4, v1;
	v4 =	vadd.f32 v16, v6;
	v6 =	vmul.f32 v49, v49  }
0x2e8: {  	v51 =	vadd.f32 v10, v2;
	v2 =	vmul.f32 v13, v41;
	v5 =	vadd.f32 v14, v5;
	v16 =	vld [tilespmem:s21+$0x1690]  }
0x2e9: {  	v10 =	vld [tilespmem:s29+$0x1690];
	v1 =	vmax.f32 v1, $1.000000020e-24;
	v4 =	vadd.f32 v6, v4;
	v6 =	vmul.f32 v8, v39  }
0x2ea: {  	v13 =	vld [tilespmem:s28+$0x16A0];
	v62 =	vmul.f32 v51, v51;
	v11 =	vshra.s32 v1, $0x1;
	v1 =	vmul.f32 $5.000000000e-01, v1  }
0x2eb: {  	v8 =	vld [tilespmem:s21+$0x16A0];
	v11 =	vsub.s32 $0x5F3759DF, v11;
	v2 =	vadd.f32 v6, v2;
	v6 =	vmul.f32 v9, v46  }
0x2ec: {  	v52 =	vadd.f32 v0, v5;
	v9 =	vmul.f32 v12, v39;
	v12 =	vld [tilespmem:s30+$0x16B0];
	v17 =	vmul.f32 v11, v1  }
0x2ed: {  	v4 =	vadd.f32 v61, v4;
	v16 =	vmul.f32 v16, v41;
	v0 =	vadd.f32 v6, v2;
	v2 =	vld [tilespmem:s29+$0x16A0]  }
0x2ee: {  	v3 =	vmul.f32 v3, v57;
	v6 =	vld [tilespmem:s28+$0x16B0];
	v14 =	vmul.f32 v11, v17  }
0x2ef: {  	v7 =	vmul.f32 v7, v46;
	v4 =	vadd.f32 v62, v4;
	v17 =	vld [tilespmem:s21+$0x16B0];
	v5 =	vadd.f32 v9, v16  }
0x2f0: {  	v54 =	vadd.f32 v3, v0;
	v0 =	vmul.f32 v8, v41;
	v3 =	vld [tilespmem:s21+$0x16C0];
	v14 =	vsub.f32 $1.500000000e+00, v14  }
0x2f1: {  	v8 =	vmul.f32 v52, v52;
	v5 =	vadd.f32 v7, v5;
	v7 =	vmul.f32 v10, v57;
	v10 =	vld [tilespmem:s29+$0x16B0]  }
0x2f2: {  	v9 =	vmul.f32 v11, v14;
	v14 =	vld [tilespmem:s30+$0x16C0]  }
0x2f3: {  	v4 =	vadd.f32 v8, v4;
	v11 =	vmul.f32 v15, v39;
	v15 =	vld [tilespmem:s30+$0x16D0]  }
0x2f4: {  	v63 =	vmul.f32 v54, v54;
	v56 =	vadd.f32 v7, v5;
	v5 =	vld [tilespmem:s21+$0x16D0];
	v1 =	vmul.f32 v9, v1  }
0x2f5: {  	v8 =	vmul.f32 v17, v41;
	v17 =	vld [tilespmem:$0x1FFD0];
	v0 =	vadd.f32 v11, v0;
	v11 =	vmul.f32 v13, v46  }
0x2f6: {  	v12 =	vmul.f32 v12, v39;
	v13 =	vld [tilespmem:s28+$0x16C0];
	v1 =	vmul.f32 v1, v9  }
0x2f7: {  	v2 =	vmul.f32 v2, v57;
	v4 =	vadd.f32 v63, v4;
	v0 =	vadd.f32 v11, v0;
	v11 =	vld [tilespmem:s28+$0x16D0]  }
0x2f8: {  	v6 =	vmul.f32 v6, v46;
	v7 =	vadd.f32 v12, v8;
	v8 =	vld [tilespmem:s29+$0x16C0];
	v1 =	vsub.f32 $1.500000000e+00, v1  }
0x2f9: {  	v12 =	vld [tilespmem:s29+$0x16D0];
	v60 =	vadd.f32 v2, v0;
	v0 =	vmul.f32 v3, v41;
	v3 =	vmul.f32 v56, v56  }
0x2fa: {  	v10 =	vmul.f32 v10, v57;
	v6 =	vadd.f32 v6, v7;
	v7 =	vld [tilespmem:s21+$0x16E0];
	v59 =	vmul.f32 v1, v9  }
0x2fb: {  	v2 =	vld [tilespmem:s30+$0x16E0];
	v1 =	vmul.f32 v14, v39;
	v4 =	vadd.f32 v3, v4;
	v3 =	vmul.f32 v5, v41  }
0x2fc: {  	v61 =	vadd.f32 v10, v6;
	v5 =	vmul.f32 v15, v39;
	v10 =	vmul.f32 v11, v46;
	v11 =	vld [tilespmem:$0x1FFF0]  }
0x2fd: {  	v9 =	vmul.f32 v59, v53;
	v0 =	vadd.f32 v1, v0;
	v1 =	vmul.f32 v13, v46;
	v13 =	vld [tilespmem:s28+$0x16E0]  }
0x2fe: {  	s25 =	sadd.s32 $0x2, s25;
	v6 =	vmul.f32 v8, v57;
	v8 =	vadd.f32 v5, v3;
	v3 =	vld [tilespmem:s21+$0x16F0]  }
0x2ff: {  	p1 =	slt.u32 s25, $0x1E;
	[tilespmem:s21+$0x11770] =	vst v9;
	v9 =	vmul.f32 v60, v60;
	v0 =	vadd.f32 v1, v0;
	v1 =	vld [tilespmem:s30+$0x16F0]  }
.Ltmp4:
0x300: {  	v58 =	vadd.f32 v10, v8;
	v10 =	vld [tilespmem:$0x1FFE0];
	(pc) =	sbr.rel @p1 .LBB2_3-.Ltmp4, $4  }
0x301: {  	v48 =	vmul.f32 v44, v40;
	v5 =	vadd.f32 v9, v4;
	v9 =	vld [tilespmem:$0x1FFC0]  }
0x302: {  	v16 =	vmov v22;
	v4 =	vmul.f32 v7, v41;
	v7 =	vmul.f32 v2, v39;
	v2 =	vld [tilespmem:s29+$0x16E0]  }
0x303: {  	v14 =	vmovc v20;
	v15 =	vmovc v21;
	v63 =	vmul.f32 v12, v57;
	v12 =	vmov v18;
	v62 =	vadd.f32 v6, v0;
	v0 =	vld [tilespmem:s28+$0x16F0]  }
0x304: {  	s26 =	sadd.s32 $0x2, s26;
	v55 =	vmul.f32 v61, v61;
	v6 =	vadd.f32 v7, v4;
	v7 =	vmul.f32 v13, v46;
	v13 =	vmovc v19;
	v4 =	vld [tilespmem:s29+$0x16F0]  }
0x305: {  	_ = 	snop  }
0x306: {  	v1 =	vmul.f32 v1, v39;
	v3 =	vmul.f32 v3, v41;
	v8 =	vadd.f32 v63, v58  }
0x307: {  	v5 =	vadd.f32 v55, v5;
	v6 =	vadd.f32 v7, v6;
	v55 =	vmul.f32 v62, v62  }
0x308: {  	v2 =	vmul.f32 v2, v57;
	v1 =	vadd.f32 v1, v3;
	v0 =	vmul.f32 v0, v46  }
0x309: {  	v19 =	vmul.f32 v8, v8;
	v18 =	vadd.f32 v55, v5  }
0x30a: {  	v2 =	vadd.f32 v2, v6;
	v4 =	vmul.f32 v4, v57;
	v0 =	vadd.f32 v0, v1;
	_ =	sdelay $0x1  }
0x30b: {  	v1 =	vadd.f32 v19, v18;
	v20 =	vmul.f32 v2, v2;
	v0 =	vadd.f32 v4, v0;
	_ =	sdelay $0x1  }
0x30c: {  	v1 =	vadd.f32 v20, v1;
	v21 =	vmul.f32 v0, v0;
	_ =	sdelay $0x1  }
0x30d: {  	v1 =	vadd.f32 v21, v1;
	_ =	sdelay $0x1  }
0x30e: {  	v41 =	vmul.f32 v59, v25;
	v39 =	vperm.xlane v1, v9  }
0x30f: {  	v22 =	vmul.f32 v44, v48;
	v48 =	vmul.f32 v59, v24  }
0x310: {  	v53 =	vmul.f32 v59, v26;
	[tilespmem:s21+$0x11300] =	vst v41;
	v1 =	vadd.f32 v1, v39  }
0x311: {  	v58 =	vmul.f32 v59, v28;
	v3 =	vsub.f32 $1.500000000e+00, v22;
	[tilespmem:s21+$0x11310] =	vst v48  }
0x312: {  	[tilespmem:s21+$0x11320] =	vst v53;
	v57 =	vmul.f32 v59, v27;
	v46 =	vperm.xlane v1, v17  }
0x313: {  	[tilespmem:s21+$0x11340] =	vst v58;
	v3 =	vmul.f32 v44, v3;
	v18 =	vmul.f32 v59, v32  }
0x314: {  	v19 =	vmul.f32 v59, v34;
	[tilespmem:s21+$0x11330] =	vst v57;
	v1 =	vadd.f32 v1, v46  }
0x315: {  	v55 =	vmul.f32 v3, v40;
	[tilespmem:s21+$0x11370] =	vst v18;
	v17 =	vmul.f32 v59, v30  }
0x316: {  	[tilespmem:s21+$0x11700] =	vst v19;
	v9 =	vperm.xlane v1, v10;
	v10 =	vmul.f32 v59, v29  }
0x317: {  	[tilespmem:s21+$0x11360] =	vst v17  }
0x318: {  	v63 =	vmul.f32 v55, v3;
	[tilespmem:s21+$0x11350] =	vst v10  }
0x319: {  	v22 =	vld [tilespmem:$0x1FDC0]  }
0x31a: {  	v4 =	vsub.f32 $1.500000000e+00, v63;
	_ =	sdelay $0x1  }
0x31b: {  	v3 =	vmul.f32 v4, v3  }
0x31c: {  	v21 =	vmul.f32 v59, v37  }
0x31d: {  	v4 =	vmul.f32 v3, v22  }
0x31e: {  	[tilespmem:s21+$0x11710] =	vst v21  }
0x31f: {  	v5 =	vld [tilespmem:$0x1FDD0];
	[tilespmem:s20+$0x11280] =	vst v4  }
0x320: {  	v4 =	vld [tilespmem:$0x1FDE0];
	_ =	sdelay $0x3  }
0x321: {  	v5 =	vmul.f32 v3, v5  }
0x322: {  	v4 =	vmul.f32 v3, v4  }
0x323: {  	[tilespmem:s20+$0x11290] =	vst v5  }
0x324: {  	[tilespmem:s20+$0x112A0] =	vst v4  }
0x325: {  	v4 =	vld [tilespmem:$0x1FDF0]  }
0x326: {  	v24 =	vmul.f32 v3, v12  }
0x327: {  	v26 =	vmul.f32 v3, v13  }
0x328: {  	v28 =	vmul.f32 v3, v14;
	v1 =	vadd.f32 v1, v9;
	[tilespmem:s20+$0x112B0] =	vst v24  }
0x329: {  	v29 =	vmul.f32 v3, v15;
	[tilespmem:s20+$0x112D0] =	vst v26  }
0x32a: {  	v20 =	vperm.xlane v1, v11;
	[tilespmem:s20+$0x112E0] =	vst v28;
	v4 =	vmul.f32 v3, v4  }
0x32b: {  	v30 =	vmul.f32 v3, v16;
	[tilespmem:s20+$0x112F0] =	vst v29  }
0x32c: {  	v1 =	vadd.f32 v1, v20;
	[tilespmem:s20+$0x112C0] =	vst v4  }
0x32d: {  	v7 =	vld [tilespmem:$0x1FE00];
	[tilespmem:s20+$0x11680] =	vst v30  }
0x32e: {  	v1 =	vmax.f32 v1, $1.000000020e-24;
	v4 =	vld [tilespmem:$0x1FE10]  }
0x32f: {  	v25 =	vshra.s32 v1, $0x1;
	v1 =	vmul.f32 $5.000000000e-01, v1  }
0x330: {  	v5 =	vsub.s32 $0x5F3759DF, v25  }
0x331: {  	v27 =	vmul.f32 v5, v1  }
0x332: {  	v7 =	vmul.f32 v3, v7  }
0x333: {  	v6 =	vmul.f32 v5, v27;
	v4 =	vmul.f32 v3, v4  }
0x334: {  	[tilespmem:s20+$0x11690] =	vst v7  }
0x335: {  	v6 =	vsub.f32 $1.500000000e+00, v6;
	v32 =	vld [tilespmem:$0x1FE20];
	[tilespmem:s20+$0x116A0] =	vst v4  }
0x336: {  	v4 =	vld [tilespmem:$0x1FE30]  }
0x337: {  	v5 =	vmul.f32 v5, v6;
	_ =	sdelay $0x1  }
0x338: {  	v1 =	vmul.f32 v5, v1  }
0x339: {  	v6 =	vmul.f32 v3, v32  }
0x33a: {  	v1 =	vmul.f32 v1, v5;
	v4 =	vmul.f32 v3, v4  }
0x33b: {  	v34 =	vmul.f32 v59, v33;
	[tilespmem:s20+$0x116B0] =	vst v6  }
0x33c: {  	v37 =	vmul.f32 v59, v35;
	v1 =	vsub.f32 $1.500000000e+00, v1;
	v6 =	vld [tilespmem:$0x1FE40];
	[tilespmem:s20+$0x116C0] =	vst v4  }
0x33d: {  	v39 =	vmul.f32 v59, v36;
	v4 =	vld [tilespmem:$0x1FE50];
	[tilespmem:s21+$0x11720] =	vst v34  }
0x33e: {  	v40 =	vmul.f32 v59, v38;
	v1 =	vmul.f32 v1, v5;
	[tilespmem:s21+$0x11730] =	vst v37  }
0x33f: {  	v41 =	vmul.f32 v59, v31;
	[tilespmem:s21+$0x11740] =	vst v39  }
0x340: {  	v42 =	vmul.f32 v1, v42;
	[tilespmem:s21+$0x11750] =	vst v40  }
0x341: {  	v44 =	vmul.f32 v1, v43;
	[tilespmem:s21+$0x11760] =	vst v41  }
0x342: {  	v46 =	vmul.f32 v1, v45;
	[tilespmem:s21+$0x11280] =	vst v42  }
0x343: {  	v48 =	vmul.f32 v1, v47;
	[tilespmem:s21+$0x11290] =	vst v44  }
0x344: {  	v49 =	vmul.f32 v1, v49;
	[tilespmem:s21+$0x112A0] =	vst v46  }
0x345: {  	v53 =	vmul.f32 v1, v50;
	[tilespmem:s21+$0x112B0] =	vst v48  }
0x346: {  	v55 =	vmul.f32 v1, v51;
	[tilespmem:s21+$0x112C0] =	vst v49  }
0x347: {  	v57 =	vmul.f32 v1, v52;
	[tilespmem:s21+$0x112D0] =	vst v53  }
0x348: {  	v58 =	vmul.f32 v1, v54;
	[tilespmem:s21+$0x112E0] =	vst v55  }
0x349: {  	v59 =	vmul.f32 v1, v56;
	[tilespmem:s21+$0x112F0] =	vst v57  }
0x34a: {  	v60 =	vmul.f32 v1, v60;
	[tilespmem:s21+$0x11680] =	vst v58  }
0x34b: {  	v61 =	vmul.f32 v1, v61;
	[tilespmem:s21+$0x11690] =	vst v59  }
0x34c: {  	v62 =	vmul.f32 v1, v62;
	[tilespmem:s21+$0x116A0] =	vst v60  }
0x34d: {  	v63 =	vmul.f32 v1, v8;
	[tilespmem:s21+$0x116B0] =	vst v61  }
0x34e: {  	v2 =	vmul.f32 v1, v2;
	[tilespmem:s21+$0x116C0] =	vst v62  }
0x34f: {  	p1 =	seq.s32 s18, $0x1F;
	v0 =	vmul.f32 v1, v0;
	[tilespmem:s21+$0x116D0] =	vst v63  }
.Ltmp5:
0x350: {  	[tilespmem:s21+$0x116E0] =	vst v2;
	v6 =	vmul.f32 v3, v6;
	(pc) =	sbr.rel @p1 .LBB2_6-.Ltmp5, $4  }
0x351: {  	[tilespmem:s21+$0x116F0] =	vst v0;
	v4 =	vmul.f32 v3, v4  }
0x352: {  	v3 =	vmul.f32 v3, v23;
	[tilespmem:s20+$0x116D0] =	vst v6  }
0x353: {  	[tilespmem:s20+$0x116E0] =	vst v4  }
0x354: {  	[tilespmem:s20+$0x116F0] =	vst v3  }
0x355: {  	v0 =	vld [tilespmem:s19+$0x40]  }
0x356: {  	v1 =	vld [tilespmem:s19+$0x840];
	_ =	sdelay $0x4  }
0x357: {  	v0 =	vadd.f32 $1.000000000e+00, v0;
	v1 =	vadd.f32 $1.000000000e+00, v1;
	_ =	sdelay $0x1  }
0x358: {  	v0 =	vmul.f32 $6.350000000e+01, v0;
	v1 =	vmul.f32 $6.350000000e+01, v1;
	_ =	sdelay $0x1  }
0x359: {  	v2 =	vtrunc.f32 v0;
	v3 =	vtrunc.f32 v1  }
0x35a: {  	v2 =	vcvt.f32.s32 v2;
	v3 =	vcvt.f32.s32 v3;
	_ =	sdelay $0x1  }
0x35b: {  	v7 =	vld [tilespmem:$0x1FF80];
	vm1 =	vgt.s32 v2, $0x0;
	vm2 =	vgt.s32 v3, $0x0  }
0x35c: {  	v2 =	vnsel vm1, $0x0, v2;
	v3 =	vnsel vm2, $0x0, v3  }
0x35d: {  	v2 =	vmin.u32 v2, $0x7E;
	v3 =	vmin.u32 v3, $0x7E  }
0x35e: {  	v4 =	vcvt.s32.f32 v2;
	v5 =	vcvt.s32.f32 v3  }
0x35f: {  	v3 =	vshll.u32 v3, $0x7  }
0x360: {  	v3 =	vor.u32 v7, v3;
	v0 =	vsub.f32 v0, v4;
	v1 =	vsub.f32 v1, v5  }
0x361: {  	v2 =	vor.u32 v2, v3  }
0x362: {  	[tilespmem:$0x1000] =	vst v2;
	v34 =	vadd.s32 $0x1, v2;
	v32 =	vsub.f32 $1.000000000e+00, v0;
	v33 =	vsub.f32 $1.000000000e+00, v1  }
0x363: {  	v35 =	vadd.s32 $0x80, v2;
	[tilespmem:$0x1020] =	vst v34  }
0x364: {  	v2 =	vadd.s32 $0x81, v2;
	[tilespmem:$0x1040] =	vst v35;
	v36 =	vmul.f32 v33, v32  }
0x365: {  	[tilespmem:$0x1060] =	vst v2;
	v37 =	vmul.f32 v33, v0  }
0x366: {  	v3 =	vmul.f32 v32, v1;
	[tilespmem:$0x1100] =	vst v36  }
0x367: {  	v0 =	vmul.f32 v1, v0;
	[tilespmem:$0x1120] =	vst v37  }
0x368: {  	[tilespmem:$0x1140] =	vst v3  }
0x369: {  	[tilespmem:$0x1160] =	vst v0  }
0x36a: {  	v0 =	vld [tilespmem:s19+$0x50]  }
0x36b: {  	v38 =	vld [tilespmem:s19+$0x850];
	_ =	sdelay $0x3  }
0x36c: {  	v0 =	vadd.f32 $1.000000000e+00, v0  }
0x36d: {  	v1 =	vadd.f32 $1.000000000e+00, v38  }
0x36e: {  	v0 =	vmul.f32 $6.350000000e+01, v0  }
0x36f: {  	v1 =	vmul.f32 $6.350000000e+01, v1  }
0x370: {  	v39 =	vtrunc.f32 v0  }
0x371: {  	v40 =	vtrunc.f32 v1;
	v2 =	vcvt.f32.s32 v39  }
0x372: {  	v41 =	vld [tilespmem:$0x1000];
	v3 =	vcvt.f32.s32 v40  }
0x373: {  	vm1 =	vgt.s32 v2, $0x0  }
0x374: {  	v2 =	vnsel vm1, $0x0, v2;
	vm1 =	vgt.s32 v3, $0x0  }
0x375: {  	v2 =	vmin.u32 v2, $0x7E;
	v3 =	vnsel vm1, $0x0, v3  }
0x376: {  	v8 =	vld [tilespmem:$0x1FF90];
	v3 =	vmin.u32 v3, $0x7E;
	v42 =	vcvt.s32.f32 v2  }
0x377: {  	v9 =	vld [tilespmem:$0x1FFA0];
	v43 =	vshll.u32 v41, $0x1;
	v6 =	vcvt.s32.f32 v3;
	v3 =	vshll.u32 v3, $0x7  }
0x378: {  	v53 =	vld [tilespmem:$0x1FFB0];
	v44 =	vand.u32 $0x7, v41;
	v0 =	vsub.f32 v0, v42;
	v3 =	vor.u32 v7, v3  }
0x379: {  	v45 =	vand.u32 $0xFFFFFFF0, v43;
	v1 =	vsub.f32 v1, v6;
	v2 =	vor.u32 v2, v3  }
0x37a: {  	v3 =	vor.u32 v44, v45;
	v5 =	vsub.f32 $1.000000000e+00, v0;
	[tilespmem:$0x1010] =	vst v2;
	v47 =	vadd.s32 $0x1, v2  }
0x37b: {  	v48 =	vadd.s32 $0x80, v2;
	v49 =	vperm.xlane v3, v8;
	v46 =	vsub.f32 $1.000000000e+00, v1;
	[tilespmem:$0x1030] =	vst v47  }
0x37c: {  	v2 =	vadd.s32 $0x81, v2;
	[tilespmem:$0x1050] =	vst v48;
	v54 =	vmul.f32 v5, v1  }
0x37d: {  	v3 =	vperm.xlane v3, v53;
	[tilespmem:$0x1070] =	vst v2;
	v52 =	vadd.s32 v9, v49;
	v50 =	vmul.f32 v46, v5  }
0x37e: {  	v51 =	vmul.f32 v46, v0;
	[tilespmem:$0x1150] =	vst v54  }
0x37f: {  	v55 =	vadd.s32 v9, v3;
	v0 =	vmul.f32 v1, v0;
	[tilespmem:$0x1110] =	vst v50  }
0x380: {  	[tilespmem:$0x1130] =	vst v51  }
0x381: {  	s0 =	simm.s32 $0x1280;
	[tilespmem:$0x1170] =	vst v0  }
0x382: {  	[tilespmem:s0], [sflag:$0x1] =	stream.indirect_vreg.gather [hbm4b:s3+s2], $0x80, v52, vm0, $0xb8;
	[tilespmem:$0x15280] =	vst v63  }
0x383: {  	s30 =	simm.s32 $0x1A80  }
0x384: {  	[tilespmem:s30], [sflag:$0x1] =	stream.indirect_vreg.gather [hbm4b:s3+s2], $0x80, v55, vm0, $0xb8;
	[tilespmem:$0x15280] =	vst v63  }
0x385: {  	v56 =	vld [tilespmem:$0x1010];
	_ =	sdelay $0x4  }
0x386: {  	v57 =	vshll.u32 v56, $0x1  }
0x387: {  	v0 =	vand.u32 $0x7, v56;
	v1 =	vand.u32 $0xFFFFFFF0, v57  }
0x388: {  	v0 =	vor.u32 v0, v1  }
0x389: {  	v1 =	vperm.xlane v0, v8;
	_ =	sdelay $0x1  }
0x38a: {  	v0 =	vperm.xlane v0, v53;
	v1 =	vadd.s32 v9, v1;
	_ =	sdelay $0x1  }
0x38b: {  	v0 =	vadd.s32 v9, v0;
	_ =	sdelay $0x1  }
0x38c: {  	s31 =	simm.s32 $0x2280  }
0x38d: {  	[tilespmem:s31], [sflag:$0x1] =	stream.indirect_vreg.gather [hbm4b:s3+s2], $0x80, v1, vm0, $0xb8;
	[tilespmem:$0x15280] =	vst v63  }
0x38e: {  	s1 =	simm.s32 $0x2A80  }
0x38f: {  	[tilespmem:s1], [sflag:$0x1] =	stream.indirect_vreg.gather [hbm4b:s3+s2], $0x80, v0, vm0, $0xb8;
	[tilespmem:$0x15280] =	vst v63  }
0x390: {  	v0 =	vld [tilespmem:$0x1020];
	_ =	sdelay $0x4  }
0x391: {  	v58 =	vshll.u32 v0, $0x1  }
0x392: {  	v0 =	vand.u32 $0x7, v0;
	v1 =	vand.u32 $0xFFFFFFF0, v58  }
0x393: {  	v0 =	vor.u32 v0, v1  }
0x394: {  	v1 =	vperm.xlane v0, v8;
	_ =	sdelay $0x1  }
0x395: {  	v0 =	vperm.xlane v0, v53;
	v1 =	vadd.s32 v9, v1;
	_ =	sdelay $0x1  }
0x396: {  	v0 =	vadd.s32 v9, v0;
	_ =	sdelay $0x1  }
0x397: {  	s5 =	simm.s32 $0x3280  }
0x398: {  	[tilespmem:s5], [sflag:$0x1] =	stream.indirect_vreg.gather [hbm4b:s3+s2], $0x80, v1, vm0, $0xb8;
	[tilespmem:$0x15280] =	vst v63  }
0x399: {  	s8 =	simm.s32 $0x3A80  }
0x39a: {  	[tilespmem:s8], [sflag:$0x1] =	stream.indirect_vreg.gather [hbm4b:s3+s2], $0x80, v0, vm0, $0xb8;
	[tilespmem:$0x15280] =	vst v63  }
0x39b: {  	v0 =	vld [tilespmem:$0x1030];
	_ =	sdelay $0x4  }
0x39c: {  	v59 =	vshll.u32 v0, $0x1  }
0x39d: {  	v0 =	vand.u32 $0x7, v0;
	v1 =	vand.u32 $0xFFFFFFF0, v59  }
0x39e: {  	v0 =	vor.u32 v0, v1  }
0x39f: {  	v1 =	vperm.xlane v0, v8;
	_ =	sdelay $0x1  }
0x3a0: {  	v0 =	vperm.xlane v0, v53;
	v1 =	vadd.s32 v9, v1;
	_ =	sdelay $0x1  }
0x3a1: {  	v0 =	vadd.s32 v9, v0;
	_ =	sdelay $0x1  }
0x3a2: {  	s20 =	simm.s32 $0x4280  }
0x3a3: {  	[tilespmem:s20], [sflag:$0x1] =	stream.indirect_vreg.gather [hbm4b:s3+s2], $0x80, v1, vm0, $0xb8;
	[tilespmem:$0x15280] =	vst v63  }
0x3a4: {  	s21 =	simm.s32 $0x4A80  }
0x3a5: {  	[tilespmem:s21], [sflag:$0x1] =	stream.indirect_vreg.gather [hbm4b:s3+s2], $0x80, v0, vm0, $0xb8;
	[tilespmem:$0x15280] =	vst v63  }
0x3a6: {  	v0 =	vld [tilespmem:$0x1040];
	_ =	sdelay $0x4  }
0x3a7: {  	v60 =	vshll.u32 v0, $0x1  }
0x3a8: {  	v0 =	vand.u32 $0x7, v0;
	v1 =	vand.u32 $0xFFFFFFF0, v60  }
0x3a9: {  	v0 =	vor.u32 v0, v1  }
0x3aa: {  	v1 =	vperm.xlane v0, v8;
	_ =	sdelay $0x1  }
0x3ab: {  	v0 =	vperm.xlane v0, v53;
	v1 =	vadd.s32 v9, v1;
	_ =	sdelay $0x1  }
0x3ac: {  	v0 =	vadd.s32 v9, v0;
	_ =	sdelay $0x1  }
0x3ad: {  	s23 =	simm.s32 $0x5280  }
0x3ae: {  	[tilespmem:s23], [sflag:$0x1] =	stream.indirect_vreg.gather [hbm4b:s3+s2], $0x80, v1, vm0, $0xb8;
	[tilespmem:$0x15280] =	vst v63  }
0x3af: {  	s24 =	simm.s32 $0x5A80  }
0x3b0: {  	[tilespmem:s24], [sflag:$0x1] =	stream.indirect_vreg.gather [hbm4b:s3+s2], $0x80, v0, vm0, $0xb8;
	[tilespmem:$0x15280] =	vst v63  }
0x3b1: {  	v0 =	vld [tilespmem:$0x1050];
	_ =	sdelay $0x4  }
0x3b2: {  	v61 =	vshll.u32 v0, $0x1  }
0x3b3: {  	v0 =	vand.u32 $0x7, v0;
	v1 =	vand.u32 $0xFFFFFFF0, v61  }
0x3b4: {  	v0 =	vor.u32 v0, v1  }
0x3b5: {  	v1 =	vperm.xlane v0, v8;
	_ =	sdelay $0x1  }
0x3b6: {  	v0 =	vperm.xlane v0, v53;
	v1 =	vadd.s32 v9, v1;
	_ =	sdelay $0x1  }
0x3b7: {  	v0 =	vadd.s32 v9, v0;
	_ =	sdelay $0x1  }
0x3b8: {  	s25 =	simm.s32 $0x6280  }
0x3b9: {  	[tilespmem:s25], [sflag:$0x1] =	stream.indirect_vreg.gather [hbm4b:s3+s2], $0x80, v1, vm0, $0xb8;
	[tilespmem:$0x15280] =	vst v63  }
0x3ba: {  	s26 =	simm.s32 $0x6A80  }
0x3bb: {  	[tilespmem:s26], [sflag:$0x1] =	stream.indirect_vreg.gather [hbm4b:s3+s2], $0x80, v0, vm0, $0xb8;
	[tilespmem:$0x15280] =	vst v63  }
0x3bc: {  	v0 =	vld [tilespmem:$0x1060];
	_ =	sdelay $0x4  }
0x3bd: {  	v62 =	vshll.u32 v0, $0x1  }
0x3be: {  	v0 =	vand.u32 $0x7, v0;
	v1 =	vand.u32 $0xFFFFFFF0, v62  }
0x3bf: {  	v0 =	vor.u32 v0, v1  }
0x3c0: {  	v1 =	vperm.xlane v0, v8;
	_ =	sdelay $0x1  }
0x3c1: {  	v0 =	vperm.xlane v0, v53;
	v1 =	vadd.s32 v9, v1;
	_ =	sdelay $0x1  }
0x3c2: {  	v0 =	vadd.s32 v9, v0;
	_ =	sdelay $0x1  }
0x3c3: {  	s28 =	simm.s32 $0x7280  }
0x3c4: {  	[tilespmem:s28], [sflag:$0x1] =	stream.indirect_vreg.gather [hbm4b:s3+s2], $0x80, v1, vm0, $0xb8;
	[tilespmem:$0x15280] =	vst v63  }
0x3c5: {  	s29 =	simm.s32 $0x7A80  }
0x3c6: {  	[tilespmem:s29], [sflag:$0x1] =	stream.indirect_vreg.gather [hbm4b:s3+s2], $0x80, v0, vm0, $0xb8;
	[tilespmem:$0x15280] =	vst v63  }
0x3c7: {  	v0 =	vld [tilespmem:$0x1070];
	_ =	sdelay $0x4  }
0x3c8: {  	v63 =	vshll.u32 v0, $0x1  }
0x3c9: {  	v0 =	vand.u32 $0x7, v0;
	v1 =	vand.u32 $0xFFFFFFF0, v63  }
0x3ca: {  	v0 =	vor.u32 v0, v1  }
0x3cb: {  	v1 =	vperm.xlane v0, v8;
	_ =	sdelay $0x1  }
0x3cc: {  	v0 =	vperm.xlane v0, v53;
	v1 =	vadd.s32 v9, v1;
	_ =	sdelay $0x1  }
0x3cd: {  	v0 =	vadd.s32 v9, v0;
	_ =	sdelay $0x1  }
0x3ce: {  	s30 =	simm.s32 $0x8280  }
0x3cf: {  	[tilespmem:s30], [sflag:$0x1] =	stream.indirect_vreg.gather [hbm4b:s3+s2], $0x80, v1, vm0, $0xb8;
	[tilespmem:$0x15280] =	vst v63  }
0x3d0: {  	s31 =	simm.s32 $0x8A80  }
0x3d1: {  	[tilespmem:s31], [sflag:$0x1] =	stream.indirect_vreg.gather [hbm4b:s3+s2], $0x80, v0, vm0, $0xb8;
	[tilespmem:$0x15280] =	vst v63  }
.LBB2_6:
0x3d2: {  	s0 =	sshll.u32 s18, $0xB  }
0x3d3: {  	s20 =	sadd.s32 s0, s7  }
0x3d4: {  	[hbm4b:s20+s2] =	stream.linear.scatter [tilespmem:s14], [sflag:$0x3], $0x2000, $0x38;
	[tilespmem:$0x15280] =	vst v63  }
0x3d5: {  	_ =	swait.ge [sflag:s15], $0x8000  }
0x3d6: {  	[sflag:s15] =	ssyncset.done $0x0  }
0x3d7: {  	s0 =	simm.s32 @!p0 $0x4;
	[sflag:s15] =	ssyncadd.s32 $0xFFFF8000  }
0x3d8: {  	_ =	swait.ge @!p0 [sflag:s0], $0x2000  }
0x3d9: {  	[sflag:s0] =	ssyncset.done @!p0 $0x0  }
0x3da: {  	[sflag:s0] =	ssyncadd.s32 @!p0 $0xFFFFE000;
	s0 =	simm.s32 $0x11E1  }
0x3db: {  	v8 =	vld.msk [tilespmem:s0+$0x0 ss:$0x0], $0xffff  }
0x3dc: {  	s1 =	simm.s32 $0x0;
	v9 =	vld.msk [tilespmem:s0+$0xFFFFFFE0 ss:$0x0], $0xffff  }
0x3dd: {  	s5 =	sand.u32 $0x1800, s1;
	s1 =	sand.u32 $0x300, s1;
	v3 =	vld.msk [tilespmem:s0+$0xFFFFFFA0 ss:$0x0], $0xffff  }
0x3de: {  	s21 =	sor.u32 s1, s5;
	v10 =	vld.msk [tilespmem:s0+$0xFFFFFFC0 ss:$0x0], $0xffff  }
0x3df: {  	v0 =	vld [tilespmem:s21+$0x9770]  }
0x3e0: {  	v4 =	vld [tilespmem:s21+$0x9760]  }
0x3e1: {  	v5 =	vld [tilespmem:s21+$0x9750]  }
0x3e2: {  	v6 =	vld [tilespmem:s21+$0x9740]  }
0x3e3: {  	v7 =	vld [tilespmem:s21+$0x9730]  }
0x3e4: {  	v12 =	vld [tilespmem:s21+$0x9720]  }
0x3e5: {  	v13 =	vld [tilespmem:s21+$0x9710]  }
0x3e6: {  	v14 =	vld [tilespmem:s21+$0x9700]  }
0x3e7: {  	v15 =	vld [tilespmem:s21+$0x9370]  }
0x3e8: {  	v16 =	vld [tilespmem:s21+$0x9360]  }
0x3e9: {  	v18 =	vld [tilespmem:s21+$0x9350]  }
0x3ea: {  	v19 =	vld [tilespmem:s21+$0x9340]  }
0x3eb: {  	v20 =	vld [tilespmem:s21+$0x9330]  }
0x3ec: {  	s24 =	simm.s32 $0x6100;
	s25 =	simm.s32 $0x3080;
	v21 =	vld [tilespmem:s21+$0x9320]  }
0x3ed: {  	s1 =	sand.u32 $0x7800, s24;
	s5 =	sand.u32 $0x380, s25;
	v22 =	vld [tilespmem:s21+$0x9300]  }
0x3ee: {  	s8 =	simm.s32 $0x4100;
	s23 =	simm.s32 $0x2080;
	s1 =	sor.u32 s5, s1;
	v23 =	vld [tilespmem:s21+$0x9310]  }
0x3ef: {  	s26 =	sand.u32 $0x5800, s8;
	s29 =	sand.u32 $0x380, s23;
	v24 =	vld [tilespmem:s1+$0x96E0]  }
0x3f0: {  	s23 =	sor.u32 s29, s26;
	v26 =	vld [tilespmem:s1+$0x96D0]  }
0x3f1: {  	v27 =	vld [tilespmem:s23+$0x96E0]  }
0x3f2: {  	v29 =	vld [tilespmem:s1+$0x96C0]  }
0x3f3: {  	v30 =	vld [tilespmem:s23+$0x96D0]  }
0x3f4: {  	v31 =	vld [tilespmem:s1+$0x96B0]  }
0x3f5: {  	v32 =	vld [tilespmem:s23+$0x96C0]  }
0x3f6: {  	v33 =	vld [tilespmem:s1+$0x96A0]  }
0x3f7: {  	v34 =	vld [tilespmem:s23+$0x96B0]  }
0x3f8: {  	v35 =	vld [tilespmem:s1+$0x9690]  }
0x3f9: {  	v36 =	vld [tilespmem:s23+$0x96A0]  }
0x3fa: {  	v37 =	vld [tilespmem:s1+$0x9680]  }
0x3fb: {  	v38 =	vld [tilespmem:s23+$0x9690]  }
0x3fc: {  	v39 =	vld [tilespmem:s1+$0x92F0]  }
0x3fd: {  	v17 =	vld [tilespmem:s23+$0x9680]  }
0x3fe: {  	v11 =	vld [tilespmem:s1+$0x92E0]  }
0x3ff: {  	v42 =	vld [tilespmem:s23+$0x92F0]  }
0x400: {  	v45 =	vld [tilespmem:s1+$0x92D0]  }
0x401: {  	v46 =	vld [tilespmem:s23+$0x92E0]  }
0x402: {  	v47 =	vld [tilespmem:s1+$0x92C0]  }
0x403: {  	v44 =	vld [tilespmem:s23+$0x92D0]  }
0x404: {  	v48 =	vld [tilespmem:s1+$0x92B0]  }
0x405: {  	v40 =	vld [tilespmem:s23+$0x92C0]  }
0x406: {  	v41 =	vld [tilespmem:s23+$0x92B0]  }
0x407: {  	s30 =	simm.s32 $0x2100;
	s31 =	simm.s32 $0x1080;
	v43 =	vld [tilespmem:s1+$0x9280]  }
0x408: {  	s8 =	sand.u32 $0x380, s31;
	s5 =	sand.u32 $0x3800, s30;
	v49 =	vld [tilespmem:s23+$0x92A0]  }
0x409: {  	s24 =	sor.u32 s8, s5;
	v50 =	vld [tilespmem:s23+$0x9280]  }
0x40a: {  	v51 =	vld [tilespmem:s24+$0x9280]  }
0x40b: {  	v52 =	vld [tilespmem:s24+$0x9290]  }
0x40c: {  	v53 =	vld [tilespmem:s24+$0x92A0]  }
0x40d: {  	v54 =	vld [tilespmem:s23+$0x9290];
	v0 =	vmul.f32 v0, v3  }
0x40e: {  	v55 =	vld [tilespmem:s24+$0x92B0]  }
0x40f: {  	v56 =	vld [tilespmem:s1+$0x9290];
	[tilespmem:$0x1FBD0] =	vst v0;
	v0 =	vmul.f32 v5, v3;
	_ =	sdelay $0x1  }
0x410: {  	[tilespmem:$0x1FBB0] =	vst v0;
	v0 =	vmul.f32 v4, v3;
	_ =	sdelay $0x1  }
0x411: {  	v28 =	vmul.f32 v7, v3;
	v57 =	vld [tilespmem:s24+$0x92C0];
	[tilespmem:$0x1FBC0] =	vst v0  }
0x412: {  	v25 =	vmul.f32 v6, v3;
	v6 =	vmul.f32 v13, v3;
	v4 =	vld [tilespmem:s1+$0x92A0]  }
0x413: {  	v58 =	vmul.f32 v12, v3;
	v59 =	vmul.f32 v15, v3;
	v7 =	vld [tilespmem:s24+$0x92D0]  }
0x414: {  	v60 =	vmul.f32 v14, v3;
	v61 =	vmul.f32 v18, v3;
	v13 =	vld [tilespmem:s21+$0x9280]  }
0x415: {  	v63 =	vmul.f32 v16, v3;
	v1 =	vmul.f32 v19, v3;
	v62 =	vld [tilespmem:s24+$0x92E0]  }
0x416: {  	v22 =	vmul.f32 v22, v3;
	v21 =	vmul.f32 v21, v3;
	v12 =	vld [tilespmem:s21+$0xB280]  }
0x417: {  	v16 =	vmul.f32 v24, v8;
	v18 =	vmul.f32 v26, v8;
	v2 =	vld [tilespmem:s24+$0x92F0]  }
0x418: {  	v19 =	vmul.f32 v27, v9;
	v26 =	vmul.f32 v29, v8;
	v15 =	vld [tilespmem:s21+$0x9290]  }
0x419: {  	v27 =	vmul.f32 v52, v10;
	v29 =	vmul.f32 v53, v10;
	v24 =	vld [tilespmem:s24+$0x9680]  }
0x41a: {  	v50 =	vmul.f32 v50, v9;
	v0 =	vmul.f32 v20, v3;
	v14 =	vld [tilespmem:s21+$0xB290]  }
0x41b: {  	v3 =	vmul.f32 v23, v3;
	v23 =	vmul.f32 v51, v10;
	v51 =	vld [tilespmem:s24+$0x9690]  }
0x41c: {  	v49 =	vmul.f32 v49, v9;
	v5 =	vmul.f32 v31, v8;
	v20 =	vld.msk [tilespmem:s0+$0xFFFFFFBF ss:$0x0], $0xffff  }
0x41d: {  	v31 =	vmul.f32 v32, v9;
	v29 =	vadd.f32 v29, v21;
	v32 =	vld [tilespmem:s24+$0x96A0];
	v23 =	vadd.f32 v23, v22  }
0x41e: {  	v43 =	vmul.f32 v43, v8;
	v52 =	vld [tilespmem:s24+$0x96B0];
	v3 =	vadd.f32 v27, v3;
	v27 =	vmul.f32 v54, v9  }
0x41f: {  	v49 =	vadd.f32 v49, v29;
	v21 =	vld [tilespmem:s21+$0xD280];
	v23 =	vadd.f32 v50, v23;
	v50 =	vmul.f32 v55, v10  }
0x420: {  	v53 =	vld [tilespmem:s24+$0x96C0];
	v54 =	vmul.f32 v56, v8;
	v56 =	vmul.f32 v40, v9;
	v3 =	vadd.f32 v27, v3  }
0x421: {  	v22 =	vld.msk [tilespmem:s0+$0xFFFFFF9F ss:$0x0], $0xffff;
	v0 =	vadd.f32 v50, v0;
	v50 =	vmul.f32 v57, v10;
	v40 =	vadd.f32 v43, v23  }
0x422: {  	v27 =	vld [tilespmem:s21+$0xD290];
	v57 =	vmul.f32 v41, v9;
	v23 =	vadd.f32 v54, v3;
	v3 =	vmul.f32 v4, v8  }
0x423: {  	v55 =	vld [tilespmem:s24+$0x96D0];
	[tilespmem:$0x1FC90] =	vst v40;
	v1 =	vadd.f32 v50, v1  }
0x424: {  	v0 =	vadd.f32 v57, v0;
	v41 =	vadd.f32 v3, v49;
	v29 =	vld [tilespmem:s21+$0x92A0];
	[tilespmem:$0x1FCA0] =	vst v23  }
0x425: {  	v50 =	vld [tilespmem:s24+$0x96E0];
	v1 =	vadd.f32 v56, v1;
	v56 =	vmul.f32 v44, v9;
	v44 =	vmul.f32 v48, v8  }
0x426: {  	v54 =	vmul.f32 v40, v40;
	v3 =	vmul.f32 v23, v23;
	v4 =	vld [tilespmem:s21+$0xB2A0];
	[tilespmem:$0x1FCB0] =	vst v41  }
0x427: {  	v7 =	vmul.f32 v7, v10;
	v57 =	vmul.f32 v62, v10;
	v49 =	vld [tilespmem:s24+$0x96F0];
	v23 =	vadd.f32 v44, v0  }
0x428: {  	v47 =	vmul.f32 v47, v8;
	v3 =	vadd.f32 v3, v54;
	v40 =	vld.msk [tilespmem:s0+$0xFFFFFFDF ss:$0x0], $0xffff;
	v0 =	vmul.f32 v41, v41  }
0x429: {  	v46 =	vmul.f32 v46, v9;
	v7 =	vadd.f32 v7, v61;
	v48 =	vadd.f32 v57, v63;
	v54 =	vld [tilespmem:s23+$0x96F0];
	[tilespmem:$0x1FCC0] =	vst v23  }
0x42a: {  	v2 =	vmul.f32 v2, v10;
	v0 =	vadd.f32 v0, v3;
	v3 =	vadd.f32 v47, v1;
	v61 =	vld [tilespmem:s21+$0xF280]  }
0x42b: {  	v45 =	vmul.f32 v45, v8;
	v7 =	vadd.f32 v56, v7;
	v1 =	vmul.f32 v23, v23;
	v57 =	vld [tilespmem:s1+$0x96F0]  }
0x42c: {  	v11 =	vmul.f32 v11, v8;
	v43 =	vadd.f32 v2, v59;
	v46 =	vadd.f32 v46, v48;
	v62 =	vld [tilespmem:s21+$0xF290];
	[tilespmem:$0x1FCD0] =	vst v3  }
0x42d: {  	v2 =	vadd.f32 v45, v7;
	v0 =	vadd.f32 v1, v0;
	v1 =	vmul.f32 v3, v3;
	v48 =	vld [tilespmem:s21+$0xD2A0]  }
0x42e: {  	v42 =	vmul.f32 v42, v9;
	v44 =	vmul.f32 v24, v10;
	v59 =	vld [tilespmem:s21+$0x92B0]  }
0x42f: {  	v63 =	vld [tilespmem:s21+$0xB2B0];
	[tilespmem:$0x1FCE0] =	vst v2;
	v0 =	vadd.f32 v1, v0;
	v1 =	vmul.f32 v2, v2;
	v2 =	vadd.f32 v11, v46  }
0x430: {  	v34 =	vmul.f32 v34, v9;
	v39 =	vmul.f32 v39, v8;
	v7 =	vadd.f32 v42, v43;
	v24 =	vld.msk [tilespmem:s0+$0xFFFFFFFF ss:$0x0], $0xffff  }
0x431: {  	v56 =	vadd.f32 v44, v60;
	v60 =	vld [tilespmem:s21+$0xF2A0];
	[tilespmem:$0x1FCF0] =	vst v2;
	v0 =	vadd.f32 v1, v0;
	v1 =	vmul.f32 v2, v2  }
0x432: {  	v37 =	vmul.f32 v37, v8;
	v32 =	vmul.f32 v32, v10;
	v2 =	vadd.f32 v39, v7;
	v11 =	vld [tilespmem:s21+$0xD2B0]  }
0x433: {  	v17 =	vmul.f32 v17, v9;
	v41 =	vmul.f32 v53, v10;
	v0 =	vadd.f32 v1, v0;
	v1 =	vld [tilespmem:$0x1FBB0]  }
0x434: {  	v32 =	vadd.f32 v32, v58;
	v43 =	vmul.f32 v51, v10;
	v51 =	vmul.f32 v52, v10;
	v42 =	vld [tilespmem:s21+$0x92C0];
	[tilespmem:$0x1FD00] =	vst v2  }
0x435: {  	v38 =	vmul.f32 v38, v9;
	v25 =	vadd.f32 v41, v25;
	v17 =	vadd.f32 v17, v56;
	v7 =	vld [tilespmem:s21+$0xB2C0]  }
0x436: {  	v45 =	vmul.f32 v55, v10;
	v6 =	vadd.f32 v43, v6;
	v28 =	vadd.f32 v51, v28;
	v39 =	vld [tilespmem:s21+$0xF2B0]  }
0x437: {  	v36 =	vmul.f32 v36, v9;
	v25 =	vadd.f32 v31, v25;
	v56 =	vadd.f32 v37, v17;
	v17 =	vld [tilespmem:s21+$0xD2C0]  }
0x438: {  	v35 =	vmul.f32 v35, v8;
	v6 =	vadd.f32 v38, v6;
	v31 =	vadd.f32 v45, v1;
	v1 =	vld [tilespmem:$0x1FBC0]  }
0x439: {  	v33 =	vmul.f32 v33, v8;
	v32 =	vadd.f32 v36, v32;
	v37 =	vld [tilespmem:s21+$0x92D0]  }
0x43a: {  	v28 =	vadd.f32 v34, v28;
	v47 =	vadd.f32 v35, v6;
	v52 =	vmul.f32 v2, v2;
	v6 =	vld [tilespmem:s21+$0xB2D0]  }
0x43b: {  	v30 =	vmul.f32 v30, v9;
	v53 =	vmul.f32 v50, v10;
	v51 =	vadd.f32 v33, v32;
	v35 =	vld [tilespmem:s21+$0xF2C0]  }
0x43c: {  	v50 =	vadd.f32 v5, v28;
	v32 =	vld [tilespmem:s21+$0xD2D0];
	v0 =	vadd.f32 v52, v0  }
0x43d: {  	v43 =	vmul.f32 v56, v56;
	v28 =	vadd.f32 v30, v31;
	v30 =	vadd.f32 v53, v1;
	v1 =	vld [tilespmem:$0x1FBD0]  }
0x43e: {  	v34 =	vld [tilespmem:s21+$0x92E0]  }
0x43f: {  	v46 =	vmul.f32 v47, v47;
	v5 =	vld [tilespmem:s21+$0xB2E0];
	v0 =	vadd.f32 v43, v0  }
0x440: {  	v10 =	vmul.f32 v49, v10;
	v52 =	vadd.f32 v26, v25;
	v25 =	vld [tilespmem:s21+$0xD2E0];
	v19 =	vadd.f32 v19, v30  }
0x441: {  	v55 =	vmul.f32 v51, v51;
	v26 =	vld [tilespmem:s21+$0x92F0];
	v0 =	vadd.f32 v46, v0  }
0x442: {  	v31 =	vld [tilespmem:s21+$0xF2D0];
	v10 =	vadd.f32 v10, v1;
	v1 =	vadd.f32 v16, v19  }
0x443: {  	v58 =	vmul.f32 v50, v50;
	v0 =	vadd.f32 v55, v0;
	v49 =	vadd.f32 v18, v28;
	v18 =	vld [tilespmem:s21+$0xB2F0]  }
0x444: {  	v9 =	vmul.f32 v54, v9;
	v28 =	vld [tilespmem:s21+$0xF2E0];
	[tilespmem:$0x1FD10] =	vst v1  }
0x445: {  	v12 =	vmul.f32 v12, v20;
	v0 =	vadd.f32 v58, v0;
	v30 =	vmul.f32 v52, v52;
	v16 =	vld [tilespmem:s21+$0xD2F0]  }
0x446: {  	v13 =	vmul.f32 v13, v22;
	v8 =	vmul.f32 v57, v8;
	v9 =	vadd.f32 v9, v10;
	v19 =	vld [tilespmem:s21+$0x9680]  }
0x447: {  	v0 =	vadd.f32 v30, v0;
	v30 =	vld [tilespmem:s21+$0xB680]  }
0x448: {  	v33 =	vld [tilespmem:s21+$0xF680];
	v57 =	vadd.f32 v8, v9;
	v8 =	vadd.f32 v12, v13;
	v9 =	vmul.f32 v21, v40  }
0x449: {  	v10 =	vmul.f32 v49, v49;
	v36 =	vld [tilespmem:s21+$0xD690]  }
0x44a: {  	v38 =	vld [tilespmem:s21+$0x96A0];
	v8 =	vadd.f32 v9, v8;
	v9 =	vmul.f32 v61, v24  }
0x44b: {  	v15 =	vmul.f32 v15, v22;
	v53 =	vld [tilespmem:s21+$0xD6A0];
	v0 =	vadd.f32 v10, v0;
	v10 =	vmul.f32 v1, v1  }
0x44c: {  	v4 =	vmul.f32 v4, v20;
	v12 =	vmul.f32 v14, v20;
	v1 =	vadd.f32 v9, v8;
	v8 =	vld [tilespmem:$0x1FFC0]  }
0x44d: {  	v21 =	vld [tilespmem:s21+$0xF2F0];
	v14 =	vmul.f32 v29, v22;
	v0 =	vadd.f32 v10, v0;
	v10 =	vmul.f32 v57, v57  }
0x44e: {  	v13 =	vmul.f32 v27, v40;
	v27 =	vld [tilespmem:s21+$0xD680];
	v12 =	vadd.f32 v12, v15  }
0x44f: {  	v29 =	vld [tilespmem:s21+$0xB690];
	v4 =	vadd.f32 v4, v14;
	v14 =	vmul.f32 v48, v40;
	v0 =	vadd.f32 v10, v0  }
0x450: {  	v11 =	vmul.f32 v11, v40;
	v15 =	vld [tilespmem:s21+$0x9690];
	v10 =	vadd.f32 v13, v12;
	v12 =	vmul.f32 v62, v24  }
0x451: {  	v7 =	vmul.f32 v7, v20;
	v48 =	vld [tilespmem:s21+$0xB6A0];
	v4 =	vadd.f32 v14, v4;
	v13 =	vperm.xlane v0, v8  }
0x452: {  	v9 =	vld [tilespmem:$0x1FFD0];
	v2 =	vadd.f32 v12, v10;
	v10 =	vmul.f32 v59, v22;
	v12 =	vmul.f32 v63, v20  }
0x453: {  	v63 =	vmul.f32 v60, v24;
	v0 =	vadd.f32 v0, v13;
	v13 =	vmul.f32 v42, v22;
	v42 =	vld [tilespmem:s21+$0xF690];
	[tilespmem:$0x1FBE0] =	vst v1  }
0x454: {  	v6 =	vmul.f32 v6, v20;
	v32 =	vmul.f32 v32, v40;
	v12 =	vadd.f32 v12, v10;
	v10 =	vld [tilespmem:$0x1FFE0];
	[tilespmem:$0x1FBF0] =	vst v2  }
0x455: {  	v5 =	vmul.f32 v5, v20;
	v3 =	vadd.f32 v63, v4;
	v4 =	vmul.f32 v1, v1;
	v54 =	vld [tilespmem:s21+$0x96B0]  }
0x456: {  	v43 =	vmul.f32 v2, v2;
	v11 =	vadd.f32 v11, v12;
	v12 =	vmul.f32 v39, v24;
	v39 =	vld [tilespmem:s21+$0xB6B0]  }
0x457: {  	v18 =	vmul.f32 v18, v20;
	v16 =	vmul.f32 v16, v40;
	v58 =	vld [tilespmem:s21+$0xF6A0]  }
0x458: {  	v4 =	vadd.f32 v43, v4;
	v1 =	vadd.f32 v12, v11;
	v55 =	vld [tilespmem:s21+$0xD6B0];
	v14 =	vperm.xlane v0, v9  }
0x459: {  	[tilespmem:$0x1FC00] =	vst v3;
	v11 =	vld [tilespmem:$0x1FFF0];
	v7 =	vadd.f32 v7, v13;
	v13 =	vmul.f32 v17, v40;
	v17 =	vmul.f32 v3, v3  }
0x45a: {  	v19 =	vmul.f32 v19, v22;
	v60 =	vld [tilespmem:s21+$0x96C0];
	v0 =	vadd.f32 v0, v14;
	v14 =	vmul.f32 v37, v22  }
0x45b: {  	v7 =	vadd.f32 v13, v7;
	v13 =	vmul.f32 v35, v24;
	v35 =	vld [tilespmem:s21+$0xB6C0];
	v4 =	vadd.f32 v17, v4  }
0x45c: {  	v17 =	vmul.f32 v1, v1;
	v6 =	vadd.f32 v6, v14;
	v14 =	vmul.f32 v34, v22;
	v34 =	vld [tilespmem:s21+$0xF6B0];
	[tilespmem:$0x1FC10] =	vst v1  }
0x45d: {  	v30 =	vmul.f32 v30, v20;
	v12 =	vperm.xlane v0, v10;
	v13 =	vadd.f32 v13, v7;
	v43 =	vld [tilespmem:s21+$0xD6C0]  }
0x45e: {  	v7 =	vmul.f32 v31, v24;
	v4 =	vadd.f32 v17, v4;
	v44 =	vmul.f32 v39, v20;
	v31 =	vld [tilespmem:s21+$0x96D0]  }
0x45f: {  	v62 =	vld [tilespmem:s21+$0x96E0];
	v60 =	vmul.f32 v60, v22;
	v0 =	vadd.f32 v0, v12;
	v6 =	vadd.f32 v32, v6  }
0x460: {  	v63 =	vld [tilespmem:s21+$0xF6D0];
	v5 =	vadd.f32 v5, v14;
	v14 =	vmul.f32 v25, v40;
	v25 =	vmul.f32 v26, v22  }
0x461: {  	v32 =	vld [tilespmem:s21+$0xB6D0];
	v17 =	vmul.f32 v13, v13;
	v41 =	vperm.xlane v0, v11;
	v1 =	vadd.f32 v7, v6  }
0x462: {  	v26 =	vld [tilespmem:s21+$0xF6C0];
	v5 =	vadd.f32 v14, v5;
	v14 =	vmul.f32 v28, v24;
	v18 =	vadd.f32 v18, v25  }
0x463: {  	v35 =	vmul.f32 v35, v20;
	v6 =	vld [tilespmem:s21+$0xD6D0];
	v4 =	vadd.f32 v17, v4;
	v0 =	vadd.f32 v0, v41  }
0x464: {  	v28 =	vld [tilespmem:s21+$0xB6E0];
	[tilespmem:$0x1FC20] =	vst v1;
	v17 =	vmul.f32 v1, v1;
	v14 =	vadd.f32 v14, v5;
	v5 =	vadd.f32 v16, v18  }
0x465: {  	v16 =	vmul.f32 v21, v24;
	v18 =	vadd.f32 v30, v19;
	v19 =	vmul.f32 v27, v40;
	v2 =	vld [tilespmem:s21+$0xD6E0]  }
0x466: {  	v21 =	vmul.f32 v15, v22;
	v43 =	vmul.f32 v43, v40;
	v1 =	vld [tilespmem:s21+$0x96F0];
	v0 =	vmax.f32 v0, $1.000000020e-24  }
0x467: {  	v31 =	vmul.f32 v31, v22;
	v27 =	vld [tilespmem:s21+$0xB6F0];
	v7 =	vshra.s32 v0, $0x1;
	v0 =	vmul.f32 $5.000000000e-01, v0  }
0x468: {  	s26 =	simm.s32 $0x11E3;
	s25 =	simm.s32 $0x200;
	s24 =	simm.s32 $0x100;
	v30 =	vld [tilespmem:s21+$0xD6F0];
	v4 =	vadd.f32 v17, v4;
	v17 =	vmul.f32 v29, v20;
	v7 =	vsub.s32 $0x5F3759DF, v7  }
0x469: {  	s5 =	sand.u32 $0x300, s24;
	s1 =	sand.u32 $0x1800, s25;
	v46 =	vld.msk [tilespmem:s26+$0xFFFFFFE0 ss:$0x0], $0xffff;
	v15 =	vadd.f32 v16, v5;
	v16 =	vmul.f32 v33, v24;
	v25 =	vmul.f32 v7, v0  }
0x46a: {  	s23 =	sor.u32 s5, s1;
	v37 =	vld.msk [tilespmem:s26+$0xFFFFFFC0 ss:$0x0], $0xffff;
	v5 =	vadd.f32 v19, v18;
	v18 =	vmul.f32 v36, v40;
	v19 =	vmul.f32 v38, v22  }
0x46b: {  	v39 =	vld [tilespmem:s23+$0x9750];
	v17 =	vadd.f32 v17, v21;
	v3 =	vmul.f32 v7, v25;
	v25 =	vmul.f32 v14, v14  }
0x46c: {  	v29 =	vld [tilespmem:s21+$0xF6E0];
	v21 =	vmul.f32 v48, v20;
	v16 =	vadd.f32 v16, v5;
	v5 =	vmul.f32 v15, v15  }
0x46d: {  	v33 =	vld [tilespmem:s21+$0xF6F0];
	v17 =	vadd.f32 v18, v17;
	v18 =	vmul.f32 v42, v24;
	v4 =	vadd.f32 v25, v4  }
0x46e: {  	v32 =	vmul.f32 v32, v20;
	v38 =	vld.msk [tilespmem:s26+$0x0 ss:$0x0], $0xffff;
	v19 =	vadd.f32 v21, v19;
	v21 =	vmul.f32 v53, v40  }
0x46f: {  	v48 =	vld [tilespmem:s23+$0x9770];
	v12 =	vadd.f32 v18, v17;
	v4 =	vadd.f32 v5, v4;
	v5 =	vmul.f32 v54, v22  }
0x470: {  	v6 =	vmul.f32 v6, v40;
	v53 =	vld [tilespmem:s23+$0x9760];
	v18 =	vadd.f32 v21, v19;
	v19 =	vmul.f32 v58, v24  }
0x471: {  	v45 =	vmul.f32 v16, v16;
	v21 =	vmul.f32 v55, v40;
	v25 =	vld.msk [tilespmem:s26+$0xFFFFFFA0 ss:$0x0], $0xffff;
	[tilespmem:$0x1FC30] =	vst v12;
	v5 =	vadd.f32 v44, v5  }
0x472: {  	v28 =	vmul.f32 v28, v20;
	v17 =	vadd.f32 v19, v18;
	v19 =	vmul.f32 v12, v12;
	v54 =	vld [tilespmem:s23+$0x9740]  }
0x473: {  	v59 =	vld [tilespmem:s23+$0x9730];
	v4 =	vadd.f32 v45, v4;
	v5 =	vadd.f32 v21, v5;
	v21 =	vmul.f32 v34, v24  }
0x474: {  	v42 =	vadd.f32 v35, v60;
	v2 =	vmul.f32 v2, v40;
	v1 =	vmul.f32 v1, v22;
	v60 =	vld [tilespmem:s23+$0x9720];
	[tilespmem:$0x1FC40] =	vst v17  }
0x475: {  	v44 =	vmul.f32 v17, v17;
	v61 =	vld [tilespmem:s23+$0x9710];
	v4 =	vadd.f32 v19, v4;
	v12 =	vadd.f32 v21, v5  }
0x476: {  	v36 =	vld [tilespmem:s23+$0x9370];
	v5 =	vadd.f32 v43, v42;
	v21 =	vmul.f32 v26, v24;
	v26 =	vadd.f32 v32, v31  }
0x477: {  	v45 =	vmul.f32 v62, v22;
	v31 =	vld [tilespmem:s23+$0x9700];
	v4 =	vadd.f32 v44, v4;
	[tilespmem:$0x1FC50] =	vst v12;
	v55 =	vmul.f32 v12, v12  }
0x478: {  	v12 =	vadd.f32 v21, v5;
	v5 =	vadd.f32 v6, v26;
	v26 =	vmul.f32 v63, v24;
	v6 =	vld [tilespmem:s23+$0x9360]  }
0x479: {  	v22 =	vmul.f32 v27, v20;
	v17 =	vmul.f32 v30, v40;
	v28 =	vadd.f32 v28, v45;
	v32 =	vld [tilespmem:s23+$0x9350]  }
0x47a: {  	v27 =	vld [tilespmem:s23+$0x9340];
	v4 =	vadd.f32 v55, v4;
	[tilespmem:$0x1FC60] =	vst v12;
	v58 =	vmul.f32 v12, v12;
	v12 =	vadd.f32 v26, v5  }
0x47b: {  	v1 =	vadd.f32 v22, v1;
	v2 =	vadd.f32 v2, v28;
	v5 =	vmul.f32 v29, v24;
	v26 =	vld [tilespmem:s23+$0x9330]  }
0x47c: {  	s29 =	simm.s32 $0x3180;
	s8 =	simm.s32 $0x6300;
	v3 =	vsub.f32 $1.500000000e+00, v3;
	v28 =	vld [tilespmem:s23+$0x9320];
	v4 =	vadd.f32 v58, v4;
	[tilespmem:$0x1FC70] =	vst v12;
	v29 =	vmul.f32 v12, v12  }
0x47d: {  	s1 =	sand.u32 $0x380, s29;
	s0 =	sand.u32 $0x7800, s8;
	v12 =	vadd.f32 v5, v2;
	v2 =	vmul.f32 v33, v24;
	v5 =	vadd.f32 v17, v1;
	v30 =	vld [tilespmem:s23+$0x9300]  }
0x47e: {  	s0 =	sor.u32 s1, s0;
	v3 =	vmul.f32 v7, v3;
	v24 =	vld [tilespmem:s23+$0x9310]  }
0x47f: {  	s31 =	simm.s32 $0x2180;
	s30 =	simm.s32 $0x4300;
	v45 =	vld [tilespmem:s0+$0x96E0];
	v4 =	vadd.f32 v29, v4;
	v7 =	vmul.f32 v12, v12;
	v1 =	vadd.f32 v2, v5  }
0x480: {  	s5 =	sand.u32 $0x5800, s30;
	s29 =	sand.u32 $0x380, s31;
	[tilespmem:$0x1FC80] =	vst v12;
	v12 =	vld [tilespmem:$0x1FCA0]  }
0x481: {  	s1 =	sor.u32 s29, s5;
	v0 =	vmul.f32 v3, v0;
	v44 =	vld [tilespmem:s0+$0x96D0];
	v4 =	vadd.f32 v7, v4;
	v7 =	vmul.f32 v1, v1  }
0x482: {  	v43 =	vld [tilespmem:s1+$0x96E0]  }
0x483: {  	v0 =	vmul.f32 v0, v3;
	v40 =	vld [tilespmem:s1+$0x96B0];
	v4 =	vadd.f32 v7, v4  }
0x484: {  	s30 =	simm.s32 $0x2300;
	s31 =	simm.s32 $0x1180;
	v33 =	vld [tilespmem:s1+$0x9680]  }
0x485: {  	s8 =	sand.u32 $0x380, s31;
	s5 =	sand.u32 $0x3800, s30;
	v0 =	vsub.f32 $1.500000000e+00, v0;
	v5 =	vld [tilespmem:s1+$0x92B0];
	v29 =	vperm.xlane v4, v8  }
0x486: {  	s28 =	sor.u32 s8, s5;
	v41 =	vmul.f32 v39, v25;
	v39 =	vld [tilespmem:s1+$0x9280]  }
0x487: {  	v35 =	vmul.f32 v54, v25;
	v58 =	vmul.f32 v0, v3;
	v54 =	vld [tilespmem:s28+$0x9280];
	v0 =	vadd.f32 v4, v29  }
0x488: {  	v34 =	vmul.f32 v59, v25;
	v59 =	vmul.f32 v61, v25;
	v61 =	vld [tilespmem:s28+$0x9290]  }
0x489: {  	v63 =	vmul.f32 v53, v25;
	v2 =	vld [tilespmem:s1+$0x9290];
	v53 =	vperm.xlane v0, v9  }
0x48a: {  	v48 =	vmul.f32 v48, v25;
	v60 =	vmul.f32 v60, v25;
	v3 =	vld [tilespmem:s1+$0x92A0]  }
0x48b: {  	v36 =	vmul.f32 v36, v25;
	v31 =	vmul.f32 v31, v25;
	v0 =	vadd.f32 v0, v53;
	v53 =	vld [tilespmem:s28+$0x92A0]  }
0x48c: {  	v32 =	vmul.f32 v32, v25;
	v6 =	vmul.f32 v6, v25;
	v7 =	vld [tilespmem:s0+$0x92B0]  }
0x48d: {  	v27 =	vmul.f32 v27, v25;
	v23 =	vmov v1;
	v29 =	vld [tilespmem:s0+$0x9280];
	v1 =	vperm.xlane v0, v10  }
0x48e: {  	v30 =	vmul.f32 v30, v25;
	v54 =	vmul.f32 v54, v37;
	v4 =	vld [tilespmem:s28+$0x92B0]  }
0x48f: {  	v0 =	vadd.f32 v0, v1;
	v1 =	vmul.f32 v24, v25;
	v24 =	vmul.f32 v61, v37;
	v61 =	vld [tilespmem:s0+$0x9290]  }
0x490: {  	v28 =	vmul.f32 v28, v25;
	v30 =	vadd.f32 v54, v30;
	v54 =	vld [tilespmem:s28+$0x92C0];
	v53 =	vmul.f32 v53, v37  }
0x491: {  	v2 =	vmul.f32 v2, v46;
	v1 =	vadd.f32 v24, v1;
	v24 =	vmul.f32 v39, v46;
	v39 =	vld [tilespmem:s0+$0x92A0]  }
0x492: {  	v26 =	vmul.f32 v26, v25;
	v3 =	vmul.f32 v3, v46;
	v25 =	vadd.f32 v53, v28;
	v28 =	vld [tilespmem:s1+$0x92C0]  }
0x493: {  	v24 =	vadd.f32 v24, v30;
	v1 =	vadd.f32 v2, v1;
	v2 =	vmul.f32 v4, v37;
	v4 =	vld [tilespmem:s28+$0x92D0]  }
0x494: {  	v30 =	vld [tilespmem:s1+$0x92D0];
	v3 =	vadd.f32 v3, v25;
	v25 =	vmul.f32 v29, v38;
	v29 =	vmul.f32 v61, v38  }
0x495: {  	v5 =	vmul.f32 v5, v46;
	v61 =	vld [tilespmem:s28+$0x92E0];
	v2 =	vadd.f32 v2, v26;
	v26 =	vmul.f32 v54, v37  }
0x496: {  	v25 =	vadd.f32 v25, v24;
	v24 =	vadd.f32 v29, v1;
	v1 =	vmul.f32 v39, v38;
	v29 =	vld [tilespmem:s1+$0x92E0]  }
0x497: {  	v2 =	vadd.f32 v5, v2;
	v5 =	vadd.f32 v26, v27;
	v27 =	vmul.f32 v28, v46;
	v28 =	vld [tilespmem:s0+$0x92C0]  }
0x498: {  	v26 =	vadd.f32 v1, v3;
	v1 =	vmul.f32 v7, v38;
	v3 =	vmul.f32 v4, v37;
	v4 =	vld [tilespmem:s28+$0x92F0]  }
0x499: {  	v7 =	vld [tilespmem:s0+$0x92D0];
	v39 =	vmul.f32 v24, v24;
	v5 =	vadd.f32 v27, v5;
	v27 =	vmul.f32 v25, v25  }
0x49a: {  	v30 =	vmul.f32 v30, v46;
	v3 =	vadd.f32 v3, v32;
	v32 =	vmul.f32 v61, v37;
	v61 =	vld [tilespmem:s1+$0x92F0]  }
0x49b: {  	v39 =	vadd.f32 v39, v27;
	v27 =	vadd.f32 v1, v2;
	v1 =	vld [tilespmem:s28+$0x9680];
	v2 =	vmul.f32 v26, v26  }
0x49c: {  	v29 =	vmul.f32 v29, v46;
	v3 =	vadd.f32 v30, v3;
	v28 =	vmul.f32 v28, v38;
	v30 =	vld [tilespmem:s0+$0x92E0]  }
0x49d: {  	v6 =	vadd.f32 v32, v6;
	v32 =	vld [tilespmem:s28+$0x9690];
	v2 =	vadd.f32 v2, v39;
	v4 =	vmul.f32 v4, v37  }
0x49e: {  	v53 =	vld [tilespmem:s0+$0x92F0];
	v39 =	vmul.f32 v27, v27;
	v28 =	vadd.f32 v28, v5;
	v5 =	vmul.f32 v7, v38  }
0x49f: {  	v7 =	vld [tilespmem:s1+$0x9690];
	v6 =	vadd.f32 v29, v6;
	v4 =	vadd.f32 v4, v36;
	v61 =	vmul.f32 v61, v46  }
0x4a0: {  	v2 =	vadd.f32 v39, v2;
	v29 =	vadd.f32 v5, v3;
	v1 =	vmul.f32 v1, v37;
	v3 =	vld [tilespmem:s28+$0x96A0]  }
0x4a1: {  	v55 =	vld [tilespmem:s0+$0x9680];
	v4 =	vadd.f32 v61, v4;
	v5 =	vmul.f32 v30, v38;
	v30 =	vmul.f32 v28, v28  }
0x4a2: {  	v32 =	vmul.f32 v32, v37;
	v61 =	vld [tilespmem:s1+$0x96A0];
	v1 =	vadd.f32 v1, v31;
	v31 =	vmul.f32 v33, v46  }
0x4a3: {  	v2 =	vadd.f32 v30, v2;
	v30 =	vadd.f32 v5, v6;
	v5 =	vld [tilespmem:s28+$0x96B0];
	v6 =	vmul.f32 v29, v29  }
0x4a4: {  	v39 =	vld [tilespmem:s0+$0x9690];
	v32 =	vadd.f32 v32, v59;
	v1 =	vadd.f32 v31, v1;
	v31 =	vmul.f32 v53, v38  }
0x4a5: {  	v2 =	vadd.f32 v6, v2;
	v6 =	vmul.f32 v7, v46;
	v3 =	vmul.f32 v3, v37;
	v7 =	vld [tilespmem:s28+$0x96C0]  }
0x4a6: {  	v42 =	vld [tilespmem:s0+$0x96C0];
	v59 =	vmul.f32 v30, v30;
	v31 =	vadd.f32 v31, v4;
	v4 =	vmul.f32 v55, v38  }
0x4a7: {  	v33 =	vmul.f32 v61, v46;
	v61 =	vld [tilespmem:s0+$0x96A0];
	v6 =	vadd.f32 v6, v32;
	v3 =	vadd.f32 v3, v60  }
0x4a8: {  	v36 =	vld [tilespmem:s1+$0x96C0];
	v60 =	vmul.f32 v40, v46;
	v32 =	vadd.f32 v4, v1;
	v1 =	vmul.f32 v5, v37  }
0x4a9: {  	v2 =	vadd.f32 v59, v2;
	v5 =	vmul.f32 v39, v38;
	v39 =	vld [tilespmem:s0+$0x96B0];
	v59 =	vmul.f32 v31, v31  }
0x4aa: {  	v40 =	vld [tilespmem:s28+$0x96E0];
	v3 =	vadd.f32 v33, v3;
	v1 =	vadd.f32 v1, v34;
	v7 =	vmul.f32 v7, v37  }
0x4ab: {  	v62 =	vld [tilespmem:s1+$0x96D0];
	v2 =	vadd.f32 v59, v2;
	v33 =	vadd.f32 v5, v6;
	v6 =	vmul.f32 v32, v32  }
0x4ac: {  	v4 =	vld [tilespmem:s28+$0x96D0];
	v61 =	vmul.f32 v61, v38;
	v1 =	vadd.f32 v60, v1  }
0x4ad: {  	v54 =	vld [tilespmem:s28+$0x96F0];
	v7 =	vadd.f32 v7, v35;
	v2 =	vadd.f32 v6, v2;
	v6 =	vmul.f32 v36, v46  }
0x4ae: {  	v36 =	vmul.f32 v33, v33;
	v34 =	vadd.f32 v61, v3;
	v3 =	vmul.f32 v39, v38;
	v61 =	vld [tilespmem:s1+$0x96F0]  }
0x4af: {  	v53 =	vld [tilespmem:s23+$0xB280];
	v6 =	vadd.f32 v6, v7;
	v7 =	vmul.f32 v40, v37  }
0x4b0: {  	v5 =	vld [tilespmem:s23+$0x9280];
	v2 =	vadd.f32 v36, v2;
	v35 =	vadd.f32 v3, v1;
	v1 =	vmul.f32 v34, v34  }
0x4b1: {  	v55 =	vmul.f32 v62, v46;
	v4 =	vmul.f32 v4, v37;
	v39 =	vld.msk [tilespmem:s26+$0xFFFFFFBF ss:$0x0], $0xffff;
	v3 =	vadd.f32 v7, v63  }
0x4b2: {  	v7 =	vmul.f32 v42, v38;
	v42 =	vld.msk [tilespmem:s26+$0xFFFFFF9F ss:$0x0], $0xffff;
	v1 =	vadd.f32 v1, v2;
	v2 =	vmul.f32 v43, v46  }
0x4b3: {  	v40 =	vmul.f32 v54, v37;
	v4 =	vadd.f32 v4, v41;
	v41 =	vmul.f32 v61, v46;
	v46 =	vld.msk [tilespmem:s26+$0xFFFFFFDF ss:$0x0], $0xffff  }
0x4b4: {  	v18 =	vmul.f32 v58, v57;
	v2 =	vadd.f32 v2, v3;
	v3 =	vld [tilespmem:s23+$0xD280]  }
0x4b5: {  	v57 =	vld.msk [tilespmem:s26+$0xFFFFFFFF ss:$0x0], $0xffff;
	v20 =	vmul.f32 v58, v12;
	v40 =	vadd.f32 v40, v48;
	v62 =	vmul.f32 v35, v35  }
0x4b6: {  	v4 =	vadd.f32 v55, v4;
	v36 =	vadd.f32 v7, v6;
	v6 =	vmul.f32 v44, v38;
	v7 =	vld [tilespmem:s0+$0x96F0]  }
0x4b7: {  	v59 =	vld [tilespmem:s23+$0x9290];
	v53 =	vmul.f32 v53, v39;
	v1 =	vadd.f32 v62, v1;
	v5 =	vmul.f32 v5, v42  }
0x4b8: {  	v60 =	vld [tilespmem:s23+$0xB290];
	v37 =	vadd.f32 v6, v4;
	v4 =	vperm.xlane v0, v11;
	v63 =	vmul.f32 v36, v36  }
0x4b9: {  	v12 =	vld [tilespmem:$0x1FCC0];
	v48 =	vmul.f32 v45, v38;
	v5 =	vadd.f32 v53, v5;
	v3 =	vmul.f32 v3, v46  }
0x4ba: {  	v6 =	vld [tilespmem:s23+$0xD290];
	v17 =	vadd.f32 v0, v4;
	v0 =	vadd.f32 v63, v1;
	v1 =	vmul.f32 v37, v37  }
0x4bb: {  	v4 =	vadd.f32 v41, v40;
	v7 =	vmul.f32 v7, v38;
	v3 =	vadd.f32 v3, v5;
	v5 =	vld [tilespmem:$0x1FCB0]  }
0x4bc: {  	v38 =	vadd.f32 v48, v2;
	v0 =	vadd.f32 v1, v0;
	v1 =	vld [tilespmem:s23+$0xF280]  }
0x4bd: {  	v55 =	vmul.f32 v60, v39;
	v54 =	vmul.f32 v59, v42;
	v63 =	vadd.f32 v7, v4;
	v4 =	vld [tilespmem:s23+$0xF290]  }
0x4be: {  	v45 =	vld [tilespmem:s23+$0x92A0];
	v7 =	vmul.f32 v38, v38  }
0x4bf: {  	v62 =	vmul.f32 v58, v12;
	v12 =	vld [tilespmem:$0x1FCD0];
	v40 =	vadd.f32 v55, v54;
	v48 =	vmul.f32 v63, v63  }
0x4c0: {  	v0 =	vadd.f32 v7, v0;
	v7 =	vld [tilespmem:$0x1FC90];
	v19 =	vmul.f32 v58, v5;
	v5 =	vmul.f32 v6, v46  }
0x4c1: {  	v59 =	vld [tilespmem:s23+$0x92B0];
	v1 =	vmul.f32 v1, v57  }
0x4c2: {  	v2 =	vld [tilespmem:s23+$0xB2A0];
	v0 =	vadd.f32 v48, v0;
	v48 =	vmul.f32 v4, v57;
	v5 =	vadd.f32 v5, v40  }
0x4c3: {  	v43 =	vadd.f32 v1, v3;
	v1 =	vld [tilespmem:$0x1FCE0]  }
0x4c4: {  	v41 =	vadd.f32 v48, v5;
	v5 =	vld [tilespmem:$0x1FCF0]  }
0x4c5: {  	v61 =	vmul.f32 v58, v7;
	v7 =	vld [tilespmem:s23+$0xD2A0]  }
0x4c6: {  	v54 =	vld [tilespmem:s23+$0xF2A0]  }
0x4c7: {  	v12 =	vmul.f32 v58, v12;
	v6 =	vld [tilespmem:s23+$0xB2B0]  }
0x4c8: {  	v53 =	vmul.f32 v45, v42;
	v55 =	vld [tilespmem:s23+$0xD2B0];
	v2 =	vmul.f32 v2, v39  }
0x4c9: {  	[tilespmem:$0x1FD20] =	vst v12;
	v12 =	vmul.f32 v58, v5;
	v5 =	vld [tilespmem:$0x1FD00]  }
0x4ca: {  	v2 =	vadd.f32 v2, v53;
	v4 =	vld [tilespmem:s23+$0x92C0];
	v21 =	vmul.f32 v58, v1;
	v1 =	vmul.f32 v7, v46  }
0x4cb: {  	v3 =	vld [tilespmem:s23+$0xB2C0]  }
0x4cc: {  	v6 =	vmul.f32 v6, v39;
	v1 =	vadd.f32 v1, v2;
	v2 =	vmul.f32 v59, v42  }
0x4cd: {  	v60 =	vmul.f32 v55, v46;
	v53 =	vld [tilespmem:s23+$0xF2B0];
	v7 =	vperm.xlane v0, v8  }
0x4ce: {  	v44 =	vld [tilespmem:s23+$0x92D0];
	v2 =	vadd.f32 v6, v2;
	v59 =	vmul.f32 v58, v5;
	v5 =	vmul.f32 v58, v56  }
0x4cf: {  	v48 =	vld [tilespmem:s23+$0xD2C0];
	v0 =	vadd.f32 v0, v7;
	v7 =	vmul.f32 v54, v57  }
0x4d0: {  	v8 =	vld [tilespmem:$0x1FD10];
	v3 =	vmul.f32 v3, v39;
	v60 =	vadd.f32 v60, v2;
	v2 =	vmul.f32 v4, v42;
	[tilespmem:$0x1FD30] =	vst v5  }
0x4d1: {  	v55 =	vmul.f32 v43, v43;
	v45 =	vadd.f32 v7, v1;
	v54 =	vperm.xlane v0, v9;
	v5 =	vld [tilespmem:s23+$0xB2D0]  }
0x4d2: {  	v1 =	vmul.f32 v41, v41;
	v3 =	vadd.f32 v3, v2;
	v2 =	vmul.f32 v58, v51;
	v7 =	vld [tilespmem:s23+$0xF2C0]  }
0x4d3: {  	v22 =	vmul.f32 v58, v47;
	v6 =	vld [tilespmem:s23+$0xD2D0]  }
0x4d4: {  	v0 =	vadd.f32 v0, v54;
	v4 =	vld [tilespmem:s23+$0x92E0];
	[tilespmem:$0x1FD40] =	vst v2;
	v2 =	vadd.f32 v1, v55;
	v1 =	vmul.f32 v58, v50  }
0x4d5: {  	v40 =	vmul.f32 v53, v57;
	v9 =	vmul.f32 v58, v52  }
0x4d6: {  	v8 =	vmul.f32 v58, v8;
	v51 =	vld [tilespmem:s23+$0xB2E0];
	[tilespmem:$0x1FD50] =	vst v1;
	v1 =	vperm.xlane v0, v10  }
0x4d7: {  	v47 =	vadd.f32 v40, v60;
	v53 =	vld [tilespmem:s23+$0xF2D0];
	v60 =	vmul.f32 v5, v39;
	v5 =	vmul.f32 v58, v49  }
0x4d8: {  	v56 =	vmul.f32 v48, v46;
	v55 =	vmul.f32 v45, v45;
	v50 =	vld [tilespmem:s23+$0xD2E0];
	v0 =	vadd.f32 v0, v1  }
0x4d9: {  	v52 =	vld [tilespmem:s23+$0x92F0];
	v1 =	vmul.f32 v44, v42;
	v7 =	vmul.f32 v7, v57;
	[tilespmem:$0x1FD60] =	vst v5  }
0x4da: {  	v3 =	vadd.f32 v56, v3;
	v6 =	vmul.f32 v6, v46;
	v56 =	vperm.xlane v0, v11;
	v40 =	vld [tilespmem:s23+$0xB2F0]  }
0x4db: {  	v2 =	vadd.f32 v55, v2;
	v4 =	vmul.f32 v4, v42;
	v51 =	vmul.f32 v51, v39;
	v44 =	vld [tilespmem:s23+$0xF2E0]  }
0x4dc: {  	v1 =	vadd.f32 v60, v1;
	v5 =	vld [tilespmem:s23+$0xD2F0];
	v60 =	vadd.f32 v0, v56;
	v0 =	vmul.f32 v47, v47  }
0x4dd: {  	v49 =	vadd.f32 v7, v3;
	v55 =	vld [tilespmem:s23+$0x9680];
	[tilespmem:$0x1FD70] =	vst v8;
	v4 =	vadd.f32 v51, v4;
	v7 =	vmul.f32 v53, v57  }
0x4de: {  	v1 =	vadd.f32 v6, v1;
	v6 =	vld [tilespmem:s23+$0xB680];
	v0 =	vadd.f32 v0, v2;
	v2 =	vmax.f32 v60, $1.000000020e-24  }
0x4df: {  	v58 =	vmul.f32 v50, v46;
	v3 =	vld [tilespmem:s23+$0xD690];
	v60 =	vshra.s32 v2, $0x1;
	v2 =	vmul.f32 $5.000000000e-01, v2  }
0x4e0: {  	v52 =	vmul.f32 v52, v42;
	v54 =	vld [tilespmem:s23+$0xF2F0];
	v51 =	vmul.f32 v49, v49;
	v60 =	vsub.s32 $0x5F3759DF, v60  }
0x4e1: {  	v56 =	vld [tilespmem:s23+$0xD680];
	v50 =	vadd.f32 v7, v1;
	v1 =	vmul.f32 v40, v39;
	v40 =	vmul.f32 v60, v2  }
0x4e2: {  	v53 =	vld [tilespmem:s23+$0x9690];
	v4 =	vadd.f32 v58, v4;
	v44 =	vmul.f32 v44, v57;
	v5 =	vmul.f32 v5, v46  }
0x4e3: {  	v7 =	vld [tilespmem:s23+$0xB690];
	v0 =	vadd.f32 v51, v0;
	v6 =	vmul.f32 v6, v39;
	v40 =	vmul.f32 v60, v40  }
0x4e4: {  	v58 =	vld [tilespmem:s23+$0xF680];
	v3 =	vmul.f32 v3, v46;
	v1 =	vadd.f32 v1, v52;
	v52 =	vmul.f32 v55, v42  }
0x4e5: {  	v55 =	vld [tilespmem:s23+$0x96A0];
	v51 =	vadd.f32 v44, v4;
	v44 =	vmul.f32 v50, v50;
	v4 =	vsub.f32 $1.500000000e+00, v40  }
0x4e6: {  	v48 =	vld [tilespmem:s23+$0xF690];
	v1 =	vadd.f32 v5, v1;
	v5 =	vadd.f32 v6, v52;
	v6 =	vmul.f32 v54, v57  }
0x4e7: {  	v40 =	vld [tilespmem:s23+$0xB6A0];
	v4 =	vmul.f32 v60, v4;
	v60 =	vmul.f32 v56, v46  }
0x4e8: {  	[tilespmem:s21+$0x13770] =	vst v18;
	v52 =	vadd.f32 v6, v1;
	v1 =	vmul.f32 v53, v42;
	v6 =	vmul.f32 v7, v39  }
0x4e9: {  	[tilespmem:s21+$0x13300] =	vst v61;
	v58 =	vmul.f32 v58, v57;
	v56 =	vld [tilespmem:s23+$0xD6A0];
	v5 =	vadd.f32 v60, v5;
	v2 =	vmul.f32 v4, v2  }
0x4ea: {  	[tilespmem:s21+$0x13310] =	vst v20;
	v0 =	vadd.f32 v44, v0;
	v55 =	vmul.f32 v55, v42;
	v1 =	vadd.f32 v6, v1;
	v6 =	vld [tilespmem:s23+$0xF6A0]  }
0x4eb: {  	[tilespmem:s21+$0x13320] =	vst v19;
	v60 =	vmul.f32 v51, v51;
	v54 =	vadd.f32 v58, v5;
	v2 =	vmul.f32 v2, v4;
	v5 =	vld [tilespmem:s23+$0x96C0]  }
0x4ec: {  	[tilespmem:s21+$0x13330] =	vst v62;
	v40 =	vmul.f32 v40, v39;
	v58 =	vmul.f32 v48, v57;
	v48 =	vld [tilespmem:s23+$0xB6C0]  }
0x4ed: {  	v8 =	vld [tilespmem:$0x1FD20];
	v44 =	vmul.f32 v52, v52;
	v0 =	vadd.f32 v60, v0;
	v2 =	vsub.f32 $1.500000000e+00, v2  }
0x4ee: {  	v1 =	vadd.f32 v3, v1;
	v3 =	vadd.f32 v40, v55;
	v61 =	vmul.f32 v56, v46  }
0x4ef: {  	[tilespmem:s21+$0x13350] =	vst v21;
	v7 =	vld [tilespmem:s23+$0x96B0];
	v0 =	vadd.f32 v44, v0;
	v62 =	vmul.f32 v2, v4;
	v4 =	vmul.f32 v54, v54  }
0x4f0: {  	[tilespmem:s21+$0x13360] =	vst v12;
	v53 =	vld [tilespmem:s23+$0xB6B0];
	v3 =	vadd.f32 v61, v3;
	v6 =	vmul.f32 v6, v57  }
0x4f1: {  	[tilespmem:s21+$0x13370] =	vst v59;
	v0 =	vadd.f32 v4, v0;
	v4 =	vmul.f32 v5, v42;
	v5 =	vmul.f32 v48, v39  }
0x4f2: {  	[tilespmem:s21+$0x13340] =	vst v8;
	v60 =	vld [tilespmem:s23+$0xD6B0]  }
0x4f3: {  	v59 =	vadd.f32 v6, v3;
	v3 =	vadd.f32 v5, v4;
	v5 =	vld [tilespmem:$0x1FD30];
	_ =	sdelay $0x1  }
0x4f4: {  	v58 =	vadd.f32 v58, v1;
	v1 =	vmul.f32 v7, v42;
	v7 =	vmul.f32 v53, v39;
	_ =	sdelay $0x1  }
0x4f5: {  	v1 =	vadd.f32 v7, v1;
	v7 =	vmul.f32 v60, v46;
	v60 =	vmul.f32 v58, v58;
	[tilespmem:s21+$0x13710] =	vst v22  }
0x4f6: {  	[tilespmem:s21+$0x13700] =	vst v5  }
0x4f7: {  	v53 =	vadd.f32 v60, v0;
	v0 =	vld [tilespmem:$0x1FD40];
	_ =	sdelay $0x1  }
0x4f8: {  	v55 =	vld [tilespmem:s23+$0xF6B0]  }
0x4f9: {  	v40 =	vld [tilespmem:s23+$0xD6C0]  }
0x4fa: {  	v44 =	vld [tilespmem:s23+$0xB6D0]  }
0x4fb: {  	v2 =	vld [tilespmem:s23+$0x96D0];
	[tilespmem:s21+$0x13720] =	vst v0  }
0x4fc: {  	v0 =	vld [tilespmem:$0x1FD50]  }
0x4fd: {  	v1 =	vadd.f32 v7, v1;
	v7 =	vmul.f32 v55, v57  }
0x4fe: {  	v4 =	vmul.f32 v40, v46  }
0x4ff: {  	v60 =	vadd.f32 v7, v1  }
0x500: {  	v7 =	vadd.f32 v4, v3;
	v3 =	vmul.f32 v2, v42;
	v4 =	vmul.f32 v44, v39;
	[tilespmem:s21+$0x13740] =	vst v9  }
0x501: {  	v12 =	vld [tilespmem:s23+$0xF6D0];
	[tilespmem:s21+$0x13730] =	vst v0  }
0x502: {  	v5 =	vadd.f32 v4, v3;
	v3 =	vld [tilespmem:$0x1FD60]  }
0x503: {  	v61 =	vld [tilespmem:s23+$0xD6D0]  }
0x504: {  	v6 =	vld [tilespmem:s23+$0xB6E0]  }
0x505: {  	v48 =	vld [tilespmem:s23+$0xF6C0]  }
0x506: {  	v56 =	vld [tilespmem:s23+$0x96E0]  }
0x507: {  	v1 =	vmax.f32 v17, $1.000000020e-24;
	v17 =	vld [tilespmem:s23+$0xD6E0];
	[tilespmem:s21+$0x13750] =	vst v3  }
0x508: {  	v63 =	vmul.f32 v62, v63;
	v40 =	vmul.f32 $5.000000000e-01, v1;
	v1 =	vshra.s32 v1, $0x1;
	v8 =	vld [tilespmem:$0x1FD70]  }
0x509: {  	v2 =	vld [tilespmem:s23+$0x96F0];
	v6 =	vmul.f32 v6, v39;
	v44 =	vsub.s32 $0x5F3759DF, v1;
	v1 =	vmul.f32 v59, v59  }
0x50a: {  	v55 =	vmul.f32 v48, v57;
	v4 =	vld [tilespmem:s23+$0xB6F0];
	v0 =	vmul.f32 v61, v46  }
0x50b: {  	v48 =	vmul.f32 v44, v40;
	v3 =	vadd.f32 v1, v53;
	v53 =	vmul.f32 v56, v42;
	v1 =	vld [tilespmem:s23+$0xF6E0]  }
0x50c: {  	v61 =	vadd.f32 v55, v7;
	v55 =	vmul.f32 v60, v60;
	v56 =	vadd.f32 v0, v5;
	v0 =	vld [tilespmem:s23+$0xD6F0];
	[tilespmem:s23+$0x13770] =	vst v63  }
0x50d: {  	s28 =	simm.s32 $0x11E5;
	s26 =	simm.s32 $0x2;
	v7 =	vmul.f32 v17, v46;
	v5 =	vld [tilespmem:s23+$0xF6F0];
	v63 =	vmul.f32 v12, v57;
	v6 =	vadd.f32 v6, v53;
	[tilespmem:s21+$0x13760] =	vst v8  }
.LBB2_7:
0x50e: {  	_ = 	snop  }
0x50f: {  	v53 =	vld.msk [tilespmem:s28+$0x0 ss:$0x0], $0xffff;
	v8 =	vadd.f32 v55, v3;
	v9 =	vmul.f32 v61, v61;
	v3 =	vadd.f32 v63, v56  }
0x510: {  	v17 =	vld [tilespmem:$0x1FFC0];
	v6 =	vadd.f32 v7, v6;
	v2 =	vmul.f32 v2, v42;
	v4 =	vmul.f32 v4, v39  }
0x511: {  	v12 =	vld [tilespmem:$0x1FBE0];
	v7 =	vadd.f32 v9, v8;
	v8 =	vmul.f32 v44, v48;
	v1 =	vmul.f32 v1, v57  }
0x512: {  	s24 =	sadd.s32 $0x100, s24;
	s25 =	sadd.s32 $0x200, s25;
	v55 =	vld.msk [tilespmem:s28+$0xFFFFFFE0 ss:$0x0], $0xffff;
	v9 =	vmul.f32 v3, v3;
	v2 =	vadd.f32 v4, v2  }
0x513: {  	s0 =	sand.u32 $0x1800, s25;
	s1 =	sand.u32 $0x300, s24;
	v56 =	vld.msk [tilespmem:s28+$0xFFFFFFC0 ss:$0x0], $0xffff;
	v4 =	vadd.f32 v1, v6;
	v1 =	vmul.f32 v5, v57;
	v5 =	vsub.f32 $1.500000000e+00, v8  }
0x514: {  	s0 =	sor.u32 s1, s0;
	v39 =	vld.msk [tilespmem:s28+$0xFFFFFFA0 ss:$0x0], $0xffff;
	v0 =	vmul.f32 v0, v46  }
0x515: {  	v46 =	vld [tilespmem:s0+$0x9770];
	v6 =	vadd.f32 v9, v7;
	v8 =	vmul.f32 v4, v4;
	v5 =	vmul.f32 v44, v5  }
0x516: {  	v42 =	vld [tilespmem:s0+$0x9760];
	v7 =	vmul.f32 v62, v25;
	v2 =	vadd.f32 v0, v2  }
0x517: {  	v25 =	vld [tilespmem:s0+$0x9740];
	v6 =	vadd.f32 v8, v6;
	v8 =	vmul.f32 v62, v27;
	v27 =	vmul.f32 v5, v40  }
0x518: {  	v0 =	vld [tilespmem:s0+$0x9750];
	[tilespmem:s23+$0x13300] =	vst v7;
	v9 =	vadd.f32 v1, v2;
	v1 =	vmul.f32 v62, v24  }
0x519: {  	v7 =	vmul.f32 v62, v26;
	v26 =	vld [tilespmem:s0+$0x9730];
	v27 =	vmul.f32 v27, v5  }
0x51a: {  	v24 =	vld [tilespmem:s0+$0x9720];
	[tilespmem:s23+$0x13310] =	vst v1  }
0x51b: {  	v2 =	vld [tilespmem:s0+$0x9710];
	[tilespmem:s23+$0x13320] =	vst v7;
	v7 =	vmul.f32 v62, v29;
	v29 =	vsub.f32 $1.500000000e+00, v27  }
0x51c: {  	v19 =	vld [tilespmem:$0x1FFD0];
	v63 =	vmul.f32 v62, v28;
	v57 =	vmul.f32 v9, v9  }
0x51d: {  	v1 =	vld [tilespmem:s0+$0x9700];
	[tilespmem:s23+$0x13330] =	vst v8;
	v5 =	vmul.f32 v29, v5  }
0x51e: {  	v6 =	vadd.f32 v57, v6;
	v28 =	vld [tilespmem:s0+$0x9370];
	[tilespmem:s23+$0x13340] =	vst v63  }
0x51f: {  	v27 =	vld [tilespmem:s0+$0x9360];
	[tilespmem:s23+$0x13350] =	vst v7;
	v7 =	vmul.f32 v62, v34;
	v34 =	vmul.f32 v5, v12;
	v12 =	vmov v43  }
0x520: {  	v8 =	vmul.f32 v62, v30;
	v44 =	vperm.xlane v6, v17;
	[tilespmem:$0x1FBE0] =	vst v12;
	v12 =	vld [tilespmem:$0x1FBF0]  }
0x521: {  	v30 =	vmul.f32 v62, v31  }
0x522: {  	v31 =	vmul.f32 v62, v32;
	v57 =	vld [tilespmem:s0+$0x9350];
	[tilespmem:s23+$0x13360] =	vst v8;
	v6 =	vadd.f32 v6, v44  }
0x523: {  	v40 =	vmul.f32 v62, v33;
	v29 =	vld [tilespmem:s0+$0x9340];
	[tilespmem:s23+$0x13370] =	vst v30  }
0x524: {  	v63 =	vld [tilespmem:s0+$0x9330];
	[tilespmem:s23+$0x13700] =	vst v31;
	v48 =	vperm.xlane v6, v19  }
0x525: {  	v31 =	vmul.f32 v62, v38;
	v38 =	vld [tilespmem:s0+$0x9320];
	[tilespmem:s23+$0x13710] =	vst v40;
	v32 =	vmul.f32 v5, v12;
	v12 =	vmov v41  }
0x526: {  	v6 =	vadd.f32 v6, v48;
	[tilespmem:$0x1FBF0] =	vst v12;
	v12 =	vld [tilespmem:$0x1FC10]  }
0x527: {  	s31 =	sadd.s32 $0x6100, s25;
	s5 =	sadd.s32 $0x3080, s24;
	v33 =	vmul.f32 v62, v37;
	v8 =	vmul.f32 v62, v35;
	v41 =	vld [tilespmem:s0+$0x9300]  }
0x528: {  	s1 =	sand.u32 $0x7800, s31;
	s5 =	sand.u32 $0x380, s5;
	v30 =	vmul.f32 v62, v36;
	[tilespmem:s23+$0x13720] =	vst v7;
	v62 =	vperm.xlane v6, v10;
	v10 =	vld [tilespmem:$0x1FC30]  }
0x529: {  	s29 =	sor.u32 s5, s1;
	v43 =	vld [tilespmem:s0+$0x9310];
	[tilespmem:s23+$0x13730] =	vst v8  }
0x52a: {  	v20 =	vmov v45;
	s8 =	sadd.s32 $0x4100, s25;
	s30 =	sadd.s32 $0x2080, s24;
	v45 =	vld [tilespmem:s29+$0x96E0];
	[tilespmem:s23+$0x13740] =	vst v30  }
0x52b: {  	s8 =	sand.u32 $0x5800, s8;
	s31 =	sand.u32 $0x380, s30;
	v36 =	vmul.f32 v5, v12;
	v12 =	vmov v47;
	v47 =	vld [tilespmem:s29+$0x96D0];
	[tilespmem:s23+$0x13750] =	vst v33  }
0x52c: {  	s30 =	sor.u32 s31, s8;
	[tilespmem:$0x1FC10] =	vst v12;
	v12 =	vld [tilespmem:$0x1FC20]  }
0x52d: {  	v18 =	vmov v49;
	v49 =	vld [tilespmem:s30+$0x96E0]  }
0x52e: {  	[tilespmem:s23+$0x13760] =	vst v31;
	v31 =	vmul.f32 v5, v10;
	v10 =	vld [tilespmem:$0x1FC40];
	_ =	sdelay $0x2  }
0x52f: {  	[tilespmem:s21+$0x13280] =	vst v34;
	v7 =	vld [tilespmem:$0x1FC00];
	v8 =	vmul.f32 v5, v13  }
0x530: {  	[tilespmem:$0x1FC00] =	vst v20;
	v20 =	vmov v51;
	v51 =	vld [tilespmem:s29+$0x96C0]  }
0x531: {  	[tilespmem:s21+$0x132C0] =	vst v8;
	v8 =	vld [tilespmem:s29+$0x9690];
	v35 =	vmul.f32 v5, v12;
	v12 =	vmovc v50;
	v50 =	vmul.f32 v5, v10;
	v10 =	vmov v58  }
0x532: {  	[tilespmem:$0x1FC30] =	vst v10;
	v10 =	vld [tilespmem:$0x1FC50]  }
0x533: {  	v34 =	vmul.f32 v25, v39;
	[tilespmem:s21+$0x132B0] =	vst v36;
	v36 =	vmul.f32 v42, v39;
	v42 =	vld [tilespmem:s30+$0x9680]  }
0x534: {  	v7 =	vmul.f32 v5, v7;
	v33 =	vmul.f32 v5, v16;
	v25 =	vld [tilespmem:s29+$0x92E0]  }
0x535: {  	[tilespmem:s21+$0x13290] =	vst v32;
	v32 =	vmul.f32 v24, v39;
	v24 =	vld [tilespmem:s30+$0x92F0]  }
0x536: {  	[tilespmem:s21+$0x13680] =	vst v33;
	v33 =	vmul.f32 v26, v39;
	v26 =	vld [tilespmem:s29+$0x92D0]  }
0x537: {  	v21 =	vmov v52;
	[tilespmem:s21+$0x13690] =	vst v31;
	v31 =	vmul.f32 v2, v39;
	v52 =	vmul.f32 v5, v10;
	v10 =	vld [tilespmem:$0x1FC60]  }
0x538: {  	[tilespmem:s21+$0x132A0] =	vst v7;
	v7 =	vmov v59;
	v59 =	vld [tilespmem:s30+$0x96A0];
	v2 =	vmul.f32 v28, v39;
	v28 =	vmul.f32 v57, v39  }
0x539: {  	v57 =	vmul.f32 v27, v39;
	v27 =	vmul.f32 v29, v39;
	v29 =	vld [tilespmem:s30+$0x92E0]  }
0x53a: {  	v6 =	vadd.f32 v6, v62;
	[tilespmem:$0x1FC40] =	vst v7;
	v7 =	vld [tilespmem:s30+$0x96C0]  }
0x53b: {  	v22 =	vmov v54;
	v37 =	vmul.f32 v5, v15;
	v58 =	vld [tilespmem:s30+$0x96D0]  }
0x53c: {  	[tilespmem:$0x1FC20] =	vst v12;
	v12 =	vmovc v3;
	v3 =	vmov v4;
	v4 =	vperm.xlane v6, v11;
	v54 =	vmul.f32 v5, v10;
	v10 =	vld [tilespmem:$0x1FC70]  }
0x53d: {  	v11 =	vmov v60;
	v60 =	vld [tilespmem:s30+$0x9690]  }
0x53e: {  	[tilespmem:s21+$0x132F0] =	vst v37;
	v4 =	vadd.f32 v6, v4;
	v6 =	vld [tilespmem:s30+$0x96B0]  }
0x53f: {  	v30 =	vmul.f32 v5, v14;
	[tilespmem:s21+$0x136A0] =	vst v50;
	v50 =	vmul.f32 v7, v55;
	v7 =	vld [tilespmem:s30+$0x9280]  }
0x540: {  	v37 =	vmul.f32 v46, v39;
	[tilespmem:$0x1FC50] =	vst v11;
	v11 =	vld [tilespmem:s30+$0x92C0];
	v4 =	vmax.f32 v4, $1.000000020e-24  }
0x541: {  	[tilespmem:s21+$0x132E0] =	vst v30;
	v40 =	vmul.f32 $5.000000000e-01, v4;
	v62 =	vmul.f32 v5, v10;
	v10 =	vld [tilespmem:$0x1FC80]  }
0x542: {  	v30 =	vshra.s32 v4, $0x1;
	v4 =	vld [tilespmem:s29+$0x9680];
	[tilespmem:s21+$0x136B0] =	vst v52;
	v52 =	vmul.f32 v38, v39;
	v38 =	vmul.f32 v45, v53  }
0x543: {  	[tilespmem:s21+$0x132D0] =	vst v35;
	v45 =	vmul.f32 v51, v53;
	v51 =	vmul.f32 v6, v55;
	v6 =	vld [tilespmem:s30+$0x92A0]  }
0x544: {  	v13 =	vmul.f32 v26, v53;
	v35 =	vmul.f32 v0, v39;
	[tilespmem:s21+$0x136C0] =	vst v54;
	v54 =	vld [tilespmem:s29+$0x92C0]  }
0x545: {  	v46 =	vmul.f32 v59, v55;
	v29 =	vmul.f32 v29, v55;
	[tilespmem:$0x1FC80] =	vst v3;
	v3 =	vld [tilespmem:s29+$0x96B0]  }
0x546: {  	[tilespmem:s21+$0x136D0] =	vst v62;
	v62 =	vld [tilespmem:s30+$0x92D0];
	v10 =	vmul.f32 v5, v10;
	v5 =	vmul.f32 v5, v23;
	v23 =	vmovc v9;
	v9 =	vmov v61  }
0x547: {  	v7 =	vmul.f32 v7, v55;
	v44 =	vsub.s32 $0x5F3759DF, v30;
	v30 =	vmul.f32 v1, v39;
	v61 =	vld [tilespmem:s29+$0x92F0];
	[tilespmem:$0x1FC60] =	vst v9  }
0x548: {  	s31 =	sadd.s32 $0x1080, s24;
	v1 =	vmul.f32 v8, v53;
	v9 =	vld [tilespmem:s29+$0x96A0];
	[tilespmem:s21+$0x136E0] =	vst v10;
	v10 =	vmul.f32 v63, v39  }
0x549: {  	s8 =	sadd.s32 $0x2100, s25;
	s1 =	sand.u32 $0x380, s31;
	[tilespmem:s21+$0x136F0] =	vst v5;
	v5 =	vmul.f32 v41, v39;
	v39 =	vmul.f32 v43, v39;
	v63 =	vld [tilespmem:s29+$0x92B0]  }
0x54a: {  	s21 =	smov.u32 s23;
	s23 =	smov.u32 s0;
	v41 =	vmul.f32 v47, v53;
	v47 =	vmul.f32 v58, v55;
	v58 =	vld [tilespmem:s30+$0x92B0];
	s0 =	sand.u32 $0x3800, s8  }
0x54b: {  	v43 =	vmul.f32 v49, v55;
	v49 =	vmul.f32 v3, v53;
	v3 =	vld [tilespmem:s29+$0x9280];
	s0 =	sor.u32 s1, s0  }
0x54c: {  	v8 =	vmul.f32 v60, v55;
	v60 =	vmul.f32 v42, v55;
	v42 =	vld [tilespmem:s0+$0x9290]  }
0x54d: {  	v11 =	vmul.f32 v11, v55;
	v0 =	vmul.f32 v9, v53;
	v9 =	vld [tilespmem:s0+$0x9280]  }
0x54e: {  	[tilespmem:$0x1FC70] =	vst v12;
	v12 =	vmul.f32 v24, v55;
	v4 =	vmul.f32 v4, v53;
	v24 =	vld [tilespmem:s0+$0x92A0]  }
0x54f: {  	v59 =	vmul.f32 v61, v53;
	v61 =	vmul.f32 v25, v53;
	v25 =	vld [tilespmem:s30+$0x9290]  }
0x550: {  	v6 =	vmul.f32 v6, v55;
	v14 =	vmul.f32 v54, v53;
	v26 =	vld [tilespmem:s0+$0x92B0]  }
0x551: {  	v15 =	vld [tilespmem:s29+$0x9290];
	v62 =	vmul.f32 v62, v55;
	v54 =	vmul.f32 v3, v53  }
0x552: {  	v3 =	vmul.f32 v9, v56;
	v9 =	vmul.f32 v42, v56;
	v42 =	vld [tilespmem:s0+$0x92C0]  }
0x553: {  	v16 =	vld [tilespmem:s29+$0x92A0];
	v63 =	vmul.f32 v63, v53;
	v24 =	vmul.f32 v24, v56  }
0x554: {  	v25 =	vmul.f32 v25, v55;
	v5 =	vadd.f32 v3, v5;
	v9 =	vadd.f32 v9, v39;
	v39 =	vld [tilespmem:s0+$0x92D0]  }
0x555: {  	v58 =	vmul.f32 v58, v55;
	v26 =	vmul.f32 v26, v56;
	v24 =	vadd.f32 v24, v52  }
0x556: {  	v5 =	vadd.f32 v7, v5;
	v7 =	vadd.f32 v25, v9;
	v9 =	vmul.f32 v15, v53;
	v15 =	vld [tilespmem:s0+$0x92E0]  }
0x557: {  	v52 =	vld [tilespmem:s23+$0xB280];
	v10 =	vadd.f32 v26, v10;
	v6 =	vadd.f32 v6, v24;
	v26 =	vmul.f32 v42, v56  }
0x558: {  	v25 =	vadd.f32 v54, v5;
	v24 =	vadd.f32 v9, v7;
	v5 =	vmul.f32 v16, v53;
	v7 =	vld [tilespmem:s0+$0x92F0]  }
0x559: {  	v3 =	vld [tilespmem:s23+$0x9280];
	v9 =	vadd.f32 v58, v10;
	v10 =	vadd.f32 v26, v27;
	v16 =	vmul.f32 v39, v56  }
0x55a: {  	v27 =	vmul.f32 v25, v25;
	v42 =	vmul.f32 v24, v24;
	v26 =	vadd.f32 v5, v6;
	v5 =	vld [tilespmem:s0+$0x9680]  }
0x55b: {  	v54 =	vld [tilespmem:s23+$0x9290];
	v6 =	vadd.f32 v11, v10;
	v10 =	vadd.f32 v16, v28;
	v11 =	vmul.f32 v15, v56  }
0x55c: {  	v15 =	vadd.f32 v42, v27;
	v16 =	vmul.f32 v26, v26;
	v27 =	vadd.f32 v63, v9;
	v9 =	vld [tilespmem:s0+$0x9690]  }
0x55d: {  	v58 =	vld [tilespmem:s23+$0xB290];
	v10 =	vadd.f32 v62, v10;
	v11 =	vadd.f32 v11, v57;
	v7 =	vmul.f32 v7, v56  }
0x55e: {  	v28 =	vadd.f32 v14, v6;
	v6 =	vld [tilespmem:s0+$0x96A0];
	v15 =	vadd.f32 v16, v15;
	v16 =	vmul.f32 v27, v27  }
0x55f: {  	v39 =	vld.msk [tilespmem:s28+$0xFFFFFFBF ss:$0x0], $0xffff;
	v11 =	vadd.f32 v29, v11;
	v2 =	vadd.f32 v7, v2;
	v5 =	vmul.f32 v5, v56  }
0x560: {  	v14 =	vmul.f32 v28, v28;
	v29 =	vadd.f32 v13, v10;
	v10 =	vld [tilespmem:s0+$0x96B0];
	v7 =	vadd.f32 v16, v15  }
0x561: {  	v42 =	vld.msk [tilespmem:s28+$0xFFFFFF9F ss:$0x0], $0xffff;
	v2 =	vadd.f32 v12, v2;
	v5 =	vadd.f32 v5, v30;
	v9 =	vmul.f32 v9, v56  }
0x562: {  	v57 =	vld.msk [tilespmem:s28+$0xFFFFFFFF ss:$0x0], $0xffff;
	v12 =	vmul.f32 v29, v29;
	v30 =	vadd.f32 v61, v11;
	v7 =	vadd.f32 v14, v7  }
0x563: {  	v11 =	vld [tilespmem:s0+$0x96C0];
	v6 =	vmul.f32 v6, v56;
	v5 =	vadd.f32 v60, v5;
	v9 =	vadd.f32 v9, v31  }
0x564: {  	v31 =	vadd.f32 v59, v2;
	v2 =	vld [tilespmem:s0+$0x96D0];
	v7 =	vadd.f32 v12, v7;
	v12 =	vmul.f32 v30, v30  }
0x565: {  	v62 =	vld [tilespmem:s23+$0xB6B0];
	v6 =	vadd.f32 v6, v32;
	v8 =	vadd.f32 v8, v9;
	v9 =	vmul.f32 v10, v56  }
0x566: {  	v10 =	vmul.f32 v31, v31;
	v32 =	vadd.f32 v4, v5;
	v4 =	vld [tilespmem:s0+$0x96E0];
	v7 =	vadd.f32 v12, v7  }
0x567: {  	v5 =	vld [tilespmem:s23+$0xB2A0];
	v6 =	vadd.f32 v46, v6;
	v9 =	vadd.f32 v9, v33  }
0x568: {  	v13 =	vld [tilespmem:s23+$0xD280];
	v11 =	vmul.f32 v11, v56;
	v33 =	vadd.f32 v1, v8;
	v7 =	vadd.f32 v10, v7  }
0x569: {  	v1 =	vld [tilespmem:s0+$0x96F0];
	v10 =	vmul.f32 v32, v32;
	v2 =	vmul.f32 v2, v56;
	v8 =	vadd.f32 v51, v9  }
0x56a: {  	v15 =	vld [tilespmem:s23+$0x92A0];
	v9 =	vadd.f32 v11, v34;
	v34 =	vadd.f32 v0, v6  }
0x56b: {  	v0 =	vld [tilespmem:s30+$0x96F0];
	v7 =	vadd.f32 v10, v7;
	v10 =	vmul.f32 v33, v33;
	v2 =	vadd.f32 v2, v35  }
0x56c: {  	v16 =	vld [tilespmem:s23+$0xB2B0];
	v4 =	vmul.f32 v4, v56;
	v5 =	vmul.f32 v5, v39;
	v9 =	vadd.f32 v50, v9  }
0x56d: {  	v35 =	vadd.f32 v49, v8;
	v8 =	vld [tilespmem:s29+$0x96F0];
	v7 =	vadd.f32 v10, v7;
	v10 =	vmul.f32 v34, v34  }
0x56e: {  	v14 =	vld [tilespmem:s23+$0xD290];
	v2 =	vadd.f32 v47, v2;
	v4 =	vadd.f32 v4, v36;
	v1 =	vmul.f32 v1, v56  }
0x56f: {  	v59 =	vld [tilespmem:s23+$0x92C0];
	v36 =	vadd.f32 v45, v9;
	v7 =	vadd.f32 v10, v7;
	v10 =	vmul.f32 v35, v35  }
0x570: {  	v46 =	vld.msk [tilespmem:s28+$0xFFFFFFDF ss:$0x0], $0xffff;
	v4 =	vadd.f32 v43, v4;
	v1 =	vadd.f32 v1, v37;
	v0 =	vmul.f32 v0, v55  }
0x571: {  	v12 =	vld [tilespmem:s23+$0xD2A0];
	v37 =	vadd.f32 v41, v2;
	v2 =	vmul.f32 v3, v42;
	v7 =	vadd.f32 v10, v7  }
0x572: {  	v6 =	vld [tilespmem:s23+$0xF280];
	v10 =	vmul.f32 v36, v36;
	v0 =	vadd.f32 v0, v1;
	v1 =	vmul.f32 v8, v53  }
0x573: {  	v11 =	vld [tilespmem:s23+$0xF290];
	v8 =	vmul.f32 v37, v37;
	v38 =	vadd.f32 v38, v4;
	v4 =	vmul.f32 v52, v39  }
0x574: {  	v56 =	vld [tilespmem:s23+$0xD2B0];
	v7 =	vadd.f32 v10, v7;
	v10 =	vmul.f32 v54, v42;
	v53 =	vadd.f32 v1, v0  }
0x575: {  	v9 =	vld [tilespmem:s23+$0x92B0];
	v0 =	vadd.f32 v4, v2;
	v1 =	vmul.f32 v13, v46;
	v2 =	vmul.f32 v58, v39  }
0x576: {  	v3 =	vld [tilespmem:s23+$0xF2A0];
	v13 =	vmul.f32 v14, v46;
	v7 =	vadd.f32 v8, v7;
	v8 =	vmul.f32 v38, v38  }
0x577: {  	v4 =	vld [tilespmem:s23+$0xB2C0];
	v2 =	vadd.f32 v2, v10;
	v10 =	vmul.f32 v15, v42;
	v0 =	vadd.f32 v1, v0  }
0x578: {  	v14 =	vld [tilespmem:s23+$0xF2B0];
	v1 =	vmul.f32 v6, v57;
	v7 =	vadd.f32 v8, v7;
	v8 =	vmul.f32 v53, v53  }
0x579: {  	v15 =	vld [tilespmem:s23+$0xD2C0];
	v5 =	vadd.f32 v5, v10  }
0x57a: {  	v6 =	vld [tilespmem:s23+$0x92D0];
	v43 =	vadd.f32 v1, v0;
	v0 =	vmul.f32 v12, v46;
	v7 =	vadd.f32 v8, v7  }
0x57b: {  	v2 =	vadd.f32 v13, v2;
	v10 =	vld [tilespmem:s23+$0xB2D0];
	v8 =	vmul.f32 v11, v57  }
0x57c: {  	v3 =	vmul.f32 v3, v57;
	v1 =	vld [tilespmem:s23+$0xF2C0];
	v0 =	vadd.f32 v0, v5;
	v11 =	vperm.xlane v7, v17  }
0x57d: {  	v12 =	vld [tilespmem:s23+$0xB2E0];
	v41 =	vadd.f32 v8, v2;
	v2 =	vmul.f32 v9, v42;
	v8 =	vmul.f32 v16, v39  }
0x57e: {  	v14 =	vmul.f32 v14, v57;
	v5 =	vld [tilespmem:s23+$0x92E0];
	v45 =	vadd.f32 v3, v0;
	v7 =	vadd.f32 v7, v11  }
0x57f: {  	v9 =	vld [tilespmem:s23+$0xD2D0];
	v0 =	vmul.f32 v4, v39;
	v2 =	vadd.f32 v8, v2;
	v8 =	vmul.f32 v56, v46  }
0x580: {  	v3 =	vld [tilespmem:s23+$0xF2D0];
	v11 =	vmul.f32 v59, v42;
	v4 =	vperm.xlane v7, v19  }
0x581: {  	v13 =	vmul.f32 v43, v43;
	v16 =	vmul.f32 v41, v41;
	v2 =	vadd.f32 v8, v2;
	v8 =	vld [tilespmem:s23+$0xD2E0]  }
0x582: {  	v6 =	vmul.f32 v6, v42;
	v0 =	vadd.f32 v0, v11;
	v11 =	vld [tilespmem:s23+$0x92F0];
	v4 =	vadd.f32 v7, v4  }
0x583: {  	v7 =	vadd.f32 v16, v13;
	v13 =	vmul.f32 v15, v46;
	v47 =	vadd.f32 v14, v2;
	v14 =	vld [tilespmem:$0x1FFE0]  }
0x584: {  	v1 =	vmul.f32 v1, v57;
	v12 =	vmul.f32 v12, v39;
	v15 =	vld [tilespmem:s23+$0xB2F0]  }
0x585: {  	v5 =	vmul.f32 v5, v42;
	v2 =	vmul.f32 v10, v39;
	v10 =	vld [tilespmem:s23+$0xF2E0];
	v0 =	vadd.f32 v13, v0  }
0x586: {  	v3 =	vmul.f32 v3, v57;
	v16 =	vmul.f32 v45, v45;
	v13 =	vld [tilespmem:s23+$0xD2F0]  }
0x587: {  	v2 =	vadd.f32 v2, v6;
	v6 =	vmul.f32 v9, v46;
	v49 =	vadd.f32 v1, v0;
	v1 =	vld [tilespmem:$0x1FFF0]  }
0x588: {  	v5 =	vadd.f32 v12, v5;
	v7 =	vadd.f32 v16, v7;
	v0 =	vld [tilespmem:s23+$0xF2F0];
	v14 =	vperm.xlane v4, v14  }
0x589: {  	v16 =	vmul.f32 v47, v47;
	v8 =	vmul.f32 v8, v46;
	v2 =	vadd.f32 v6, v2;
	v6 =	vld [tilespmem:s23+$0xD680]  }
0x58a: {  	v11 =	vmul.f32 v11, v42;
	v15 =	vmul.f32 v15, v39;
	v4 =	vadd.f32 v4, v14;
	v14 =	vld [tilespmem:s23+$0xB680]  }
0x58b: {  	v9 =	vld [tilespmem:s23+$0x9680];
	v10 =	vmul.f32 v10, v57;
	v50 =	vadd.f32 v3, v2;
	v2 =	vadd.f32 v8, v5  }
0x58c: {  	v12 =	vld [tilespmem:s23+$0x9690];
	v5 =	vadd.f32 v15, v11;
	v13 =	vmul.f32 v13, v46;
	v1 =	vperm.xlane v4, v1  }
0x58d: {  	v3 =	vld [tilespmem:s23+$0xF680];
	v61 =	vmul.f32 v50, v50;
	v51 =	vadd.f32 v10, v2;
	v0 =	vmul.f32 v0, v57  }
0x58e: {  	v8 =	vld [tilespmem:s23+$0xD690];
	v1 =	vadd.f32 v4, v1;
	v4 =	vadd.f32 v16, v7;
	v7 =	vmul.f32 v49, v49  }
0x58f: {  	v5 =	vadd.f32 v13, v5;
	v6 =	vmul.f32 v6, v46;
	v16 =	vld [tilespmem:s23+$0xB690];
	v2 =	vmul.f32 v14, v39  }
0x590: {  	v15 =	vld [tilespmem:s23+$0x96A0];
	v1 =	vmax.f32 v1, $1.000000020e-24;
	v4 =	vadd.f32 v7, v4;
	v7 =	vmul.f32 v9, v42  }
0x591: {  	v10 =	vld [tilespmem:s23+$0xF690];
	v63 =	vmul.f32 v51, v51;
	v11 =	vshra.s32 v1, $0x1;
	v1 =	vmul.f32 $5.000000000e-01, v1  }
0x592: {  	v52 =	vadd.f32 v0, v5;
	v9 =	vld [tilespmem:s23+$0xB6A0];
	v11 =	vsub.s32 $0x5F3759DF, v11;
	v2 =	vadd.f32 v2, v7  }
0x593: {  	v13 =	vld [tilespmem:s23+$0xD6A0];
	v3 =	vmul.f32 v3, v57;
	v4 =	vadd.f32 v61, v4;
	v60 =	vmul.f32 v11, v1  }
0x594: {  	v7 =	vmul.f32 v12, v42;
	v12 =	vld [tilespmem:s23+$0x96B0];
	v16 =	vmul.f32 v16, v39;
	v0 =	vadd.f32 v6, v2  }
0x595: {  	v2 =	vld [tilespmem:s23+$0xF6A0];
	v4 =	vadd.f32 v63, v4;
	v14 =	vmul.f32 v11, v60  }
0x596: {  	v8 =	vmul.f32 v8, v46;
	v6 =	vld [tilespmem:s23+$0xD6B0];
	v5 =	vadd.f32 v16, v7;
	v54 =	vadd.f32 v3, v0  }
0x597: {  	v0 =	vmul.f32 v9, v39;
	v3 =	vld [tilespmem:s23+$0xB6C0];
	v9 =	vmul.f32 v52, v52;
	v14 =	vsub.f32 $1.500000000e+00, v14  }
0x598: {  	v5 =	vadd.f32 v8, v5;
	v8 =	vmul.f32 v10, v57;
	v10 =	vld [tilespmem:s23+$0xF6B0]  }
0x599: {  	v4 =	vadd.f32 v9, v4;
	v9 =	vmul.f32 v12, v42;
	v7 =	vmul.f32 v11, v14;
	v14 =	vld [tilespmem:s23+$0x96C0]  }
0x59a: {  	v12 =	vmul.f32 v62, v39;
	v11 =	vmul.f32 v15, v42;
	v15 =	vld [tilespmem:s23+$0x96D0]  }
0x59b: {  	v58 =	vadd.f32 v8, v5;
	v5 =	vld [tilespmem:s23+$0xB6D0];
	v1 =	vmul.f32 v7, v1  }
0x59c: {  	v8 =	vadd.f32 v12, v9;
	v9 =	vld [tilespmem:s23+$0xF6C0];
	v0 =	vadd.f32 v0, v11;
	v11 =	vmul.f32 v13, v46  }
0x59d: {  	v17 =	vmul.f32 v54, v54;
	v12 =	vld [tilespmem:s23+$0xF6D0];
	v1 =	vmul.f32 v1, v7  }
0x59e: {  	v2 =	vmul.f32 v2, v57;
	v6 =	vmul.f32 v6, v46;
	v13 =	vld [tilespmem:s23+$0xD6C0];
	v0 =	vadd.f32 v11, v0  }
0x59f: {  	v4 =	vadd.f32 v17, v4;
	v10 =	vmul.f32 v10, v57;
	v11 =	vld [tilespmem:s23+$0xD6D0];
	v1 =	vsub.f32 $1.500000000e+00, v1  }
0x5a0: {  	v59 =	vadd.f32 v2, v0;
	v0 =	vmul.f32 v14, v42;
	v2 =	vmul.f32 v58, v58;
	v14 =	vld [tilespmem:s23+$0xD6E0]  }
0x5a1: {  	v62 =	vmul.f32 v1, v7;
	v1 =	vmul.f32 v3, v39;
	v7 =	vld [tilespmem:s23+$0x96E0]  }
0x5a2: {  	v5 =	vmul.f32 v5, v39;
	v3 =	vadd.f32 v6, v8;
	v6 =	vld [tilespmem:s23+$0xB6E0];
	v17 =	vadd.f32 v2, v4  }
0x5a3: {  	s26 =	sadd.s32 $0x2, s26;
	v4 =	vmul.f32 v15, v42;
	v2 =	vld [tilespmem:s23+$0x96F0];
	v8 =	vmul.f32 v62, v53;
	v0 =	vadd.f32 v1, v0  }
0x5a4: {  	p0 =	slt.u32 s26, $0x1E;
	v1 =	vmul.f32 v13, v46;
	v60 =	vadd.f32 v10, v3;
	v10 =	vmul.f32 v11, v46;
	v11 =	vld [tilespmem:$0x1FFF0]  }
.Ltmp6:
0x5a5: {  	v48 =	vmul.f32 v44, v40;
	v9 =	vmul.f32 v9, v57;
	v5 =	vadd.f32 v5, v4;
	v4 =	vld [tilespmem:s23+$0xB6F0];
	(pc) =	sbr.rel @p0 .LBB2_7-.Ltmp6, $4  }
0x5a6: {  	v63 =	vmul.f32 v12, v57;
	[tilespmem:s23+$0x13770] =	vst v8;
	v8 =	vmul.f32 v59, v59;
	v0 =	vadd.f32 v1, v0;
	v1 =	vld [tilespmem:s23+$0xF6E0]  }
0x5a7: {  	v56 =	vadd.f32 v10, v5;
	v10 =	vld [tilespmem:$0x1FFE0];
	v7 =	vmul.f32 v7, v42;
	v6 =	vmul.f32 v6, v39  }
0x5a8: {  	v16 =	vmovc v22;
	v15 =	vmovc v21;
	v13 =	vmov v18;
	v55 =	vmul.f32 v60, v60;
	v5 =	vld [tilespmem:s23+$0xF6F0];
	v3 =	vadd.f32 v8, v17  }
0x5a9: {  	s28 =	sadd.s32 $0x2, s28;
	v61 =	vadd.f32 v9, v0;
	v0 =	vld [tilespmem:s23+$0xD6F0];
	v6 =	vadd.f32 v6, v7;
	v7 =	vmul.f32 v14, v46;
	v14 =	vmovc v20  }
0x5aa: {  	_ =	sdelay $0x1  }
0x5ab: {  	v3 =	vadd.f32 v55, v3;
	v2 =	vmul.f32 v2, v42;
	v4 =	vmul.f32 v4, v39  }
0x5ac: {  	v8 =	vadd.f32 v63, v56;
	v6 =	vadd.f32 v7, v6;
	v21 =	vmul.f32 v61, v61  }
0x5ad: {  	v1 =	vmul.f32 v1, v57;
	v2 =	vadd.f32 v4, v2;
	v0 =	vmul.f32 v0, v46  }
0x5ae: {  	v39 =	vmul.f32 v8, v8;
	v3 =	vadd.f32 v21, v3  }
0x5af: {  	v1 =	vadd.f32 v1, v6;
	v22 =	vmul.f32 v5, v57;
	v0 =	vadd.f32 v0, v2  }
0x5b0: {  	v56 =	vmul.f32 v62, v25;
	v63 =	vmul.f32 v62, v24  }
0x5b1: {  	v53 =	vld [tilespmem:$0x1FFC0];
	v42 =	vmul.f32 v1, v1;
	v2 =	vadd.f32 v39, v3;
	v0 =	vadd.f32 v22, v0  }
0x5b2: {  	v9 =	vmul.f32 v62, v26;
	v57 =	vld [tilespmem:$0x1FFD0];
	[tilespmem:s23+$0x13300] =	vst v56  }
0x5b3: {  	v12 =	vmul.f32 v62, v27;
	[tilespmem:s23+$0x13310] =	vst v63;
	v2 =	vadd.f32 v42, v2;
	v46 =	vmul.f32 v0, v0  }
0x5b4: {  	v17 =	vmul.f32 v62, v28;
	[tilespmem:s23+$0x13320] =	vst v9  }
0x5b5: {  	v20 =	vmul.f32 v62, v29;
	[tilespmem:s23+$0x13330] =	vst v12;
	v2 =	vadd.f32 v46, v2  }
0x5b6: {  	v55 =	vmul.f32 v44, v48;
	v24 =	vmul.f32 v62, v32;
	[tilespmem:s23+$0x13340] =	vst v17  }
0x5b7: {  	v26 =	vmul.f32 v62, v33;
	[tilespmem:s23+$0x13350] =	vst v20;
	v3 =	vperm.xlane v2, v53  }
0x5b8: {  	v28 =	vmul.f32 v62, v34;
	[tilespmem:s23+$0x13700] =	vst v24  }
0x5b9: {  	v29 =	vmul.f32 v62, v35;
	[tilespmem:s23+$0x13710] =	vst v26;
	v2 =	vadd.f32 v2, v3;
	v3 =	vsub.f32 $1.500000000e+00, v55  }
0x5ba: {  	v21 =	vmul.f32 v62, v30;
	[tilespmem:s23+$0x13720] =	vst v28  }
0x5bb: {  	v30 =	vmul.f32 v62, v36;
	[tilespmem:s23+$0x13730] =	vst v29;
	v3 =	vmul.f32 v44, v3  }
0x5bc: {  	[tilespmem:s23+$0x13360] =	vst v21;
	v22 =	vmul.f32 v62, v31;
	v31 =	vmul.f32 v62, v37  }
0x5bd: {  	[tilespmem:s23+$0x13740] =	vst v30;
	v5 =	vperm.xlane v2, v57;
	v19 =	vmul.f32 v3, v40  }
0x5be: {  	v33 =	vmul.f32 v62, v38;
	[tilespmem:s23+$0x13370] =	vst v22  }
0x5bf: {  	v35 =	vld [tilespmem:$0x1FBE0];
	[tilespmem:s23+$0x13750] =	vst v31;
	v2 =	vadd.f32 v2, v5;
	v5 =	vmul.f32 v19, v3  }
0x5c0: {  	[tilespmem:s23+$0x13760] =	vst v33  }
0x5c1: {  	v7 =	vld [tilespmem:$0x1FBF0];
	v27 =	vsub.f32 $1.500000000e+00, v5;
	_ =	sdelay $0x1  }
0x5c2: {  	v3 =	vmul.f32 v27, v3;
	_ =	sdelay $0x1  }
0x5c3: {  	v6 =	vmul.f32 v3, v35  }
0x5c4: {  	v7 =	vmul.f32 v3, v7  }
0x5c5: {  	[tilespmem:s21+$0x13280] =	vst v6  }
0x5c6: {  	v6 =	vld [tilespmem:$0x1FC00];
	[tilespmem:s21+$0x13290] =	vst v7  }
0x5c7: {  	v18 =	vperm.xlane v2, v10;
	v7 =	vld [tilespmem:$0x1FC10];
	_ =	sdelay $0x1  }
0x5c8: {  	v2 =	vadd.f32 v2, v18;
	_ =	sdelay $0x1  }
0x5c9: {  	v25 =	vperm.xlane v2, v11;
	v6 =	vmul.f32 v3, v6  }
0x5ca: {  	v7 =	vmul.f32 v3, v7  }
0x5cb: {  	v2 =	vadd.f32 v2, v25;
	[tilespmem:s21+$0x132A0] =	vst v6  }
0x5cc: {  	[tilespmem:s21+$0x132B0] =	vst v7  }
0x5cd: {  	v2 =	vmax.f32 v2, $1.000000020e-24;
	v7 =	vld [tilespmem:$0x1FC20]  }
0x5ce: {  	v32 =	vshra.s32 v2, $0x1;
	v2 =	vmul.f32 $5.000000000e-01, v2  }
0x5cf: {  	v37 =	vmul.f32 v3, v13;
	v34 =	vsub.s32 $0x5F3759DF, v32  }
0x5d0: {  	v38 =	vmul.f32 v3, v14;
	v36 =	vmul.f32 v34, v2  }
0x5d1: {  	v39 =	vmul.f32 v3, v15;
	[tilespmem:s21+$0x132C0] =	vst v37  }
0x5d2: {  	v5 =	vmul.f32 v34, v36;
	[tilespmem:s21+$0x132E0] =	vst v38;
	v7 =	vmul.f32 v3, v7  }
0x5d3: {  	v40 =	vmul.f32 v3, v16;
	[tilespmem:s21+$0x132F0] =	vst v39  }
0x5d4: {  	v5 =	vsub.f32 $1.500000000e+00, v5;
	[tilespmem:s21+$0x132D0] =	vst v7  }
0x5d5: {  	v6 =	vld [tilespmem:$0x1FC30];
	[tilespmem:s21+$0x13680] =	vst v40  }
0x5d6: {  	v4 =	vmul.f32 v34, v5;
	v5 =	vld [tilespmem:$0x1FC40];
	_ =	sdelay $0x3  }
0x5d7: {  	v6 =	vmul.f32 v3, v6  }
0x5d8: {  	v5 =	vmul.f32 v3, v5  }
0x5d9: {  	v2 =	vmul.f32 v4, v2;
	[tilespmem:s21+$0x13690] =	vst v6  }
0x5da: {  	v6 =	vld [tilespmem:$0x1FC50];
	[tilespmem:s21+$0x136A0] =	vst v5  }
0x5db: {  	v2 =	vmul.f32 v2, v4;
	v5 =	vld [tilespmem:$0x1FC60];
	_ =	sdelay $0x1  }
0x5dc: {  	v2 =	vsub.f32 $1.500000000e+00, v2;
	_ =	sdelay $0x1  }
0x5dd: {  	v2 =	vmul.f32 v2, v4;
	v6 =	vmul.f32 v3, v6  }
0x5de: {  	v5 =	vmul.f32 v3, v5  }
0x5df: {  	v43 =	vmul.f32 v2, v43;
	[tilespmem:s21+$0x136B0] =	vst v6  }
0x5e0: {  	v44 =	vmul.f32 v2, v41;
	v6 =	vld [tilespmem:$0x1FC70];
	[tilespmem:s21+$0x136C0] =	vst v5  }
0x5e1: {  	v46 =	vmul.f32 v2, v45;
	v42 =	vld [tilespmem:$0x1FC80];
	[tilespmem:s23+$0x13280] =	vst v43  }
0x5e2: {  	v48 =	vmul.f32 v2, v47;
	[tilespmem:s23+$0x13290] =	vst v44  }
0x5e3: {  	v49 =	vmul.f32 v2, v49;
	[tilespmem:s23+$0x132A0] =	vst v46  }
0x5e4: {  	v53 =	vmul.f32 v2, v50;
	[tilespmem:s23+$0x132B0] =	vst v48  }
0x5e5: {  	v55 =	vmul.f32 v2, v51;
	[tilespmem:s23+$0x132C0] =	vst v49  }
0x5e6: {  	v56 =	vmul.f32 v2, v52;
	[tilespmem:s23+$0x132D0] =	vst v53  }
0x5e7: {  	v57 =	vmul.f32 v2, v54;
	[tilespmem:s23+$0x132E0] =	vst v55  }
0x5e8: {  	v58 =	vmul.f32 v2, v58;
	[tilespmem:s23+$0x132F0] =	vst v56  }
0x5e9: {  	v59 =	vmul.f32 v2, v59;
	[tilespmem:s23+$0x13680] =	vst v57  }
0x5ea: {  	v60 =	vmul.f32 v2, v60;
	[tilespmem:s23+$0x13690] =	vst v58  }
0x5eb: {  	v62 =	vmul.f32 v2, v61;
	[tilespmem:s23+$0x136A0] =	vst v59  }
0x5ec: {  	v63 =	vmul.f32 v2, v8;
	[tilespmem:s23+$0x136B0] =	vst v60  }
0x5ed: {  	v1 =	vmul.f32 v2, v1;
	[tilespmem:s23+$0x136C0] =	vst v62  }
0x5ee: {  	v0 =	vmul.f32 v2, v0;
	[tilespmem:s23+$0x136D0] =	vst v63  }
.Ltmp7:
0x5ef: {  	[tilespmem:s23+$0x136E0] =	vst v1;
	v6 =	vmul.f32 v3, v6;
	(pc) =	sbr.rel @p1 .LBB2_10-.Ltmp7, $4  }
0x5f0: {  	[tilespmem:s23+$0x136F0] =	vst v0;
	v4 =	vmul.f32 v3, v42  }
0x5f1: {  	v3 =	vmul.f32 v3, v23;
	[tilespmem:s21+$0x136D0] =	vst v6  }
0x5f2: {  	[tilespmem:s21+$0x136E0] =	vst v4  }
0x5f3: {  	[tilespmem:s21+$0x136F0] =	vst v3  }
0x5f4: {  	v0 =	vld [tilespmem:s19+$0x60]  }
0x5f5: {  	v1 =	vld [tilespmem:s19+$0x860];
	_ =	sdelay $0x4  }
0x5f6: {  	v0 =	vadd.f32 $1.000000000e+00, v0;
	v1 =	vadd.f32 $1.000000000e+00, v1;
	_ =	sdelay $0x1  }
0x5f7: {  	v0 =	vmul.f32 $6.350000000e+01, v0;
	v1 =	vmul.f32 $6.350000000e+01, v1;
	_ =	sdelay $0x1  }
0x5f8: {  	v2 =	vtrunc.f32 v0;
	v3 =	vtrunc.f32 v1  }
0x5f9: {  	v2 =	vcvt.f32.s32 v2;
	v3 =	vcvt.f32.s32 v3;
	_ =	sdelay $0x1  }
0x5fa: {  	v7 =	vld [tilespmem:$0x1FF80];
	vm1 =	vgt.s32 v2, $0x0;
	vm2 =	vgt.s32 v3, $0x0  }
0x5fb: {  	v2 =	vnsel vm1, $0x0, v2;
	v3 =	vnsel vm2, $0x0, v3  }
0x5fc: {  	v2 =	vmin.u32 v2, $0x7E;
	v3 =	vmin.u32 v3, $0x7E  }
0x5fd: {  	v4 =	vcvt.s32.f32 v2;
	v5 =	vcvt.s32.f32 v3  }
0x5fe: {  	v3 =	vshll.u32 v3, $0x7  }
0x5ff: {  	v3 =	vor.u32 v7, v3;
	v0 =	vsub.f32 v0, v4;
	v1 =	vsub.f32 v1, v5  }
0x600: {  	v2 =	vor.u32 v2, v3  }
0x601: {  	[tilespmem:$0x1080] =	vst v2;
	v34 =	vadd.s32 $0x1, v2;
	v32 =	vsub.f32 $1.000000000e+00, v0;
	v33 =	vsub.f32 $1.000000000e+00, v1  }
0x602: {  	v35 =	vadd.s32 $0x80, v2;
	[tilespmem:$0x10A0] =	vst v34  }
0x603: {  	v2 =	vadd.s32 $0x81, v2;
	[tilespmem:$0x10C0] =	vst v35;
	v36 =	vmul.f32 v33, v32  }
0x604: {  	[tilespmem:$0x10E0] =	vst v2;
	v37 =	vmul.f32 v33, v0  }
0x605: {  	v3 =	vmul.f32 v32, v1;
	[tilespmem:$0x1180] =	vst v36  }
0x606: {  	v0 =	vmul.f32 v1, v0;
	[tilespmem:$0x11A0] =	vst v37  }
0x607: {  	[tilespmem:$0x11C0] =	vst v3  }
0x608: {  	[tilespmem:$0x11E0] =	vst v0  }
0x609: {  	v0 =	vld [tilespmem:s19+$0x70]  }
0x60a: {  	v38 =	vld [tilespmem:s19+$0x870];
	_ =	sdelay $0x3  }
0x60b: {  	v0 =	vadd.f32 $1.000000000e+00, v0  }
0x60c: {  	v1 =	vadd.f32 $1.000000000e+00, v38  }
0x60d: {  	v0 =	vmul.f32 $6.350000000e+01, v0  }
0x60e: {  	v1 =	vmul.f32 $6.350000000e+01, v1  }
0x60f: {  	v39 =	vtrunc.f32 v0  }
0x610: {  	v40 =	vtrunc.f32 v1;
	v2 =	vcvt.f32.s32 v39  }
0x611: {  	v41 =	vld [tilespmem:$0x1080];
	v3 =	vcvt.f32.s32 v40  }
0x612: {  	vm1 =	vgt.s32 v2, $0x0  }
0x613: {  	v2 =	vnsel vm1, $0x0, v2;
	vm1 =	vgt.s32 v3, $0x0  }
0x614: {  	v2 =	vmin.u32 v2, $0x7E;
	v3 =	vnsel vm1, $0x0, v3  }
0x615: {  	v8 =	vld [tilespmem:$0x1FF90];
	v3 =	vmin.u32 v3, $0x7E;
	v42 =	vcvt.s32.f32 v2  }
0x616: {  	v9 =	vld [tilespmem:$0x1FFA0];
	v43 =	vshll.u32 v41, $0x1;
	v6 =	vcvt.s32.f32 v3;
	v3 =	vshll.u32 v3, $0x7  }
0x617: {  	v53 =	vld [tilespmem:$0x1FFB0];
	v44 =	vand.u32 $0x7, v41;
	v0 =	vsub.f32 v0, v42;
	v3 =	vor.u32 v7, v3  }
0x618: {  	v45 =	vand.u32 $0xFFFFFFF0, v43;
	v1 =	vsub.f32 v1, v6;
	v2 =	vor.u32 v2, v3  }
0x619: {  	v3 =	vor.u32 v44, v45;
	v5 =	vsub.f32 $1.000000000e+00, v0;
	[tilespmem:$0x1090] =	vst v2;
	v47 =	vadd.s32 $0x1, v2  }
0x61a: {  	v48 =	vadd.s32 $0x80, v2;
	v49 =	vperm.xlane v3, v8;
	v46 =	vsub.f32 $1.000000000e+00, v1;
	[tilespmem:$0x10B0] =	vst v47  }
0x61b: {  	v2 =	vadd.s32 $0x81, v2;
	[tilespmem:$0x10D0] =	vst v48;
	v54 =	vmul.f32 v5, v1  }
0x61c: {  	v3 =	vperm.xlane v3, v53;
	[tilespmem:$0x10F0] =	vst v2;
	v52 =	vadd.s32 v9, v49;
	v50 =	vmul.f32 v46, v5  }
0x61d: {  	v51 =	vmul.f32 v46, v0;
	[tilespmem:$0x11D0] =	vst v54  }
0x61e: {  	v55 =	vadd.s32 v9, v3;
	v0 =	vmul.f32 v1, v0;
	[tilespmem:$0x1190] =	vst v50  }
0x61f: {  	[tilespmem:$0x11B0] =	vst v51  }
0x620: {  	s0 =	simm.s32 $0x9280;
	[tilespmem:$0x11F0] =	vst v0  }
0x621: {  	[tilespmem:s0], [sflag:$0x2] =	stream.indirect_vreg.gather [hbm4b:s3+s2], $0x80, v52, vm0, $0xb8;
	[tilespmem:$0x15280] =	vst v63  }
0x622: {  	s24 =	simm.s32 $0x9A80  }
0x623: {  	[tilespmem:s24], [sflag:$0x2] =	stream.indirect_vreg.gather [hbm4b:s3+s2], $0x80, v55, vm0, $0xb8;
	[tilespmem:$0x15280] =	vst v63  }
0x624: {  	v56 =	vld [tilespmem:$0x1090];
	_ =	sdelay $0x4  }
0x625: {  	v57 =	vshll.u32 v56, $0x1  }
0x626: {  	v0 =	vand.u32 $0x7, v56;
	v1 =	vand.u32 $0xFFFFFFF0, v57  }
0x627: {  	v0 =	vor.u32 v0, v1  }
0x628: {  	v1 =	vperm.xlane v0, v8;
	_ =	sdelay $0x1  }
0x629: {  	v0 =	vperm.xlane v0, v53;
	v1 =	vadd.s32 v9, v1;
	_ =	sdelay $0x1  }
0x62a: {  	v0 =	vadd.s32 v9, v0;
	_ =	sdelay $0x1  }
0x62b: {  	s25 =	simm.s32 $0xA280  }
0x62c: {  	[tilespmem:s25], [sflag:$0x2] =	stream.indirect_vreg.gather [hbm4b:s3+s2], $0x80, v1, vm0, $0xb8;
	[tilespmem:$0x15280] =	vst v63  }
0x62d: {  	s26 =	simm.s32 $0xAA80  }
0x62e: {  	[tilespmem:s26], [sflag:$0x2] =	stream.indirect_vreg.gather [hbm4b:s3+s2], $0x80, v0, vm0, $0xb8;
	[tilespmem:$0x15280] =	vst v63  }
0x62f: {  	v0 =	vld [tilespmem:$0x10A0];
	_ =	sdelay $0x4  }
0x630: {  	v58 =	vshll.u32 v0, $0x1  }
0x631: {  	v0 =	vand.u32 $0x7, v0;
	v1 =	vand.u32 $0xFFFFFFF0, v58  }
0x632: {  	v0 =	vor.u32 v0, v1  }
0x633: {  	v1 =	vperm.xlane v0, v8;
	_ =	sdelay $0x1  }
0x634: {  	v0 =	vperm.xlane v0, v53;
	v1 =	vadd.s32 v9, v1;
	_ =	sdelay $0x1  }
0x635: {  	v0 =	vadd.s32 v9, v0;
	_ =	sdelay $0x1  }
0x636: {  	s28 =	simm.s32 $0xB280  }
0x637: {  	[tilespmem:s28], [sflag:$0x2] =	stream.indirect_vreg.gather [hbm4b:s3+s2], $0x80, v1, vm0, $0xb8;
	[tilespmem:$0x15280] =	vst v63  }
0x638: {  	s29 =	simm.s32 $0xBA80  }
0x639: {  	[tilespmem:s29], [sflag:$0x2] =	stream.indirect_vreg.gather [hbm4b:s3+s2], $0x80, v0, vm0, $0xb8;
	[tilespmem:$0x15280] =	vst v63  }
0x63a: {  	v0 =	vld [tilespmem:$0x10B0];
	_ =	sdelay $0x4  }
0x63b: {  	v59 =	vshll.u32 v0, $0x1  }
0x63c: {  	v0 =	vand.u32 $0x7, v0;
	v1 =	vand.u32 $0xFFFFFFF0, v59  }
0x63d: {  	v0 =	vor.u32 v0, v1  }
0x63e: {  	v1 =	vperm.xlane v0, v8;
	_ =	sdelay $0x1  }
0x63f: {  	v0 =	vperm.xlane v0, v53;
	v1 =	vadd.s32 v9, v1;
	_ =	sdelay $0x1  }
0x640: {  	v0 =	vadd.s32 v9, v0;
	_ =	sdelay $0x1  }
0x641: {  	s30 =	simm.s32 $0xC280  }
0x642: {  	[tilespmem:s30], [sflag:$0x2] =	stream.indirect_vreg.gather [hbm4b:s3+s2], $0x80, v1, vm0, $0xb8;
	[tilespmem:$0x15280] =	vst v63  }
0x643: {  	s31 =	simm.s32 $0xCA80  }
0x644: {  	[tilespmem:s31], [sflag:$0x2] =	stream.indirect_vreg.gather [hbm4b:s3+s2], $0x80, v0, vm0, $0xb8;
	[tilespmem:$0x15280] =	vst v63  }
0x645: {  	v0 =	vld [tilespmem:$0x10C0];
	_ =	sdelay $0x4  }
0x646: {  	v60 =	vshll.u32 v0, $0x1  }
0x647: {  	v0 =	vand.u32 $0x7, v0;
	v1 =	vand.u32 $0xFFFFFFF0, v60  }
0x648: {  	v0 =	vor.u32 v0, v1  }
0x649: {  	v1 =	vperm.xlane v0, v8;
	_ =	sdelay $0x1  }
0x64a: {  	v0 =	vperm.xlane v0, v53;
	v1 =	vadd.s32 v9, v1;
	_ =	sdelay $0x1  }
0x64b: {  	v0 =	vadd.s32 v9, v0;
	_ =	sdelay $0x2  }
0x64c: {  	[tilespmem:s6], [sflag:$0x2] =	stream.indirect_vreg.gather [hbm4b:s3+s2], $0x80, v1, vm0, $0xb8;
	[tilespmem:$0x15280] =	vst v63  }
0x64d: {  	_ = 	snop  }
0x64e: {  	[tilespmem:s16], [sflag:$0x2] =	stream.indirect_vreg.gather [hbm4b:s3+s2], $0x80, v0, vm0, $0xb8;
	[tilespmem:$0x15280] =	vst v63  }
0x64f: {  	v0 =	vld [tilespmem:$0x10D0];
	_ =	sdelay $0x4  }
0x650: {  	v61 =	vshll.u32 v0, $0x1  }
0x651: {  	v0 =	vand.u32 $0x7, v0;
	v1 =	vand.u32 $0xFFFFFFF0, v61  }
0x652: {  	v0 =	vor.u32 v0, v1  }
0x653: {  	v1 =	vperm.xlane v0, v8;
	_ =	sdelay $0x1  }
0x654: {  	v0 =	vperm.xlane v0, v53;
	v1 =	vadd.s32 v9, v1;
	_ =	sdelay $0x1  }
0x655: {  	v0 =	vadd.s32 v9, v0;
	_ =	sdelay $0x2  }
0x656: {  	[tilespmem:s22], [sflag:$0x2] =	stream.indirect_vreg.gather [hbm4b:s3+s2], $0x80, v1, vm0, $0xb8;
	[tilespmem:$0x15280] =	vst v63  }
0x657: {  	_ = 	snop  }
0x658: {  	[tilespmem:s9], [sflag:$0x2] =	stream.indirect_vreg.gather [hbm4b:s3+s2], $0x80, v0, vm0, $0xb8;
	[tilespmem:$0x15280] =	vst v63  }
0x659: {  	v0 =	vld [tilespmem:$0x10E0];
	_ =	sdelay $0x4  }
0x65a: {  	v62 =	vshll.u32 v0, $0x1  }
0x65b: {  	v0 =	vand.u32 $0x7, v0;
	v1 =	vand.u32 $0xFFFFFFF0, v62  }
0x65c: {  	v0 =	vor.u32 v0, v1  }
0x65d: {  	v1 =	vperm.xlane v0, v8;
	_ =	sdelay $0x1  }
0x65e: {  	v0 =	vperm.xlane v0, v53;
	v1 =	vadd.s32 v9, v1;
	_ =	sdelay $0x1  }
0x65f: {  	v0 =	vadd.s32 v9, v0;
	_ =	sdelay $0x2  }
0x660: {  	[tilespmem:s10], [sflag:$0x2] =	stream.indirect_vreg.gather [hbm4b:s3+s2], $0x80, v1, vm0, $0xb8;
	[tilespmem:$0x15280] =	vst v63  }
0x661: {  	_ = 	snop  }
0x662: {  	[tilespmem:s11], [sflag:$0x2] =	stream.indirect_vreg.gather [hbm4b:s3+s2], $0x80, v0, vm0, $0xb8;
	[tilespmem:$0x15280] =	vst v63  }
0x663: {  	v0 =	vld [tilespmem:$0x10F0];
	_ =	sdelay $0x4  }
0x664: {  	v63 =	vshll.u32 v0, $0x1  }
0x665: {  	v0 =	vand.u32 $0x7, v0;
	v1 =	vand.u32 $0xFFFFFFF0, v63  }
0x666: {  	v0 =	vor.u32 v0, v1  }
0x667: {  	v1 =	vperm.xlane v0, v8;
	_ =	sdelay $0x1  }
0x668: {  	v0 =	vperm.xlane v0, v53;
	v1 =	vadd.s32 v9, v1;
	_ =	sdelay $0x1  }
0x669: {  	v0 =	vadd.s32 v9, v0  }
.Ltmp8:
0x66a: {  	_ = 	snop;
	(pc) =	sbr.rel .LBB2_10-.Ltmp8, $4  }
0x66b: {  	_ = 	snop  }
0x66c: {  	[tilespmem:s12], [sflag:$0x2] =	stream.indirect_vreg.gather [hbm4b:s3+s2], $0x80, v1, vm0, $0xb8;
	[tilespmem:$0x15280] =	vst v63  }
0x66d: {  	_ = 	snop  }
0x66e: {  	[tilespmem:s13], [sflag:$0x2] =	stream.indirect_vreg.gather [hbm4b:s3+s2], $0x80, v0, vm0, $0xb8;
	[tilespmem:$0x15280] =	vst v63  }
.LBB2_12:
0x66f: {  	_ =	sfence.sel $0x180000  }
0x670: {  	[bflag:$0x0] =	sbarrier.arrive $0xFFFF  }
0x671: {  	_ =	strace $0x9000004A  }
0x672: {  	s0 =	stileid.u32;
	[bflag:$0x2] =	sbarrier.arrive $0xFFFF  }
0x673: {  	p0 =	sne.s32 s0, $0x0;
	s0 =	rddreg [dreg:$0x2]  }
0x674: {  	s0 =	sadd.s32 @!p0 $0x100000, s0  }
0x675: {  	[sflag:s0] =	ssyncadd.tile.s32 @!p0 $0x1;
	_ =	shalt  }
.Lfunc_end2:
_tile_overlayer_lowered:
.L_overlay_start_2:
0x676: {  	(tag) =	ssettag $0x2  }
0x677: {  	s0 =	rddreg [dreg:$0x0];
	s2 =	stileid.u32  }
0x678: {  	s1 =	rddreg [dreg:$0x1];
	p0 =	sne.s32 s2, $0x0  }
0x679: {  	s3 =	rddreg [dreg:$0x2];
	[bflag:$0x3] =	sbarrier.arrive $0xFFFF;
	s2 =	simm.s32 @!p0 $0x1C05  }
0x67a: {  	[timem:s3], [sflag:s2] =	dma.local @!p0 [hbm:s0], s1  }
0x67b: {  	s0 =	simm.s32 @!p0 $0x5  }
0x67c: {  	_ =	swait.ge @!p0 [sflag:s0], s1  }
0x67d: {  	s1 =	ssub.s32 @!p0 $0x0, s1;
	[sflag:s0] =	ssyncset.done @!p0 $0x0  }
0x67e: {  	[sflag:s0] =	ssyncadd.s32 @!p0 s1  }
0x67f: {  	[bflag:$0x3] =	sbarrier.arrive $0xFFFF  }
0x680: {  	_ =	shalt  }

// kernel: sparse-core-data-format-call.1.cloned.1.call-start
scs
called_computation.1_lowered:
.L_overlay_start_0:
0x0: {  	s2 =	sld [smem:$0x3FD9]  }
0x1: {  	s3 =	sld [smem:$0x3FFE];
	_ =	sdelay $0x1  }
0x2: {  	s1 =	srdreg.scid  }
0x3: {  	s0 =	sand.u32 $0x1, s1  }
0x4: {  	s18 =	sshll.u32 s0, $0xA;
	s2 =	sadd.s32 s3, s2  }
0x5: {  	s2 =	sadd.s32 s2, s18  }
0x6: {  	[smem:$0x3FC6] =	sst s2  }
0x7: {  	_ = 	snop  }
0x8: {  	s2 =	sld [smem:$0x3FC9];
	(tm) =	ssettm $0x1  }
0x9: {  	s19 =	sld [smem:$0x3FFB];
	_ =	sdelay $0x3  }
0xa: {  	_ =	strace s19  }
0xb: {  	s3 =	sld [smem:$0x3FFC];
	_ =	sdelay $0x3  }
0xc: {  	_ =	strace s3  }
0xd: {  	s3 =	sld [smem:$0x3FFD];
	_ =	sdelay $0x3  }
0xe: {  	_ =	strace s3  }
0xf: {  	_ =	strace $0x8FFFFFFF  }
0x10: {  	s20 =	sld [smem:$0x3FDB];
	_ =	sdelay $0x1  }
0x11: {  	s4 =	simm.s32 $_scs_section_size  }
0x12: {  	s5 =	simm.s32 $_size__tile_overlayer_lowered;
	s6 =	simm.s32 $_tile_overlayer_lowered  }
0x13: {  	s23 =	simm.s32 $0x1BFF;
	s22 =	sshll.u32 s6, $0x1;
	s3 =	sadd.s32 s4, s20  }
0x14: {  	s7 =	simm.s32 $0x0;
	s21 =	sshll.u32 s5, $0x1;
	s5 =	sadd.s32 s22, s3  }
0x15: {  	[timem:s7], [sflag:s23] =	dma.local [hbm:s5], s21  }
0x16: {  	_ =	swait.ge [sflag:s23], s21  }
0x17: {  	s4 =	ssub.s32 $0x0, s21;
	[sflag:s23] =	ssyncset.done $0x0  }
0x18: {  	[sflag:s23] =	ssyncadd.s32 s4;
	_ =	sdelay $0x1  }
0x19: {  	s24 =	simm.s32 $0x1B8B  }
0x1a: {  	_ =	swait.ge [sflag:s24], $0x1  }
0x1b: {  	[sflag:s24] =	ssyncset.done $0x0  }
0x1c: {  	s26 =	simm.s32 $0x1B8E;
	s25 =	sld [smem:$0x3FFE];
	[sflag:s24] =	ssyncadd.s32 $0xFFFFFFFF  }
0x1d: {  	s27 =	simm.s32 $execute0_lowered;
	[smem:$0x3FD2] =	sst s26  }
0x1e: {  	s5 =	sshll.u32 s27, $0x1;
	_ =	strace $0x80000046;
	[dreg:$0x1] =	wrdreg $0xFFFFFFFF  }
0x1f: {  	s28 =	simm.s32 $_size_execute0_lowered;
	s3 =	sadd.s32 s3, s5;
	[dreg:$0x0] =	wrdreg $0x0  }
0x20: {  	s5 =	sshll.u32 s28, $0x1;
	[dreg:$0x2] =	wrdreg s3  }
0x21: {  	[dreg:$0x3] =	wrdreg s5  }
0x22: {  	[dreg:$0x4] =	wrdreg $0xC0  }
0x23: {  	_ =	task [dreg:s7], $0x5FFFF  }
0x24: {  	[dreg:$0x1] =	wrdreg $0xFFFFFFFF  }
0x25: {  	[dreg:$0x0] =	wrdreg $0x60  }
0x26: {  	[dreg:$0x2] =	wrdreg s2  }
0x27: {  	[dreg:$0x3] =	wrdreg s25  }
0x28: {  	[dreg:$0x4] =	wrdreg $0x9  }
0x29: {  	_ =	task.clear_ibuf [dreg:s7], $0x5FFFF;
	_ =	strace $0x90000046  }
0x2a: {  	s29 =	simm.s32 $0x9;
	_ =	strace $0x80000048  }
0x2b: {  	_ =	swait.ge [sflag:s29], $0x1  }
0x2c: {  	[sflag:s29] =	ssyncadd.s32 $0xFFFFFFFF  }
0x2d: {  	_ =	strace $0x90000048  }
0x2e: {  	_ =	sfence  }
0x2f: {  	s30 =	sld [smem:$0x0];
	_ =	sdelay $0x2  }
0x30: {  	s31 =	sshll.u32 s1, $0xD;
	s1 =	sshrl.u32 s1, $0x2  }
0x31: {  	s3 =	sand.u32 $0x4000, s31;
	s1 =	sadd.s32 s1, s30  }
0x32: {  	s0 =	sor.u32 s3, s0;
	s1 =	sshll.u32 s1, $0x11  }
0x33: {  	s0 =	sor.u32 s1, s0  }
0x34: {  	s0 =	sadd.s32 $0x8F2B, s0  }
0x35: {  	[sflag:s0] =	ssyncadd.remote.s32 $0x1  }
0x36: {  	_ =	sfence.sel $0xFFFF  }
0x37: {  	[dreg:$0x0] =	wrdreg $0xFFFFFFFF;
	(pc) =	sbr.abs _section_cstart, $3  }
0x38: {  	[dreg:$0x1] =	wrdreg $0xFFFFFFFF  }
0x39: {  	_ =	task.clear_ibuf [dreg:s7], $0x2FFFF;
	_ =	strace $0x9FFFFFFF  }
0x3a: {  	(tm) =	ssettm $0x7FFFFFFF  }
0x3b: {  	_ =	shalt  }
tec
execute0_lowered:
.L_overlay_start_1:
0x0: {  	(tag) =	ssettag $0x1  }
0x1: {  	s1 =	rddreg [dreg:$0x0];
	s0 =	srdreg.scid  }
0x2: {  	s3 =	rddreg [dreg:$0x1];
	s4 =	simm.s32 $0x1;
	s7 =	simm.s32 $0x2  }
0x3: {  	s14 =	simm.s32 $0x0;
	p0 =	por $0x0, $0x0;
	s13 =	simm.s32 $0x0  }
0x4: {  	s15 =	simm.s32 $0x0;
	s9 =	simm.s32 $0x0;
	s2 =	sshll.u32 s0, $0x7  }
0x5: {  	s11 =	stileid.u32;
	s12 =	simm.s32 $0x0;
	s2 =	sand.u32 $0x80, s2  }
.Ltmp0:
0x6: {  	s0 =	rddreg [dreg:$0x2];
	s6 =	ssub.s32 $0x100, s2;
	(pc) =	sbr.rel .LBB1_1-.Ltmp0, $4  }
0x7: {  	_ =	strace $0x80000047;
	s5 =	sadd.s32 $0x1000, s3;
	s31 =	sshrl.u32 s6, $0x1  }
0x8: {  	[sflag:s4] =	ssyncpa.u1 $0x0;
	s6 =	sand.u32 $0x80, s6;
	s8 =	sand.u32 $0x80, s31  }
0x9: {  	s3 =	stileid.u32;
	[sflag:s7] =	ssyncpa.u1 $0x0;
	s6 =	sadd.s32 s6, s8  }
0xa: {  	s10 =	smov.u32 s2;
	s8 =	simm.s32 $0x800;
	s7 =	sor.u32 $0x1, s6  }
.LBB1_4:
0xb: {  	v5 =	vld [tilespmem:s19+$0xFFFFFFD0];
	[tilespmem:s18+$0x2040 ss:$0x81] =	vst.msk $0xffff, v1  }
0xc: {  	v58 =	vld [tilespmem:s19+$0xFFFFFFE0];
	[tilespmem:s18+$0x2850 ss:$0x81] =	vst.msk $0xffff, v2  }
0xd: {  	s20 =	sshra.s32 s20, $0x2;
	v59 =	vld [tilespmem:s19+$0xFFFFFFF0];
	[tilespmem:s18+$0x3060 ss:$0x81] =	vst.msk $0xffff, v3  }
0xe: {  	v60 =	vld [tilespmem:s19+$0x0];
	[tilespmem:s18+$0x0 ss:$0x81] =	vst.msk $0xffff, v0;
	s17 =	sadd.s32 s20, s17  }
0xf: {  	v61 =	vld [tilespmem:s19+$0x10];
	[tilespmem:s17+$0x3870 ss:$0x81] =	vst.msk $0xffff, v4  }
0x10: {  	v62 =	vld [tilespmem:s19+$0x20];
	[tilespmem:s17+$0x810 ss:$0x81] =	vst.msk $0xffff, v5  }
0x11: {  	v63 =	vld [tilespmem:s19+$0xFFFFFFC0];
	[tilespmem:s17+$0x1020 ss:$0x81] =	vst.msk $0xffff, v58  }
0x12: {  	s15 =	sshll.u32 s15, $0x13;
	[tilespmem:s17+$0x1830 ss:$0x81] =	vst.msk $0xffff, v59  }
0x13: {  	s28 =	sand.u32 $0xF80, s13;
	s14 =	sshll.u32 s14, $0xC;
	s15 =	sadd.s32 s5, s15;
	[tilespmem:s17+$0x2040 ss:$0x81] =	vst.msk $0xffff, v60  }
0x14: {  	s29 =	sshrl.u32 s13, $0x3;
	s30 =	sand.u32 $0x7, s13;
	s15 =	sadd.s32 s28, s15;
	[tilespmem:s17+$0x2850 ss:$0x81] =	vst.msk $0xffff, v61  }
0x15: {  	s31 =	sand.u32 $0xF, s29;
	s13 =	sshll.u32 s30, $0x12;
	s14 =	sadd.s32 s14, s15;
	[tilespmem:s17+$0x3060 ss:$0x81] =	vst.msk $0xffff, v62  }
0x16: {  	s13 =	sor.u32 $0x400, s13;
	s14 =	sadd.s32 s31, s14;
	[tilespmem:s17+$0x0 ss:$0x81] =	vst.msk $0xffff, v63  }
0x17: {  	[hbm4b:s14+s13] =	stream.strided.scatter [tilespmem:s16], [sflag:$0x2], $0x4000, s8, s13, $0x20;
	[tilespmem:$0x10100] =	vst v63  }
.LBB1_5:
0x18: {  	s16 =	sadd.s32 $0x1, s9  }
0x19: {  	s13 =	sadd.s32 $0x100, s10;
	s17 =	smov.u32 s10;
	p2 =	sgt.s32 s16, $0x7F  }
0x1a: {  	s17 =	smov.u32 @p2 s13  }
0x1b: {  	s19 =	smov.u32 s11;
	s13 =	sadd.s32 $0x10, s11;
	p3 =	sgt.s32 s17, $0xFF  }
0x1c: {  	s19 =	smov.u32 @p3 s13  }
0x1d: {  	s16 =	simm.s32 @p2 $0x0;
	p2 =	sgt.s32 s19, $0xF  }
0x1e: {  	p1 =	slt.u32 s12, $0x2;
	s19 =	smov.u32 @p2 s3;
	p2 =	sne.s32 s12, s7  }
.Ltmp1:
0x1f: {  	s18 =	simm.s32 @!p1 $0x2;
	(pc) =	sbr.rel @!p2 .LBB1_6-.Ltmp1, $4  }
0x20: {  	s14 =	smov.u32 s9;
	s15 =	smov.u32 s11;
	_ =	swait.ge @!p1 [sflag:s18], $0x4000  }
0x21: {  	p0 =	por !p0, !p0;
	[sflag:s18] =	ssyncset.done @!p1 $0x0;
	s9 =	smov.u32 s16  }
0x22: {  	s17 =	smov.u32 @p3 s2;
	s13 =	smov.u32 s10;
	[sflag:s18] =	ssyncadd.s32 @!p1 $0xFFFFC000  }
0x23: {  	s10 =	smov.u32 s17;
	s12 =	sadd.s32 $0x1, s12;
	s11 =	smov.u32 s19  }
.LBB1_1:
0x24: {  	p1 =	sge.u32 s12, s6;
	s31 =	sadd.s32 $0xFFFFFFFF, s12  }
0x25: {  	s16 =	sxor.u32 @!p1 $0xFFFFFFFF, s12;
	s17 =	sshll.u32 @!p1 s11, $0x13;
	s18 =	sshll.u32 @!p1 s10, $0xB  }
0x26: {  	s19 =	sshll.u32 @!p1 s9, $0x4;
	s16 =	sshll.u32 @!p1 s16, $0xE;
	s17 =	sadd.s32 @!p1 s1, s17  }
0x27: {  	s19 =	sand.u32 @!p1 $0x7F0, s19;
	s16 =	sand.u32 @!p1 $0x4000, s16;
	s17 =	sadd.s32 @!p1 s18, s17  }
0x28: {  	s18 =	simm.s32 @!p1 $0x80;
	s17 =	sadd.s32 @!p1 s19, s17;
	s19 =	simm.s32 @!p1 $0x4000  }
0x29: {  	[tilespmem:s16], [sflag:$0x1] =	stream.strided.gather @!p1 [hbm4b:s17+s18], $0x4000, s19, s18, $0x38;
	[tilespmem:$0x10100] =	vst v63  }
0x2a: {  	p1 =	sge.u32 s31, s6  }
.Ltmp2:
0x2b: {  	_ = 	snop;
	(pc) =	sbr.rel @p1 .LBB1_5-.Ltmp2, $1  }
0x2c: {  	_ =	sdelay $0x3  }
0x2d: {  	s16 =	simm.s32 $0x1  }
0x2e: {  	_ =	swait.ge [sflag:s4], $0x4000;
	s16 =	simm.s32 @!p0 $0x0  }
0x2f: {  	[sflag:s4] =	ssyncset.done $0x0;
	s17 =	sshll.u32 s16, $0xE  }
0x30: {  	[sflag:s4] =	ssyncadd.s32 $0xFFFFC000;
	s19 =	sor.u32 $0x40, s17  }
0x31: {  	s16 =	smul.u32 $0x10200, s16;
	v0 =	vld [tilespmem:s19+$0x30]  }
0x32: {  	v3 =	vld [tilespmem:s19+$0xFFFFFFD0]  }
0x33: {  	s16 =	sshrl.u32 s16, $0x2;
	v4 =	vld [tilespmem:s19+$0xFFFFFFE0]  }
0x34: {  	v5 =	vld [tilespmem:s19+$0xFFFFFFF0];
	s17 =	sor.u32 $0x8000, s16  }
0x35: {  	s31 =	sand.u32 $0x1, s12;
	v1 =	vld [tilespmem:s19+$0x0];
	s18 =	sadd.s32 $0x0, s17  }
0x36: {  	v2 =	vld [tilespmem:s19+$0x10];
	s16 =	smul.u32 $0x10200, s31;
	[tilespmem:s18+$0x3870 ss:$0x81] =	vst.msk $0xffff, v0  }
0x37: {  	[tilespmem:s18+$0x810 ss:$0x81] =	vst.msk $0xffff, v3;
	v3 =	vld [tilespmem:s19+$0x20]  }
0x38: {  	s16 =	sshrl.u32 s16, $0x2;
	v0 =	vld [tilespmem:s19+$0xFFFFFFC0];
	[tilespmem:s18+$0x1020 ss:$0x81] =	vst.msk $0xffff, v4;
	s19 =	sadd.s32 $0x80, s19  }
0x39: {  	s20 =	simm.s32 $0x4;
	s21 =	simm.s32 $0x8;
	s16 =	sor.u32 $0x8000, s16;
	[tilespmem:s18+$0x1830 ss:$0x81] =	vst.msk $0xffff, v5;
	v4 =	vld [tilespmem:s19+$0x30]  }
.LBB1_3:
0x3a: {  	p1 =	sne.s32 s21, $0x1FC;
	v5 =	vld [tilespmem:s19+$0xFFFFFFD0];
	[tilespmem:s18+$0x2040 ss:$0x81] =	vst.msk $0xffff, v1  }
0x3b: {  	v6 =	vld [tilespmem:s19+$0xFFFFFFE0];
	[tilespmem:s18+$0x2850 ss:$0x81] =	vst.msk $0xffff, v2  }
0x3c: {  	s22 =	sshra.s32 s20, $0x2;
	s20 =	smov.u32 s21;
	v7 =	vld [tilespmem:s19+$0xFFFFFFF0];
	[tilespmem:s18+$0x3060 ss:$0x81] =	vst.msk $0xffff, v3  }
.Ltmp3:
0x3d: {  	v1 =	vld [tilespmem:s19+$0x0];
	[tilespmem:s18+$0x0 ss:$0x81] =	vst.msk $0xffff, v0;
	s18 =	sadd.s32 s22, s17;
	(pc) =	sbr.rel @p1 .LBB1_3-.Ltmp3, $4  }
0x3e: {  	v2 =	vld [tilespmem:s19+$0x10];
	[tilespmem:s18+$0x3870 ss:$0x81] =	vst.msk $0xffff, v4  }
0x3f: {  	[tilespmem:s18+$0x810 ss:$0x81] =	vst.msk $0xffff, v5;
	v3 =	vld [tilespmem:s19+$0x20]  }
0x40: {  	v0 =	vld [tilespmem:s19+$0xFFFFFFC0];
	[tilespmem:s18+$0x1020 ss:$0x81] =	vst.msk $0xffff, v6;
	s19 =	sadd.s32 $0x80, s19  }
0x41: {  	s21 =	sadd.s32 $0x4, s21;
	v4 =	vld [tilespmem:s19+$0x30];
	[tilespmem:s18+$0x1830 ss:$0x81] =	vst.msk $0xffff, v7  }
.Ltmp4:
0x42: {  	_ = 	snop;
	(pc) =	sbr.rel .LBB1_4-.Ltmp4, $1  }
0x43: {  	_ =	sdelay $0x3  }
.LBB1_6:
0x44: {  	_ =	sfence.sel $0x180000  }
0x45: {  	s1 =	simm.s32 $0x1;
	[bflag:$0x0] =	sbarrier.arrive $0xFFFF  }
0x46: {  	s31 =	simm.s32 $0x2;
	[sflag:s1] =	ssyncpa.u1 $0x1  }
0x47: {  	[sflag:s31] =	ssyncpa.u1 $0x1  }
0x48: {  	p0 =	sne.s32 s3, $0x0;
	_ =	strace $0x90000047  }
0x49: {  	s0 =	sadd.s32 @!p0 $0x100000, s0;
	[bflag:$0x2] =	sbarrier.arrive $0xFFFF  }
0x4a: {  	[sflag:s0] =	ssyncadd.tile.s32 @!p0 $0x1;
	_ =	shalt  }
.Lfunc_end1:
_tile_overlayer_lowered:
.L_overlay_start_2:
0x4b: {  	(tag) =	ssettag $0x2  }
0x4c: {  	s0 =	rddreg [dreg:$0x0];
	s2 =	stileid.u32  }
0x4d: {  	s1 =	rddreg [dreg:$0x1];
	p0 =	sne.s32 s2, $0x0  }
0x4e: {  	s3 =	rddreg [dreg:$0x2];
	[bflag:$0x3] =	sbarrier.arrive $0xFFFF;
	s2 =	simm.s32 @!p0 $0x1C01  }
0x4f: {  	[timem:s3], [sflag:s2] =	dma.local @!p0 [hbm:s0], s1  }
0x50: {  	s0 =	simm.s32 @!p0 $0x1  }
0x51: {  	_ =	swait.ge @!p0 [sflag:s0], s1  }
0x52: {  	s1 =	ssub.s32 @!p0 $0x0, s1;
	[sflag:s0] =	ssyncset.done @!p0 $0x0  }
0x53: {  	[sflag:s0] =	ssyncadd.s32 @!p0 s1  }
0x54: {  	[bflag:$0x3] =	sbarrier.arrive $0xFFFF  }
0x55: {  	_ =	shalt  }

// kernel: sparse-core-data-format-call.cloned.1.call-start
scs
called_computation_lowered:
.L_overlay_start_0:
0x0: {  	s2 =	sld [smem:$0x3FD9]  }
0x1: {  	s3 =	sld [smem:$0x3FFE];
	_ =	sdelay $0x1  }
0x2: {  	s1 =	srdreg.scid  }
0x3: {  	s0 =	sand.u32 $0x1, s1  }
0x4: {  	s18 =	sshll.u32 s0, $0xA;
	s2 =	sadd.s32 s3, s2  }
0x5: {  	s2 =	sadd.s32 s2, s18  }
0x6: {  	[smem:$0x3FC6] =	sst s2  }
0x7: {  	_ = 	snop  }
0x8: {  	s2 =	sld [smem:$0x3FD0];
	(tm) =	ssettm $0x1  }
0x9: {  	s19 =	sld [smem:$0x3FFB];
	_ =	sdelay $0x3  }
0xa: {  	_ =	strace s19  }
0xb: {  	s3 =	sld [smem:$0x3FFC];
	_ =	sdelay $0x3  }
0xc: {  	_ =	strace s3  }
0xd: {  	s3 =	sld [smem:$0x3FFD];
	_ =	sdelay $0x3  }
0xe: {  	_ =	strace s3  }
0xf: {  	_ =	strace $0x8FFFFFFF  }
0x10: {  	s20 =	sld [smem:$0x3FDB];
	_ =	sdelay $0x1  }
0x11: {  	s4 =	simm.s32 $_scs_section_size  }
0x12: {  	s5 =	simm.s32 $_size__tile_overlayer_lowered;
	s6 =	simm.s32 $_tile_overlayer_lowered  }
0x13: {  	s23 =	simm.s32 $0x1BFF;
	s22 =	sshll.u32 s6, $0x1;
	s3 =	sadd.s32 s4, s20  }
0x14: {  	s7 =	simm.s32 $0x0;
	s21 =	sshll.u32 s5, $0x1;
	s5 =	sadd.s32 s22, s3  }
0x15: {  	[timem:s7], [sflag:s23] =	dma.local [hbm:s5], s21  }
0x16: {  	_ =	swait.ge [sflag:s23], s21  }
0x17: {  	s4 =	ssub.s32 $0x0, s21;
	[sflag:s23] =	ssyncset.done $0x0  }
0x18: {  	[sflag:s23] =	ssyncadd.s32 s4;
	_ =	sdelay $0x1  }
0x19: {  	s24 =	simm.s32 $0x1B8B  }
0x1a: {  	_ =	swait.ge [sflag:s24], $0x1  }
0x1b: {  	[sflag:s24] =	ssyncset.done $0x0  }
0x1c: {  	s26 =	simm.s32 $0x1B8E;
	s25 =	sld [smem:$0x3FFE];
	[sflag:s24] =	ssyncadd.s32 $0xFFFFFFFF  }
0x1d: {  	s27 =	simm.s32 $execute0_lowered;
	[smem:$0x3FD2] =	sst s26  }
0x1e: {  	s5 =	sshll.u32 s27, $0x1;
	_ =	strace $0x8000004C;
	[dreg:$0x1] =	wrdreg $0xFFFFFFFF  }
0x1f: {  	s28 =	simm.s32 $_size_execute0_lowered;
	s3 =	sadd.s32 s3, s5;
	[dreg:$0x0] =	wrdreg $0x0  }
0x20: {  	s5 =	sshll.u32 s28, $0x1;
	[dreg:$0x2] =	wrdreg s3  }
0x21: {  	[dreg:$0x3] =	wrdreg s5  }
0x22: {  	[dreg:$0x4] =	wrdreg $0xC0  }
0x23: {  	_ =	task [dreg:s7], $0x5FFFF  }
0x24: {  	[dreg:$0x1] =	wrdreg $0xFFFFFFFF  }
0x25: {  	[dreg:$0x0] =	wrdreg $0x60  }
0x26: {  	[dreg:$0x2] =	wrdreg s25  }
0x27: {  	[dreg:$0x3] =	wrdreg s2  }
0x28: {  	[dreg:$0x4] =	wrdreg $0x9  }
0x29: {  	_ =	task.clear_ibuf [dreg:s7], $0x5FFFF;
	_ =	strace $0x9000004C  }
0x2a: {  	s29 =	simm.s32 $0x9;
	_ =	strace $0x8000004E  }
0x2b: {  	_ =	swait.ge [sflag:s29], $0x1  }
0x2c: {  	[sflag:s29] =	ssyncadd.s32 $0xFFFFFFFF  }
0x2d: {  	_ =	strace $0x9000004E  }
0x2e: {  	_ =	sfence  }
0x2f: {  	s30 =	sld [smem:$0x0];
	_ =	sdelay $0x2  }
0x30: {  	s31 =	sshll.u32 s1, $0xD;
	s1 =	sshrl.u32 s1, $0x2  }
0x31: {  	s3 =	sand.u32 $0x4000, s31;
	s1 =	sadd.s32 s1, s30  }
0x32: {  	s0 =	sor.u32 s3, s0;
	s1 =	sshll.u32 s1, $0x11  }
0x33: {  	s0 =	sor.u32 s1, s0  }
0x34: {  	s0 =	sadd.s32 $0x8F2B, s0  }
0x35: {  	[sflag:s0] =	ssyncadd.remote.s32 $0x1  }
0x36: {  	_ =	sfence.sel $0xFFFF  }
0x37: {  	[dreg:$0x0] =	wrdreg $0xFFFFFFFF;
	(pc) =	sbr.abs _section_cstart, $3  }
0x38: {  	[dreg:$0x1] =	wrdreg $0xFFFFFFFF  }
0x39: {  	_ =	task.clear_ibuf [dreg:s7], $0x2FFFF;
	_ =	strace $0x9FFFFFFF  }
0x3a: {  	(tm) =	ssettm $0x7FFFFFFF  }
0x3b: {  	_ =	shalt  }
tec
execute0_lowered:
.L_overlay_start_1:
0x0: {  	(tag) =	ssettag $0x1  }
0x1: {  	s3 =	rddreg [dreg:$0x0]  }
0x2: {  	s0 =	srdreg.scid;
	s1 =	rddreg [dreg:$0x1]  }
0x3: {  	s5 =	simm.s32 $0x1;
	s7 =	simm.s32 $0x2;
	s15 =	simm.s32 $0x0  }
0x4: {  	p0 =	por $0x0, $0x0;
	s13 =	simm.s32 $0x0;
	s14 =	simm.s32 $0x0  }
0x5: {  	s9 =	simm.s32 $0x0;
	s11 =	stileid.u32;
	s0 =	sshll.u32 s0, $0x7  }
0x6: {  	s12 =	simm.s32 $0x0;
	s2 =	sand.u32 $0x80, s0;
	s0 =	rddreg [dreg:$0x2]  }
.Ltmp0:
0x7: {  	_ =	strace $0x8000004D;
	s6 =	ssub.s32 $0x1000, s2;
	(pc) =	sbr.rel .LBB1_1-.Ltmp0, $4  }
0x8: {  	s4 =	sadd.s32 $0x803000, s3;
	[sflag:s5] =	ssyncpa.u1 $0x0;
	s31 =	sshrl.u32 s6, $0x7  }
0x9: {  	s10 =	smov.u32 s2;
	s6 =	sshrl.u32 s6, $0x8;
	s3 =	sand.u32 $0x1, s31  }
0xa: {  	[sflag:s7] =	ssyncpa.u1 $0x0;
	s8 =	sadd.s32 s6, s3;
	s3 =	stileid.u32  }
0xb: {  	s6 =	sshll.u32 s8, $0x1;
	s7 =	sshllo.u32 s8, $0x1;
	s8 =	simm.s32 $0x8000  }
.LBB1_4:
0xc: {  	v5 =	vld [tilespmem:s18+$0xFFFFFFD0];
	[tilespmem:s19+$0x2040 ss:$0x81] =	vst.msk $0xffff, v1  }
0xd: {  	v58 =	vld [tilespmem:s18+$0xFFFFFFE0];
	[tilespmem:s19+$0x2850 ss:$0x81] =	vst.msk $0xffff, v2  }
0xe: {  	s20 =	sshra.s32 s20, $0x2;
	v59 =	vld [tilespmem:s18+$0xFFFFFFF0];
	[tilespmem:s19+$0x3060 ss:$0x81] =	vst.msk $0xffff, v3  }
0xf: {  	v60 =	vld [tilespmem:s18+$0x0];
	[tilespmem:s19+$0x0 ss:$0x81] =	vst.msk $0xffff, v0;
	s17 =	sadd.s32 s20, s17  }
0x10: {  	v61 =	vld [tilespmem:s18+$0x10];
	s26 =	sshll.u32 s15, $0xC;
	[tilespmem:s17+$0x3870 ss:$0x81] =	vst.msk $0xffff, v4  }
0x11: {  	v62 =	vld [tilespmem:s18+$0x20];
	s27 =	sand.u32 $0x78, s13;
	s21 =	sshll.u32 s13, $0x3;
	s29 =	sshll.u32 s15, $0x7;
	[tilespmem:s17+$0x810 ss:$0x81] =	vst.msk $0xffff, v5  }
0x12: {  	v63 =	vld [tilespmem:s18+$0xFFFFFFC0];
	s14 =	sshll.u32 s14, $0x11;
	s19 =	sand.u32 $0xF8000, s26;
	s28 =	sand.u32 $0xFFC00, s21;
	[tilespmem:s17+$0x1020 ss:$0x81] =	vst.msk $0xffff, v58  }
0x13: {  	s31 =	sand.u32 $0x7, s13;
	s21 =	sand.u32 $0xC00, s21;
	s18 =	sadd.s32 s28, s19;
	[tilespmem:s17+$0x1830 ss:$0x81] =	vst.msk $0xffff, v59  }
0x14: {  	s15 =	sand.u32 $0x380, s29;
	s30 =	sor.u32 s27, s21;
	s18 =	sshrl.u32 s18, $0x3;
	[tilespmem:s17+$0x2040 ss:$0x81] =	vst.msk $0xffff, v60  }
0x15: {  	s14 =	sadd.s32 s1, s14;
	s15 =	sor.u32 s15, s30;
	s18 =	sand.u32 $0x1FE00, s18;
	[tilespmem:s17+$0x2850 ss:$0x81] =	vst.msk $0xffff, v61  }
0x16: {  	s13 =	sshll.u32 s31, $0x12;
	s15 =	sshrl.u32 s15, $0x3;
	[tilespmem:s17+$0x3060 ss:$0x81] =	vst.msk $0xffff, v62;
	s14 =	sadd.s32 s18, s14  }
0x17: {  	s13 =	sor.u32 $0x400, s13;
	[tilespmem:s17+$0x0 ss:$0x81] =	vst.msk $0xffff, v63;
	s14 =	sadd.s32 s15, s14  }
0x18: {  	[hbm4b:s14+s13] =	stream.strided.scatter [tilespmem:s16], [sflag:$0x2], $0x4000, s8, s13, $0x20;
	[tilespmem:$0x10100] =	vst v63  }
.LBB1_5:
0x19: {  	s16 =	sadd.s32 $0x80, s9  }
0x1a: {  	s13 =	sadd.s32 $0x100, s10;
	s17 =	smov.u32 s10;
	p2 =	sgt.s32 s16, $0xFF  }
0x1b: {  	s17 =	smov.u32 @p2 s13  }
0x1c: {  	s19 =	smov.u32 s11;
	s13 =	sadd.s32 $0x10, s11;
	p3 =	sgt.s32 s17, $0xFFF  }
0x1d: {  	s19 =	smov.u32 @p3 s13  }
0x1e: {  	s16 =	simm.s32 @p2 $0x0;
	p2 =	sgt.s32 s19, $0xF  }
0x1f: {  	p1 =	slt.u32 s12, $0x2;
	s19 =	smov.u32 @p2 s3;
	p2 =	sne.s32 s12, s7  }
.Ltmp1:
0x20: {  	s18 =	simm.s32 @!p1 $0x2;
	(pc) =	sbr.rel @!p2 .LBB1_6-.Ltmp1, $4  }
0x21: {  	s15 =	smov.u32 s9;
	s14 =	smov.u32 s11;
	_ =	swait.ge @!p1 [sflag:s18], $0x4000  }
0x22: {  	p0 =	por !p0, !p0;
	[sflag:s18] =	ssyncset.done @!p1 $0x0;
	s9 =	smov.u32 s16  }
0x23: {  	s17 =	smov.u32 @p3 s2;
	s13 =	smov.u32 s10;
	[sflag:s18] =	ssyncadd.s32 @!p1 $0xFFFFC000  }
0x24: {  	s10 =	smov.u32 s17;
	s12 =	sadd.s32 $0x1, s12;
	s11 =	smov.u32 s19  }
.LBB1_1:
0x25: {  	p1 =	sge.u32 s12, s6  }
0x26: {  	s31 =	sadd.s32 $0xFFFFFFFF, s12;
	s16 =	sxor.u32 @!p1 $0xFFFFFFFF, s12  }
0x27: {  	s17 =	sshll.u32 @!p1 s10, $0x8;
	s18 =	sshll.u32 @!p1 s9, $0x3;
	s19 =	sshll.u32 @!p1 s10, $0x7  }
0x28: {  	s20 =	sand.u32 @!p1 $0x78, s9;
	s17 =	sand.u32 @!p1 $0xFF800, s17;
	s18 =	sand.u32 @!p1 $0xFFC00, s18  }
0x29: {  	s16 =	sshll.u32 @!p1 s16, $0xE;
	s17 =	sadd.s32 @!p1 s17, s18;
	s18 =	sand.u32 @!p1 $0x300, s19  }
0x2a: {  	s16 =	sand.u32 @!p1 $0x4000, s16;
	s17 =	sor.u32 @!p1 s18, s17;
	s18 =	sand.u32 @!p1 $0x80, s19  }
0x2b: {  	s19 =	sshll.u32 @!p1 s11, $0x11;
	s18 =	sor.u32 @!p1 s20, s18;
	s17 =	sshrl.u32 @!p1 s17, $0x3  }
0x2c: {  	s19 =	sadd.s32 @!p1 s4, s19;
	s20 =	sand.u32 @!p1 $0x7, s9;
	s18 =	sshrl.u32 @!p1 s18, $0x3  }
0x2d: {  	s17 =	sand.u32 @!p1 $0x1FFE0, s17;
	s18 =	sadd.s32 @!p1 s18, s19;
	s19 =	sshll.u32 @!p1 s20, $0x12  }
0x2e: {  	s17 =	sadd.s32 @!p1 s17, s18;
	s18 =	sor.u32 @!p1 $0x400, s19;
	s19 =	simm.s32 @!p1 $0x800  }
0x2f: {  	[tilespmem:s16], [sflag:$0x1] =	stream.strided.gather @!p1 [hbm4b:s17+s18], $0x4000, s19, s18, $0x38;
	[tilespmem:$0x10100] =	vst v63  }
0x30: {  	p1 =	sge.u32 s31, s6  }
.Ltmp2:
0x31: {  	_ = 	snop;
	(pc) =	sbr.rel @p1 .LBB1_5-.Ltmp2, $1  }
0x32: {  	_ =	sdelay $0x3  }
0x33: {  	s16 =	simm.s32 $0x1  }
0x34: {  	_ =	swait.ge [sflag:s5], $0x4000;
	s16 =	simm.s32 @!p0 $0x0  }
0x35: {  	[sflag:s5] =	ssyncset.done $0x0;
	s17 =	sshll.u32 s16, $0xE  }
0x36: {  	[sflag:s5] =	ssyncadd.s32 $0xFFFFC000;
	s18 =	sor.u32 $0x40, s17  }
0x37: {  	s16 =	smul.u32 $0x10200, s16;
	v0 =	vld [tilespmem:s18+$0x30]  }
0x38: {  	v3 =	vld [tilespmem:s18+$0xFFFFFFD0]  }
0x39: {  	s16 =	sshrl.u32 s16, $0x2;
	v4 =	vld [tilespmem:s18+$0xFFFFFFE0]  }
0x3a: {  	v5 =	vld [tilespmem:s18+$0xFFFFFFF0];
	s17 =	sor.u32 $0x8000, s16  }
0x3b: {  	s31 =	sand.u32 $0x1, s12;
	v1 =	vld [tilespmem:s18+$0x0];
	s19 =	sadd.s32 $0x0, s17  }
0x3c: {  	v2 =	vld [tilespmem:s18+$0x10];
	s16 =	smul.u32 $0x10200, s31;
	[tilespmem:s19+$0x3870 ss:$0x81] =	vst.msk $0xffff, v0  }
0x3d: {  	[tilespmem:s19+$0x810 ss:$0x81] =	vst.msk $0xffff, v3;
	v3 =	vld [tilespmem:s18+$0x20]  }
0x3e: {  	s16 =	sshrl.u32 s16, $0x2;
	v0 =	vld [tilespmem:s18+$0xFFFFFFC0];
	[tilespmem:s19+$0x1020 ss:$0x81] =	vst.msk $0xffff, v4;
	s18 =	sadd.s32 $0x80, s18  }
0x3f: {  	s20 =	simm.s32 $0x4;
	s21 =	simm.s32 $0x8;
	s16 =	sor.u32 $0x8000, s16;
	[tilespmem:s19+$0x1830 ss:$0x81] =	vst.msk $0xffff, v5;
	v4 =	vld [tilespmem:s18+$0x30]  }
.LBB1_3:
0x40: {  	p1 =	sne.s32 s21, $0x1FC;
	v5 =	vld [tilespmem:s18+$0xFFFFFFD0];
	[tilespmem:s19+$0x2040 ss:$0x81] =	vst.msk $0xffff, v1  }
0x41: {  	v6 =	vld [tilespmem:s18+$0xFFFFFFE0];
	[tilespmem:s19+$0x2850 ss:$0x81] =	vst.msk $0xffff, v2  }
0x42: {  	s22 =	sshra.s32 s20, $0x2;
	s20 =	smov.u32 s21;
	v7 =	vld [tilespmem:s18+$0xFFFFFFF0];
	[tilespmem:s19+$0x3060 ss:$0x81] =	vst.msk $0xffff, v3  }
.Ltmp3:
0x43: {  	v1 =	vld [tilespmem:s18+$0x0];
	[tilespmem:s19+$0x0 ss:$0x81] =	vst.msk $0xffff, v0;
	s19 =	sadd.s32 s22, s17;
	(pc) =	sbr.rel @p1 .LBB1_3-.Ltmp3, $4  }
0x44: {  	v2 =	vld [tilespmem:s18+$0x10];
	[tilespmem:s19+$0x3870 ss:$0x81] =	vst.msk $0xffff, v4  }
0x45: {  	[tilespmem:s19+$0x810 ss:$0x81] =	vst.msk $0xffff, v5;
	v3 =	vld [tilespmem:s18+$0x20]  }
0x46: {  	v0 =	vld [tilespmem:s18+$0xFFFFFFC0];
	[tilespmem:s19+$0x1020 ss:$0x81] =	vst.msk $0xffff, v6;
	s18 =	sadd.s32 $0x80, s18  }
0x47: {  	s21 =	sadd.s32 $0x4, s21;
	v4 =	vld [tilespmem:s18+$0x30];
	[tilespmem:s19+$0x1830 ss:$0x81] =	vst.msk $0xffff, v7  }
.Ltmp4:
0x48: {  	_ = 	snop;
	(pc) =	sbr.rel .LBB1_4-.Ltmp4, $1  }
0x49: {  	_ =	sdelay $0x3  }
.LBB1_6:
0x4a: {  	_ =	sfence.sel $0x180000  }
0x4b: {  	s1 =	simm.s32 $0x1;
	[bflag:$0x0] =	sbarrier.arrive $0xFFFF  }
0x4c: {  	s31 =	simm.s32 $0x2;
	[sflag:s1] =	ssyncpa.u1 $0x1  }
0x4d: {  	[sflag:s31] =	ssyncpa.u1 $0x1  }
0x4e: {  	p0 =	sne.s32 s3, $0x0;
	_ =	strace $0x9000004D  }
0x4f: {  	s0 =	sadd.s32 @!p0 $0x100000, s0;
	[bflag:$0x2] =	sbarrier.arrive $0xFFFF  }
0x50: {  	[sflag:s0] =	ssyncadd.tile.s32 @!p0 $0x1;
	_ =	shalt  }
.Lfunc_end1:
_tile_overlayer_lowered:
.L_overlay_start_2:
0x51: {  	(tag) =	ssettag $0x2  }
0x52: {  	s0 =	rddreg [dreg:$0x0];
	s2 =	stileid.u32  }
0x53: {  	s1 =	rddreg [dreg:$0x1];
	p0 =	sne.s32 s2, $0x0  }
0x54: {  	s3 =	rddreg [dreg:$0x2];
	[bflag:$0x3] =	sbarrier.arrive $0xFFFF;
	s2 =	simm.s32 @!p0 $0x1C01  }
0x55: {  	[timem:s3], [sflag:s2] =	dma.local @!p0 [hbm:s0], s1  }
0x56: {  	s0 =	simm.s32 @!p0 $0x1  }
0x57: {  	_ =	swait.ge @!p0 [sflag:s0], s1  }
0x58: {  	s1 =	ssub.s32 @!p0 $0x0, s1;
	[sflag:s0] =	ssyncset.done @!p0 $0x0  }
0x59: {  	[sflag:s0] =	ssyncadd.s32 @!p0 s1  }
0x5a: {  	[bflag:$0x3] =	sbarrier.arrive $0xFFFF  }
0x5b: {  	_ =	shalt  }

</sc_bundles>
